<compile_context>
chip_gen: v7x
topology: tpu7x:2x2x1
jax: 0.10.2.dev20260603
libtpu: 0.0.44.dev20260713+nightly
codegen_flags: <defaults>
</compile_context>

<pallas_src>
import functools

import jax
import jax.numpy as jnp
from jax import lax
from jax.experimental import pallas as pl
from jax.experimental.pallas import tpu as pltpu
from jax.experimental.pallas import tpu_sc as plsc

N0 = 10000
C0 = 256
C1 = 128
E = 560000
MID = 32
OUT = 4
N1 = N0 * 8
NT = 7

NTILE = 16
R = 10112
NSLICE = 8
OUT_PAD = NSLICE * R
SL_PER_SC = NSLICE // 2
EC = 3584
NCH = 10
T_TILE = NCH * EC
E_PAD = NTILE * T_TILE
K = 64
NSUB = (EC + K) // K
OSTR = R // NTILE
KZ = 56

_HIGH = None


def _gn4(u, gamma, beta, G):
    gs = jnp.dot(u, G, precision=_HIGH, preferred_element_type=jnp.float32)
    gs2 = jnp.dot(u * u, G, precision=_HIGH, preferred_element_type=jnp.float32)
    mean = gs * 0.25
    var = gs2 * 0.25 - mean * mean
    dn = (((1,), (1,)), ((), ()))
    mean_b = lax.dot_general(mean, G, dn, precision=_HIGH,
                             preferred_element_type=jnp.float32)
    var_b = lax.dot_general(var, G, dn, precision=_HIGH,
                            preferred_element_type=jnp.float32)
    xn = (u - mean_b) * lax.rsqrt(var_b + 1e-5)
    return xn * gamma + beta


def _a1_body(data_ref, W_up_ref, b_up_ref, g8_ref, be8_ref, G1024_ref,
             Wr0a_ref, br0a_ref, gr0_ref, ber0_ref, G32_ref, Wr0b_ref,
             br0b_ref, x10_ref, sig0_ref):
    data = data_ref[...]
    u = jnp.dot(data, W_up_ref[...], precision=_HIGH,
                preferred_element_type=jnp.float32) + b_up_ref[...]
    xn = _gn4(u, g8_ref[...], be8_ref[...], G1024_ref[...])
    x10_ref[...] = jax.nn.gelu(xn)
    h = jnp.dot(data, Wr0a_ref[...], precision=_HIGH,
                preferred_element_type=jnp.float32) + br0a_ref[...]
    h = jax.nn.gelu(_gn4(h, gr0_ref[...], ber0_ref[...], G32_ref[...]))
    sig0_ref[...] = jnp.dot(h, Wr0b_ref[...], precision=_HIGH,
                            preferred_element_type=jnp.float32) + br0b_ref[...]


def _a2_body(x_ref, wcat_ref, xt_ref):
    xt_ref[...] = jnp.dot(x_ref[...], wcat_ref[...], precision=_HIGH,
                          preferred_element_type=jnp.float32)


def _idx_body(src_ref, typ_ref, gidx_ref):
    gidx_ref[...] = src_ref[...] * 7 + typ_ref[...]


def _b_body(agg_ref, b_conv_ref, g_conv_ref, be_conv_ref, G128_ref,
            Wr1a_ref, br1a_ref, gr1_ref, ber1_ref, G32_ref, Wr1b_ref,
            br1b_ref, sig1_ref):
    y = jax.nn.gelu(_gn4(agg_ref[...] + b_conv_ref[...], g_conv_ref[...],
                         be_conv_ref[...], G128_ref[...]))
    h = jnp.dot(y, Wr1a_ref[...], precision=_HIGH,
                preferred_element_type=jnp.float32) + br1a_ref[...]
    h = jax.nn.gelu(_gn4(h, gr1_ref[...], ber1_ref[...], G32_ref[...]))
    sig1_ref[...] = jnp.dot(h, Wr1b_ref[...], precision=_HIGH,
                            preferred_element_type=jnp.float32) + br1b_ref[...]


def _full(shape):
    return pl.BlockSpec(shape, lambda i: tuple(0 for _ in shape))


def _seg_body(table, dstp, gixp, out,
              acc, dst_v, gix_v, gidx_m, ldst_m, rows_v, zbuf, cnts, sem_st,
              sem_g, sem_s, sem_z):
    cid = lax.axis_index("c")
    sid = lax.axis_index("s")
    iot = lax.iota(jnp.int32, 16)
    r16 = jnp.full((16,), R, jnp.int32)
    dump = lax.broadcast_in_dim(sid.astype(jnp.int32), (16,), ()) + r16
    sid2k = lax.broadcast_in_dim((sid * 2048).astype(jnp.int32), (16,), ())

    def zz(r, c):
        for j in range(C1 // 16):
            zbuf[r, pl.ds(j * 16, 16)] = jnp.zeros((16,), jnp.float32)
        return c
    lax.fori_loop(0, KZ, zz, 0)

    def stage(cc, b):
        base = sid * T_TILE + cc * EC
        pltpu.async_copy(dstp.at[pl.ds(base, EC)], dst_v.at[b], sem_st)
        pltpu.async_copy(gixp.at[pl.ds(base, EC)], gix_v.at[b], sem_st)

    for i in range(SL_PER_SC):
        s = cid * SL_PER_SC + i
        lo = s * R
        lov = lax.broadcast_in_dim(lo.astype(jnp.int32), (16,), ())
        hiv = lov + r16

        for z in range(11):
            pltpu.async_copy(zbuf, acc.at[pl.ds(sid * OSTR + z * KZ, KZ)],
                             sem_z)
        pltpu.async_copy(zbuf.at[pl.ds(0, OSTR - 11 * KZ)],
                         acc.at[pl.ds(sid * OSTR + 11 * KZ, OSTR - 11 * KZ)],
                         sem_z)
        @pl.when(sid == 0)
        def _():
            pltpu.sync_copy(zbuf.at[pl.ds(0, 16)], acc.at[pl.ds(R, 16)])
        for z in range(11):
            pltpu.make_async_copy(
                zbuf, acc.at[pl.ds(sid * OSTR + z * KZ, KZ)], sem_z).wait()
        pltpu.make_async_copy(
            zbuf.at[pl.ds(0, OSTR - 11 * KZ)],
            acc.at[pl.ds(sid * OSTR + 11 * KZ, OSTR - 11 * KZ)], sem_z).wait()
        plsc.subcore_barrier()

        stage(0, 0)

        def chunk(cc, carry):
            b = cc % 2
            @pl.when(cc + 1 < NCH)
            def _():
                stage(cc + 1, 1 - b)
            pltpu.make_async_copy(dstp.at[pl.ds(0, EC)], dst_v.at[b],
                                  sem_st).wait()
            pltpu.make_async_copy(gixp.at[pl.ds(0, EC)], gix_v.at[b],
                                  sem_st).wait()

            @functools.partial(plsc.parallel_loop, 0, EC // 16, unroll=8)
            def _(v):
                dv = dst_v[b, pl.ds(v * 16, 16)]
                m = (dv >= lov) & (dv < hiv)
                cs = plsc.cumsum(m.astype(jnp.int32))
                cnts[v] = cs[15]

            def pfx(w, carry):
                c16 = cnts[pl.ds(w * 16, 16)]
                cs2 = plsc.cumsum(c16)
                cnts[pl.ds(w * 16, 16)] = (
                    lax.broadcast_in_dim(carry, (16,), ()) + cs2 - c16)
                return carry + cs2[15]

            cnt = lax.fori_loop(0, EC // 256, pfx, jnp.int32(0))

            @functools.partial(plsc.parallel_loop, 0, EC // 16, unroll=8)
            def _(v):
                dv = dst_v[b, pl.ds(v * 16, 16)]
                m = (dv >= lov) & (dv < hiv)
                gv = gix_v[b, pl.ds(v * 16, 16)]
                ld = dv - lov
                cs = plsc.cumsum(m.astype(jnp.int32))
                pos = (lax.broadcast_in_dim(cnts[v], (16,), ())
                       + cs - 1)
                plsc.store_scatter(gidx_m, [pos], gv, mask=m)
                ph = lax.shift_right_logical(pos, 6)
                plo = pos & (K - 1)
                plsc.store_scatter(ldst_m, [ph, plo], ld, mask=m)

            cntv = lax.broadcast_in_dim(cnt, (16,), ())
            ccv = lax.broadcast_in_dim((cc * 128).astype(jnp.int32),
                                       (16,), ())
            for j in range(K // 16):
                pos = cntv + (iot + j * 16)
                plsc.store_scatter(gidx_m, [pos],
                                   sid2k + ccv + (iot + j * 16))
                ph = lax.shift_right_logical(pos, 6)
                plo = pos & (K - 1)
                plsc.store_scatter(ldst_m, [ph, plo], dump)

            nsub = jnp.maximum((cnt + K - 1) // K, 1)

            pltpu.async_copy(table.at[gidx_m.at[pl.ds(0, K)]],
                             rows_v.at[0], sem_g)

            def sub(j, c):
                @pl.when(j >= 1)
                def _():
                    pltpu.make_async_copy(
                        rows_v.at[0], acc.at[ldst_m.at[0]], sem_s).wait()
                @pl.when(j + 1 < nsub)
                def _():
                    pltpu.async_copy(
                        table.at[gidx_m.at[pl.ds((j + 1) * K, K)]],
                        rows_v.at[(j + 1) % 2], sem_g)
                pltpu.make_async_copy(table.at[gidx_m.at[pl.ds(0, K)]],
                                      rows_v.at[j % 2], sem_g).wait()
                pltpu.async_copy(rows_v.at[j % 2], acc.at[ldst_m.at[j]],
                                 sem_s, add=True)
                return c

            lax.fori_loop(0, nsub, sub, 0)
            pltpu.make_async_copy(rows_v.at[0], acc.at[ldst_m.at[0]],
                                  sem_s).wait()
            return carry

        lax.fori_loop(0, NCH, chunk, 0)

        plsc.subcore_barrier()
        pltpu.sync_copy(acc.at[pl.ds(sid * OSTR, OSTR)],
                        out.at[pl.ds(lo + sid * OSTR, OSTR)])
        plsc.subcore_barrier()


def _segment_sum_sc(table, dstp, gixp):
    mesh = plsc.VectorSubcoreMesh(core_axis_name="c", subcore_axis_name="s",
                                  num_cores=2, num_subcores=NTILE)
    f = pl.kernel(
        _seg_body,
        out_type=jax.ShapeDtypeStruct((OUT_PAD, C1), jnp.float32),
        mesh=mesh,
        compiler_params=pltpu.CompilerParams(needs_layout_passes=False),
        scratch_types=[
            pltpu.VMEM_SHARED((R + NTILE, C1), jnp.float32),
            pltpu.VMEM((2, EC), jnp.int32),
            pltpu.VMEM((2, EC), jnp.int32),
            pltpu.VMEM((EC + K,), jnp.int32),
            pltpu.VMEM((NSUB, K), jnp.int32),
            pltpu.VMEM((2, K, C1), jnp.float32),
            pltpu.VMEM((KZ, C1), jnp.float32),
            pltpu.VMEM((EC // 16,), jnp.int32),
            pltpu.SemaphoreType.DMA,
            pltpu.SemaphoreType.DMA,
            pltpu.SemaphoreType.DMA,
            pltpu.SemaphoreType.DMA,
        ],
    )
    return f(table, dstp, gixp)


def _onehot_groups(c):
    return (jnp.arange(c)[:, None] // 4 == jnp.arange(c // 4)[None, :]
            ).astype(jnp.float32)


def kernel(data, edge_index, edge_type, depth, W_up, b_up, g_up, be_up,
           W_conv, b_conv, g_conv, be_conv, Wr0a, br0a, gr0, ber0, Wr0b,
           br0b, Wr1a, br1a, gr1, ber1, Wr1b, br1b):
    G1024 = _onehot_groups(8 * C1)
    G128 = _onehot_groups(C1)
    G32 = _onehot_groups(MID)
    g8 = jnp.tile(g_up, 8)
    be8 = jnp.tile(be_up, 8)

    B1 = 1000
    x10, sig0 = pl.pallas_call(
        _a1_body,
        grid=(N0 // B1,),
        in_specs=[
            pl.BlockSpec((B1, C0), lambda i: (i, 0)),
            _full((C0, 8 * C1)), _full((8 * C1,)), _full((8 * C1,)),
            _full((8 * C1,)), _full((8 * C1, 2 * C1)),
            _full((C0, MID)), _full((MID,)), _full((MID,)), _full((MID,)),
            _full((MID, 8)), _full((MID, OUT)), _full((OUT,)),
        ],
        out_specs=[
            pl.BlockSpec((B1, 8 * C1), lambda i: (i, 0)),
            pl.BlockSpec((B1, OUT), lambda i: (i, 0)),
        ],
        out_shape=[
            jax.ShapeDtypeStruct((N0, 8 * C1), jnp.float32),
            jax.ShapeDtypeStruct((N0, OUT), jnp.float32),
        ],
    )(data, W_up, b_up, g8, be8, G1024, Wr0a, br0a, gr0, ber0, G32,
      Wr0b, br0b)

    x = x10.reshape(N1, C1)
    Wcat = jnp.transpose(W_conv, (1, 0, 2)).reshape(C1, NT * C1)

    B2 = 2000
    xtf = pl.pallas_call(
        _a2_body,
        grid=(N1 // B2,),
        in_specs=[
            pl.BlockSpec((B2, C1), lambda i: (i, 0)),
            _full((C1, NT * C1)),
        ],
        out_specs=pl.BlockSpec((B2, NT * C1), lambda i: (i, 0)),
        out_shape=jax.ShapeDtypeStruct((N1, NT * C1), jnp.float32),
    )(x, Wcat)

    table = xtf.reshape(NT * N1, C1)

    pad_ar = jnp.arange(E_PAD - E, dtype=jnp.int32)
    dstp = jnp.concatenate([edge_index[1], N1 + pad_ar % (OUT_PAD - N1)])
    srcp = jnp.concatenate([edge_index[0], (pad_ar * 997) % N1])
    typp = jnp.pad(edge_type, (0, E_PAD - E))
    src2 = srcp.reshape(E_PAD // C1, C1)
    typ2 = typp.reshape(E_PAD // C1, C1)
    BI = E_PAD // C1 // 10
    gixp = pl.pallas_call(
        _idx_body,
        grid=(10,),
        in_specs=[
            pl.BlockSpec((BI, C1), lambda i: (i, 0)),
            pl.BlockSpec((BI, C1), lambda i: (i, 0)),
        ],
        out_specs=pl.BlockSpec((BI, C1), lambda i: (i, 0)),
        out_shape=jax.ShapeDtypeStruct((E_PAD // C1, C1), jnp.int32),
    )(src2, typ2).reshape(E_PAD)

    aggp = _segment_sum_sc(table, dstp, gixp)

    sig1 = pl.pallas_call(
        _b_body,
        grid=(N1 // B2,),
        in_specs=[
            pl.BlockSpec((B2, C1), lambda i: (i, 0)),
            _full((C1,)), _full((C1,)), _full((C1,)), _full((C1, MID)),
            _full((C1, MID)), _full((MID,)), _full((MID,)), _full((MID,)),
            _full((MID, 8)), _full((MID, OUT)), _full((OUT,)),
        ],
        out_specs=pl.BlockSpec((B2, OUT), lambda i: (i, 0)),
        out_shape=jax.ShapeDtypeStruct((N1, OUT), jnp.float32),
    )(aggp, b_conv, g_conv, be_conv, G128, Wr1a, br1a, gr1, ber1, G32,
      Wr1b, br1b)

    return jnp.concatenate([sig0, sig1], axis=0)

# --- scband reference (transcript-rebuilt; emitter-appended) ---
"""Pipeline reference for scband-decoding-43559558316275 (READ-ONLY COPY).

The authoritative reference and input builder live on the scoring server;
editing this copy changes nothing except your own understanding.
"""

import jax, jax.numpy as jnp
import numpy as np

N0 = 10000
C0 = 256
C1 = 128
E = 560000
MID = 32
OUT = 4
N1 = N0 * 8

def group_norm(x, gamma, beta, groups, eps=1e-5):
    n, c = x.shape
    xg = x.reshape(n, groups, c // groups)
    mean = jnp.mean(xg, axis=-1, keepdims=True)
    var = jnp.mean((xg - mean) ** 2, axis=-1, keepdims=True)
    xn = (xg - mean) / jnp.sqrt(var + eps)
    return xn.reshape(n, c) * gamma + beta

def prediction(x, W1, b1, g, be, W2, b2):
    h = x @ W1 + b1
    h = jax.nn.gelu(group_norm(h, g, be, 8))
    return h @ W2 + b2

def setup_inputs(seed: int = 0):
    key = jax.random.key(seed)
    ks = jax.random.split(key, 16)
    inp = {}
    inp['data'] = jax.random.normal(ks[0], (N0, C0), jnp.float32)
    inp['edge_index'] = jax.random.randint(ks[1], (2, E), 0, N1, dtype=jnp.int32)
    inp['edge_type'] = jax.random.randint(ks[2], (E,), 0, 7, dtype=jnp.int32)
    inp['depth'] = 4
    inp['W_up'] = jax.random.normal(ks[3], (C0, 8 * C1), jnp.float32) / np.sqrt(C0)
    inp['b_up'] = jnp.zeros((8 * C1,), jnp.float32)
    inp['g_up'] = jnp.ones((C1,), jnp.float32)
    inp['be_up'] = jnp.zeros((C1,), jnp.float32)
    inp['W_conv'] = jax.random.normal(ks[4], (7, C1, C1), jnp.float32) / np.sqrt(7 * C1)
    inp['b_conv'] = jnp.zeros((C1,), jnp.float32)
    inp['g_conv'] = jnp.ones((C1,), jnp.float32)
    inp['be_conv'] = jnp.zeros((C1,), jnp.float32)
    inp['Wr0a'] = jax.random.normal(ks[5], (C0, MID), jnp.float32) / np.sqrt(C0)
    inp['br0a'] = jnp.zeros((MID,), jnp.float32)
    inp['gr0'] = jnp.ones((MID,), jnp.float32)
    inp['ber0'] = jnp.zeros((MID,), jnp.float32)
    inp['Wr0b'] = jax.random.normal(ks[6], (MID, OUT), jnp.float32) / np.sqrt(MID)
    inp['br0b'] = jnp.zeros((OUT,), jnp.float32)
    inp['Wr1a'] = jax.random.normal(ks[7], (C1, MID), jnp.float32) / np.sqrt(C1)
    inp['br1a'] = jnp.zeros((MID,), jnp.float32)
    inp['gr1'] = jnp.ones((MID,), jnp.float32)
    inp['ber1'] = jnp.zeros((MID,), jnp.float32)
    inp['Wr1b'] = jax.random.normal(ks[8], (MID, OUT), jnp.float32) / np.sqrt(MID)
    inp['br1b'] = jnp.zeros((OUT,), jnp.float32)
    return inp

def reference(data, edge_index, edge_type, depth, W_up, b_up, g_up, be_up, W_conv, b_conv, g_conv, be_conv, Wr0a, br0a, gr0, ber0, Wr0b, br0b, Wr1a, br1a, gr1, ber1, Wr1b, br1b):
    # stage 0: regress signal at coarse depth (graph_pad treated as identity)
    signal0 = prediction(data, Wr0a, br0a, gr0, ber0, Wr0b, br0b)
    # stage 1: graph upsample (each node -> 8 children) + norm + act
    x = (data @ W_up + b_up).reshape(N1, C1)
    x = jax.nn.gelu(group_norm(x, g_up, be_up, 32))
    # graph conv with per-edge-type weights, scatter-add aggregation over dual-octree edges
    xt = jnp.einsum('nc,tcd->ntd', x, W_conv)
    msg = xt[edge_index[0], edge_type]
    agg = jax.ops.segment_sum(msg, edge_index[1], num_segments=N1)
    x = jax.nn.gelu(group_norm(agg + b_conv, g_conv, be_conv, 32))
    # stage 1 regression head
    signal1 = prediction(x, Wr1a, br1a, gr1, ber1, Wr1b, br1b)
    return jnp.concatenate([signal0, signal1], axis=0)

if __name__ == "__main__":
    import jax
    _d = setup_inputs()
    print(jax.jit(kernel)(*tuple(_d.values())))

</pallas_src>

<mosaic_0001>
#map = affine_map<(d0, d1) -> (0, 0)>
#map1 = affine_map<(d0, d1) -> (0)>
module attributes {stable_mosaic.version = 14 : i64} {
  func.func @_seg_body(%arg0: i32, %arg1: i32, %arg2: memref<560000x128xf32, #tpu.memory_space<hbm>>, %arg3: memref<573440xi32, #tpu.memory_space<hbm>>, %arg4: memref<573440xi32, #tpu.memory_space<hbm>>, %arg5: memref<80896x128xf32, #tpu.memory_space<hbm>>, %arg6: memref<10128x128xf32, #tpu.memory_space<vmem_shared>>, %arg7: memref<2x3584xi32, #tpu.memory_space<vmem>>, %arg8: memref<2x3584xi32, #tpu.memory_space<vmem>>, %arg9: memref<3648xi32, #tpu.memory_space<vmem>>, %arg10: memref<57x64xi32, #tpu.memory_space<vmem>>, %arg11: memref<2x64x128xf32, #tpu.memory_space<vmem>>, %arg12: memref<56x128xf32, #tpu.memory_space<vmem>>, %arg13: memref<224xi32, #tpu.memory_space<vmem>>, %arg14: memref<!tpu.dma_semaphore, #tpu.memory_space<semaphore_mem>>, %arg15: memref<!tpu.dma_semaphore, #tpu.memory_space<semaphore_mem>>, %arg16: memref<!tpu.dma_semaphore, #tpu.memory_space<semaphore_mem>>, %arg17: memref<!tpu.dma_semaphore, #tpu.memory_space<semaphore_mem>>) attributes {dimension_semantics = [#tpu.dimension_semantics<core_parallel>, #tpu.dimension_semantics<subcore_parallel>], iteration_bounds = array<i64: 2, 16>, scalar_prefetch = 0 : i64, scratch_operands = 12 : i64, tpu.core_type = #tpu.core_type<sc_vector_subcore>, window_params = [{transform_indices = #map}, {transform_indices = #map1}, {transform_indices = #map1}, {transform_indices = #map}]} {
    %iota3A = tpu.iota {dimensions = array<i32: 0>} : vector<16xi32>
    %broadcast_in_dim3A = arith.constant 10112 : i32
    %broadcast_in_dim3A_0 = vector.broadcast %broadcast_in_dim3A : i32 to vector<16xi32>
    %broadcast_in_dim3A_1 = vector.broadcast %arg1 : i32 to vector<16xi32>
    %add3A = arith.addi %broadcast_in_dim3A_1, %broadcast_in_dim3A_0 : vector<16xi32>
    %mul3A = arith.constant 2048 : i32
    %mul3A_2 = arith.muli %arg1, %mul3A : i32
    %broadcast_in_dim3A_3 = vector.broadcast %mul3A_2 : i32 to vector<16xi32>
    %scan3A = arith.constant 0 : i32
    %scan3A_4 = arith.constant 0 : i32
    %scan3A_5 = arith.constant 56 : i32
    %scan3A_6 = arith.addi %scan3A_4, %scan3A_5 : i32
    %scan3A_7 = arith.constant 1 : i32
    scf.for %scan3A_1015 = %scan3A_4 to %scan3A_6 step %scan3A_7  : i32 {
      %broadcast_in_dim3A_1016 = arith.constant 0.000000e+00 : f32
      %broadcast_in_dim3A_1017 = vector.broadcast %broadcast_in_dim3A_1016 : f32 to vector<16xf32>
      %swap3A = arith.index_cast %scan3A_1015 : i32 to index
      %swap3A_1018 = arith.constant 0 : index
      %swap3A_1019 = tpu.vector_load %arg12[%swap3A, %swap3A_1018] {strides = array<i32>} : memref<56x128xf32, #tpu.memory_space<vmem>>, vector<16xf32>,
      tpu.vector_store %arg12[%swap3A, %swap3A_1018], %broadcast_in_dim3A_1017 {strides = array<i32>} : memref<56x128xf32, #tpu.memory_space<vmem>>, vector<16xf32>,
      %broadcast_in_dim3A_1020 = arith.constant 0.000000e+00 : f32
      %broadcast_in_dim3A_1021 = vector.broadcast %broadcast_in_dim3A_1020 : f32 to vector<16xf32>
      %swap3A_1022 = arith.index_cast %scan3A_1015 : i32 to index
      %swap3A_1023 = arith.constant 16 : index
      %swap3A_1024 = tpu.vector_load %arg12[%swap3A_1022, %swap3A_1023] {strides = array<i32>} : memref<56x128xf32, #tpu.memory_space<vmem>>, vector<16xf32>,
      tpu.vector_store %arg12[%swap3A_1022, %swap3A_1023], %broadcast_in_dim3A_1021 {strides = array<i32>} : memref<56x128xf32, #tpu.memory_space<vmem>>, vector<16xf32>,
      %broadcast_in_dim3A_1025 = arith.constant 0.000000e+00 : f32
      %broadcast_in_dim3A_1026 = vector.broadcast %broadcast_in_dim3A_1025 : f32 to vector<16xf32>
      %swap3A_1027 = arith.index_cast %scan3A_1015 : i32 to index
      %swap3A_1028 = arith.constant 32 : index
      %swap3A_1029 = tpu.vector_load %arg12[%swap3A_1027, %swap3A_1028] {strides = array<i32>} : memref<56x128xf32, #tpu.memory_space<vmem>>, vector<16xf32>,
      tpu.vector_store %arg12[%swap3A_1027, %swap3A_1028], %broadcast_in_dim3A_1026 {strides = array<i32>} : memref<56x128xf32, #tpu.memory_space<vmem>>, vector<16xf32>,
      %broadcast_in_dim3A_1030 = arith.constant 0.000000e+00 : f32
      %broadcast_in_dim3A_1031 = vector.broadcast %broadcast_in_dim3A_1030 : f32 to vector<16xf32>
      %swap3A_1032 = arith.index_cast %scan3A_1015 : i32 to index
      %swap3A_1033 = arith.constant 48 : index
      %swap3A_1034 = tpu.vector_load %arg12[%swap3A_1032, %swap3A_1033] {strides = array<i32>} : memref<56x128xf32, #tpu.memory_space<vmem>>, vector<16xf32>,
      tpu.vector_store %arg12[%swap3A_1032, %swap3A_1033], %broadcast_in_dim3A_1031 {strides = array<i32>} : memref<56x128xf32, #tpu.memory_space<vmem>>, vector<16xf32>,
      %broadcast_in_dim3A_1035 = arith.constant 0.000000e+00 : f32
      %broadcast_in_dim3A_1036 = vector.broadcast %broadcast_in_dim3A_1035 : f32 to vector<16xf32>
      %swap3A_1037 = arith.index_cast %scan3A_1015 : i32 to index
      %swap3A_1038 = arith.constant 64 : index
      %swap3A_1039 = tpu.vector_load %arg12[%swap3A_1037, %swap3A_1038] {strides = array<i32>} : memref<56x128xf32, #tpu.memory_space<vmem>>, vector<16xf32>,
      tpu.vector_store %arg12[%swap3A_1037, %swap3A_1038], %broadcast_in_dim3A_1036 {strides = array<i32>} : memref<56x128xf32, #tpu.memory_space<vmem>>, vector<16xf32>,
      %broadcast_in_dim3A_1040 = arith.constant 0.000000e+00 : f32
      %broadcast_in_dim3A_1041 = vector.broadcast %broadcast_in_dim3A_1040 : f32 to vector<16xf32>
      %swap3A_1042 = arith.index_cast %scan3A_1015 : i32 to index
      %swap3A_1043 = arith.constant 80 : index
      %swap3A_1044 = tpu.vector_load %arg12[%swap3A_1042, %swap3A_1043] {strides = array<i32>} : memref<56x128xf32, #tpu.memory_space<vmem>>, vector<16xf32>,
      tpu.vector_store %arg12[%swap3A_1042, %swap3A_1043], %broadcast_in_dim3A_1041 {strides = array<i32>} : memref<56x128xf32, #tpu.memory_space<vmem>>, vector<16xf32>,
      %broadcast_in_dim3A_1045 = arith.constant 0.000000e+00 : f32
      %broadcast_in_dim3A_1046 = vector.broadcast %broadcast_in_dim3A_1045 : f32 to vector<16xf32>
      %swap3A_1047 = arith.index_cast %scan3A_1015 : i32 to index
      %swap3A_1048 = arith.constant 96 : index
      %swap3A_1049 = tpu.vector_load %arg12[%swap3A_1047, %swap3A_1048] {strides = array<i32>} : memref<56x128xf32, #tpu.memory_space<vmem>>, vector<16xf32>,
      tpu.vector_store %arg12[%swap3A_1047, %swap3A_1048], %broadcast_in_dim3A_1046 {strides = array<i32>} : memref<56x128xf32, #tpu.memory_space<vmem>>, vector<16xf32>,
      %broadcast_in_dim3A_1050 = arith.constant 0.000000e+00 : f32
      %broadcast_in_dim3A_1051 = vector.broadcast %broadcast_in_dim3A_1050 : f32 to vector<16xf32>
      %swap3A_1052 = arith.index_cast %scan3A_1015 : i32 to index
      %swap3A_1053 = arith.constant 112 : index
      %swap3A_1054 = tpu.vector_load %arg12[%swap3A_1052, %swap3A_1053] {strides = array<i32>} : memref<56x128xf32, #tpu.memory_space<vmem>>, vector<16xf32>,
      tpu.vector_store %arg12[%swap3A_1052, %swap3A_1053], %broadcast_in_dim3A_1051 {strides = array<i32>} : memref<56x128xf32, #tpu.memory_space<vmem>>, vector<16xf32>,
    }
    %scan3A_8 = arith.constant 56 : i32
    %mul3A_9 = arith.constant 4 : i32
    %mul3A_10 = arith.muli %arg0, %mul3A_9 : i32
    %add3A_11 = arith.constant 0 : i32
    %add3A_12 = arith.addi %mul3A_10, %add3A_11 : i32
    %mul3A_13 = arith.constant 10112 : i32
    %mul3A_14 = arith.muli %add3A_12, %mul3A_13 : i32
    %broadcast_in_dim3A_15 = vector.broadcast %mul3A_14 : i32 to vector<16xi32>
    %add3A_16 = arith.addi %broadcast_in_dim3A_15, %broadcast_in_dim3A_0 : vector<16xi32>
    %mul3A_17 = arith.constant 632 : i32
    %mul3A_18 = arith.muli %arg1, %mul3A_17 : i32
    %add3A_19 = arith.constant 0 : i32
    %add3A_20 = arith.addi %mul3A_18, %add3A_19 : i32
    %dma_start3A = arith.constant 0 : i32
    %dma_start3A_21 = tpu.memref_slice %arg6[%add3A_20, %dma_start3A] : memref<10128x128xf32, #tpu.memory_space<vmem_shared>> -> memref<56x128xf32, #tpu.memory_space<vmem_shared>>
    %dma_start3A_22 = arith.constant 0 : i32
    %dma_start3A_23 = tpu.memref_slice %arg6[%add3A_20, %dma_start3A_22] : memref<10128x128xf32, #tpu.memory_space<vmem_shared>> -> memref<56x128xf32, #tpu.memory_space<vmem_shared>>
    tpu.enqueue_dma source(%arg12 : memref<56x128xf32, #tpu.memory_space<vmem>>) target(%dma_start3A_23 : memref<56x128xf32, #tpu.memory_space<vmem_shared>>) target_semaphore(%arg17 : memref<!tpu.dma_semaphore, #tpu.memory_space<semaphore_mem>>)
    %mul3A_24 = arith.constant 632 : i32
    %mul3A_25 = arith.muli %arg1, %mul3A_24 : i32
    %add3A_26 = arith.constant 56 : i32
    %add3A_27 = arith.addi %mul3A_25, %add3A_26 : i32
    %dma_start3A_28 = arith.constant 0 : i32
    %dma_start3A_29 = tpu.memref_slice %arg6[%add3A_27, %dma_start3A_28] : memref<10128x128xf32, #tpu.memory_space<vmem_shared>> -> memref<56x128xf32, #tpu.memory_space<vmem_shared>>
    %dma_start3A_30 = arith.constant 0 : i32
    %dma_start3A_31 = tpu.memref_slice %arg6[%add3A_27, %dma_start3A_30] : memref<10128x128xf32, #tpu.memory_space<vmem_shared>> -> memref<56x128xf32, #tpu.memory_space<vmem_shared>>
    tpu.enqueue_dma source(%arg12 : memref<56x128xf32, #tpu.memory_space<vmem>>) target(%dma_start3A_31 : memref<56x128xf32, #tpu.memory_space<vmem_shared>>) target_semaphore(%arg17 : memref<!tpu.dma_semaphore, #tpu.memory_space<semaphore_mem>>)
    %mul3A_32 = arith.constant 632 : i32
    %mul3A_33 = arith.muli %arg1, %mul3A_32 : i32
    %add3A_34 = arith.constant 112 : i32
    %add3A_35 = arith.addi %mul3A_33, %add3A_34 : i32
    %dma_start3A_36 = arith.constant 0 : i32
    %dma_start3A_37 = tpu.memref_slice %arg6[%add3A_35, %dma_start3A_36] : memref<10128x128xf32, #tpu.memory_space<vmem_shared>> -> memref<56x128xf32, #tpu.memory_space<vmem_shared>>
    %dma_start3A_38 = arith.constant 0 : i32
    %dma_start3A_39 = tpu.memref_slice %arg6[%add3A_35, %dma_start3A_38] : memref<10128x128xf32, #tpu.memory_space<vmem_shared>> -> memref<56x128xf32, #tpu.memory_space<vmem_shared>>
    tpu.enqueue_dma source(%arg12 : memref<56x128xf32, #tpu.memory_space<vmem>>) target(%dma_start3A_39 : memref<56x128xf32, #tpu.memory_space<vmem_shared>>) target_semaphore(%arg17 : memref<!tpu.dma_semaphore, #tpu.memory_space<semaphore_mem>>)
    %mul3A_40 = arith.constant 632 : i32
    %mul3A_41 = arith.muli %arg1, %mul3A_40 : i32
    %add3A_42 = arith.constant 168 : i32
    %add3A_43 = arith.addi %mul3A_41, %add3A_42 : i32
    %dma_start3A_44 = arith.constant 0 : i32
    %dma_start3A_45 = tpu.memref_slice %arg6[%add3A_43, %dma_start3A_44] : memref<10128x128xf32, #tpu.memory_space<vmem_shared>> -> memref<56x128xf32, #tpu.memory_space<vmem_shared>>
    %dma_start3A_46 = arith.constant 0 : i32
    %dma_start3A_47 = tpu.memref_slice %arg6[%add3A_43, %dma_start3A_46] : memref<10128x128xf32, #tpu.memory_space<vmem_shared>> -> memref<56x128xf32, #tpu.memory_space<vmem_shared>>
    tpu.enqueue_dma source(%arg12 : memref<56x128xf32, #tpu.memory_space<vmem>>) target(%dma_start3A_47 : memref<56x128xf32, #tpu.memory_space<vmem_shared>>) target_semaphore(%arg17 : memref<!tpu.dma_semaphore, #tpu.memory_space<semaphore_mem>>)
    %mul3A_48 = arith.constant 632 : i32
    %mul3A_49 = arith.muli %arg1, %mul3A_48 : i32
    %add3A_50 = arith.constant 224 : i32
    %add3A_51 = arith.addi %mul3A_49, %add3A_50 : i32
    %dma_start3A_52 = arith.constant 0 : i32
    %dma_start3A_53 = tpu.memref_slice %arg6[%add3A_51, %dma_start3A_52] : memref<10128x128xf32, #tpu.memory_space<vmem_shared>> -> memref<56x128xf32, #tpu.memory_space<vmem_shared>>
    %dma_start3A_54 = arith.constant 0 : i32
    %dma_start3A_55 = tpu.memref_slice %arg6[%add3A_51, %dma_start3A_54] : memref<10128x128xf32, #tpu.memory_space<vmem_shared>> -> memref<56x128xf32, #tpu.memory_space<vmem_shared>>
    tpu.enqueue_dma source(%arg12 : memref<56x128xf32, #tpu.memory_space<vmem>>) target(%dma_start3A_55 : memref<56x128xf32, #tpu.memory_space<vmem_shared>>) target_semaphore(%arg17 : memref<!tpu.dma_semaphore, #tpu.memory_space<semaphore_mem>>)
    %mul3A_56 = arith.constant 632 : i32
    %mul3A_57 = arith.muli %arg1, %mul3A_56 : i32
    %add3A_58 = arith.constant 280 : i32
    %add3A_59 = arith.addi %mul3A_57, %add3A_58 : i32
    %dma_start3A_60 = arith.constant 0 : i32
    %dma_start3A_61 = tpu.memref_slice %arg6[%add3A_59, %dma_start3A_60] : memref<10128x128xf32, #tpu.memory_space<vmem_shared>> -> memref<56x128xf32, #tpu.memory_space<vmem_shared>>
    %dma_start3A_62 = arith.constant 0 : i32
    %dma_start3A_63 = tpu.memref_slice %arg6[%add3A_59, %dma_start3A_62] : memref<10128x128xf32, #tpu.memory_space<vmem_shared>> -> memref<56x128xf32, #tpu.memory_space<vmem_shared>>
    tpu.enqueue_dma source(%arg12 : memref<56x128xf32, #tpu.memory_space<vmem>>) target(%dma_start3A_63 : memref<56x128xf32, #tpu.memory_space<vmem_shared>>) target_semaphore(%arg17 : memref<!tpu.dma_semaphore, #tpu.memory_space<semaphore_mem>>)
    %mul3A_64 = arith.constant 632 : i32
    %mul3A_65 = arith.muli %arg1, %mul3A_64 : i32
    %add3A_66 = arith.constant 336 : i32
    %add3A_67 = arith.addi %mul3A_65, %add3A_66 : i32
    %dma_start3A_68 = arith.constant 0 : i32
    %dma_start3A_69 = tpu.memref_slice %arg6[%add3A_67, %dma_start3A_68] : memref<10128x128xf32, #tpu.memory_space<vmem_shared>> -> memref<56x128xf32, #tpu.memory_space<vmem_shared>>
    %dma_start3A_70 = arith.constant 0 : i32
    %dma_start3A_71 = tpu.memref_slice %arg6[%add3A_67, %dma_start3A_70] : memref<10128x128xf32, #tpu.memory_space<vmem_shared>> -> memref<56x128xf32, #tpu.memory_space<vmem_shared>>
    tpu.enqueue_dma source(%arg12 : memref<56x128xf32, #tpu.memory_space<vmem>>) target(%dma_start3A_71 : memref<56x128xf32, #tpu.memory_space<vmem_shared>>) target_semaphore(%arg17 : memref<!tpu.dma_semaphore, #tpu.memory_space<semaphore_mem>>)
    %mul3A_72 = arith.constant 632 : i32
    %mul3A_73 = arith.muli %arg1, %mul3A_72 : i32
    %add3A_74 = arith.constant 392 : i32
    %add3A_75 = arith.addi %mul3A_73, %add3A_74 : i32
    %dma_start3A_76 = arith.constant 0 : i32
    %dma_start3A_77 = tpu.memref_slice %arg6[%add3A_75, %dma_start3A_76] : memref<10128x128xf32, #tpu.memory_space<vmem_shared>> -> memref<56x128xf32, #tpu.memory_space<vmem_shared>>
    %dma_start3A_78 = arith.constant 0 : i32
    %dma_start3A_79 = tpu.memref_slice %arg6[%add3A_75, %dma_start3A_78] : memref<10128x128xf32, #tpu.memory_space<vmem_shared>> -> memref<56x128xf32, #tpu.memory_space<vmem_shared>>
    tpu.enqueue_dma source(%arg12 : memref<56x128xf32, #tpu.memory_space<vmem>>) target(%dma_start3A_79 : memref<56x128xf32, #tpu.memory_space<vmem_shared>>) target_semaphore(%arg17 : memref<!tpu.dma_semaphore, #tpu.memory_space<semaphore_mem>>)
    %mul3A_80 = arith.constant 632 : i32
    %mul3A_81 = arith.muli %arg1, %mul3A_80 : i32
    %add3A_82 = arith.constant 448 : i32
    %add3A_83 = arith.addi %mul3A_81, %add3A_82 : i32
    %dma_start3A_84 = arith.constant 0 : i32
    %dma_start3A_85 = tpu.memref_slice %arg6[%add3A_83, %dma_start3A_84] : memref<10128x128xf32, #tpu.memory_space<vmem_shared>> -> memref<56x128xf32, #tpu.memory_space<vmem_shared>>
    %dma_start3A_86 = arith.constant 0 : i32
    %dma_start3A_87 = tpu.memref_slice %arg6[%add3A_83, %dma_start3A_86] : memref<10128x128xf32, #tpu.memory_space<vmem_shared>> -> memref<56x128xf32, #tpu.memory_space<vmem_shared>>
    tpu.enqueue_dma source(%arg12 : memref<56x128xf32, #tpu.memory_space<vmem>>) target(%dma_start3A_87 : memref<56x128xf32, #tpu.memory_space<vmem_shared>>) target_semaphore(%arg17 : memref<!tpu.dma_semaphore, #tpu.memory_space<semaphore_mem>>)
    %mul3A_88 = arith.constant 632 : i32
    %mul3A_89 = arith.muli %arg1, %mul3A_88 : i32
    %add3A_90 = arith.constant 504 : i32
    %add3A_91 = arith.addi %mul3A_89, %add3A_90 : i32
    %dma_start3A_92 = arith.constant 0 : i32
    %dma_start3A_93 = tpu.memref_slice %arg6[%add3A_91, %dma_start3A_92] : memref<10128x128xf32, #tpu.memory_space<vmem_shared>> -> memref<56x128xf32, #tpu.memory_space<vmem_shared>>
    %dma_start3A_94 = arith.constant 0 : i32
    %dma_start3A_95 = tpu.memref_slice %arg6[%add3A_91, %dma_start3A_94] : memref<10128x128xf32, #tpu.memory_space<vmem_shared>> -> memref<56x128xf32, #tpu.memory_space<vmem_shared>>
    tpu.enqueue_dma source(%arg12 : memref<56x128xf32, #tpu.memory_space<vmem>>) target(%dma_start3A_95 : memref<56x128xf32, #tpu.memory_space<vmem_shared>>) target_semaphore(%arg17 : memref<!tpu.dma_semaphore, #tpu.memory_space<semaphore_mem>>)
    %mul3A_96 = arith.constant 632 : i32
    %mul3A_97 = arith.muli %arg1, %mul3A_96 : i32
    %add3A_98 = arith.constant 560 : i32
    %add3A_99 = arith.addi %mul3A_97, %add3A_98 : i32
    %dma_start3A_100 = arith.constant 0 : i32
    %dma_start3A_101 = tpu.memref_slice %arg6[%add3A_99, %dma_start3A_100] : memref<10128x128xf32, #tpu.memory_space<vmem_shared>> -> memref<56x128xf32, #tpu.memory_space<vmem_shared>>
    %dma_start3A_102 = arith.constant 0 : i32
    %dma_start3A_103 = tpu.memref_slice %arg6[%add3A_99, %dma_start3A_102] : memref<10128x128xf32, #tpu.memory_space<vmem_shared>> -> memref<56x128xf32, #tpu.memory_space<vmem_shared>>
    tpu.enqueue_dma source(%arg12 : memref<56x128xf32, #tpu.memory_space<vmem>>) target(%dma_start3A_103 : memref<56x128xf32, #tpu.memory_space<vmem_shared>>) target_semaphore(%arg17 : memref<!tpu.dma_semaphore, #tpu.memory_space<semaphore_mem>>)
    %mul3A_104 = arith.constant 632 : i32
    %mul3A_105 = arith.muli %arg1, %mul3A_104 : i32
    %add3A_106 = arith.constant 616 : i32
    %add3A_107 = arith.addi %mul3A_105, %add3A_106 : i32
    %dma_start3A_108 = arith.constant 0 : i32
    %dma_start3A_109 = arith.constant 0 : i32
    %dma_start3A_110 = tpu.memref_slice %arg12[%dma_start3A_108, %dma_start3A_109] : memref<56x128xf32, #tpu.memory_space<vmem>> -> memref<16x128xf32, #tpu.memory_space<vmem>>
    %dma_start3A_111 = arith.constant 0 : i32
    %dma_start3A_112 = tpu.memref_slice %arg6[%add3A_107, %dma_start3A_111] : memref<10128x128xf32, #tpu.memory_space<vmem_shared>> -> memref<16x128xf32, #tpu.memory_space<vmem_shared>>
    %dma_start3A_113 = arith.constant 0 : i32
    %dma_start3A_114 = tpu.memref_slice %arg6[%add3A_107, %dma_start3A_113] : memref<10128x128xf32, #tpu.memory_space<vmem_shared>> -> memref<16x128xf32, #tpu.memory_space<vmem_shared>>
    %dma_start3A_115 = arith.constant 0 : i32
    %dma_start3A_116 = arith.constant 0 : i32
    %dma_start3A_117 = tpu.memref_slice %arg12[%dma_start3A_115, %dma_start3A_116] : memref<56x128xf32, #tpu.memory_space<vmem>> -> memref<16x128xf32, #tpu.memory_space<vmem>>
    tpu.enqueue_dma source(%dma_start3A_117 : memref<16x128xf32, #tpu.memory_space<vmem>>) target(%dma_start3A_114 : memref<16x128xf32, #tpu.memory_space<vmem_shared>>) target_semaphore(%arg17 : memref<!tpu.dma_semaphore, #tpu.memory_space<semaphore_mem>>)
    %eq3A = arith.constant 0 : i32
    %eq3A_118 = arith.cmpi eq, %arg1, %eq3A : i32
    %convert_element_type3A = arith.extui %eq3A_118 : i1 to i32
    %cond3A = arith.constant 0 : i32
    %cond3A_119 = arith.cmpi ne, %convert_element_type3A, %cond3A : i32
    scf.if %cond3A_119 {
      "tpu.region"() ({
        %run_scoped3A = tpu.sem_alloc : memref<!tpu.dma_semaphore, #tpu.memory_space<semaphore_mem>>
        %dma_start3A_1015 = arith.constant 0 : i32
        %dma_start3A_1016 = arith.constant 0 : i32
        %dma_start3A_1017 = tpu.memref_slice %arg12[%dma_start3A_1015, %dma_start3A_1016] : memref<56x128xf32, #tpu.memory_space<vmem>> -> memref<16x128xf32, #tpu.memory_space<vmem>>
        %dma_start3A_1018 = arith.constant 10112 : i32
        %dma_start3A_1019 = arith.constant 0 : i32
        %dma_start3A_1020 = tpu.memref_slice %arg6[%dma_start3A_1018, %dma_start3A_1019] : memref<10128x128xf32, #tpu.memory_space<vmem_shared>> -> memref<16x128xf32, #tpu.memory_space<vmem_shared>>
        %dma_start3A_1021 = arith.constant 10112 : i32
        %dma_start3A_1022 = arith.constant 0 : i32
        %dma_start3A_1023 = tpu.memref_slice %arg6[%dma_start3A_1021, %dma_start3A_1022] : memref<10128x128xf32, #tpu.memory_space<vmem_shared>> -> memref<16x128xf32, #tpu.memory_space<vmem_shared>>
        %dma_start3A_1024 = arith.constant 0 : i32
        %dma_start3A_1025 = arith.constant 0 : i32
        %dma_start3A_1026 = tpu.memref_slice %arg12[%dma_start3A_1024, %dma_start3A_1025] : memref<56x128xf32, #tpu.memory_space<vmem>> -> memref<16x128xf32, #tpu.memory_space<vmem>>
        tpu.enqueue_dma source(%dma_start3A_1026 : memref<16x128xf32, #tpu.memory_space<vmem>>) target(%dma_start3A_1023 : memref<16x128xf32, #tpu.memory_space<vmem_shared>>) target_semaphore(%run_scoped3A : memref<!tpu.dma_semaphore, #tpu.memory_space<semaphore_mem>>)
        %dma_wait3A_1027 = arith.constant 0 : i32
        %dma_wait3A_1028 = arith.constant 0 : i32
        %dma_wait3A_1029 = tpu.memref_slice %arg12[%dma_wait3A_1027, %dma_wait3A_1028] : memref<56x128xf32, #tpu.memory_space<vmem>> -> memref<16x128xf32, #tpu.memory_space<vmem>>
        %dma_wait3A_1030 = arith.constant 10112 : i32
        %dma_wait3A_1031 = arith.constant 0 : i32
        %dma_wait3A_1032 = tpu.memref_slice %arg6[%dma_wait3A_1030, %dma_wait3A_1031] : memref<10128x128xf32, #tpu.memory_space<vmem_shared>> -> memref<16x128xf32, #tpu.memory_space<vmem_shared>>
        %dma_wait3A_1033 = arith.constant 10112 : i32
        %dma_wait3A_1034 = arith.constant 0 : i32
        %dma_wait3A_1035 = tpu.memref_slice %arg6[%dma_wait3A_1033, %dma_wait3A_1034] : memref<10128x128xf32, #tpu.memory_space<vmem_shared>> -> memref<16x128xf32, #tpu.memory_space<vmem_shared>>
        %dma_wait3A_1036 = arith.constant 0 : i32
        %dma_wait3A_1037 = arith.constant 0 : i32
        %dma_wait3A_1038 = tpu.memref_slice %arg12[%dma_wait3A_1036, %dma_wait3A_1037] : memref<56x128xf32, #tpu.memory_space<vmem>> -> memref<16x128xf32, #tpu.memory_space<vmem>>
        tpu.wait_dma2 semaphore(%run_scoped3A : memref<!tpu.dma_semaphore, #tpu.memory_space<semaphore_mem>>) src(%dma_wait3A_1038 : memref<16x128xf32, #tpu.memory_space<vmem>>) dst(%dma_wait3A_1035 : memref<16x128xf32, #tpu.memory_space<vmem_shared>>)
        tpu.yield
      }) : () -> ()
    } else {
    }
    %mul3A_120 = arith.constant 632 : i32
    %mul3A_121 = arith.muli %arg1, %mul3A_120 : i32
    %add3A_122 = arith.constant 0 : i32
    %add3A_123 = arith.addi %mul3A_121, %add3A_122 : i32
    %dma_wait3A = arith.constant 0 : i32
    %dma_wait3A_124 = tpu.memref_slice %arg6[%add3A_123, %dma_wait3A] : memref<10128x128xf32, #tpu.memory_space<vmem_shared>> -> memref<56x128xf32, #tpu.memory_space<vmem_shared>>
    %dma_wait3A_125 = arith.constant 0 : i32
    %dma_wait3A_126 = tpu.memref_slice %arg6[%add3A_123, %dma_wait3A_125] : memref<10128x128xf32, #tpu.memory_space<vmem_shared>> -> memref<56x128xf32, #tpu.memory_space<vmem_shared>>
    tpu.wait_dma2 semaphore(%arg17 : memref<!tpu.dma_semaphore, #tpu.memory_space<semaphore_mem>>) src(%arg12 : memref<56x128xf32, #tpu.memory_space<vmem>>) dst(%dma_wait3A_126 : memref<56x128xf32, #tpu.memory_space<vmem_shared>>)
    %mul3A_127 = arith.constant 632 : i32
    %mul3A_128 = arith.muli %arg1, %mul3A_127 : i32
    %add3A_129 = arith.constant 56 : i32
    %add3A_130 = arith.addi %mul3A_128, %add3A_129 : i32
    %dma_wait3A_131 = arith.constant 0 : i32
    %dma_wait3A_132 = tpu.memref_slice %arg6[%add3A_130, %dma_wait3A_131] : memref<10128x128xf32, #tpu.memory_space<vmem_shared>> -> memref<56x128xf32, #tpu.memory_space<vmem_shared>>
    %dma_wait3A_133 = arith.constant 0 : i32
    %dma_wait3A_134 = tpu.memref_slice %arg6[%add3A_130, %dma_wait3A_133] : memref<10128x128xf32, #tpu.memory_space<vmem_shared>> -> memref<56x128xf32, #tpu.memory_space<vmem_shared>>
    tpu.wait_dma2 semaphore(%arg17 : memref<!tpu.dma_semaphore, #tpu.memory_space<semaphore_mem>>) src(%arg12 : memref<56x128xf32, #tpu.memory_space<vmem>>) dst(%dma_wait3A_134 : memref<56x128xf32, #tpu.memory_space<vmem_shared>>)
    %mul3A_135 = arith.constant 632 : i32
    %mul3A_136 = arith.muli %arg1, %mul3A_135 : i32
    %add3A_137 = arith.constant 112 : i32
    %add3A_138 = arith.addi %mul3A_136, %add3A_137 : i32
    %dma_wait3A_139 = arith.constant 0 : i32
    %dma_wait3A_140 = tpu.memref_slice %arg6[%add3A_138, %dma_wait3A_139] : memref<10128x128xf32, #tpu.memory_space<vmem_shared>> -> memref<56x128xf32, #tpu.memory_space<vmem_shared>>
    %dma_wait3A_141 = arith.constant 0 : i32
    %dma_wait3A_142 = tpu.memref_slice %arg6[%add3A_138, %dma_wait3A_141] : memref<10128x128xf32, #tpu.memory_space<vmem_shared>> -> memref<56x128xf32, #tpu.memory_space<vmem_shared>>
    tpu.wait_dma2 semaphore(%arg17 : memref<!tpu.dma_semaphore, #tpu.memory_space<semaphore_mem>>) src(%arg12 : memref<56x128xf32, #tpu.memory_space<vmem>>) dst(%dma_wait3A_142 : memref<56x128xf32, #tpu.memory_space<vmem_shared>>)
    %mul3A_143 = arith.constant 632 : i32
    %mul3A_144 = arith.muli %arg1, %mul3A_143 : i32
    %add3A_145 = arith.constant 168 : i32
    %add3A_146 = arith.addi %mul3A_144, %add3A_145 : i32
    %dma_wait3A_147 = arith.constant 0 : i32
    %dma_wait3A_148 = tpu.memref_slice %arg6[%add3A_146, %dma_wait3A_147] : memref<10128x128xf32, #tpu.memory_space<vmem_shared>> -> memref<56x128xf32, #tpu.memory_space<vmem_shared>>
    %dma_wait3A_149 = arith.constant 0 : i32
    %dma_wait3A_150 = tpu.memref_slice %arg6[%add3A_146, %dma_wait3A_149] : memref<10128x128xf32, #tpu.memory_space<vmem_shared>> -> memref<56x128xf32, #tpu.memory_space<vmem_shared>>
    tpu.wait_dma2 semaphore(%arg17 : memref<!tpu.dma_semaphore, #tpu.memory_space<semaphore_mem>>) src(%arg12 : memref<56x128xf32, #tpu.memory_space<vmem>>) dst(%dma_wait3A_150 : memref<56x128xf32, #tpu.memory_space<vmem_shared>>)
    %mul3A_151 = arith.constant 632 : i32
    %mul3A_152 = arith.muli %arg1, %mul3A_151 : i32
    %add3A_153 = arith.constant 224 : i32
    %add3A_154 = arith.addi %mul3A_152, %add3A_153 : i32
    %dma_wait3A_155 = arith.constant 0 : i32
    %dma_wait3A_156 = tpu.memref_slice %arg6[%add3A_154, %dma_wait3A_155] : memref<10128x128xf32, #tpu.memory_space<vmem_shared>> -> memref<56x128xf32, #tpu.memory_space<vmem_shared>>
    %dma_wait3A_157 = arith.constant 0 : i32
    %dma_wait3A_158 = tpu.memref_slice %arg6[%add3A_154, %dma_wait3A_157] : memref<10128x128xf32, #tpu.memory_space<vmem_shared>> -> memref<56x128xf32, #tpu.memory_space<vmem_shared>>
    tpu.wait_dma2 semaphore(%arg17 : memref<!tpu.dma_semaphore, #tpu.memory_space<semaphore_mem>>) src(%arg12 : memref<56x128xf32, #tpu.memory_space<vmem>>) dst(%dma_wait3A_158 : memref<56x128xf32, #tpu.memory_space<vmem_shared>>)
    %mul3A_159 = arith.constant 632 : i32
    %mul3A_160 = arith.muli %arg1, %mul3A_159 : i32
    %add3A_161 = arith.constant 280 : i32
    %add3A_162 = arith.addi %mul3A_160, %add3A_161 : i32
    %dma_wait3A_163 = arith.constant 0 : i32
    %dma_wait3A_164 = tpu.memref_slice %arg6[%add3A_162, %dma_wait3A_163] : memref<10128x128xf32, #tpu.memory_space<vmem_shared>> -> memref<56x128xf32, #tpu.memory_space<vmem_shared>>
    %dma_wait3A_165 = arith.constant 0 : i32
    %dma_wait3A_166 = tpu.memref_slice %arg6[%add3A_162, %dma_wait3A_165] : memref<10128x128xf32, #tpu.memory_space<vmem_shared>> -> memref<56x128xf32, #tpu.memory_space<vmem_shared>>
    tpu.wait_dma2 semaphore(%arg17 : memref<!tpu.dma_semaphore, #tpu.memory_space<semaphore_mem>>) src(%arg12 : memref<56x128xf32, #tpu.memory_space<vmem>>) dst(%dma_wait3A_166 : memref<56x128xf32, #tpu.memory_space<vmem_shared>>)
    %mul3A_167 = arith.constant 632 : i32
    %mul3A_168 = arith.muli %arg1, %mul3A_167 : i32
    %add3A_169 = arith.constant 336 : i32
    %add3A_170 = arith.addi %mul3A_168, %add3A_169 : i32
    %dma_wait3A_171 = arith.constant 0 : i32
    %dma_wait3A_172 = tpu.memref_slice %arg6[%add3A_170, %dma_wait3A_171] : memref<10128x128xf32, #tpu.memory_space<vmem_shared>> -> memref<56x128xf32, #tpu.memory_space<vmem_shared>>
    %dma_wait3A_173 = arith.constant 0 : i32
    %dma_wait3A_174 = tpu.memref_slice %arg6[%add3A_170, %dma_wait3A_173] : memref<10128x128xf32, #tpu.memory_space<vmem_shared>> -> memref<56x128xf32, #tpu.memory_space<vmem_shared>>
    tpu.wait_dma2 semaphore(%arg17 : memref<!tpu.dma_semaphore, #tpu.memory_space<semaphore_mem>>) src(%arg12 : memref<56x128xf32, #tpu.memory_space<vmem>>) dst(%dma_wait3A_174 : memref<56x128xf32, #tpu.memory_space<vmem_shared>>)
    %mul3A_175 = arith.constant 632 : i32
    %mul3A_176 = arith.muli %arg1, %mul3A_175 : i32
    %add3A_177 = arith.constant 392 : i32
    %add3A_178 = arith.addi %mul3A_176, %add3A_177 : i32
    %dma_wait3A_179 = arith.constant 0 : i32
    %dma_wait3A_180 = tpu.memref_slice %arg6[%add3A_178, %dma_wait3A_179] : memref<10128x128xf32, #tpu.memory_space<vmem_shared>> -> memref<56x128xf32, #tpu.memory_space<vmem_shared>>
    %dma_wait3A_181 = arith.constant 0 : i32
    %dma_wait3A_182 = tpu.memref_slice %arg6[%add3A_178, %dma_wait3A_181] : memref<10128x128xf32, #tpu.memory_space<vmem_shared>> -> memref<56x128xf32, #tpu.memory_space<vmem_shared>>
    tpu.wait_dma2 semaphore(%arg17 : memref<!tpu.dma_semaphore, #tpu.memory_space<semaphore_mem>>) src(%arg12 : memref<56x128xf32, #tpu.memory_space<vmem>>) dst(%dma_wait3A_182 : memref<56x128xf32, #tpu.memory_space<vmem_shared>>)
    %mul3A_183 = arith.constant 632 : i32
    %mul3A_184 = arith.muli %arg1, %mul3A_183 : i32
    %add3A_185 = arith.constant 448 : i32
    %add3A_186 = arith.addi %mul3A_184, %add3A_185 : i32
    %dma_wait3A_187 = arith.constant 0 : i32
    %dma_wait3A_188 = tpu.memref_slice %arg6[%add3A_186, %dma_wait3A_187] : memref<10128x128xf32, #tpu.memory_space<vmem_shared>> -> memref<56x128xf32, #tpu.memory_space<vmem_shared>>
    %dma_wait3A_189 = arith.constant 0 : i32
    %dma_wait3A_190 = tpu.memref_slice %arg6[%add3A_186, %dma_wait3A_189] : memref<10128x128xf32, #tpu.memory_space<vmem_shared>> -> memref<56x128xf32, #tpu.memory_space<vmem_shared>>
    tpu.wait_dma2 semaphore(%arg17 : memref<!tpu.dma_semaphore, #tpu.memory_space<semaphore_mem>>) src(%arg12 : memref<56x128xf32, #tpu.memory_space<vmem>>) dst(%dma_wait3A_190 : memref<56x128xf32, #tpu.memory_space<vmem_shared>>)
    %mul3A_191 = arith.constant 632 : i32
    %mul3A_192 = arith.muli %arg1, %mul3A_191 : i32
    %add3A_193 = arith.constant 504 : i32
    %add3A_194 = arith.addi %mul3A_192, %add3A_193 : i32
    %dma_wait3A_195 = arith.constant 0 : i32
    %dma_wait3A_196 = tpu.memref_slice %arg6[%add3A_194, %dma_wait3A_195] : memref<10128x128xf32, #tpu.memory_space<vmem_shared>> -> memref<56x128xf32, #tpu.memory_space<vmem_shared>>
    %dma_wait3A_197 = arith.constant 0 : i32
    %dma_wait3A_198 = tpu.memref_slice %arg6[%add3A_194, %dma_wait3A_197] : memref<10128x128xf32, #tpu.memory_space<vmem_shared>> -> memref<56x128xf32, #tpu.memory_space<vmem_shared>>
    tpu.wait_dma2 semaphore(%arg17 : memref<!tpu.dma_semaphore, #tpu.memory_space<semaphore_mem>>) src(%arg12 : memref<56x128xf32, #tpu.memory_space<vmem>>) dst(%dma_wait3A_198 : memref<56x128xf32, #tpu.memory_space<vmem_shared>>)
    %mul3A_199 = arith.constant 632 : i32
    %mul3A_200 = arith.muli %arg1, %mul3A_199 : i32
    %add3A_201 = arith.constant 560 : i32
    %add3A_202 = arith.addi %mul3A_200, %add3A_201 : i32
    %dma_wait3A_203 = arith.constant 0 : i32
    %dma_wait3A_204 = tpu.memref_slice %arg6[%add3A_202, %dma_wait3A_203] : memref<10128x128xf32, #tpu.memory_space<vmem_shared>> -> memref<56x128xf32, #tpu.memory_space<vmem_shared>>
    %dma_wait3A_205 = arith.constant 0 : i32
    %dma_wait3A_206 = tpu.memref_slice %arg6[%add3A_202, %dma_wait3A_205] : memref<10128x128xf32, #tpu.memory_space<vmem_shared>> -> memref<56x128xf32, #tpu.memory_space<vmem_shared>>
    tpu.wait_dma2 semaphore(%arg17 : memref<!tpu.dma_semaphore, #tpu.memory_space<semaphore_mem>>) src(%arg12 : memref<56x128xf32, #tpu.memory_space<vmem>>) dst(%dma_wait3A_206 : memref<56x128xf32, #tpu.memory_space<vmem_shared>>)
    %mul3A_207 = arith.constant 632 : i32
    %mul3A_208 = arith.muli %arg1, %mul3A_207 : i32
    %add3A_209 = arith.constant 616 : i32
    %add3A_210 = arith.addi %mul3A_208, %add3A_209 : i32
    %dma_wait3A_211 = arith.constant 0 : i32
    %dma_wait3A_212 = arith.constant 0 : i32
    %dma_wait3A_213 = tpu.memref_slice %arg12[%dma_wait3A_211, %dma_wait3A_212] : memref<56x128xf32, #tpu.memory_space<vmem>> -> memref<16x128xf32, #tpu.memory_space<vmem>>
    %dma_wait3A_214 = arith.constant 0 : i32
    %dma_wait3A_215 = tpu.memref_slice %arg6[%add3A_210, %dma_wait3A_214] : memref<10128x128xf32, #tpu.memory_space<vmem_shared>> -> memref<16x128xf32, #tpu.memory_space<vmem_shared>>
    %dma_wait3A_216 = arith.constant 0 : i32
    %dma_wait3A_217 = tpu.memref_slice %arg6[%add3A_210, %dma_wait3A_216] : memref<10128x128xf32, #tpu.memory_space<vmem_shared>> -> memref<16x128xf32, #tpu.memory_space<vmem_shared>>
    %dma_wait3A_218 = arith.constant 0 : i32
    %dma_wait3A_219 = arith.constant 0 : i32
    %dma_wait3A_220 = tpu.memref_slice %arg12[%dma_wait3A_218, %dma_wait3A_219] : memref<56x128xf32, #tpu.memory_space<vmem>> -> memref<16x128xf32, #tpu.memory_space<vmem>>
    tpu.wait_dma2 semaphore(%arg17 : memref<!tpu.dma_semaphore, #tpu.memory_space<semaphore_mem>>) src(%dma_wait3A_220 : memref<16x128xf32, #tpu.memory_space<vmem>>) dst(%dma_wait3A_217 : memref<16x128xf32, #tpu.memory_space<vmem_shared>>)
    %barrier3A = arith.constant 0 : index
    tpu.barrier barrier_id(%barrier3A)
    %mul3A_221 = arith.constant 35840 : i32
    %mul3A_222 = arith.muli %arg1, %mul3A_221 : i32
    %add3A_223 = arith.constant 0 : i32
    %add3A_224 = arith.addi %mul3A_222, %add3A_223 : i32
    %dma_start3A_225 = arith.constant 0 : i32
    %dma_start3A_226 = arith.constant 0 : i32
    %dma_start3A_227 = tpu.memref_slice %arg7[%dma_start3A_225, %dma_start3A_226] : memref<2x3584xi32, #tpu.memory_space<vmem>> -> memref<1x3584xi32, #tpu.memory_space<vmem>>
    %dma_start3A_228 = tpu.memref_squeeze %dma_start3A_227 : memref<1x3584xi32, #tpu.memory_space<vmem>> -> memref<3584xi32, #tpu.memory_space<vmem>>
    %dma_start3A_229 = tpu.memref_slice %arg3[%add3A_224] : memref<573440xi32, #tpu.memory_space<hbm>> -> memref<3584xi32, #tpu.memory_space<hbm>>
    %dma_start3A_230 = arith.constant 0 : i32
    %dma_start3A_231 = tpu.memref_slice %arg7[%dma_start3A_225, %dma_start3A_230] : memref<2x3584xi32, #tpu.memory_space<vmem>> -> memref<1x3584xi32, #tpu.memory_space<vmem>>
    %dma_start3A_232 = tpu.memref_squeeze %dma_start3A_231 : memref<1x3584xi32, #tpu.memory_space<vmem>> -> memref<3584xi32, #tpu.memory_space<vmem>>
    %dma_start3A_233 = tpu.memref_slice %arg3[%add3A_224] : memref<573440xi32, #tpu.memory_space<hbm>> -> memref<3584xi32, #tpu.memory_space<hbm>>
    tpu.enqueue_dma source(%dma_start3A_233 : memref<3584xi32, #tpu.memory_space<hbm>>) target(%dma_start3A_232 : memref<3584xi32, #tpu.memory_space<vmem>>) target_semaphore(%arg14 : memref<!tpu.dma_semaphore, #tpu.memory_space<semaphore_mem>>)
    %dma_start3A_234 = arith.constant 0 : i32
    %dma_start3A_235 = arith.constant 0 : i32
    %dma_start3A_236 = tpu.memref_slice %arg8[%dma_start3A_234, %dma_start3A_235] : memref<2x3584xi32, #tpu.memory_space<vmem>> -> memref<1x3584xi32, #tpu.memory_space<vmem>>
    %dma_start3A_237 = tpu.memref_squeeze %dma_start3A_236 : memref<1x3584xi32, #tpu.memory_space<vmem>> -> memref<3584xi32, #tpu.memory_space<vmem>>
    %dma_start3A_238 = tpu.memref_slice %arg4[%add3A_224] : memref<573440xi32, #tpu.memory_space<hbm>> -> memref<3584xi32, #tpu.memory_space<hbm>>
    %dma_start3A_239 = arith.constant 0 : i32
    %dma_start3A_240 = tpu.memref_slice %arg8[%dma_start3A_234, %dma_start3A_239] : memref<2x3584xi32, #tpu.memory_space<vmem>> -> memref<1x3584xi32, #tpu.memory_space<vmem>>
    %dma_start3A_241 = tpu.memref_squeeze %dma_start3A_240 : memref<1x3584xi32, #tpu.memory_space<vmem>> -> memref<3584xi32, #tpu.memory_space<vmem>>
    %dma_start3A_242 = tpu.memref_slice %arg4[%add3A_224] : memref<573440xi32, #tpu.memory_space<hbm>> -> memref<3584xi32, #tpu.memory_space<hbm>>
    tpu.enqueue_dma source(%dma_start3A_242 : memref<3584xi32, #tpu.memory_space<hbm>>) target(%dma_start3A_241 : memref<3584xi32, #tpu.memory_space<vmem>>) target_semaphore(%arg14 : memref<!tpu.dma_semaphore, #tpu.memory_space<semaphore_mem>>)
    %scan3A_243 = arith.constant 0 : i32
    %scan3A_244 = arith.constant 0 : i32
    %scan3A_245 = arith.constant 10 : i32
    %scan3A_246 = arith.addi %scan3A_244, %scan3A_245 : i32
    %scan3A_247 = arith.constant 1 : i32
    scf.for %scan3A_1015 = %scan3A_244 to %scan3A_246 step %scan3A_247  : i32 {
      %jit3A = arith.constant 2 : i32
      %eq3A_1016 = arith.constant 0 : i32
      %eq3A_1017 = arith.cmpi eq, %jit3A, %eq3A_1016 : i32
      %jit3A_1018 = arith.constant 1 : i32
      %select_n3A = arith.select %eq3A_1017, %jit3A_1018, %jit3A : i32
      %rem3A = arith.remsi %scan3A_1015, %select_n3A : i32
      %ne3A = arith.constant 0 : i32
      %ne3A_1019 = arith.cmpi ne, %rem3A, %ne3A : i32
      %lt3A = arith.constant 0 : i32
      %lt3A_1020 = arith.cmpi slt, %rem3A, %lt3A : i32
      %lt3A_1021 = arith.constant 0 : i32
      %lt3A_1022 = arith.cmpi slt, %select_n3A, %lt3A_1021 : i32
      %ne3A_1023 = arith.xori %lt3A_1020, %lt3A_1022 : i1
      %and3A = arith.andi %ne3A_1023, %ne3A_1019 : i1
      %add3A_1024 = arith.addi %rem3A, %select_n3A : i32
      %select_n3A_1025 = arith.select %and3A, %add3A_1024, %rem3A : i32
      %add3A_1026 = arith.constant 1 : i32
      %add3A_1027 = arith.addi %scan3A_1015, %add3A_1026 : i32
      %lt3A_1028 = arith.constant 10 : i32
      %lt3A_1029 = arith.cmpi slt, %add3A_1027, %lt3A_1028 : i32
      %convert_element_type3A_1030 = arith.extui %lt3A_1029 : i1 to i32
      %cond3A_1031 = arith.constant 0 : i32
      %cond3A_1032 = arith.cmpi ne, %convert_element_type3A_1030, %cond3A_1031 : i32
      scf.if %cond3A_1032 {
        %add3A_1180 = arith.constant 1 : i32
        %add3A_1181 = arith.addi %scan3A_1015, %add3A_1180 : i32
        %sub3A_1182 = arith.constant 1 : i32
        %sub3A_1183 = arith.subi %sub3A_1182, %select_n3A_1025 : i32
        %mul3A_1184 = arith.constant 35840 : i32
        %mul3A_1185 = arith.muli %arg1, %mul3A_1184 : i32
        %mul3A_1186 = arith.constant 3584 : i32
        %mul3A_1187 = arith.muli %add3A_1181, %mul3A_1186 : i32
        %add3A_1188 = arith.addi %mul3A_1185, %mul3A_1187 : i32
        %dma_start3A_1189 = arith.constant 0 : i32
        %dma_start3A_1190 = tpu.memref_slice %arg7[%sub3A_1183, %dma_start3A_1189] : memref<2x3584xi32, #tpu.memory_space<vmem>> -> memref<1x3584xi32, #tpu.memory_space<vmem>>
        %dma_start3A_1191 = tpu.memref_squeeze %dma_start3A_1190 : memref<1x3584xi32, #tpu.memory_space<vmem>> -> memref<3584xi32, #tpu.memory_space<vmem>>
        %dma_start3A_1192 = tpu.memref_slice %arg3[%add3A_1188] : memref<573440xi32, #tpu.memory_space<hbm>> -> memref<3584xi32, #tpu.memory_space<hbm>>
        %dma_start3A_1193 = arith.constant 0 : i32
        %dma_start3A_1194 = tpu.memref_slice %arg7[%sub3A_1183, %dma_start3A_1193] : memref<2x3584xi32, #tpu.memory_space<vmem>> -> memref<1x3584xi32, #tpu.memory_space<vmem>>
        %dma_start3A_1195 = tpu.memref_squeeze %dma_start3A_1194 : memref<1x3584xi32, #tpu.memory_space<vmem>> -> memref<3584xi32, #tpu.memory_space<vmem>>
        %dma_start3A_1196 = tpu.memref_slice %arg3[%add3A_1188] : memref<573440xi32, #tpu.memory_space<hbm>> -> memref<3584xi32, #tpu.memory_space<hbm>>
        tpu.enqueue_dma source(%dma_start3A_1196 : memref<3584xi32, #tpu.memory_space<hbm>>) target(%dma_start3A_1195 : memref<3584xi32, #tpu.memory_space<vmem>>) target_semaphore(%arg14 : memref<!tpu.dma_semaphore, #tpu.memory_space<semaphore_mem>>)
        %dma_start3A_1197 = arith.constant 0 : i32
        %dma_start3A_1198 = tpu.memref_slice %arg8[%sub3A_1183, %dma_start3A_1197] : memref<2x3584xi32, #tpu.memory_space<vmem>> -> memref<1x3584xi32, #tpu.memory_space<vmem>>
        %dma_start3A_1199 = tpu.memref_squeeze %dma_start3A_1198 : memref<1x3584xi32, #tpu.memory_space<vmem>> -> memref<3584xi32, #tpu.memory_space<vmem>>
        %dma_start3A_1200 = tpu.memref_slice %arg4[%add3A_1188] : memref<573440xi32, #tpu.memory_space<hbm>> -> memref<3584xi32, #tpu.memory_space<hbm>>
        %dma_start3A_1201 = arith.constant 0 : i32
        %dma_start3A_1202 = tpu.memref_slice %arg8[%sub3A_1183, %dma_start3A_1201] : memref<2x3584xi32, #tpu.memory_space<vmem>> -> memref<1x3584xi32, #tpu.memory_space<vmem>>
        %dma_start3A_1203 = tpu.memref_squeeze %dma_start3A_1202 : memref<1x3584xi32, #tpu.memory_space<vmem>> -> memref<3584xi32, #tpu.memory_space<vmem>>
        %dma_start3A_1204 = tpu.memref_slice %arg4[%add3A_1188] : memref<573440xi32, #tpu.memory_space<hbm>> -> memref<3584xi32, #tpu.memory_space<hbm>>
        tpu.enqueue_dma source(%dma_start3A_1204 : memref<3584xi32, #tpu.memory_space<hbm>>) target(%dma_start3A_1203 : memref<3584xi32, #tpu.memory_space<vmem>>) target_semaphore(%arg14 : memref<!tpu.dma_semaphore, #tpu.memory_space<semaphore_mem>>)
      } else {
      }
      %dma_wait3A_1033 = arith.constant 0 : i32
      %dma_wait3A_1034 = tpu.memref_slice %arg7[%select_n3A_1025, %dma_wait3A_1033] : memref<2x3584xi32, #tpu.memory_space<vmem>> -> memref<1x3584xi32, #tpu.memory_space<vmem>>
      %dma_wait3A_1035 = tpu.memref_squeeze %dma_wait3A_1034 : memref<1x3584xi32, #tpu.memory_space<vmem>> -> memref<3584xi32, #tpu.memory_space<vmem>>
      %dma_wait3A_1036 = arith.constant 0 : i32
      %dma_wait3A_1037 = tpu.memref_slice %arg3[%dma_wait3A_1036] : memref<573440xi32, #tpu.memory_space<hbm>> -> memref<3584xi32, #tpu.memory_space<hbm>>
      %dma_wait3A_1038 = arith.constant 0 : i32
      %dma_wait3A_1039 = tpu.memref_slice %arg7[%select_n3A_1025, %dma_wait3A_1038] : memref<2x3584xi32, #tpu.memory_space<vmem>> -> memref<1x3584xi32, #tpu.memory_space<vmem>>
      %dma_wait3A_1040 = tpu.memref_squeeze %dma_wait3A_1039 : memref<1x3584xi32, #tpu.memory_space<vmem>> -> memref<3584xi32, #tpu.memory_space<vmem>>
      %dma_wait3A_1041 = arith.constant 0 : i32
      %dma_wait3A_1042 = tpu.memref_slice %arg3[%dma_wait3A_1041] : memref<573440xi32, #tpu.memory_space<hbm>> -> memref<3584xi32, #tpu.memory_space<hbm>>
      tpu.wait_dma2 semaphore(%arg14 : memref<!tpu.dma_semaphore, #tpu.memory_space<semaphore_mem>>) src(%dma_wait3A_1042 : memref<3584xi32, #tpu.memory_space<hbm>>) dst(%dma_wait3A_1040 : memref<3584xi32, #tpu.memory_space<vmem>>)
      %dma_wait3A_1043 = arith.constant 0 : i32
      %dma_wait3A_1044 = tpu.memref_slice %arg8[%select_n3A_1025, %dma_wait3A_1043] : memref<2x3584xi32, #tpu.memory_space<vmem>> -> memref<1x3584xi32, #tpu.memory_space<vmem>>
      %dma_wait3A_1045 = tpu.memref_squeeze %dma_wait3A_1044 : memref<1x3584xi32, #tpu.memory_space<vmem>> -> memref<3584xi32, #tpu.memory_space<vmem>>
      %dma_wait3A_1046 = arith.constant 0 : i32
      %dma_wait3A_1047 = tpu.memref_slice %arg4[%dma_wait3A_1046] : memref<573440xi32, #tpu.memory_space<hbm>> -> memref<3584xi32, #tpu.memory_space<hbm>>
      %dma_wait3A_1048 = arith.constant 0 : i32
      %dma_wait3A_1049 = tpu.memref_slice %arg8[%select_n3A_1025, %dma_wait3A_1048] : memref<2x3584xi32, #tpu.memory_space<vmem>> -> memref<1x3584xi32, #tpu.memory_space<vmem>>
      %dma_wait3A_1050 = tpu.memref_squeeze %dma_wait3A_1049 : memref<1x3584xi32, #tpu.memory_space<vmem>> -> memref<3584xi32, #tpu.memory_space<vmem>>
      %dma_wait3A_1051 = arith.constant 0 : i32
      %dma_wait3A_1052 = tpu.memref_slice %arg4[%dma_wait3A_1051] : memref<573440xi32, #tpu.memory_space<hbm>> -> memref<3584xi32, #tpu.memory_space<hbm>>
      tpu.wait_dma2 semaphore(%arg14 : memref<!tpu.dma_semaphore, #tpu.memory_space<semaphore_mem>>) src(%dma_wait3A_1052 : memref<3584xi32, #tpu.memory_space<hbm>>) dst(%dma_wait3A_1050 : memref<3584xi32, #tpu.memory_space<vmem>>)
      %scan3A_1053 = arith.constant 0 : i32
      %scan3A_1054 = arith.constant 0 : i32
      %scan3A_1055 = arith.constant 14 : i32
      %scan3A_1056 = arith.addi %scan3A_1054, %scan3A_1055 : i32
      %scan3A_1057 = arith.constant 1 : i32
      %scan3A_1058 = scf.for %scan3A_1180 = %scan3A_1054 to %scan3A_1056 step %scan3A_1057 iter_args(%scan3A_1181 = %scan3A_1053) -> (i32)  : i32 {
        %mul3A_1182 = arith.constant 16 : i32
        %mul3A_1183 = arith.muli %scan3A_1180, %mul3A_1182 : i32
        %get3A = arith.index_cast %mul3A_1183 : i32 to index
        %get3A_1184 = tpu.vector_load %arg13[%get3A] {strides = array<i32>} : memref<224xi32, #tpu.memory_space<vmem>>, vector<16xi32>,
        %broadcast_in_dim3A_1185 = arith.constant true
        %broadcast_in_dim3A_1186 = vector.broadcast %broadcast_in_dim3A_1185 : i1 to vector<16xi1>
        %masked_cumsum3A = tpu.scan <sum>, %get3A_1184 masked %broadcast_in_dim3A_1186 : vector<16xi32>, vector<16xi1> -> vector<16xi32>
        %broadcast_in_dim3A_1187 = vector.broadcast %scan3A_1181 : i32 to vector<16xi32>
        %add3A_1188 = arith.addi %broadcast_in_dim3A_1187, %masked_cumsum3A : vector<16xi32>
        %sub3A_1189 = arith.subi %add3A_1188, %get3A_1184 : vector<16xi32>
        %mul3A_1190 = arith.constant 16 : i32
        %mul3A_1191 = arith.muli %scan3A_1180, %mul3A_1190 : i32
        %swap3A = arith.index_cast %mul3A_1191 : i32 to index
        %swap3A_1192 = tpu.vector_load %arg13[%swap3A] {strides = array<i32>} : memref<224xi32, #tpu.memory_space<vmem>>, vector<16xi32>,
        tpu.vector_store %arg13[%swap3A], %sub3A_1189 {strides = array<i32>} : memref<224xi32, #tpu.memory_space<vmem>>, vector<16xi32>,
        %slice3A = vector.extract_strided_slice %masked_cumsum3A {offsets = [15], sizes = [1], strides = [1]} : vector<16xi32> to vector<1xi32>
        %squeeze3A = vector.extract %slice3A[0] : i32 from vector<1xi32>
        %add3A_1193 = arith.addi %scan3A_1181, %squeeze3A : i32
        scf.yield %add3A_1193 : i32
      }
      %scan3A_1059 = arith.constant 14 : i32
      %broadcast_in_dim3A_1060 = vector.broadcast %scan3A_1058 : i32 to vector<16xi32>
      %mul3A_1061 = arith.constant 128 : i32
      %mul3A_1062 = arith.muli %scan3A_1015, %mul3A_1061 : i32
      %broadcast_in_dim3A_1063 = vector.broadcast %mul3A_1062 : i32 to vector<16xi32>
      %add3A_1064 = arith.constant 0 : i32
      %add3A_1065 = vector.broadcast %add3A_1064 : i32 to vector<16xi32>
      %add3A_1066 = arith.addi %iota3A, %add3A_1065 : vector<16xi32>
      %add3A_1067 = arith.addi %broadcast_in_dim3A_1060, %add3A_1066 : vector<16xi32>
      %add3A_1068 = arith.addi %broadcast_in_dim3A_3, %broadcast_in_dim3A_1063 : vector<16xi32>
      %add3A_1069 = arith.constant 0 : i32
      %add3A_1070 = vector.broadcast %add3A_1069 : i32 to vector<16xi32>
      %add3A_1071 = arith.addi %iota3A, %add3A_1070 : vector<16xi32>
      %add3A_1072 = arith.addi %add3A_1068, %add3A_1071 : vector<16xi32>
      tpu.vector_store_idx %arg9[%add3A_1067], %add3A_1072 : memref<3648xi32, #tpu.memory_space<vmem>>[vector<16xi32>], vector<16xi32>,
      %shift_right_logical3A = arith.constant 6 : i32
      %shift_right_logical3A_1073 = vector.broadcast %shift_right_logical3A : i32 to vector<16xi32>
      %shift_right_logical3A_1074 = arith.shrui %add3A_1067, %shift_right_logical3A_1073 : vector<16xi32>
      %and3A_1075 = arith.constant 63 : i32
      %and3A_1076 = vector.broadcast %and3A_1075 : i32 to vector<16xi32>
      %and3A_1077 = arith.andi %add3A_1067, %and3A_1076 : vector<16xi32>
      tpu.vector_store_idx %arg10[%shift_right_logical3A_1074, %and3A_1077], %add3A : memref<57x64xi32, #tpu.memory_space<vmem>>[vector<16xi32>, vector<16xi32>], vector<16xi32>,
      %add3A_1078 = arith.constant 16 : i32
      %add3A_1079 = vector.broadcast %add3A_1078 : i32 to vector<16xi32>
      %add3A_1080 = arith.addi %iota3A, %add3A_1079 : vector<16xi32>
      %add3A_1081 = arith.addi %broadcast_in_dim3A_1060, %add3A_1080 : vector<16xi32>
      %add3A_1082 = arith.addi %broadcast_in_dim3A_3, %broadcast_in_dim3A_1063 : vector<16xi32>
      %add3A_1083 = arith.constant 16 : i32
      %add3A_1084 = vector.broadcast %add3A_1083 : i32 to vector<16xi32>
      %add3A_1085 = arith.addi %iota3A, %add3A_1084 : vector<16xi32>
      %add3A_1086 = arith.addi %add3A_1082, %add3A_1085 : vector<16xi32>
      tpu.vector_store_idx %arg9[%add3A_1081], %add3A_1086 : memref<3648xi32, #tpu.memory_space<vmem>>[vector<16xi32>], vector<16xi32>,
      %shift_right_logical3A_1087 = arith.constant 6 : i32
      %shift_right_logical3A_1088 = vector.broadcast %shift_right_logical3A_1087 : i32 to vector<16xi32>
      %shift_right_logical3A_1089 = arith.shrui %add3A_1081, %shift_right_logical3A_1088 : vector<16xi32>
      %and3A_1090 = arith.constant 63 : i32
      %and3A_1091 = vector.broadcast %and3A_1090 : i32 to vector<16xi32>
      %and3A_1092 = arith.andi %add3A_1081, %and3A_1091 : vector<16xi32>
      tpu.vector_store_idx %arg10[%shift_right_logical3A_1089, %and3A_1092], %add3A : memref<57x64xi32, #tpu.memory_space<vmem>>[vector<16xi32>, vector<16xi32>], vector<16xi32>,
      %add3A_1093 = arith.constant 32 : i32
      %add3A_1094 = vector.broadcast %add3A_1093 : i32 to vector<16xi32>
      %add3A_1095 = arith.addi %iota3A, %add3A_1094 : vector<16xi32>
      %add3A_1096 = arith.addi %broadcast_in_dim3A_1060, %add3A_1095 : vector<16xi32>
      %add3A_1097 = arith.addi %broadcast_in_dim3A_3, %broadcast_in_dim3A_1063 : vector<16xi32>
      %add3A_1098 = arith.constant 32 : i32
      %add3A_1099 = vector.broadcast %add3A_1098 : i32 to vector<16xi32>
      %add3A_1100 = arith.addi %iota3A, %add3A_1099 : vector<16xi32>
      %add3A_1101 = arith.addi %add3A_1097, %add3A_1100 : vector<16xi32>
      tpu.vector_store_idx %arg9[%add3A_1096], %add3A_1101 : memref<3648xi32, #tpu.memory_space<vmem>>[vector<16xi32>], vector<16xi32>,
      %shift_right_logical3A_1102 = arith.constant 6 : i32
      %shift_right_logical3A_1103 = vector.broadcast %shift_right_logical3A_1102 : i32 to vector<16xi32>
      %shift_right_logical3A_1104 = arith.shrui %add3A_1096, %shift_right_logical3A_1103 : vector<16xi32>
      %and3A_1105 = arith.constant 63 : i32
      %and3A_1106 = vector.broadcast %and3A_1105 : i32 to vector<16xi32>
      %and3A_1107 = arith.andi %add3A_1096, %and3A_1106 : vector<16xi32>
      tpu.vector_store_idx %arg10[%shift_right_logical3A_1104, %and3A_1107], %add3A : memref<57x64xi32, #tpu.memory_space<vmem>>[vector<16xi32>, vector<16xi32>], vector<16xi32>,
      %add3A_1108 = arith.constant 48 : i32
      %add3A_1109 = vector.broadcast %add3A_1108 : i32 to vector<16xi32>
      %add3A_1110 = arith.addi %iota3A, %add3A_1109 : vector<16xi32>
      %add3A_1111 = arith.addi %broadcast_in_dim3A_1060, %add3A_1110 : vector<16xi32>
      %add3A_1112 = arith.addi %broadcast_in_dim3A_3, %broadcast_in_dim3A_1063 : vector<16xi32>
      %add3A_1113 = arith.constant 48 : i32
      %add3A_1114 = vector.broadcast %add3A_1113 : i32 to vector<16xi32>
      %add3A_1115 = arith.addi %iota3A, %add3A_1114 : vector<16xi32>
      %add3A_1116 = arith.addi %add3A_1112, %add3A_1115 : vector<16xi32>
      tpu.vector_store_idx %arg9[%add3A_1111], %add3A_1116 : memref<3648xi32, #tpu.memory_space<vmem>>[vector<16xi32>], vector<16xi32>,
      %shift_right_logical3A_1117 = arith.constant 6 : i32
      %shift_right_logical3A_1118 = vector.broadcast %shift_right_logical3A_1117 : i32 to vector<16xi32>
      %shift_right_logical3A_1119 = arith.shrui %add3A_1111, %shift_right_logical3A_1118 : vector<16xi32>
      %and3A_1120 = arith.constant 63 : i32
      %and3A_1121 = vector.broadcast %and3A_1120 : i32 to vector<16xi32>
      %and3A_1122 = arith.andi %add3A_1111, %and3A_1121 : vector<16xi32>
      tpu.vector_store_idx %arg10[%shift_right_logical3A_1119, %and3A_1122], %add3A : memref<57x64xi32, #tpu.memory_space<vmem>>[vector<16xi32>, vector<16xi32>], vector<16xi32>,
      %add3A_1123 = arith.constant 64 : i32
      %add3A_1124 = arith.addi %scan3A_1058, %add3A_1123 : i32
      %sub3A = arith.constant 1 : i32
      %sub3A_1125 = arith.subi %add3A_1124, %sub3A : i32
      %jit3A_1126 = arith.constant 64 : i32
      %div3A = arith.divsi %sub3A_1125, %jit3A_1126 : i32
      %sign3A = arith.constant 0 : i32
      %sign3A_1127 = arith.cmpi sgt, %sub3A_1125, %sign3A : i32
      %sign3A_1128 = arith.extui %sign3A_1127 : i1 to i32
      %sign3A_1129 = arith.constant 0 : i32
      %sign3A_1130 = arith.cmpi slt, %sub3A_1125, %sign3A_1129 : i32
      %sign3A_1131 = arith.extui %sign3A_1130 : i1 to i32
      %sign3A_1132 = arith.subi %sign3A_1128, %sign3A_1131 : i32
      %sign3A_1133 = arith.constant 0 : i32
      %sign3A_1134 = arith.cmpi sgt, %jit3A_1126, %sign3A_1133 : i32
      %sign3A_1135 = arith.extui %sign3A_1134 : i1 to i32
      %sign3A_1136 = arith.constant 0 : i32
      %sign3A_1137 = arith.cmpi slt, %jit3A_1126, %sign3A_1136 : i32
      %sign3A_1138 = arith.extui %sign3A_1137 : i1 to i32
      %sign3A_1139 = arith.subi %sign3A_1135, %sign3A_1138 : i32
      %ne3A_1140 = arith.cmpi ne, %sign3A_1132, %sign3A_1139 : i32
      %rem3A_1141 = arith.remsi %sub3A_1125, %jit3A_1126 : i32
      %ne3A_1142 = arith.constant 0 : i32
      %ne3A_1143 = arith.cmpi ne, %rem3A_1141, %ne3A_1142 : i32
      %and3A_1144 = arith.andi %ne3A_1140, %ne3A_1143 : i1
      %sub3A_1145 = arith.constant 1 : i32
      %sub3A_1146 = arith.subi %div3A, %sub3A_1145 : i32
      %select_n3A_1147 = arith.select %and3A_1144, %sub3A_1146, %div3A : i32
      %max3A = arith.constant 1 : i32
      %max3A_1148 = arith.maxsi %select_n3A_1147, %max3A : i32
      %dma_start3A_1149 = arith.constant 0 : i32
      %dma_start3A_1150 = arith.constant 0 : i32
      %dma_start3A_1151 = arith.constant 0 : i32
      %dma_start3A_1152 = tpu.memref_slice %arg11[%dma_start3A_1149, %dma_start3A_1150, %dma_start3A_1151] : memref<2x64x128xf32, #tpu.memory_space<vmem>> -> memref<1x64x128xf32, #tpu.memory_space<vmem>>
      %dma_start3A_1153 = tpu.memref_squeeze %dma_start3A_1152 : memref<1x64x128xf32, #tpu.memory_space<vmem>> -> memref<64x128xf32, #tpu.memory_space<vmem>>
      %dma_start3A_1154 = arith.constant 0 : i32
      %dma_start3A_1155 = tpu.memref_slice %arg9[%dma_start3A_1154] : memref<3648xi32, #tpu.memory_space<vmem>> -> memref<64xi32, #tpu.memory_space<vmem>>
      %dma_start3A_1156 = arith.constant 0 : i32
      %dma_start3A_1157 = arith.constant 0 : i32
      %dma_start3A_1158 = tpu.memref_slice %arg2[%dma_start3A_1156, %dma_start3A_1157] : memref<560000x128xf32, #tpu.memory_space<hbm>> -> memref<560000x128xf32, #tpu.memory_space<hbm>>
      tpu.enqueue_indirect_dma source(%dma_start3A_1158 : memref<560000x128xf32, #tpu.memory_space<hbm>>) target(%dma_start3A_1153 : memref<64x128xf32, #tpu.memory_space<vmem>>) offsets(%dma_start3A_1155 : memref<64xi32, #tpu.memory_space<vmem>>) semaphore(%arg15 : memref<!tpu.dma_semaphore, #tpu.memory_space<semaphore_mem>>)
      %while3A = arith.constant 0 : i32
      %while3A_1159 = arith.constant 0 : i32
      %while3A_1160 = arith.subi %max3A_1148, %while3A_1159 : i32
      %while3A_1161 = arith.addi %while3A_1159, %while3A_1160 : i32
      %while3A_1162 = arith.constant 1 : i32
      %while3A_1163 = arith.divsi %while3A_1160, %while3A_1162 : i32
      %while3A_1164 = arith.muli %while3A_1163, %while3A_1162 : i32
      %while3A_1165 = arith.addi %while3A_1159, %while3A_1164 : i32
      %while3A_1166 = arith.constant 1 : i32
      scf.for %while3A_1180 = %while3A_1159 to %while3A_1165 step %while3A_1166  : i32 {
        %ge3A = arith.constant 1 : i32
        %ge3A_1181 = arith.cmpi sge, %while3A_1180, %ge3A : i32
        %convert_element_type3A_1182 = arith.extui %ge3A_1181 : i1 to i32
        %cond3A_1183 = arith.constant 0 : i32
        %cond3A_1184 = arith.cmpi ne, %convert_element_type3A_1182, %cond3A_1183 : i32
        scf.if %cond3A_1184 {
          %dma_wait3A_1242 = arith.constant 0 : i32
          %dma_wait3A_1243 = arith.constant 0 : i32
          %dma_wait3A_1244 = arith.constant 0 : i32
          %dma_wait3A_1245 = arith.constant 0 : i32
          %dma_wait3A_1246 = tpu.memref_slice %arg11[%dma_wait3A_1242, %dma_wait3A_1244, %dma_wait3A_1245] : memref<2x64x128xf32, #tpu.memory_space<vmem>> -> memref<1x64x128xf32, #tpu.memory_space<vmem>>
          %dma_wait3A_1247 = tpu.memref_squeeze %dma_wait3A_1246 : memref<1x64x128xf32, #tpu.memory_space<vmem>> -> memref<64x128xf32, #tpu.memory_space<vmem>>
          %dma_wait3A_1248 = arith.constant 0 : i32
          %dma_wait3A_1249 = tpu.memref_slice %arg10[%dma_wait3A_1243, %dma_wait3A_1248] : memref<57x64xi32, #tpu.memory_space<vmem>> -> memref<1x64xi32, #tpu.memory_space<vmem>>
          %dma_wait3A_1250 = tpu.memref_squeeze %dma_wait3A_1249 : memref<1x64xi32, #tpu.memory_space<vmem>> -> memref<64xi32, #tpu.memory_space<vmem>>
          %dma_wait3A_1251 = arith.constant 0 : i32
          %dma_wait3A_1252 = arith.constant 0 : i32
          %dma_wait3A_1253 = tpu.memref_slice %arg6[%dma_wait3A_1251, %dma_wait3A_1252] : memref<10128x128xf32, #tpu.memory_space<vmem_shared>> -> memref<10128x128xf32, #tpu.memory_space<vmem_shared>>
          tpu.wait_indirect_dma semaphore(%arg16 : memref<!tpu.dma_semaphore, #tpu.memory_space<semaphore_mem>>) src(%dma_wait3A_1247 : memref<64x128xf32, #tpu.memory_space<vmem>>) dst(%dma_wait3A_1253 : memref<10128x128xf32, #tpu.memory_space<vmem_shared>>)
        } else {
        }
        %add3A_1185 = arith.constant 1 : i32
        %add3A_1186 = arith.addi %while3A_1180, %add3A_1185 : i32
        %lt3A_1187 = arith.cmpi slt, %add3A_1186, %max3A_1148 : i32
        %convert_element_type3A_1188 = arith.extui %lt3A_1187 : i1 to i32
        %cond3A_1189 = arith.constant 0 : i32
        %cond3A_1190 = arith.cmpi ne, %convert_element_type3A_1188, %cond3A_1189 : i32
        scf.if %cond3A_1190 {
          %add3A_1242 = arith.constant 1 : i32
          %add3A_1243 = arith.addi %while3A_1180, %add3A_1242 : i32
          %mul3A_1244 = arith.constant 64 : i32
          %mul3A_1245 = arith.muli %add3A_1243, %mul3A_1244 : i32
          %add3A_1246 = arith.constant 1 : i32
          %add3A_1247 = arith.addi %while3A_1180, %add3A_1246 : i32
          %jit3A_1248 = arith.constant 2 : i32
          %eq3A_1249 = arith.constant 0 : i32
          %eq3A_1250 = arith.cmpi eq, %jit3A_1248, %eq3A_1249 : i32
          %jit3A_1251 = arith.constant 1 : i32
          %select_n3A_1252 = arith.select %eq3A_1250, %jit3A_1251, %jit3A_1248 : i32
          %rem3A_1253 = arith.remsi %add3A_1247, %select_n3A_1252 : i32
          %ne3A_1254 = arith.constant 0 : i32
          %ne3A_1255 = arith.cmpi ne, %rem3A_1253, %ne3A_1254 : i32
          %lt3A_1256 = arith.constant 0 : i32
          %lt3A_1257 = arith.cmpi slt, %rem3A_1253, %lt3A_1256 : i32
          %lt3A_1258 = arith.constant 0 : i32
          %lt3A_1259 = arith.cmpi slt, %select_n3A_1252, %lt3A_1258 : i32
          %ne3A_1260 = arith.xori %lt3A_1257, %lt3A_1259 : i1
          %and3A_1261 = arith.andi %ne3A_1260, %ne3A_1255 : i1
          %add3A_1262 = arith.addi %rem3A_1253, %select_n3A_1252 : i32
          %select_n3A_1263 = arith.select %and3A_1261, %add3A_1262, %rem3A_1253 : i32
          %dma_start3A_1264 = arith.constant 0 : i32
          %dma_start3A_1265 = arith.constant 0 : i32
          %dma_start3A_1266 = tpu.memref_slice %arg11[%select_n3A_1263, %dma_start3A_1264, %dma_start3A_1265] : memref<2x64x128xf32, #tpu.memory_space<vmem>> -> memref<1x64x128xf32, #tpu.memory_space<vmem>>
          %dma_start3A_1267 = tpu.memref_squeeze %dma_start3A_1266 : memref<1x64x128xf32, #tpu.memory_space<vmem>> -> memref<64x128xf32, #tpu.memory_space<vmem>>
          %dma_start3A_1268 = tpu.memref_slice %arg9[%mul3A_1245] : memref<3648xi32, #tpu.memory_space<vmem>> -> memref<64xi32, #tpu.memory_space<vmem>>
          %dma_start3A_1269 = arith.constant 0 : i32
          %dma_start3A_1270 = arith.constant 0 : i32
          %dma_start3A_1271 = tpu.memref_slice %arg2[%dma_start3A_1269, %dma_start3A_1270] : memref<560000x128xf32, #tpu.memory_space<hbm>> -> memref<560000x128xf32, #tpu.memory_space<hbm>>
          tpu.enqueue_indirect_dma source(%dma_start3A_1271 : memref<560000x128xf32, #tpu.memory_space<hbm>>) target(%dma_start3A_1267 : memref<64x128xf32, #tpu.memory_space<vmem>>) offsets(%dma_start3A_1268 : memref<64xi32, #tpu.memory_space<vmem>>) semaphore(%arg15 : memref<!tpu.dma_semaphore, #tpu.memory_space<semaphore_mem>>)
        } else {
        }
        %jit3A_1191 = arith.constant 2 : i32
        %eq3A_1192 = arith.constant 0 : i32
        %eq3A_1193 = arith.cmpi eq, %jit3A_1191, %eq3A_1192 : i32
        %jit3A_1194 = arith.constant 1 : i32
        %select_n3A_1195 = arith.select %eq3A_1193, %jit3A_1194, %jit3A_1191 : i32
        %rem3A_1196 = arith.remsi %while3A_1180, %select_n3A_1195 : i32
        %ne3A_1197 = arith.constant 0 : i32
        %ne3A_1198 = arith.cmpi ne, %rem3A_1196, %ne3A_1197 : i32
        %lt3A_1199 = arith.constant 0 : i32
        %lt3A_1200 = arith.cmpi slt, %rem3A_1196, %lt3A_1199 : i32
        %lt3A_1201 = arith.constant 0 : i32
        %lt3A_1202 = arith.cmpi slt, %select_n3A_1195, %lt3A_1201 : i32
        %ne3A_1203 = arith.xori %lt3A_1200, %lt3A_1202 : i1
        %and3A_1204 = arith.andi %ne3A_1203, %ne3A_1198 : i1
        %add3A_1205 = arith.addi %rem3A_1196, %select_n3A_1195 : i32
        %select_n3A_1206 = arith.select %and3A_1204, %add3A_1205, %rem3A_1196 : i32
        %dma_wait3A_1207 = arith.constant 0 : i32
        %dma_wait3A_1208 = arith.constant 0 : i32
        %dma_wait3A_1209 = tpu.memref_slice %arg11[%select_n3A_1206, %dma_wait3A_1207, %dma_wait3A_1208] : memref<2x64x128xf32, #tpu.memory_space<vmem>> -> memref<1x64x128xf32, #tpu.memory_space<vmem>>
        %dma_wait3A_1210 = tpu.memref_squeeze %dma_wait3A_1209 : memref<1x64x128xf32, #tpu.memory_space<vmem>> -> memref<64x128xf32, #tpu.memory_space<vmem>>
        %dma_wait3A_1211 = arith.constant 0 : i32
        %dma_wait3A_1212 = tpu.memref_slice %arg9[%dma_wait3A_1211] : memref<3648xi32, #tpu.memory_space<vmem>> -> memref<64xi32, #tpu.memory_space<vmem>>
        %dma_wait3A_1213 = arith.constant 0 : i32
        %dma_wait3A_1214 = arith.constant 0 : i32
        %dma_wait3A_1215 = tpu.memref_slice %arg2[%dma_wait3A_1213, %dma_wait3A_1214] : memref<560000x128xf32, #tpu.memory_space<hbm>> -> memref<560000x128xf32, #tpu.memory_space<hbm>>
        tpu.wait_indirect_dma semaphore(%arg15 : memref<!tpu.dma_semaphore, #tpu.memory_space<semaphore_mem>>) src(%dma_wait3A_1215 : memref<560000x128xf32, #tpu.memory_space<hbm>>) dst(%dma_wait3A_1210 : memref<64x128xf32, #tpu.memory_space<vmem>>)
        %jit3A_1216 = arith.constant 2 : i32
        %eq3A_1217 = arith.constant 0 : i32
        %eq3A_1218 = arith.cmpi eq, %jit3A_1216, %eq3A_1217 : i32
        %jit3A_1219 = arith.constant 1 : i32
        %select_n3A_1220 = arith.select %eq3A_1218, %jit3A_1219, %jit3A_1216 : i32
        %rem3A_1221 = arith.remsi %while3A_1180, %select_n3A_1220 : i32
        %ne3A_1222 = arith.constant 0 : i32
        %ne3A_1223 = arith.cmpi ne, %rem3A_1221, %ne3A_1222 : i32
        %lt3A_1224 = arith.constant 0 : i32
        %lt3A_1225 = arith.cmpi slt, %rem3A_1221, %lt3A_1224 : i32
        %lt3A_1226 = arith.constant 0 : i32
        %lt3A_1227 = arith.cmpi slt, %select_n3A_1220, %lt3A_1226 : i32
        %ne3A_1228 = arith.xori %lt3A_1225, %lt3A_1227 : i1
        %and3A_1229 = arith.andi %ne3A_1228, %ne3A_1223 : i1
        %add3A_1230 = arith.addi %rem3A_1221, %select_n3A_1220 : i32
        %select_n3A_1231 = arith.select %and3A_1229, %add3A_1230, %rem3A_1221 : i32
        %dma_start3A_1232 = arith.constant 0 : i32
        %dma_start3A_1233 = arith.constant 0 : i32
        %dma_start3A_1234 = tpu.memref_slice %arg11[%select_n3A_1231, %dma_start3A_1232, %dma_start3A_1233] : memref<2x64x128xf32, #tpu.memory_space<vmem>> -> memref<1x64x128xf32, #tpu.memory_space<vmem>>
        %dma_start3A_1235 = tpu.memref_squeeze %dma_start3A_1234 : memref<1x64x128xf32, #tpu.memory_space<vmem>> -> memref<64x128xf32, #tpu.memory_space<vmem>>
        %dma_start3A_1236 = arith.constant 0 : i32
        %dma_start3A_1237 = tpu.memref_slice %arg10[%while3A_1180, %dma_start3A_1236] : memref<57x64xi32, #tpu.memory_space<vmem>> -> memref<1x64xi32, #tpu.memory_space<vmem>>
        %dma_start3A_1238 = tpu.memref_squeeze %dma_start3A_1237 : memref<1x64xi32, #tpu.memory_space<vmem>> -> memref<64xi32, #tpu.memory_space<vmem>>
        %dma_start3A_1239 = arith.constant 0 : i32
        %dma_start3A_1240 = arith.constant 0 : i32
        %dma_start3A_1241 = tpu.memref_slice %arg6[%dma_start3A_1239, %dma_start3A_1240] : memref<10128x128xf32, #tpu.memory_space<vmem_shared>> -> memref<10128x128xf32, #tpu.memory_space<vmem_shared>>
        tpu.enqueue_indirect_dma source(%dma_start3A_1235 : memref<64x128xf32, #tpu.memory_space<vmem>>) target(%dma_start3A_1241 : memref<10128x128xf32, #tpu.memory_space<vmem_shared>>) offsets(%dma_start3A_1238 : memref<64xi32, #tpu.memory_space<vmem>>) semaphore(%arg16 : memref<!tpu.dma_semaphore, #tpu.memory_space<semaphore_mem>>) {add = true}
      }
      %while3A_1167 = arith.constant 1 : i32
      scf.for %while3A_1180 = %while3A_1165 to %while3A_1161 step %while3A_1167  : i32 {
        %ge3A = arith.constant 1 : i32
        %ge3A_1181 = arith.cmpi sge, %while3A_1180, %ge3A : i32
        %convert_element_type3A_1182 = arith.extui %ge3A_1181 : i1 to i32
        %cond3A_1183 = arith.constant 0 : i32
        %cond3A_1184 = arith.cmpi ne, %convert_element_type3A_1182, %cond3A_1183 : i32
        scf.if %cond3A_1184 {
          %dma_wait3A_1242 = arith.constant 0 : i32
          %dma_wait3A_1243 = arith.constant 0 : i32
          %dma_wait3A_1244 = arith.constant 0 : i32
          %dma_wait3A_1245 = arith.constant 0 : i32
          %dma_wait3A_1246 = tpu.memref_slice %arg11[%dma_wait3A_1242, %dma_wait3A_1244, %dma_wait3A_1245] : memref<2x64x128xf32, #tpu.memory_space<vmem>> -> memref<1x64x128xf32, #tpu.memory_space<vmem>>
          %dma_wait3A_1247 = tpu.memref_squeeze %dma_wait3A_1246 : memref<1x64x128xf32, #tpu.memory_space<vmem>> -> memref<64x128xf32, #tpu.memory_space<vmem>>
          %dma_wait3A_1248 = arith.constant 0 : i32
          %dma_wait3A_1249 = tpu.memref_slice %arg10[%dma_wait3A_1243, %dma_wait3A_1248] : memref<57x64xi32, #tpu.memory_space<vmem>> -> memref<1x64xi32, #tpu.memory_space<vmem>>
          %dma_wait3A_1250 = tpu.memref_squeeze %dma_wait3A_1249 : memref<1x64xi32, #tpu.memory_space<vmem>> -> memref<64xi32, #tpu.memory_space<vmem>>
          %dma_wait3A_1251 = arith.constant 0 : i32
          %dma_wait3A_1252 = arith.constant 0 : i32
          %dma_wait3A_1253 = tpu.memref_slice %arg6[%dma_wait3A_1251, %dma_wait3A_1252] : memref<10128x128xf32, #tpu.memory_space<vmem_shared>> -> memref<10128x128xf32, #tpu.memory_space<vmem_shared>>
          tpu.wait_indirect_dma semaphore(%arg16 : memref<!tpu.dma_semaphore, #tpu.memory_space<semaphore_mem>>) src(%dma_wait3A_1247 : memref<64x128xf32, #tpu.memory_space<vmem>>) dst(%dma_wait3A_1253 : memref<10128x128xf32, #tpu.memory_space<vmem_shared>>)
        } else {
        }
        %add3A_1185 = arith.constant 1 : i32
        %add3A_1186 = arith.addi %while3A_1180, %add3A_1185 : i32
        %lt3A_1187 = arith.cmpi slt, %add3A_1186, %max3A_1148 : i32
        %convert_element_type3A_1188 = arith.extui %lt3A_1187 : i1 to i32
        %cond3A_1189 = arith.constant 0 : i32
        %cond3A_1190 = arith.cmpi ne, %convert_element_type3A_1188, %cond3A_1189 : i32
        scf.if %cond3A_1190 {
          %add3A_1242 = arith.constant 1 : i32
          %add3A_1243 = arith.addi %while3A_1180, %add3A_1242 : i32
          %mul3A_1244 = arith.constant 64 : i32
          %mul3A_1245 = arith.muli %add3A_1243, %mul3A_1244 : i32
          %add3A_1246 = arith.constant 1 : i32
          %add3A_1247 = arith.addi %while3A_1180, %add3A_1246 : i32
          %jit3A_1248 = arith.constant 2 : i32
          %eq3A_1249 = arith.constant 0 : i32
          %eq3A_1250 = arith.cmpi eq, %jit3A_1248, %eq3A_1249 : i32
          %jit3A_1251 = arith.constant 1 : i32
          %select_n3A_1252 = arith.select %eq3A_1250, %jit3A_1251, %jit3A_1248 : i32
          %rem3A_1253 = arith.remsi %add3A_1247, %select_n3A_1252 : i32
          %ne3A_1254 = arith.constant 0 : i32
          %ne3A_1255 = arith.cmpi ne, %rem3A_1253, %ne3A_1254 : i32
          %lt3A_1256 = arith.constant 0 : i32
          %lt3A_1257 = arith.cmpi slt, %rem3A_1253, %lt3A_1256 : i32
          %lt3A_1258 = arith.constant 0 : i32
          %lt3A_1259 = arith.cmpi slt, %select_n3A_1252, %lt3A_1258 : i32
          %ne3A_1260 = arith.xori %lt3A_1257, %lt3A_1259 : i1
          %and3A_1261 = arith.andi %ne3A_1260, %ne3A_1255 : i1
          %add3A_1262 = arith.addi %rem3A_1253, %select_n3A_1252 : i32
          %select_n3A_1263 = arith.select %and3A_1261, %add3A_1262, %rem3A_1253 : i32
          %dma_start3A_1264 = arith.constant 0 : i32
          %dma_start3A_1265 = arith.constant 0 : i32
          %dma_start3A_1266 = tpu.memref_slice %arg11[%select_n3A_1263, %dma_start3A_1264, %dma_start3A_1265] : memref<2x64x128xf32, #tpu.memory_space<vmem>> -> memref<1x64x128xf32, #tpu.memory_space<vmem>>
          %dma_start3A_1267 = tpu.memref_squeeze %dma_start3A_1266 : memref<1x64x128xf32, #tpu.memory_space<vmem>> -> memref<64x128xf32, #tpu.memory_space<vmem>>
          %dma_start3A_1268 = tpu.memref_slice %arg9[%mul3A_1245] : memref<3648xi32, #tpu.memory_space<vmem>> -> memref<64xi32, #tpu.memory_space<vmem>>
          %dma_start3A_1269 = arith.constant 0 : i32
          %dma_start3A_1270 = arith.constant 0 : i32
          %dma_start3A_1271 = tpu.memref_slice %arg2[%dma_start3A_1269, %dma_start3A_1270] : memref<560000x128xf32, #tpu.memory_space<hbm>> -> memref<560000x128xf32, #tpu.memory_space<hbm>>
          tpu.enqueue_indirect_dma source(%dma_start3A_1271 : memref<560000x128xf32, #tpu.memory_space<hbm>>) target(%dma_start3A_1267 : memref<64x128xf32, #tpu.memory_space<vmem>>) offsets(%dma_start3A_1268 : memref<64xi32, #tpu.memory_space<vmem>>) semaphore(%arg15 : memref<!tpu.dma_semaphore, #tpu.memory_space<semaphore_mem>>)
        } else {
        }
        %jit3A_1191 = arith.constant 2 : i32
        %eq3A_1192 = arith.constant 0 : i32
        %eq3A_1193 = arith.cmpi eq, %jit3A_1191, %eq3A_1192 : i32
        %jit3A_1194 = arith.constant 1 : i32
        %select_n3A_1195 = arith.select %eq3A_1193, %jit3A_1194, %jit3A_1191 : i32
        %rem3A_1196 = arith.remsi %while3A_1180, %select_n3A_1195 : i32
        %ne3A_1197 = arith.constant 0 : i32
        %ne3A_1198 = arith.cmpi ne, %rem3A_1196, %ne3A_1197 : i32
        %lt3A_1199 = arith.constant 0 : i32
        %lt3A_1200 = arith.cmpi slt, %rem3A_1196, %lt3A_1199 : i32
        %lt3A_1201 = arith.constant 0 : i32
        %lt3A_1202 = arith.cmpi slt, %select_n3A_1195, %lt3A_1201 : i32
        %ne3A_1203 = arith.xori %lt3A_1200, %lt3A_1202 : i1
        %and3A_1204 = arith.andi %ne3A_1203, %ne3A_1198 : i1
        %add3A_1205 = arith.addi %rem3A_1196, %select_n3A_1195 : i32
        %select_n3A_1206 = arith.select %and3A_1204, %add3A_1205, %rem3A_1196 : i32
        %dma_wait3A_1207 = arith.constant 0 : i32
        %dma_wait3A_1208 = arith.constant 0 : i32
        %dma_wait3A_1209 = tpu.memref_slice %arg11[%select_n3A_1206, %dma_wait3A_1207, %dma_wait3A_1208] : memref<2x64x128xf32, #tpu.memory_space<vmem>> -> memref<1x64x128xf32, #tpu.memory_space<vmem>>
        %dma_wait3A_1210 = tpu.memref_squeeze %dma_wait3A_1209 : memref<1x64x128xf32, #tpu.memory_space<vmem>> -> memref<64x128xf32, #tpu.memory_space<vmem>>
        %dma_wait3A_1211 = arith.constant 0 : i32
        %dma_wait3A_1212 = tpu.memref_slice %arg9[%dma_wait3A_1211] : memref<3648xi32, #tpu.memory_space<vmem>> -> memref<64xi32, #tpu.memory_space<vmem>>
        %dma_wait3A_1213 = arith.constant 0 : i32
        %dma_wait3A_1214 = arith.constant 0 : i32
        %dma_wait3A_1215 = tpu.memref_slice %arg2[%dma_wait3A_1213, %dma_wait3A_1214] : memref<560000x128xf32, #tpu.memory_space<hbm>> -> memref<560000x128xf32, #tpu.memory_space<hbm>>
        tpu.wait_indirect_dma semaphore(%arg15 : memref<!tpu.dma_semaphore, #tpu.memory_space<semaphore_mem>>) src(%dma_wait3A_1215 : memref<560000x128xf32, #tpu.memory_space<hbm>>) dst(%dma_wait3A_1210 : memref<64x128xf32, #tpu.memory_space<vmem>>)
        %jit3A_1216 = arith.constant 2 : i32
        %eq3A_1217 = arith.constant 0 : i32
        %eq3A_1218 = arith.cmpi eq, %jit3A_1216, %eq3A_1217 : i32
        %jit3A_1219 = arith.constant 1 : i32
        %select_n3A_1220 = arith.select %eq3A_1218, %jit3A_1219, %jit3A_1216 : i32
        %rem3A_1221 = arith.remsi %while3A_1180, %select_n3A_1220 : i32
        %ne3A_1222 = arith.constant 0 : i32
        %ne3A_1223 = arith.cmpi ne, %rem3A_1221, %ne3A_1222 : i32
        %lt3A_1224 = arith.constant 0 : i32
        %lt3A_1225 = arith.cmpi slt, %rem3A_1221, %lt3A_1224 : i32
        %lt3A_1226 = arith.constant 0 : i32
        %lt3A_1227 = arith.cmpi slt, %select_n3A_1220, %lt3A_1226 : i32
        %ne3A_1228 = arith.xori %lt3A_1225, %lt3A_1227 : i1
        %and3A_1229 = arith.andi %ne3A_1228, %ne3A_1223 : i1
        %add3A_1230 = arith.addi %rem3A_1221, %select_n3A_1220 : i32
        %select_n3A_1231 = arith.select %and3A_1229, %add3A_1230, %rem3A_1221 : i32
        %dma_start3A_1232 = arith.constant 0 : i32
        %dma_start3A_1233 = arith.constant 0 : i32
        %dma_start3A_1234 = tpu.memref_slice %arg11[%select_n3A_1231, %dma_start3A_1232, %dma_start3A_1233] : memref<2x64x128xf32, #tpu.memory_space<vmem>> -> memref<1x64x128xf32, #tpu.memory_space<vmem>>
        %dma_start3A_1235 = tpu.memref_squeeze %dma_start3A_1234 : memref<1x64x128xf32, #tpu.memory_space<vmem>> -> memref<64x128xf32, #tpu.memory_space<vmem>>
        %dma_start3A_1236 = arith.constant 0 : i32
        %dma_start3A_1237 = tpu.memref_slice %arg10[%while3A_1180, %dma_start3A_1236] : memref<57x64xi32, #tpu.memory_space<vmem>> -> memref<1x64xi32, #tpu.memory_space<vmem>>
        %dma_start3A_1238 = tpu.memref_squeeze %dma_start3A_1237 : memref<1x64xi32, #tpu.memory_space<vmem>> -> memref<64xi32, #tpu.memory_space<vmem>>
        %dma_start3A_1239 = arith.constant 0 : i32
        %dma_start3A_1240 = arith.constant 0 : i32
        %dma_start3A_1241 = tpu.memref_slice %arg6[%dma_start3A_1239, %dma_start3A_1240] : memref<10128x128xf32, #tpu.memory_space<vmem_shared>> -> memref<10128x128xf32, #tpu.memory_space<vmem_shared>>
        tpu.enqueue_indirect_dma source(%dma_start3A_1235 : memref<64x128xf32, #tpu.memory_space<vmem>>) target(%dma_start3A_1241 : memref<10128x128xf32, #tpu.memory_space<vmem_shared>>) offsets(%dma_start3A_1238 : memref<64xi32, #tpu.memory_space<vmem>>) semaphore(%arg16 : memref<!tpu.dma_semaphore, #tpu.memory_space<semaphore_mem>>) {add = true}
      }
      %dma_wait3A_1168 = arith.constant 0 : i32
      %dma_wait3A_1169 = arith.constant 0 : i32
      %dma_wait3A_1170 = arith.constant 0 : i32
      %dma_wait3A_1171 = arith.constant 0 : i32
      %dma_wait3A_1172 = tpu.memref_slice %arg11[%dma_wait3A_1168, %dma_wait3A_1170, %dma_wait3A_1171] : memref<2x64x128xf32, #tpu.memory_space<vmem>> -> memref<1x64x128xf32, #tpu.memory_space<vmem>>
      %dma_wait3A_1173 = tpu.memref_squeeze %dma_wait3A_1172 : memref<1x64x128xf32, #tpu.memory_space<vmem>> -> memref<64x128xf32, #tpu.memory_space<vmem>>
      %dma_wait3A_1174 = arith.constant 0 : i32
      %dma_wait3A_1175 = tpu.memref_slice %arg10[%dma_wait3A_1169, %dma_wait3A_1174] : memref<57x64xi32, #tpu.memory_space<vmem>> -> memref<1x64xi32, #tpu.memory_space<vmem>>
      %dma_wait3A_1176 = tpu.memref_squeeze %dma_wait3A_1175 : memref<1x64xi32, #tpu.memory_space<vmem>> -> memref<64xi32, #tpu.memory_space<vmem>>
      %dma_wait3A_1177 = arith.constant 0 : i32
      %dma_wait3A_1178 = arith.constant 0 : i32
      %dma_wait3A_1179 = tpu.memref_slice %arg6[%dma_wait3A_1177, %dma_wait3A_1178] : memref<10128x128xf32, #tpu.memory_space<vmem_shared>> -> memref<10128x128xf32, #tpu.memory_space<vmem_shared>>
      tpu.wait_indirect_dma semaphore(%arg16 : memref<!tpu.dma_semaphore, #tpu.memory_space<semaphore_mem>>) src(%dma_wait3A_1173 : memref<64x128xf32, #tpu.memory_space<vmem>>) dst(%dma_wait3A_1179 : memref<10128x128xf32, #tpu.memory_space<vmem_shared>>)
    }
    %scan3A_248 = arith.constant 10 : i32
    %barrier3A_249 = arith.constant 0 : index
    tpu.barrier barrier_id(%barrier3A_249)
    %mul3A_250 = arith.constant 632 : i32
    %mul3A_251 = arith.muli %arg1, %mul3A_250 : i32
    %mul3A_252 = arith.constant 632 : i32
    %mul3A_253 = arith.muli %arg1, %mul3A_252 : i32
    %add3A_254 = arith.addi %mul3A_14, %mul3A_253 : i32
    "tpu.region"() ({
      %run_scoped3A = tpu.sem_alloc : memref<!tpu.dma_semaphore, #tpu.memory_space<semaphore_mem>>
      %dma_start3A_1015 = arith.constant 0 : i32
      %dma_start3A_1016 = tpu.memref_slice %arg5[%add3A_254, %dma_start3A_1015] : memref<80896x128xf32, #tpu.memory_space<hbm>> -> memref<632x128xf32, #tpu.memory_space<hbm>>
      %dma_start3A_1017 = arith.constant 0 : i32
      %dma_start3A_1018 = tpu.memref_slice %arg6[%mul3A_251, %dma_start3A_1017] : memref<10128x128xf32, #tpu.memory_space<vmem_shared>> -> memref<632x128xf32, #tpu.memory_space<vmem_shared>>
      tpu.enqueue_dma source(%dma_start3A_1018 : memref<632x128xf32, #tpu.memory_space<vmem_shared>>) target(%dma_start3A_1016 : memref<632x128xf32, #tpu.memory_space<hbm>>) target_semaphore(%run_scoped3A : memref<!tpu.dma_semaphore, #tpu.memory_space<semaphore_mem>>)
      %dma_wait3A_1019 = arith.constant 0 : i32
      %dma_wait3A_1020 = tpu.memref_slice %arg5[%add3A_254, %dma_wait3A_1019] : memref<80896x128xf32, #tpu.memory_space<hbm>> -> memref<632x128xf32, #tpu.memory_space<hbm>>
      %dma_wait3A_1021 = arith.constant 0 : i32
      %dma_wait3A_1022 = tpu.memref_slice %arg6[%mul3A_251, %dma_wait3A_1021] : memref<10128x128xf32, #tpu.memory_space<vmem_shared>> -> memref<632x128xf32, #tpu.memory_space<vmem_shared>>
      tpu.wait_dma2 semaphore(%run_scoped3A : memref<!tpu.dma_semaphore, #tpu.memory_space<semaphore_mem>>) src(%dma_wait3A_1022 : memref<632x128xf32, #tpu.memory_space<vmem_shared>>) dst(%dma_wait3A_1020 : memref<632x128xf32, #tpu.memory_space<hbm>>)
      tpu.yield
    }) : () -> ()
    %barrier3A_255 = arith.constant 0 : index
    tpu.barrier barrier_id(%barrier3A_255)
    %mul3A_256 = arith.constant 4 : i32
    %mul3A_257 = arith.muli %arg0, %mul3A_256 : i32
    %add3A_258 = arith.constant 1 : i32
    %add3A_259 = arith.addi %mul3A_257, %add3A_258 : i32
    %mul3A_260 = arith.constant 10112 : i32
    %mul3A_261 = arith.muli %add3A_259, %mul3A_260 : i32
    %broadcast_in_dim3A_262 = vector.broadcast %mul3A_261 : i32 to vector<16xi32>
    %add3A_263 = arith.addi %broadcast_in_dim3A_262, %broadcast_in_dim3A_0 : vector<16xi32>
    %mul3A_264 = arith.constant 632 : i32
    %mul3A_265 = arith.muli %arg1, %mul3A_264 : i32
    %add3A_266 = arith.constant 0 : i32
    %add3A_267 = arith.addi %mul3A_265, %add3A_266 : i32
    %dma_start3A_268 = arith.constant 0 : i32
    %dma_start3A_269 = tpu.memref_slice %arg6[%add3A_267, %dma_start3A_268] : memref<10128x128xf32, #tpu.memory_space<vmem_shared>> -> memref<56x128xf32, #tpu.memory_space<vmem_shared>>
    %dma_start3A_270 = arith.constant 0 : i32
    %dma_start3A_271 = tpu.memref_slice %arg6[%add3A_267, %dma_start3A_270] : memref<10128x128xf32, #tpu.memory_space<vmem_shared>> -> memref<56x128xf32, #tpu.memory_space<vmem_shared>>
    tpu.enqueue_dma source(%arg12 : memref<56x128xf32, #tpu.memory_space<vmem>>) target(%dma_start3A_271 : memref<56x128xf32, #tpu.memory_space<vmem_shared>>) target_semaphore(%arg17 : memref<!tpu.dma_semaphore, #tpu.memory_space<semaphore_mem>>)
    %mul3A_272 = arith.constant 632 : i32
    %mul3A_273 = arith.muli %arg1, %mul3A_272 : i32
    %add3A_274 = arith.constant 56 : i32
    %add3A_275 = arith.addi %mul3A_273, %add3A_274 : i32
    %dma_start3A_276 = arith.constant 0 : i32
    %dma_start3A_277 = tpu.memref_slice %arg6[%add3A_275, %dma_start3A_276] : memref<10128x128xf32, #tpu.memory_space<vmem_shared>> -> memref<56x128xf32, #tpu.memory_space<vmem_shared>>
    %dma_start3A_278 = arith.constant 0 : i32
    %dma_start3A_279 = tpu.memref_slice %arg6[%add3A_275, %dma_start3A_278] : memref<10128x128xf32, #tpu.memory_space<vmem_shared>> -> memref<56x128xf32, #tpu.memory_space<vmem_shared>>
    tpu.enqueue_dma source(%arg12 : memref<56x128xf32, #tpu.memory_space<vmem>>) target(%dma_start3A_279 : memref<56x128xf32, #tpu.memory_space<vmem_shared>>) target_semaphore(%arg17 : memref<!tpu.dma_semaphore, #tpu.memory_space<semaphore_mem>>)
    %mul3A_280 = arith.constant 632 : i32
    %mul3A_281 = arith.muli %arg1, %mul3A_280 : i32
    %add3A_282 = arith.constant 112 : i32
    %add3A_283 = arith.addi %mul3A_281, %add3A_282 : i32
    %dma_start3A_284 = arith.constant 0 : i32
    %dma_start3A_285 = tpu.memref_slice %arg6[%add3A_283, %dma_start3A_284] : memref<10128x128xf32, #tpu.memory_space<vmem_shared>> -> memref<56x128xf32, #tpu.memory_space<vmem_shared>>
    %dma_start3A_286 = arith.constant 0 : i32
    %dma_start3A_287 = tpu.memref_slice %arg6[%add3A_283, %dma_start3A_286] : memref<10128x128xf32, #tpu.memory_space<vmem_shared>> -> memref<56x128xf32, #tpu.memory_space<vmem_shared>>
    tpu.enqueue_dma source(%arg12 : memref<56x128xf32, #tpu.memory_space<vmem>>) target(%dma_start3A_287 : memref<56x128xf32, #tpu.memory_space<vmem_shared>>) target_semaphore(%arg17 : memref<!tpu.dma_semaphore, #tpu.memory_space<semaphore_mem>>)
    %mul3A_288 = arith.constant 632 : i32
    %mul3A_289 = arith.muli %arg1, %mul3A_288 : i32
    %add3A_290 = arith.constant 168 : i32
    %add3A_291 = arith.addi %mul3A_289, %add3A_290 : i32
    %dma_start3A_292 = arith.constant 0 : i32
    %dma_start3A_293 = tpu.memref_slice %arg6[%add3A_291, %dma_start3A_292] : memref<10128x128xf32, #tpu.memory_space<vmem_shared>> -> memref<56x128xf32, #tpu.memory_space<vmem_shared>>
    %dma_start3A_294 = arith.constant 0 : i32
    %dma_start3A_295 = tpu.memref_slice %arg6[%add3A_291, %dma_start3A_294] : memref<10128x128xf32, #tpu.memory_space<vmem_shared>> -> memref<56x128xf32, #tpu.memory_space<vmem_shared>>
    tpu.enqueue_dma source(%arg12 : memref<56x128xf32, #tpu.memory_space<vmem>>) target(%dma_start3A_295 : memref<56x128xf32, #tpu.memory_space<vmem_shared>>) target_semaphore(%arg17 : memref<!tpu.dma_semaphore, #tpu.memory_space<semaphore_mem>>)
    %mul3A_296 = arith.constant 632 : i32
    %mul3A_297 = arith.muli %arg1, %mul3A_296 : i32
    %add3A_298 = arith.constant 224 : i32
    %add3A_299 = arith.addi %mul3A_297, %add3A_298 : i32
    %dma_start3A_300 = arith.constant 0 : i32
    %dma_start3A_301 = tpu.memref_slice %arg6[%add3A_299, %dma_start3A_300] : memref<10128x128xf32, #tpu.memory_space<vmem_shared>> -> memref<56x128xf32, #tpu.memory_space<vmem_shared>>
    %dma_start3A_302 = arith.constant 0 : i32
    %dma_start3A_303 = tpu.memref_slice %arg6[%add3A_299, %dma_start3A_302] : memref<10128x128xf32, #tpu.memory_space<vmem_shared>> -> memref<56x128xf32, #tpu.memory_space<vmem_shared>>
    tpu.enqueue_dma source(%arg12 : memref<56x128xf32, #tpu.memory_space<vmem>>) target(%dma_start3A_303 : memref<56x128xf32, #tpu.memory_space<vmem_shared>>) target_semaphore(%arg17 : memref<!tpu.dma_semaphore, #tpu.memory_space<semaphore_mem>>)
    %mul3A_304 = arith.constant 632 : i32
    %mul3A_305 = arith.muli %arg1, %mul3A_304 : i32
    %add3A_306 = arith.constant 280 : i32
    %add3A_307 = arith.addi %mul3A_305, %add3A_306 : i32
    %dma_start3A_308 = arith.constant 0 : i32
    %dma_start3A_309 = tpu.memref_slice %arg6[%add3A_307, %dma_start3A_308] : memref<10128x128xf32, #tpu.memory_space<vmem_shared>> -> memref<56x128xf32, #tpu.memory_space<vmem_shared>>
    %dma_start3A_310 = arith.constant 0 : i32
    %dma_start3A_311 = tpu.memref_slice %arg6[%add3A_307, %dma_start3A_310] : memref<10128x128xf32, #tpu.memory_space<vmem_shared>> -> memref<56x128xf32, #tpu.memory_space<vmem_shared>>
    tpu.enqueue_dma source(%arg12 : memref<56x128xf32, #tpu.memory_space<vmem>>) target(%dma_start3A_311 : memref<56x128xf32, #tpu.memory_space<vmem_shared>>) target_semaphore(%arg17 : memref<!tpu.dma_semaphore, #tpu.memory_space<semaphore_mem>>)
    %mul3A_312 = arith.constant 632 : i32
    %mul3A_313 = arith.muli %arg1, %mul3A_312 : i32
    %add3A_314 = arith.constant 336 : i32
    %add3A_315 = arith.addi %mul3A_313, %add3A_314 : i32
    %dma_start3A_316 = arith.constant 0 : i32
    %dma_start3A_317 = tpu.memref_slice %arg6[%add3A_315, %dma_start3A_316] : memref<10128x128xf32, #tpu.memory_space<vmem_shared>> -> memref<56x128xf32, #tpu.memory_space<vmem_shared>>
    %dma_start3A_318 = arith.constant 0 : i32
    %dma_start3A_319 = tpu.memref_slice %arg6[%add3A_315, %dma_start3A_318] : memref<10128x128xf32, #tpu.memory_space<vmem_shared>> -> memref<56x128xf32, #tpu.memory_space<vmem_shared>>
    tpu.enqueue_dma source(%arg12 : memref<56x128xf32, #tpu.memory_space<vmem>>) target(%dma_start3A_319 : memref<56x128xf32, #tpu.memory_space<vmem_shared>>) target_semaphore(%arg17 : memref<!tpu.dma_semaphore, #tpu.memory_space<semaphore_mem>>)
    %mul3A_320 = arith.constant 632 : i32
    %mul3A_321 = arith.muli %arg1, %mul3A_320 : i32
    %add3A_322 = arith.constant 392 : i32
    %add3A_323 = arith.addi %mul3A_321, %add3A_322 : i32
    %dma_start3A_324 = arith.constant 0 : i32
    %dma_start3A_325 = tpu.memref_slice %arg6[%add3A_323, %dma_start3A_324] : memref<10128x128xf32, #tpu.memory_space<vmem_shared>> -> memref<56x128xf32, #tpu.memory_space<vmem_shared>>
    %dma_start3A_326 = arith.constant 0 : i32
    %dma_start3A_327 = tpu.memref_slice %arg6[%add3A_323, %dma_start3A_326] : memref<10128x128xf32, #tpu.memory_space<vmem_shared>> -> memref<56x128xf32, #tpu.memory_space<vmem_shared>>
    tpu.enqueue_dma source(%arg12 : memref<56x128xf32, #tpu.memory_space<vmem>>) target(%dma_start3A_327 : memref<56x128xf32, #tpu.memory_space<vmem_shared>>) target_semaphore(%arg17 : memref<!tpu.dma_semaphore, #tpu.memory_space<semaphore_mem>>)
    %mul3A_328 = arith.constant 632 : i32
    %mul3A_329 = arith.muli %arg1, %mul3A_328 : i32
    %add3A_330 = arith.constant 448 : i32
    %add3A_331 = arith.addi %mul3A_329, %add3A_330 : i32
    %dma_start3A_332 = arith.constant 0 : i32
    %dma_start3A_333 = tpu.memref_slice %arg6[%add3A_331, %dma_start3A_332] : memref<10128x128xf32, #tpu.memory_space<vmem_shared>> -> memref<56x128xf32, #tpu.memory_space<vmem_shared>>
    %dma_start3A_334 = arith.constant 0 : i32
    %dma_start3A_335 = tpu.memref_slice %arg6[%add3A_331, %dma_start3A_334] : memref<10128x128xf32, #tpu.memory_space<vmem_shared>> -> memref<56x128xf32, #tpu.memory_space<vmem_shared>>
    tpu.enqueue_dma source(%arg12 : memref<56x128xf32, #tpu.memory_space<vmem>>) target(%dma_start3A_335 : memref<56x128xf32, #tpu.memory_space<vmem_shared>>) target_semaphore(%arg17 : memref<!tpu.dma_semaphore, #tpu.memory_space<semaphore_mem>>)
    %mul3A_336 = arith.constant 632 : i32
    %mul3A_337 = arith.muli %arg1, %mul3A_336 : i32
    %add3A_338 = arith.constant 504 : i32
    %add3A_339 = arith.addi %mul3A_337, %add3A_338 : i32
    %dma_start3A_340 = arith.constant 0 : i32
    %dma_start3A_341 = tpu.memref_slice %arg6[%add3A_339, %dma_start3A_340] : memref<10128x128xf32, #tpu.memory_space<vmem_shared>> -> memref<56x128xf32, #tpu.memory_space<vmem_shared>>
    %dma_start3A_342 = arith.constant 0 : i32
    %dma_start3A_343 = tpu.memref_slice %arg6[%add3A_339, %dma_start3A_342] : memref<10128x128xf32, #tpu.memory_space<vmem_shared>> -> memref<56x128xf32, #tpu.memory_space<vmem_shared>>
    tpu.enqueue_dma source(%arg12 : memref<56x128xf32, #tpu.memory_space<vmem>>) target(%dma_start3A_343 : memref<56x128xf32, #tpu.memory_space<vmem_shared>>) target_semaphore(%arg17 : memref<!tpu.dma_semaphore, #tpu.memory_space<semaphore_mem>>)
    %mul3A_344 = arith.constant 632 : i32
    %mul3A_345 = arith.muli %arg1, %mul3A_344 : i32
    %add3A_346 = arith.constant 560 : i32
    %add3A_347 = arith.addi %mul3A_345, %add3A_346 : i32
    %dma_start3A_348 = arith.constant 0 : i32
    %dma_start3A_349 = tpu.memref_slice %arg6[%add3A_347, %dma_start3A_348] : memref<10128x128xf32, #tpu.memory_space<vmem_shared>> -> memref<56x128xf32, #tpu.memory_space<vmem_shared>>
    %dma_start3A_350 = arith.constant 0 : i32
    %dma_start3A_351 = tpu.memref_slice %arg6[%add3A_347, %dma_start3A_350] : memref<10128x128xf32, #tpu.memory_space<vmem_shared>> -> memref<56x128xf32, #tpu.memory_space<vmem_shared>>
    tpu.enqueue_dma source(%arg12 : memref<56x128xf32, #tpu.memory_space<vmem>>) target(%dma_start3A_351 : memref<56x128xf32, #tpu.memory_space<vmem_shared>>) target_semaphore(%arg17 : memref<!tpu.dma_semaphore, #tpu.memory_space<semaphore_mem>>)
    %mul3A_352 = arith.constant 632 : i32
    %mul3A_353 = arith.muli %arg1, %mul3A_352 : i32
    %add3A_354 = arith.constant 616 : i32
    %add3A_355 = arith.addi %mul3A_353, %add3A_354 : i32
    %dma_start3A_356 = arith.constant 0 : i32
    %dma_start3A_357 = arith.constant 0 : i32
    %dma_start3A_358 = tpu.memref_slice %arg12[%dma_start3A_356, %dma_start3A_357] : memref<56x128xf32, #tpu.memory_space<vmem>> -> memref<16x128xf32, #tpu.memory_space<vmem>>
    %dma_start3A_359 = arith.constant 0 : i32
    %dma_start3A_360 = tpu.memref_slice %arg6[%add3A_355, %dma_start3A_359] : memref<10128x128xf32, #tpu.memory_space<vmem_shared>> -> memref<16x128xf32, #tpu.memory_space<vmem_shared>>
    %dma_start3A_361 = arith.constant 0 : i32
    %dma_start3A_362 = tpu.memref_slice %arg6[%add3A_355, %dma_start3A_361] : memref<10128x128xf32, #tpu.memory_space<vmem_shared>> -> memref<16x128xf32, #tpu.memory_space<vmem_shared>>
    %dma_start3A_363 = arith.constant 0 : i32
    %dma_start3A_364 = arith.constant 0 : i32
    %dma_start3A_365 = tpu.memref_slice %arg12[%dma_start3A_363, %dma_start3A_364] : memref<56x128xf32, #tpu.memory_space<vmem>> -> memref<16x128xf32, #tpu.memory_space<vmem>>
    tpu.enqueue_dma source(%dma_start3A_365 : memref<16x128xf32, #tpu.memory_space<vmem>>) target(%dma_start3A_362 : memref<16x128xf32, #tpu.memory_space<vmem_shared>>) target_semaphore(%arg17 : memref<!tpu.dma_semaphore, #tpu.memory_space<semaphore_mem>>)
    %eq3A_366 = arith.constant 0 : i32
    %eq3A_367 = arith.cmpi eq, %arg1, %eq3A_366 : i32
    %convert_element_type3A_368 = arith.extui %eq3A_367 : i1 to i32
    %cond3A_369 = arith.constant 0 : i32
    %cond3A_370 = arith.cmpi ne, %convert_element_type3A_368, %cond3A_369 : i32
    scf.if %cond3A_370 {
      "tpu.region"() ({
        %run_scoped3A = tpu.sem_alloc : memref<!tpu.dma_semaphore, #tpu.memory_space<semaphore_mem>>
        %dma_start3A_1015 = arith.constant 0 : i32
        %dma_start3A_1016 = arith.constant 0 : i32
        %dma_start3A_1017 = tpu.memref_slice %arg12[%dma_start3A_1015, %dma_start3A_1016] : memref<56x128xf32, #tpu.memory_space<vmem>> -> memref<16x128xf32, #tpu.memory_space<vmem>>
        %dma_start3A_1018 = arith.constant 10112 : i32
        %dma_start3A_1019 = arith.constant 0 : i32
        %dma_start3A_1020 = tpu.memref_slice %arg6[%dma_start3A_1018, %dma_start3A_1019] : memref<10128x128xf32, #tpu.memory_space<vmem_shared>> -> memref<16x128xf32, #tpu.memory_space<vmem_shared>>
        %dma_start3A_1021 = arith.constant 10112 : i32
        %dma_start3A_1022 = arith.constant 0 : i32
        %dma_start3A_1023 = tpu.memref_slice %arg6[%dma_start3A_1021, %dma_start3A_1022] : memref<10128x128xf32, #tpu.memory_space<vmem_shared>> -> memref<16x128xf32, #tpu.memory_space<vmem_shared>>
        %dma_start3A_1024 = arith.constant 0 : i32
        %dma_start3A_1025 = arith.constant 0 : i32
        %dma_start3A_1026 = tpu.memref_slice %arg12[%dma_start3A_1024, %dma_start3A_1025] : memref<56x128xf32, #tpu.memory_space<vmem>> -> memref<16x128xf32, #tpu.memory_space<vmem>>
        tpu.enqueue_dma source(%dma_start3A_1026 : memref<16x128xf32, #tpu.memory_space<vmem>>) target(%dma_start3A_1023 : memref<16x128xf32, #tpu.memory_space<vmem_shared>>) target_semaphore(%run_scoped3A : memref<!tpu.dma_semaphore, #tpu.memory_space<semaphore_mem>>)
        %dma_wait3A_1027 = arith.constant 0 : i32
        %dma_wait3A_1028 = arith.constant 0 : i32
        %dma_wait3A_1029 = tpu.memref_slice %arg12[%dma_wait3A_1027, %dma_wait3A_1028] : memref<56x128xf32, #tpu.memory_space<vmem>> -> memref<16x128xf32, #tpu.memory_space<vmem>>
        %dma_wait3A_1030 = arith.constant 10112 : i32
        %dma_wait3A_1031 = arith.constant 0 : i32
        %dma_wait3A_1032 = tpu.memref_slice %arg6[%dma_wait3A_1030, %dma_wait3A_1031] : memref<10128x128xf32, #tpu.memory_space<vmem_shared>> -> memref<16x128xf32, #tpu.memory_space<vmem_shared>>
        %dma_wait3A_1033 = arith.constant 10112 : i32
        %dma_wait3A_1034 = arith.constant 0 : i32
        %dma_wait3A_1035 = tpu.memref_slice %arg6[%dma_wait3A_1033, %dma_wait3A_1034] : memref<10128x128xf32, #tpu.memory_space<vmem_shared>> -> memref<16x128xf32, #tpu.memory_space<vmem_shared>>
        %dma_wait3A_1036 = arith.constant 0 : i32
        %dma_wait3A_1037 = arith.constant 0 : i32
        %dma_wait3A_1038 = tpu.memref_slice %arg12[%dma_wait3A_1036, %dma_wait3A_1037] : memref<56x128xf32, #tpu.memory_space<vmem>> -> memref<16x128xf32, #tpu.memory_space<vmem>>
        tpu.wait_dma2 semaphore(%run_scoped3A : memref<!tpu.dma_semaphore, #tpu.memory_space<semaphore_mem>>) src(%dma_wait3A_1038 : memref<16x128xf32, #tpu.memory_space<vmem>>) dst(%dma_wait3A_1035 : memref<16x128xf32, #tpu.memory_space<vmem_shared>>)
        tpu.yield
      }) : () -> ()
    } else {
    }
    %mul3A_371 = arith.constant 632 : i32
    %mul3A_372 = arith.muli %arg1, %mul3A_371 : i32
    %add3A_373 = arith.constant 0 : i32
    %add3A_374 = arith.addi %mul3A_372, %add3A_373 : i32
    %dma_wait3A_375 = arith.constant 0 : i32
    %dma_wait3A_376 = tpu.memref_slice %arg6[%add3A_374, %dma_wait3A_375] : memref<10128x128xf32, #tpu.memory_space<vmem_shared>> -> memref<56x128xf32, #tpu.memory_space<vmem_shared>>
    %dma_wait3A_377 = arith.constant 0 : i32
    %dma_wait3A_378 = tpu.memref_slice %arg6[%add3A_374, %dma_wait3A_377] : memref<10128x128xf32, #tpu.memory_space<vmem_shared>> -> memref<56x128xf32, #tpu.memory_space<vmem_shared>>
    tpu.wait_dma2 semaphore(%arg17 : memref<!tpu.dma_semaphore, #tpu.memory_space<semaphore_mem>>) src(%arg12 : memref<56x128xf32, #tpu.memory_space<vmem>>) dst(%dma_wait3A_378 : memref<56x128xf32, #tpu.memory_space<vmem_shared>>)
    %mul3A_379 = arith.constant 632 : i32
    %mul3A_380 = arith.muli %arg1, %mul3A_379 : i32
    %add3A_381 = arith.constant 56 : i32
    %add3A_382 = arith.addi %mul3A_380, %add3A_381 : i32
    %dma_wait3A_383 = arith.constant 0 : i32
    %dma_wait3A_384 = tpu.memref_slice %arg6[%add3A_382, %dma_wait3A_383] : memref<10128x128xf32, #tpu.memory_space<vmem_shared>> -> memref<56x128xf32, #tpu.memory_space<vmem_shared>>
    %dma_wait3A_385 = arith.constant 0 : i32
    %dma_wait3A_386 = tpu.memref_slice %arg6[%add3A_382, %dma_wait3A_385] : memref<10128x128xf32, #tpu.memory_space<vmem_shared>> -> memref<56x128xf32, #tpu.memory_space<vmem_shared>>
    tpu.wait_dma2 semaphore(%arg17 : memref<!tpu.dma_semaphore, #tpu.memory_space<semaphore_mem>>) src(%arg12 : memref<56x128xf32, #tpu.memory_space<vmem>>) dst(%dma_wait3A_386 : memref<56x128xf32, #tpu.memory_space<vmem_shared>>)
    %mul3A_387 = arith.constant 632 : i32
    %mul3A_388 = arith.muli %arg1, %mul3A_387 : i32
    %add3A_389 = arith.constant 112 : i32
    %add3A_390 = arith.addi %mul3A_388, %add3A_389 : i32
    %dma_wait3A_391 = arith.constant 0 : i32
    %dma_wait3A_392 = tpu.memref_slice %arg6[%add3A_390, %dma_wait3A_391] : memref<10128x128xf32, #tpu.memory_space<vmem_shared>> -> memref<56x128xf32, #tpu.memory_space<vmem_shared>>
    %dma_wait3A_393 = arith.constant 0 : i32
    %dma_wait3A_394 = tpu.memref_slice %arg6[%add3A_390, %dma_wait3A_393] : memref<10128x128xf32, #tpu.memory_space<vmem_shared>> -> memref<56x128xf32, #tpu.memory_space<vmem_shared>>
    tpu.wait_dma2 semaphore(%arg17 : memref<!tpu.dma_semaphore, #tpu.memory_space<semaphore_mem>>) src(%arg12 : memref<56x128xf32, #tpu.memory_space<vmem>>) dst(%dma_wait3A_394 : memref<56x128xf32, #tpu.memory_space<vmem_shared>>)
    %mul3A_395 = arith.constant 632 : i32
    %mul3A_396 = arith.muli %arg1, %mul3A_395 : i32
    %add3A_397 = arith.constant 168 : i32
    %add3A_398 = arith.addi %mul3A_396, %add3A_397 : i32
    %dma_wait3A_399 = arith.constant 0 : i32
    %dma_wait3A_400 = tpu.memref_slice %arg6[%add3A_398, %dma_wait3A_399] : memref<10128x128xf32, #tpu.memory_space<vmem_shared>> -> memref<56x128xf32, #tpu.memory_space<vmem_shared>>
    %dma_wait3A_401 = arith.constant 0 : i32
    %dma_wait3A_402 = tpu.memref_slice %arg6[%add3A_398, %dma_wait3A_401] : memref<10128x128xf32, #tpu.memory_space<vmem_shared>> -> memref<56x128xf32, #tpu.memory_space<vmem_shared>>
    tpu.wait_dma2 semaphore(%arg17 : memref<!tpu.dma_semaphore, #tpu.memory_space<semaphore_mem>>) src(%arg12 : memref<56x128xf32, #tpu.memory_space<vmem>>) dst(%dma_wait3A_402 : memref<56x128xf32, #tpu.memory_space<vmem_shared>>)
    %mul3A_403 = arith.constant 632 : i32
    %mul3A_404 = arith.muli %arg1, %mul3A_403 : i32
    %add3A_405 = arith.constant 224 : i32
    %add3A_406 = arith.addi %mul3A_404, %add3A_405 : i32
    %dma_wait3A_407 = arith.constant 0 : i32
    %dma_wait3A_408 = tpu.memref_slice %arg6[%add3A_406, %dma_wait3A_407] : memref<10128x128xf32, #tpu.memory_space<vmem_shared>> -> memref<56x128xf32, #tpu.memory_space<vmem_shared>>
    %dma_wait3A_409 = arith.constant 0 : i32
    %dma_wait3A_410 = tpu.memref_slice %arg6[%add3A_406, %dma_wait3A_409] : memref<10128x128xf32, #tpu.memory_space<vmem_shared>> -> memref<56x128xf32, #tpu.memory_space<vmem_shared>>
    tpu.wait_dma2 semaphore(%arg17 : memref<!tpu.dma_semaphore, #tpu.memory_space<semaphore_mem>>) src(%arg12 : memref<56x128xf32, #tpu.memory_space<vmem>>) dst(%dma_wait3A_410 : memref<56x128xf32, #tpu.memory_space<vmem_shared>>)
    %mul3A_411 = arith.constant 632 : i32
    %mul3A_412 = arith.muli %arg1, %mul3A_411 : i32
    %add3A_413 = arith.constant 280 : i32
    %add3A_414 = arith.addi %mul3A_412, %add3A_413 : i32
    %dma_wait3A_415 = arith.constant 0 : i32
    %dma_wait3A_416 = tpu.memref_slice %arg6[%add3A_414, %dma_wait3A_415] : memref<10128x128xf32, #tpu.memory_space<vmem_shared>> -> memref<56x128xf32, #tpu.memory_space<vmem_shared>>
    %dma_wait3A_417 = arith.constant 0 : i32
    %dma_wait3A_418 = tpu.memref_slice %arg6[%add3A_414, %dma_wait3A_417] : memref<10128x128xf32, #tpu.memory_space<vmem_shared>> -> memref<56x128xf32, #tpu.memory_space<vmem_shared>>
    tpu.wait_dma2 semaphore(%arg17 : memref<!tpu.dma_semaphore, #tpu.memory_space<semaphore_mem>>) src(%arg12 : memref<56x128xf32, #tpu.memory_space<vmem>>) dst(%dma_wait3A_418 : memref<56x128xf32, #tpu.memory_space<vmem_shared>>)
    %mul3A_419 = arith.constant 632 : i32
    %mul3A_420 = arith.muli %arg1, %mul3A_419 : i32
    %add3A_421 = arith.constant 336 : i32
    %add3A_422 = arith.addi %mul3A_420, %add3A_421 : i32
    %dma_wait3A_423 = arith.constant 0 : i32
    %dma_wait3A_424 = tpu.memref_slice %arg6[%add3A_422, %dma_wait3A_423] : memref<10128x128xf32, #tpu.memory_space<vmem_shared>> -> memref<56x128xf32, #tpu.memory_space<vmem_shared>>
    %dma_wait3A_425 = arith.constant 0 : i32
    %dma_wait3A_426 = tpu.memref_slice %arg6[%add3A_422, %dma_wait3A_425] : memref<10128x128xf32, #tpu.memory_space<vmem_shared>> -> memref<56x128xf32, #tpu.memory_space<vmem_shared>>
    tpu.wait_dma2 semaphore(%arg17 : memref<!tpu.dma_semaphore, #tpu.memory_space<semaphore_mem>>) src(%arg12 : memref<56x128xf32, #tpu.memory_space<vmem>>) dst(%dma_wait3A_426 : memref<56x128xf32, #tpu.memory_space<vmem_shared>>)
    %mul3A_427 = arith.constant 632 : i32
    %mul3A_428 = arith.muli %arg1, %mul3A_427 : i32
    %add3A_429 = arith.constant 392 : i32
    %add3A_430 = arith.addi %mul3A_428, %add3A_429 : i32
    %dma_wait3A_431 = arith.constant 0 : i32
    %dma_wait3A_432 = tpu.memref_slice %arg6[%add3A_430, %dma_wait3A_431] : memref<10128x128xf32, #tpu.memory_space<vmem_shared>> -> memref<56x128xf32, #tpu.memory_space<vmem_shared>>
    %dma_wait3A_433 = arith.constant 0 : i32
    %dma_wait3A_434 = tpu.memref_slice %arg6[%add3A_430, %dma_wait3A_433] : memref<10128x128xf32, #tpu.memory_space<vmem_shared>> -> memref<56x128xf32, #tpu.memory_space<vmem_shared>>
    tpu.wait_dma2 semaphore(%arg17 : memref<!tpu.dma_semaphore, #tpu.memory_space<semaphore_mem>>) src(%arg12 : memref<56x128xf32, #tpu.memory_space<vmem>>) dst(%dma_wait3A_434 : memref<56x128xf32, #tpu.memory_space<vmem_shared>>)
    %mul3A_435 = arith.constant 632 : i32
    %mul3A_436 = arith.muli %arg1, %mul3A_435 : i32
    %add3A_437 = arith.constant 448 : i32
    %add3A_438 = arith.addi %mul3A_436, %add3A_437 : i32
    %dma_wait3A_439 = arith.constant 0 : i32
    %dma_wait3A_440 = tpu.memref_slice %arg6[%add3A_438, %dma_wait3A_439] : memref<10128x128xf32, #tpu.memory_space<vmem_shared>> -> memref<56x128xf32, #tpu.memory_space<vmem_shared>>
    %dma_wait3A_441 = arith.constant 0 : i32
    %dma_wait3A_442 = tpu.memref_slice %arg6[%add3A_438, %dma_wait3A_441] : memref<10128x128xf32, #tpu.memory_space<vmem_shared>> -> memref<56x128xf32, #tpu.memory_space<vmem_shared>>
    tpu.wait_dma2 semaphore(%arg17 : memref<!tpu.dma_semaphore, #tpu.memory_space<semaphore_mem>>) src(%arg12 : memref<56x128xf32, #tpu.memory_space<vmem>>) dst(%dma_wait3A_442 : memref<56x128xf32, #tpu.memory_space<vmem_shared>>)
    %mul3A_443 = arith.constant 632 : i32
    %mul3A_444 = arith.muli %arg1, %mul3A_443 : i32
    %add3A_445 = arith.constant 504 : i32
    %add3A_446 = arith.addi %mul3A_444, %add3A_445 : i32
    %dma_wait3A_447 = arith.constant 0 : i32
    %dma_wait3A_448 = tpu.memref_slice %arg6[%add3A_446, %dma_wait3A_447] : memref<10128x128xf32, #tpu.memory_space<vmem_shared>> -> memref<56x128xf32, #tpu.memory_space<vmem_shared>>
    %dma_wait3A_449 = arith.constant 0 : i32
    %dma_wait3A_450 = tpu.memref_slice %arg6[%add3A_446, %dma_wait3A_449] : memref<10128x128xf32, #tpu.memory_space<vmem_shared>> -> memref<56x128xf32, #tpu.memory_space<vmem_shared>>
    tpu.wait_dma2 semaphore(%arg17 : memref<!tpu.dma_semaphore, #tpu.memory_space<semaphore_mem>>) src(%arg12 : memref<56x128xf32, #tpu.memory_space<vmem>>) dst(%dma_wait3A_450 : memref<56x128xf32, #tpu.memory_space<vmem_shared>>)
    %mul3A_451 = arith.constant 632 : i32
    %mul3A_452 = arith.muli %arg1, %mul3A_451 : i32
    %add3A_453 = arith.constant 560 : i32
    %add3A_454 = arith.addi %mul3A_452, %add3A_453 : i32
    %dma_wait3A_455 = arith.constant 0 : i32
    %dma_wait3A_456 = tpu.memref_slice %arg6[%add3A_454, %dma_wait3A_455] : memref<10128x128xf32, #tpu.memory_space<vmem_shared>> -> memref<56x128xf32, #tpu.memory_space<vmem_shared>>
    %dma_wait3A_457 = arith.constant 0 : i32
    %dma_wait3A_458 = tpu.memref_slice %arg6[%add3A_454, %dma_wait3A_457] : memref<10128x128xf32, #tpu.memory_space<vmem_shared>> -> memref<56x128xf32, #tpu.memory_space<vmem_shared>>
    tpu.wait_dma2 semaphore(%arg17 : memref<!tpu.dma_semaphore, #tpu.memory_space<semaphore_mem>>) src(%arg12 : memref<56x128xf32, #tpu.memory_space<vmem>>) dst(%dma_wait3A_458 : memref<56x128xf32, #tpu.memory_space<vmem_shared>>)
    %mul3A_459 = arith.constant 632 : i32
    %mul3A_460 = arith.muli %arg1, %mul3A_459 : i32
    %add3A_461 = arith.constant 616 : i32
    %add3A_462 = arith.addi %mul3A_460, %add3A_461 : i32
    %dma_wait3A_463 = arith.constant 0 : i32
    %dma_wait3A_464 = arith.constant 0 : i32
    %dma_wait3A_465 = tpu.memref_slice %arg12[%dma_wait3A_463, %dma_wait3A_464] : memref<56x128xf32, #tpu.memory_space<vmem>> -> memref<16x128xf32, #tpu.memory_space<vmem>>
    %dma_wait3A_466 = arith.constant 0 : i32
    %dma_wait3A_467 = tpu.memref_slice %arg6[%add3A_462, %dma_wait3A_466] : memref<10128x128xf32, #tpu.memory_space<vmem_shared>> -> memref<16x128xf32, #tpu.memory_space<vmem_shared>>
    %dma_wait3A_468 = arith.constant 0 : i32
    %dma_wait3A_469 = tpu.memref_slice %arg6[%add3A_462, %dma_wait3A_468] : memref<10128x128xf32, #tpu.memory_space<vmem_shared>> -> memref<16x128xf32, #tpu.memory_space<vmem_shared>>
    %dma_wait3A_470 = arith.constant 0 : i32
    %dma_wait3A_471 = arith.constant 0 : i32
    %dma_wait3A_472 = tpu.memref_slice %arg12[%dma_wait3A_470, %dma_wait3A_471] : memref<56x128xf32, #tpu.memory_space<vmem>> -> memref<16x128xf32, #tpu.memory_space<vmem>>
    tpu.wait_dma2 semaphore(%arg17 : memref<!tpu.dma_semaphore, #tpu.memory_space<semaphore_mem>>) src(%dma_wait3A_472 : memref<16x128xf32, #tpu.memory_space<vmem>>) dst(%dma_wait3A_469 : memref<16x128xf32, #tpu.memory_space<vmem_shared>>)
    %barrier3A_473 = arith.constant 0 : index
    tpu.barrier barrier_id(%barrier3A_473)
    %mul3A_474 = arith.constant 35840 : i32
    %mul3A_475 = arith.muli %arg1, %mul3A_474 : i32
    %add3A_476 = arith.constant 0 : i32
    %add3A_477 = arith.addi %mul3A_475, %add3A_476 : i32
    %dma_start3A_478 = arith.constant 0 : i32
    %dma_start3A_479 = arith.constant 0 : i32
    %dma_start3A_480 = tpu.memref_slice %arg7[%dma_start3A_478, %dma_start3A_479] : memref<2x3584xi32, #tpu.memory_space<vmem>> -> memref<1x3584xi32, #tpu.memory_space<vmem>>
    %dma_start3A_481 = tpu.memref_squeeze %dma_start3A_480 : memref<1x3584xi32, #tpu.memory_space<vmem>> -> memref<3584xi32, #tpu.memory_space<vmem>>
    %dma_start3A_482 = tpu.memref_slice %arg3[%add3A_477] : memref<573440xi32, #tpu.memory_space<hbm>> -> memref<3584xi32, #tpu.memory_space<hbm>>
    %dma_start3A_483 = arith.constant 0 : i32
    %dma_start3A_484 = tpu.memref_slice %arg7[%dma_start3A_478, %dma_start3A_483] : memref<2x3584xi32, #tpu.memory_space<vmem>> -> memref<1x3584xi32, #tpu.memory_space<vmem>>
    %dma_start3A_485 = tpu.memref_squeeze %dma_start3A_484 : memref<1x3584xi32, #tpu.memory_space<vmem>> -> memref<3584xi32, #tpu.memory_space<vmem>>
    %dma_start3A_486 = tpu.memref_slice %arg3[%add3A_477] : memref<573440xi32, #tpu.memory_space<hbm>> -> memref<3584xi32, #tpu.memory_space<hbm>>
    tpu.enqueue_dma source(%dma_start3A_486 : memref<3584xi32, #tpu.memory_space<hbm>>) target(%dma_start3A_485 : memref<3584xi32, #tpu.memory_space<vmem>>) target_semaphore(%arg14 : memref<!tpu.dma_semaphore, #tpu.memory_space<semaphore_mem>>)
    %dma_start3A_487 = arith.constant 0 : i32
    %dma_start3A_488 = arith.constant 0 : i32
    %dma_start3A_489 = tpu.memref_slice %arg8[%dma_start3A_487, %dma_start3A_488] : memref<2x3584xi32, #tpu.memory_space<vmem>> -> memref<1x3584xi32, #tpu.memory_space<vmem>>
    %dma_start3A_490 = tpu.memref_squeeze %dma_start3A_489 : memref<1x3584xi32, #tpu.memory_space<vmem>> -> memref<3584xi32, #tpu.memory_space<vmem>>
    %dma_start3A_491 = tpu.memref_slice %arg4[%add3A_477] : memref<573440xi32, #tpu.memory_space<hbm>> -> memref<3584xi32, #tpu.memory_space<hbm>>
    %dma_start3A_492 = arith.constant 0 : i32
    %dma_start3A_493 = tpu.memref_slice %arg8[%dma_start3A_487, %dma_start3A_492] : memref<2x3584xi32, #tpu.memory_space<vmem>> -> memref<1x3584xi32, #tpu.memory_space<vmem>>
    %dma_start3A_494 = tpu.memref_squeeze %dma_start3A_493 : memref<1x3584xi32, #tpu.memory_space<vmem>> -> memref<3584xi32, #tpu.memory_space<vmem>>
    %dma_start3A_495 = tpu.memref_slice %arg4[%add3A_477] : memref<573440xi32, #tpu.memory_space<hbm>> -> memref<3584xi32, #tpu.memory_space<hbm>>
    tpu.enqueue_dma source(%dma_start3A_495 : memref<3584xi32, #tpu.memory_space<hbm>>) target(%dma_start3A_494 : memref<3584xi32, #tpu.memory_space<vmem>>) target_semaphore(%arg14 : memref<!tpu.dma_semaphore, #tpu.memory_space<semaphore_mem>>)
    %scan3A_496 = arith.constant 0 : i32
    %scan3A_497 = arith.constant 0 : i32
    %scan3A_498 = arith.constant 10 : i32
    %scan3A_499 = arith.addi %scan3A_497, %scan3A_498 : i32
    %scan3A_500 = arith.constant 1 : i32
    scf.for %scan3A_1015 = %scan3A_497 to %scan3A_499 step %scan3A_500  : i32 {
      %jit3A = arith.constant 2 : i32
      %eq3A_1016 = arith.constant 0 : i32
      %eq3A_1017 = arith.cmpi eq, %jit3A, %eq3A_1016 : i32
      %jit3A_1018 = arith.constant 1 : i32
      %select_n3A = arith.select %eq3A_1017, %jit3A_1018, %jit3A : i32
      %rem3A = arith.remsi %scan3A_1015, %select_n3A : i32
      %ne3A = arith.constant 0 : i32
      %ne3A_1019 = arith.cmpi ne, %rem3A, %ne3A : i32
      %lt3A = arith.constant 0 : i32
      %lt3A_1020 = arith.cmpi slt, %rem3A, %lt3A : i32
      %lt3A_1021 = arith.constant 0 : i32
      %lt3A_1022 = arith.cmpi slt, %select_n3A, %lt3A_1021 : i32
      %ne3A_1023 = arith.xori %lt3A_1020, %lt3A_1022 : i1
      %and3A = arith.andi %ne3A_1023, %ne3A_1019 : i1
      %add3A_1024 = arith.addi %rem3A, %select_n3A : i32
      %select_n3A_1025 = arith.select %and3A, %add3A_1024, %rem3A : i32
      %add3A_1026 = arith.constant 1 : i32
      %add3A_1027 = arith.addi %scan3A_1015, %add3A_1026 : i32
      %lt3A_1028 = arith.constant 10 : i32
      %lt3A_1029 = arith.cmpi slt, %add3A_1027, %lt3A_1028 : i32
      %convert_element_type3A_1030 = arith.extui %lt3A_1029 : i1 to i32
      %cond3A_1031 = arith.constant 0 : i32
      %cond3A_1032 = arith.cmpi ne, %convert_element_type3A_1030, %cond3A_1031 : i32
      scf.if %cond3A_1032 {
        %add3A_1180 = arith.constant 1 : i32
        %add3A_1181 = arith.addi %scan3A_1015, %add3A_1180 : i32
        %sub3A_1182 = arith.constant 1 : i32
        %sub3A_1183 = arith.subi %sub3A_1182, %select_n3A_1025 : i32
        %mul3A_1184 = arith.constant 35840 : i32
        %mul3A_1185 = arith.muli %arg1, %mul3A_1184 : i32
        %mul3A_1186 = arith.constant 3584 : i32
        %mul3A_1187 = arith.muli %add3A_1181, %mul3A_1186 : i32
        %add3A_1188 = arith.addi %mul3A_1185, %mul3A_1187 : i32
        %dma_start3A_1189 = arith.constant 0 : i32
        %dma_start3A_1190 = tpu.memref_slice %arg7[%sub3A_1183, %dma_start3A_1189] : memref<2x3584xi32, #tpu.memory_space<vmem>> -> memref<1x3584xi32, #tpu.memory_space<vmem>>
        %dma_start3A_1191 = tpu.memref_squeeze %dma_start3A_1190 : memref<1x3584xi32, #tpu.memory_space<vmem>> -> memref<3584xi32, #tpu.memory_space<vmem>>
        %dma_start3A_1192 = tpu.memref_slice %arg3[%add3A_1188] : memref<573440xi32, #tpu.memory_space<hbm>> -> memref<3584xi32, #tpu.memory_space<hbm>>
        %dma_start3A_1193 = arith.constant 0 : i32
        %dma_start3A_1194 = tpu.memref_slice %arg7[%sub3A_1183, %dma_start3A_1193] : memref<2x3584xi32, #tpu.memory_space<vmem>> -> memref<1x3584xi32, #tpu.memory_space<vmem>>
        %dma_start3A_1195 = tpu.memref_squeeze %dma_start3A_1194 : memref<1x3584xi32, #tpu.memory_space<vmem>> -> memref<3584xi32, #tpu.memory_space<vmem>>
        %dma_start3A_1196 = tpu.memref_slice %arg3[%add3A_1188] : memref<573440xi32, #tpu.memory_space<hbm>> -> memref<3584xi32, #tpu.memory_space<hbm>>
        tpu.enqueue_dma source(%dma_start3A_1196 : memref<3584xi32, #tpu.memory_space<hbm>>) target(%dma_start3A_1195 : memref<3584xi32, #tpu.memory_space<vmem>>) target_semaphore(%arg14 : memref<!tpu.dma_semaphore, #tpu.memory_space<semaphore_mem>>)
        %dma_start3A_1197 = arith.constant 0 : i32
        %dma_start3A_1198 = tpu.memref_slice %arg8[%sub3A_1183, %dma_start3A_1197] : memref<2x3584xi32, #tpu.memory_space<vmem>> -> memref<1x3584xi32, #tpu.memory_space<vmem>>
        %dma_start3A_1199 = tpu.memref_squeeze %dma_start3A_1198 : memref<1x3584xi32, #tpu.memory_space<vmem>> -> memref<3584xi32, #tpu.memory_space<vmem>>
        %dma_start3A_1200 = tpu.memref_slice %arg4[%add3A_1188] : memref<573440xi32, #tpu.memory_space<hbm>> -> memref<3584xi32, #tpu.memory_space<hbm>>
        %dma_start3A_1201 = arith.constant 0 : i32
        %dma_start3A_1202 = tpu.memref_slice %arg8[%sub3A_1183, %dma_start3A_1201] : memref<2x3584xi32, #tpu.memory_space<vmem>> -> memref<1x3584xi32, #tpu.memory_space<vmem>>
        %dma_start3A_1203 = tpu.memref_squeeze %dma_start3A_1202 : memref<1x3584xi32, #tpu.memory_space<vmem>> -> memref<3584xi32, #tpu.memory_space<vmem>>
        %dma_start3A_1204 = tpu.memref_slice %arg4[%add3A_1188] : memref<573440xi32, #tpu.memory_space<hbm>> -> memref<3584xi32, #tpu.memory_space<hbm>>
        tpu.enqueue_dma source(%dma_start3A_1204 : memref<3584xi32, #tpu.memory_space<hbm>>) target(%dma_start3A_1203 : memref<3584xi32, #tpu.memory_space<vmem>>) target_semaphore(%arg14 : memref<!tpu.dma_semaphore, #tpu.memory_space<semaphore_mem>>)
      } else {
      }
      %dma_wait3A_1033 = arith.constant 0 : i32
      %dma_wait3A_1034 = tpu.memref_slice %arg7[%select_n3A_1025, %dma_wait3A_1033] : memref<2x3584xi32, #tpu.memory_space<vmem>> -> memref<1x3584xi32, #tpu.memory_space<vmem>>
      %dma_wait3A_1035 = tpu.memref_squeeze %dma_wait3A_1034 : memref<1x3584xi32, #tpu.memory_space<vmem>> -> memref<3584xi32, #tpu.memory_space<vmem>>
      %dma_wait3A_1036 = arith.constant 0 : i32
      %dma_wait3A_1037 = tpu.memref_slice %arg3[%dma_wait3A_1036] : memref<573440xi32, #tpu.memory_space<hbm>> -> memref<3584xi32, #tpu.memory_space<hbm>>
      %dma_wait3A_1038 = arith.constant 0 : i32
      %dma_wait3A_1039 = tpu.memref_slice %arg7[%select_n3A_1025, %dma_wait3A_1038] : memref<2x3584xi32, #tpu.memory_space<vmem>> -> memref<1x3584xi32, #tpu.memory_space<vmem>>
      %dma_wait3A_1040 = tpu.memref_squeeze %dma_wait3A_1039 : memref<1x3584xi32, #tpu.memory_space<vmem>> -> memref<3584xi32, #tpu.memory_space<vmem>>
      %dma_wait3A_1041 = arith.constant 0 : i32
      %dma_wait3A_1042 = tpu.memref_slice %arg3[%dma_wait3A_1041] : memref<573440xi32, #tpu.memory_space<hbm>> -> memref<3584xi32, #tpu.memory_space<hbm>>
      tpu.wait_dma2 semaphore(%arg14 : memref<!tpu.dma_semaphore, #tpu.memory_space<semaphore_mem>>) src(%dma_wait3A_1042 : memref<3584xi32, #tpu.memory_space<hbm>>) dst(%dma_wait3A_1040 : memref<3584xi32, #tpu.memory_space<vmem>>)
      %dma_wait3A_1043 = arith.constant 0 : i32
      %dma_wait3A_1044 = tpu.memref_slice %arg8[%select_n3A_1025, %dma_wait3A_1043] : memref<2x3584xi32, #tpu.memory_space<vmem>> -> memref<1x3584xi32, #tpu.memory_space<vmem>>
      %dma_wait3A_1045 = tpu.memref_squeeze %dma_wait3A_1044 : memref<1x3584xi32, #tpu.memory_space<vmem>> -> memref<3584xi32, #tpu.memory_space<vmem>>
      %dma_wait3A_1046 = arith.constant 0 : i32
      %dma_wait3A_1047 = tpu.memref_slice %arg4[%dma_wait3A_1046] : memref<573440xi32, #tpu.memory_space<hbm>> -> memref<3584xi32, #tpu.memory_space<hbm>>
      %dma_wait3A_1048 = arith.constant 0 : i32
      %dma_wait3A_1049 = tpu.memref_slice %arg8[%select_n3A_1025, %dma_wait3A_1048] : memref<2x3584xi32, #tpu.memory_space<vmem>> -> memref<1x3584xi32, #tpu.memory_space<vmem>>
      %dma_wait3A_1050 = tpu.memref_squeeze %dma_wait3A_1049 : memref<1x3584xi32, #tpu.memory_space<vmem>> -> memref<3584xi32, #tpu.memory_space<vmem>>
      %dma_wait3A_1051 = arith.constant 0 : i32
      %dma_wait3A_1052 = tpu.memref_slice %arg4[%dma_wait3A_1051] : memref<573440xi32, #tpu.memory_space<hbm>> -> memref<3584xi32, #tpu.memory_space<hbm>>
      tpu.wait_dma2 semaphore(%arg14 : memref<!tpu.dma_semaphore, #tpu.memory_space<semaphore_mem>>) src(%dma_wait3A_1052 : memref<3584xi32, #tpu.memory_space<hbm>>) dst(%dma_wait3A_1050 : memref<3584xi32, #tpu.memory_space<vmem>>)
      %scan3A_1053 = arith.constant 0 : i32
      %scan3A_1054 = arith.constant 0 : i32
      %scan3A_1055 = arith.constant 14 : i32
      %scan3A_1056 = arith.addi %scan3A_1054, %scan3A_1055 : i32
      %scan3A_1057 = arith.constant 1 : i32
      %scan3A_1058 = scf.for %scan3A_1180 = %scan3A_1054 to %scan3A_1056 step %scan3A_1057 iter_args(%scan3A_1181 = %scan3A_1053) -> (i32)  : i32 {
        %mul3A_1182 = arith.constant 16 : i32
        %mul3A_1183 = arith.muli %scan3A_1180, %mul3A_1182 : i32
        %get3A = arith.index_cast %mul3A_1183 : i32 to index
        %get3A_1184 = tpu.vector_load %arg13[%get3A] {strides = array<i32>} : memref<224xi32, #tpu.memory_space<vmem>>, vector<16xi32>,
        %broadcast_in_dim3A_1185 = arith.constant true
        %broadcast_in_dim3A_1186 = vector.broadcast %broadcast_in_dim3A_1185 : i1 to vector<16xi1>
        %masked_cumsum3A = tpu.scan <sum>, %get3A_1184 masked %broadcast_in_dim3A_1186 : vector<16xi32>, vector<16xi1> -> vector<16xi32>
        %broadcast_in_dim3A_1187 = vector.broadcast %scan3A_1181 : i32 to vector<16xi32>
        %add3A_1188 = arith.addi %broadcast_in_dim3A_1187, %masked_cumsum3A : vector<16xi32>
        %sub3A_1189 = arith.subi %add3A_1188, %get3A_1184 : vector<16xi32>
        %mul3A_1190 = arith.constant 16 : i32
        %mul3A_1191 = arith.muli %scan3A_1180, %mul3A_1190 : i32
        %swap3A = arith.index_cast %mul3A_1191 : i32 to index
        %swap3A_1192 = tpu.vector_load %arg13[%swap3A] {strides = array<i32>} : memref<224xi32, #tpu.memory_space<vmem>>, vector<16xi32>,
        tpu.vector_store %arg13[%swap3A], %sub3A_1189 {strides = array<i32>} : memref<224xi32, #tpu.memory_space<vmem>>, vector<16xi32>,
        %slice3A = vector.extract_strided_slice %masked_cumsum3A {offsets = [15], sizes = [1], strides = [1]} : vector<16xi32> to vector<1xi32>
        %squeeze3A = vector.extract %slice3A[0] : i32 from vector<1xi32>
        %add3A_1193 = arith.addi %scan3A_1181, %squeeze3A : i32
        scf.yield %add3A_1193 : i32
      }
      %scan3A_1059 = arith.constant 14 : i32
      %broadcast_in_dim3A_1060 = vector.broadcast %scan3A_1058 : i32 to vector<16xi32>
      %mul3A_1061 = arith.constant 128 : i32
      %mul3A_1062 = arith.muli %scan3A_1015, %mul3A_1061 : i32
      %broadcast_in_dim3A_1063 = vector.broadcast %mul3A_1062 : i32 to vector<16xi32>
      %add3A_1064 = arith.constant 0 : i32
      %add3A_1065 = vector.broadcast %add3A_1064 : i32 to vector<16xi32>
      %add3A_1066 = arith.addi %iota3A, %add3A_1065 : vector<16xi32>
      %add3A_1067 = arith.addi %broadcast_in_dim3A_1060, %add3A_1066 : vector<16xi32>
      %add3A_1068 = arith.addi %broadcast_in_dim3A_3, %broadcast_in_dim3A_1063 : vector<16xi32>
      %add3A_1069 = arith.constant 0 : i32
      %add3A_1070 = vector.broadcast %add3A_1069 : i32 to vector<16xi32>
      %add3A_1071 = arith.addi %iota3A, %add3A_1070 : vector<16xi32>
      %add3A_1072 = arith.addi %add3A_1068, %add3A_1071 : vector<16xi32>
      tpu.vector_store_idx %arg9[%add3A_1067], %add3A_1072 : memref<3648xi32, #tpu.memory_space<vmem>>[vector<16xi32>], vector<16xi32>,
      %shift_right_logical3A = arith.constant 6 : i32
      %shift_right_logical3A_1073 = vector.broadcast %shift_right_logical3A : i32 to vector<16xi32>
      %shift_right_logical3A_1074 = arith.shrui %add3A_1067, %shift_right_logical3A_1073 : vector<16xi32>
      %and3A_1075 = arith.constant 63 : i32
      %and3A_1076 = vector.broadcast %and3A_1075 : i32 to vector<16xi32>
      %and3A_1077 = arith.andi %add3A_1067, %and3A_1076 : vector<16xi32>
      tpu.vector_store_idx %arg10[%shift_right_logical3A_1074, %and3A_1077], %add3A : memref<57x64xi32, #tpu.memory_space<vmem>>[vector<16xi32>, vector<16xi32>], vector<16xi32>,
      %add3A_1078 = arith.constant 16 : i32
      %add3A_1079 = vector.broadcast %add3A_1078 : i32 to vector<16xi32>
      %add3A_1080 = arith.addi %iota3A, %add3A_1079 : vector<16xi32>
      %add3A_1081 = arith.addi %broadcast_in_dim3A_1060, %add3A_1080 : vector<16xi32>
      %add3A_1082 = arith.addi %broadcast_in_dim3A_3, %broadcast_in_dim3A_1063 : vector<16xi32>
      %add3A_1083 = arith.constant 16 : i32
      %add3A_1084 = vector.broadcast %add3A_1083 : i32 to vector<16xi32>
      %add3A_1085 = arith.addi %iota3A, %add3A_1084 : vector<16xi32>
      %add3A_1086 = arith.addi %add3A_1082, %add3A_1085 : vector<16xi32>
      tpu.vector_store_idx %arg9[%add3A_1081], %add3A_1086 : memref<3648xi32, #tpu.memory_space<vmem>>[vector<16xi32>], vector<16xi32>,
      %shift_right_logical3A_1087 = arith.constant 6 : i32
      %shift_right_logical3A_1088 = vector.broadcast %shift_right_logical3A_1087 : i32 to vector<16xi32>
      %shift_right_logical3A_1089 = arith.shrui %add3A_1081, %shift_right_logical3A_1088 : vector<16xi32>
      %and3A_1090 = arith.constant 63 : i32
      %and3A_1091 = vector.broadcast %and3A_1090 : i32 to vector<16xi32>
      %and3A_1092 = arith.andi %add3A_1081, %and3A_1091 : vector<16xi32>
      tpu.vector_store_idx %arg10[%shift_right_logical3A_1089, %and3A_1092], %add3A : memref<57x64xi32, #tpu.memory_space<vmem>>[vector<16xi32>, vector<16xi32>], vector<16xi32>,
      %add3A_1093 = arith.constant 32 : i32
      %add3A_1094 = vector.broadcast %add3A_1093 : i32 to vector<16xi32>
      %add3A_1095 = arith.addi %iota3A, %add3A_1094 : vector<16xi32>
      %add3A_1096 = arith.addi %broadcast_in_dim3A_1060, %add3A_1095 : vector<16xi32>
      %add3A_1097 = arith.addi %broadcast_in_dim3A_3, %broadcast_in_dim3A_1063 : vector<16xi32>
      %add3A_1098 = arith.constant 32 : i32
      %add3A_1099 = vector.broadcast %add3A_1098 : i32 to vector<16xi32>
      %add3A_1100 = arith.addi %iota3A, %add3A_1099 : vector<16xi32>
      %add3A_1101 = arith.addi %add3A_1097, %add3A_1100 : vector<16xi32>
      tpu.vector_store_idx %arg9[%add3A_1096], %add3A_1101 : memref<3648xi32, #tpu.memory_space<vmem>>[vector<16xi32>], vector<16xi32>,
      %shift_right_logical3A_1102 = arith.constant 6 : i32
      %shift_right_logical3A_1103 = vector.broadcast %shift_right_logical3A_1102 : i32 to vector<16xi32>
      %shift_right_logical3A_1104 = arith.shrui %add3A_1096, %shift_right_logical3A_1103 : vector<16xi32>
      %and3A_1105 = arith.constant 63 : i32
      %and3A_1106 = vector.broadcast %and3A_1105 : i32 to vector<16xi32>
      %and3A_1107 = arith.andi %add3A_1096, %and3A_1106 : vector<16xi32>
      tpu.vector_store_idx %arg10[%shift_right_logical3A_1104, %and3A_1107], %add3A : memref<57x64xi32, #tpu.memory_space<vmem>>[vector<16xi32>, vector<16xi32>], vector<16xi32>,
      %add3A_1108 = arith.constant 48 : i32
      %add3A_1109 = vector.broadcast %add3A_1108 : i32 to vector<16xi32>
      %add3A_1110 = arith.addi %iota3A, %add3A_1109 : vector<16xi32>
      %add3A_1111 = arith.addi %broadcast_in_dim3A_1060, %add3A_1110 : vector<16xi32>
      %add3A_1112 = arith.addi %broadcast_in_dim3A_3, %broadcast_in_dim3A_1063 : vector<16xi32>
      %add3A_1113 = arith.constant 48 : i32
      %add3A_1114 = vector.broadcast %add3A_1113 : i32 to vector<16xi32>
      %add3A_1115 = arith.addi %iota3A, %add3A_1114 : vector<16xi32>
      %add3A_1116 = arith.addi %add3A_1112, %add3A_1115 : vector<16xi32>
      tpu.vector_store_idx %arg9[%add3A_1111], %add3A_1116 : memref<3648xi32, #tpu.memory_space<vmem>>[vector<16xi32>], vector<16xi32>,
      %shift_right_logical3A_1117 = arith.constant 6 : i32
      %shift_right_logical3A_1118 = vector.broadcast %shift_right_logical3A_1117 : i32 to vector<16xi32>
      %shift_right_logical3A_1119 = arith.shrui %add3A_1111, %shift_right_logical3A_1118 : vector<16xi32>
      %and3A_1120 = arith.constant 63 : i32
      %and3A_1121 = vector.broadcast %and3A_1120 : i32 to vector<16xi32>
      %and3A_1122 = arith.andi %add3A_1111, %and3A_1121 : vector<16xi32>
      tpu.vector_store_idx %arg10[%shift_right_logical3A_1119, %and3A_1122], %add3A : memref<57x64xi32, #tpu.memory_space<vmem>>[vector<16xi32>, vector<16xi32>], vector<16xi32>,
      %add3A_1123 = arith.constant 64 : i32
      %add3A_1124 = arith.addi %scan3A_1058, %add3A_1123 : i32
      %sub3A = arith.constant 1 : i32
      %sub3A_1125 = arith.subi %add3A_1124, %sub3A : i32
      %jit3A_1126 = arith.constant 64 : i32
      %div3A = arith.divsi %sub3A_1125, %jit3A_1126 : i32
      %sign3A = arith.constant 0 : i32
      %sign3A_1127 = arith.cmpi sgt, %sub3A_1125, %sign3A : i32
      %sign3A_1128 = arith.extui %sign3A_1127 : i1 to i32
      %sign3A_1129 = arith.constant 0 : i32
      %sign3A_1130 = arith.cmpi slt, %sub3A_1125, %sign3A_1129 : i32
      %sign3A_1131 = arith.extui %sign3A_1130 : i1 to i32
      %sign3A_1132 = arith.subi %sign3A_1128, %sign3A_1131 : i32
      %sign3A_1133 = arith.constant 0 : i32
      %sign3A_1134 = arith.cmpi sgt, %jit3A_1126, %sign3A_1133 : i32
      %sign3A_1135 = arith.extui %sign3A_1134 : i1 to i32
      %sign3A_1136 = arith.constant 0 : i32
      %sign3A_1137 = arith.cmpi slt, %jit3A_1126, %sign3A_1136 : i32
      %sign3A_1138 = arith.extui %sign3A_1137 : i1 to i32
      %sign3A_1139 = arith.subi %sign3A_1135, %sign3A_1138 : i32
      %ne3A_1140 = arith.cmpi ne, %sign3A_1132, %sign3A_1139 : i32
      %rem3A_1141 = arith.remsi %sub3A_1125, %jit3A_1126 : i32
      %ne3A_1142 = arith.constant 0 : i32
      %ne3A_1143 = arith.cmpi ne, %rem3A_1141, %ne3A_1142 : i32
      %and3A_1144 = arith.andi %ne3A_1140, %ne3A_1143 : i1
      %sub3A_1145 = arith.constant 1 : i32
      %sub3A_1146 = arith.subi %div3A, %sub3A_1145 : i32
      %select_n3A_1147 = arith.select %and3A_1144, %sub3A_1146, %div3A : i32
      %max3A = arith.constant 1 : i32
      %max3A_1148 = arith.maxsi %select_n3A_1147, %max3A : i32
      %dma_start3A_1149 = arith.constant 0 : i32
      %dma_start3A_1150 = arith.constant 0 : i32
      %dma_start3A_1151 = arith.constant 0 : i32
      %dma_start3A_1152 = tpu.memref_slice %arg11[%dma_start3A_1149, %dma_start3A_1150, %dma_start3A_1151] : memref<2x64x128xf32, #tpu.memory_space<vmem>> -> memref<1x64x128xf32, #tpu.memory_space<vmem>>
      %dma_start3A_1153 = tpu.memref_squeeze %dma_start3A_1152 : memref<1x64x128xf32, #tpu.memory_space<vmem>> -> memref<64x128xf32, #tpu.memory_space<vmem>>
      %dma_start3A_1154 = arith.constant 0 : i32
      %dma_start3A_1155 = tpu.memref_slice %arg9[%dma_start3A_1154] : memref<3648xi32, #tpu.memory_space<vmem>> -> memref<64xi32, #tpu.memory_space<vmem>>
      %dma_start3A_1156 = arith.constant 0 : i32
      %dma_start3A_1157 = arith.constant 0 : i32
      %dma_start3A_1158 = tpu.memref_slice %arg2[%dma_start3A_1156, %dma_start3A_1157] : memref<560000x128xf32, #tpu.memory_space<hbm>> -> memref<560000x128xf32, #tpu.memory_space<hbm>>
      tpu.enqueue_indirect_dma source(%dma_start3A_1158 : memref<560000x128xf32, #tpu.memory_space<hbm>>) target(%dma_start3A_1153 : memref<64x128xf32, #tpu.memory_space<vmem>>) offsets(%dma_start3A_1155 : memref<64xi32, #tpu.memory_space<vmem>>) semaphore(%arg15 : memref<!tpu.dma_semaphore, #tpu.memory_space<semaphore_mem>>)
      %while3A = arith.constant 0 : i32
      %while3A_1159 = arith.constant 0 : i32
      %while3A_1160 = arith.subi %max3A_1148, %while3A_1159 : i32
      %while3A_1161 = arith.addi %while3A_1159, %while3A_1160 : i32
      %while3A_1162 = arith.constant 1 : i32
      %while3A_1163 = arith.divsi %while3A_1160, %while3A_1162 : i32
      %while3A_1164 = arith.muli %while3A_1163, %while3A_1162 : i32
      %while3A_1165 = arith.addi %while3A_1159, %while3A_1164 : i32
      %while3A_1166 = arith.constant 1 : i32
      scf.for %while3A_1180 = %while3A_1159 to %while3A_1165 step %while3A_1166  : i32 {
        %ge3A = arith.constant 1 : i32
        %ge3A_1181 = arith.cmpi sge, %while3A_1180, %ge3A : i32
        %convert_element_type3A_1182 = arith.extui %ge3A_1181 : i1 to i32
        %cond3A_1183 = arith.constant 0 : i32
        %cond3A_1184 = arith.cmpi ne, %convert_element_type3A_1182, %cond3A_1183 : i32
        scf.if %cond3A_1184 {
          %dma_wait3A_1242 = arith.constant 0 : i32
          %dma_wait3A_1243 = arith.constant 0 : i32
          %dma_wait3A_1244 = arith.constant 0 : i32
          %dma_wait3A_1245 = arith.constant 0 : i32
          %dma_wait3A_1246 = tpu.memref_slice %arg11[%dma_wait3A_1242, %dma_wait3A_1244, %dma_wait3A_1245] : memref<2x64x128xf32, #tpu.memory_space<vmem>> -> memref<1x64x128xf32, #tpu.memory_space<vmem>>
          %dma_wait3A_1247 = tpu.memref_squeeze %dma_wait3A_1246 : memref<1x64x128xf32, #tpu.memory_space<vmem>> -> memref<64x128xf32, #tpu.memory_space<vmem>>
          %dma_wait3A_1248 = arith.constant 0 : i32
          %dma_wait3A_1249 = tpu.memref_slice %arg10[%dma_wait3A_1243, %dma_wait3A_1248] : memref<57x64xi32, #tpu.memory_space<vmem>> -> memref<1x64xi32, #tpu.memory_space<vmem>>
          %dma_wait3A_1250 = tpu.memref_squeeze %dma_wait3A_1249 : memref<1x64xi32, #tpu.memory_space<vmem>> -> memref<64xi32, #tpu.memory_space<vmem>>
          %dma_wait3A_1251 = arith.constant 0 : i32
          %dma_wait3A_1252 = arith.constant 0 : i32
          %dma_wait3A_1253 = tpu.memref_slice %arg6[%dma_wait3A_1251, %dma_wait3A_1252] : memref<10128x128xf32, #tpu.memory_space<vmem_shared>> -> memref<10128x128xf32, #tpu.memory_space<vmem_shared>>
          tpu.wait_indirect_dma semaphore(%arg16 : memref<!tpu.dma_semaphore, #tpu.memory_space<semaphore_mem>>) src(%dma_wait3A_1247 : memref<64x128xf32, #tpu.memory_space<vmem>>) dst(%dma_wait3A_1253 : memref<10128x128xf32, #tpu.memory_space<vmem_shared>>)
        } else {
        }
        %add3A_1185 = arith.constant 1 : i32
        %add3A_1186 = arith.addi %while3A_1180, %add3A_1185 : i32
        %lt3A_1187 = arith.cmpi slt, %add3A_1186, %max3A_1148 : i32
        %convert_element_type3A_1188 = arith.extui %lt3A_1187 : i1 to i32
        %cond3A_1189 = arith.constant 0 : i32
        %cond3A_1190 = arith.cmpi ne, %convert_element_type3A_1188, %cond3A_1189 : i32
        scf.if %cond3A_1190 {
          %add3A_1242 = arith.constant 1 : i32
          %add3A_1243 = arith.addi %while3A_1180, %add3A_1242 : i32
          %mul3A_1244 = arith.constant 64 : i32
          %mul3A_1245 = arith.muli %add3A_1243, %mul3A_1244 : i32
          %add3A_1246 = arith.constant 1 : i32
          %add3A_1247 = arith.addi %while3A_1180, %add3A_1246 : i32
          %jit3A_1248 = arith.constant 2 : i32
          %eq3A_1249 = arith.constant 0 : i32
          %eq3A_1250 = arith.cmpi eq, %jit3A_1248, %eq3A_1249 : i32
          %jit3A_1251 = arith.constant 1 : i32
          %select_n3A_1252 = arith.select %eq3A_1250, %jit3A_1251, %jit3A_1248 : i32
          %rem3A_1253 = arith.remsi %add3A_1247, %select_n3A_1252 : i32
          %ne3A_1254 = arith.constant 0 : i32
          %ne3A_1255 = arith.cmpi ne, %rem3A_1253, %ne3A_1254 : i32
          %lt3A_1256 = arith.constant 0 : i32
          %lt3A_1257 = arith.cmpi slt, %rem3A_1253, %lt3A_1256 : i32
          %lt3A_1258 = arith.constant 0 : i32
          %lt3A_1259 = arith.cmpi slt, %select_n3A_1252, %lt3A_1258 : i32
          %ne3A_1260 = arith.xori %lt3A_1257, %lt3A_1259 : i1
          %and3A_1261 = arith.andi %ne3A_1260, %ne3A_1255 : i1
          %add3A_1262 = arith.addi %rem3A_1253, %select_n3A_1252 : i32
          %select_n3A_1263 = arith.select %and3A_1261, %add3A_1262, %rem3A_1253 : i32
          %dma_start3A_1264 = arith.constant 0 : i32
          %dma_start3A_1265 = arith.constant 0 : i32
          %dma_start3A_1266 = tpu.memref_slice %arg11[%select_n3A_1263, %dma_start3A_1264, %dma_start3A_1265] : memref<2x64x128xf32, #tpu.memory_space<vmem>> -> memref<1x64x128xf32, #tpu.memory_space<vmem>>
          %dma_start3A_1267 = tpu.memref_squeeze %dma_start3A_1266 : memref<1x64x128xf32, #tpu.memory_space<vmem>> -> memref<64x128xf32, #tpu.memory_space<vmem>>
          %dma_start3A_1268 = tpu.memref_slice %arg9[%mul3A_1245] : memref<3648xi32, #tpu.memory_space<vmem>> -> memref<64xi32, #tpu.memory_space<vmem>>
          %dma_start3A_1269 = arith.constant 0 : i32
          %dma_start3A_1270 = arith.constant 0 : i32
          %dma_start3A_1271 = tpu.memref_slice %arg2[%dma_start3A_1269, %dma_start3A_1270] : memref<560000x128xf32, #tpu.memory_space<hbm>> -> memref<560000x128xf32, #tpu.memory_space<hbm>>
          tpu.enqueue_indirect_dma source(%dma_start3A_1271 : memref<560000x128xf32, #tpu.memory_space<hbm>>) target(%dma_start3A_1267 : memref<64x128xf32, #tpu.memory_space<vmem>>) offsets(%dma_start3A_1268 : memref<64xi32, #tpu.memory_space<vmem>>) semaphore(%arg15 : memref<!tpu.dma_semaphore, #tpu.memory_space<semaphore_mem>>)
        } else {
        }
        %jit3A_1191 = arith.constant 2 : i32
        %eq3A_1192 = arith.constant 0 : i32
        %eq3A_1193 = arith.cmpi eq, %jit3A_1191, %eq3A_1192 : i32
        %jit3A_1194 = arith.constant 1 : i32
        %select_n3A_1195 = arith.select %eq3A_1193, %jit3A_1194, %jit3A_1191 : i32
        %rem3A_1196 = arith.remsi %while3A_1180, %select_n3A_1195 : i32
        %ne3A_1197 = arith.constant 0 : i32
        %ne3A_1198 = arith.cmpi ne, %rem3A_1196, %ne3A_1197 : i32
        %lt3A_1199 = arith.constant 0 : i32
        %lt3A_1200 = arith.cmpi slt, %rem3A_1196, %lt3A_1199 : i32
        %lt3A_1201 = arith.constant 0 : i32
        %lt3A_1202 = arith.cmpi slt, %select_n3A_1195, %lt3A_1201 : i32
        %ne3A_1203 = arith.xori %lt3A_1200, %lt3A_1202 : i1
        %and3A_1204 = arith.andi %ne3A_1203, %ne3A_1198 : i1
        %add3A_1205 = arith.addi %rem3A_1196, %select_n3A_1195 : i32
        %select_n3A_1206 = arith.select %and3A_1204, %add3A_1205, %rem3A_1196 : i32
        %dma_wait3A_1207 = arith.constant 0 : i32
        %dma_wait3A_1208 = arith.constant 0 : i32
        %dma_wait3A_1209 = tpu.memref_slice %arg11[%select_n3A_1206, %dma_wait3A_1207, %dma_wait3A_1208] : memref<2x64x128xf32, #tpu.memory_space<vmem>> -> memref<1x64x128xf32, #tpu.memory_space<vmem>>
        %dma_wait3A_1210 = tpu.memref_squeeze %dma_wait3A_1209 : memref<1x64x128xf32, #tpu.memory_space<vmem>> -> memref<64x128xf32, #tpu.memory_space<vmem>>
        %dma_wait3A_1211 = arith.constant 0 : i32
        %dma_wait3A_1212 = tpu.memref_slice %arg9[%dma_wait3A_1211] : memref<3648xi32, #tpu.memory_space<vmem>> -> memref<64xi32, #tpu.memory_space<vmem>>
        %dma_wait3A_1213 = arith.constant 0 : i32
        %dma_wait3A_1214 = arith.constant 0 : i32
        %dma_wait3A_1215 = tpu.memref_slice %arg2[%dma_wait3A_1213, %dma_wait3A_1214] : memref<560000x128xf32, #tpu.memory_space<hbm>> -> memref<560000x128xf32, #tpu.memory_space<hbm>>
        tpu.wait_indirect_dma semaphore(%arg15 : memref<!tpu.dma_semaphore, #tpu.memory_space<semaphore_mem>>) src(%dma_wait3A_1215 : memref<560000x128xf32, #tpu.memory_space<hbm>>) dst(%dma_wait3A_1210 : memref<64x128xf32, #tpu.memory_space<vmem>>)
        %jit3A_1216 = arith.constant 2 : i32
        %eq3A_1217 = arith.constant 0 : i32
        %eq3A_1218 = arith.cmpi eq, %jit3A_1216, %eq3A_1217 : i32
        %jit3A_1219 = arith.constant 1 : i32
        %select_n3A_1220 = arith.select %eq3A_1218, %jit3A_1219, %jit3A_1216 : i32
        %rem3A_1221 = arith.remsi %while3A_1180, %select_n3A_1220 : i32
        %ne3A_1222 = arith.constant 0 : i32
        %ne3A_1223 = arith.cmpi ne, %rem3A_1221, %ne3A_1222 : i32
        %lt3A_1224 = arith.constant 0 : i32
        %lt3A_1225 = arith.cmpi slt, %rem3A_1221, %lt3A_1224 : i32
        %lt3A_1226 = arith.constant 0 : i32
        %lt3A_1227 = arith.cmpi slt, %select_n3A_1220, %lt3A_1226 : i32
        %ne3A_1228 = arith.xori %lt3A_1225, %lt3A_1227 : i1
        %and3A_1229 = arith.andi %ne3A_1228, %ne3A_1223 : i1
        %add3A_1230 = arith.addi %rem3A_1221, %select_n3A_1220 : i32
        %select_n3A_1231 = arith.select %and3A_1229, %add3A_1230, %rem3A_1221 : i32
        %dma_start3A_1232 = arith.constant 0 : i32
        %dma_start3A_1233 = arith.constant 0 : i32
        %dma_start3A_1234 = tpu.memref_slice %arg11[%select_n3A_1231, %dma_start3A_1232, %dma_start3A_1233] : memref<2x64x128xf32, #tpu.memory_space<vmem>> -> memref<1x64x128xf32, #tpu.memory_space<vmem>>
        %dma_start3A_1235 = tpu.memref_squeeze %dma_start3A_1234 : memref<1x64x128xf32, #tpu.memory_space<vmem>> -> memref<64x128xf32, #tpu.memory_space<vmem>>
        %dma_start3A_1236 = arith.constant 0 : i32
        %dma_start3A_1237 = tpu.memref_slice %arg10[%while3A_1180, %dma_start3A_1236] : memref<57x64xi32, #tpu.memory_space<vmem>> -> memref<1x64xi32, #tpu.memory_space<vmem>>
        %dma_start3A_1238 = tpu.memref_squeeze %dma_start3A_1237 : memref<1x64xi32, #tpu.memory_space<vmem>> -> memref<64xi32, #tpu.memory_space<vmem>>
        %dma_start3A_1239 = arith.constant 0 : i32
        %dma_start3A_1240 = arith.constant 0 : i32
        %dma_start3A_1241 = tpu.memref_slice %arg6[%dma_start3A_1239, %dma_start3A_1240] : memref<10128x128xf32, #tpu.memory_space<vmem_shared>> -> memref<10128x128xf32, #tpu.memory_space<vmem_shared>>
        tpu.enqueue_indirect_dma source(%dma_start3A_1235 : memref<64x128xf32, #tpu.memory_space<vmem>>) target(%dma_start3A_1241 : memref<10128x128xf32, #tpu.memory_space<vmem_shared>>) offsets(%dma_start3A_1238 : memref<64xi32, #tpu.memory_space<vmem>>) semaphore(%arg16 : memref<!tpu.dma_semaphore, #tpu.memory_space<semaphore_mem>>) {add = true}
      }
      %while3A_1167 = arith.constant 1 : i32
      scf.for %while3A_1180 = %while3A_1165 to %while3A_1161 step %while3A_1167  : i32 {
        %ge3A = arith.constant 1 : i32
        %ge3A_1181 = arith.cmpi sge, %while3A_1180, %ge3A : i32
        %convert_element_type3A_1182 = arith.extui %ge3A_1181 : i1 to i32
        %cond3A_1183 = arith.constant 0 : i32
        %cond3A_1184 = arith.cmpi ne, %convert_element_type3A_1182, %cond3A_1183 : i32
        scf.if %cond3A_1184 {
          %dma_wait3A_1242 = arith.constant 0 : i32
          %dma_wait3A_1243 = arith.constant 0 : i32
          %dma_wait3A_1244 = arith.constant 0 : i32
          %dma_wait3A_1245 = arith.constant 0 : i32
          %dma_wait3A_1246 = tpu.memref_slice %arg11[%dma_wait3A_1242, %dma_wait3A_1244, %dma_wait3A_1245] : memref<2x64x128xf32, #tpu.memory_space<vmem>> -> memref<1x64x128xf32, #tpu.memory_space<vmem>>
          %dma_wait3A_1247 = tpu.memref_squeeze %dma_wait3A_1246 : memref<1x64x128xf32, #tpu.memory_space<vmem>> -> memref<64x128xf32, #tpu.memory_space<vmem>>
          %dma_wait3A_1248 = arith.constant 0 : i32
          %dma_wait3A_1249 = tpu.memref_slice %arg10[%dma_wait3A_1243, %dma_wait3A_1248] : memref<57x64xi32, #tpu.memory_space<vmem>> -> memref<1x64xi32, #tpu.memory_space<vmem>>
          %dma_wait3A_1250 = tpu.memref_squeeze %dma_wait3A_1249 : memref<1x64xi32, #tpu.memory_space<vmem>> -> memref<64xi32, #tpu.memory_space<vmem>>
          %dma_wait3A_1251 = arith.constant 0 : i32
          %dma_wait3A_1252 = arith.constant 0 : i32
          %dma_wait3A_1253 = tpu.memref_slice %arg6[%dma_wait3A_1251, %dma_wait3A_1252] : memref<10128x128xf32, #tpu.memory_space<vmem_shared>> -> memref<10128x128xf32, #tpu.memory_space<vmem_shared>>
          tpu.wait_indirect_dma semaphore(%arg16 : memref<!tpu.dma_semaphore, #tpu.memory_space<semaphore_mem>>) src(%dma_wait3A_1247 : memref<64x128xf32, #tpu.memory_space<vmem>>) dst(%dma_wait3A_1253 : memref<10128x128xf32, #tpu.memory_space<vmem_shared>>)
        } else {
        }
        %add3A_1185 = arith.constant 1 : i32
        %add3A_1186 = arith.addi %while3A_1180, %add3A_1185 : i32
        %lt3A_1187 = arith.cmpi slt, %add3A_1186, %max3A_1148 : i32
        %convert_element_type3A_1188 = arith.extui %lt3A_1187 : i1 to i32
        %cond3A_1189 = arith.constant 0 : i32
        %cond3A_1190 = arith.cmpi ne, %convert_element_type3A_1188, %cond3A_1189 : i32
        scf.if %cond3A_1190 {
          %add3A_1242 = arith.constant 1 : i32
          %add3A_1243 = arith.addi %while3A_1180, %add3A_1242 : i32
          %mul3A_1244 = arith.constant 64 : i32
          %mul3A_1245 = arith.muli %add3A_1243, %mul3A_1244 : i32
          %add3A_1246 = arith.constant 1 : i32
          %add3A_1247 = arith.addi %while3A_1180, %add3A_1246 : i32
          %jit3A_1248 = arith.constant 2 : i32
          %eq3A_1249 = arith.constant 0 : i32
          %eq3A_1250 = arith.cmpi eq, %jit3A_1248, %eq3A_1249 : i32
          %jit3A_1251 = arith.constant 1 : i32
          %select_n3A_1252 = arith.select %eq3A_1250, %jit3A_1251, %jit3A_1248 : i32
          %rem3A_1253 = arith.remsi %add3A_1247, %select_n3A_1252 : i32
          %ne3A_1254 = arith.constant 0 : i32
          %ne3A_1255 = arith.cmpi ne, %rem3A_1253, %ne3A_1254 : i32
          %lt3A_1256 = arith.constant 0 : i32
          %lt3A_1257 = arith.cmpi slt, %rem3A_1253, %lt3A_1256 : i32
          %lt3A_1258 = arith.constant 0 : i32
          %lt3A_1259 = arith.cmpi slt, %select_n3A_1252, %lt3A_1258 : i32
          %ne3A_1260 = arith.xori %lt3A_1257, %lt3A_1259 : i1
          %and3A_1261 = arith.andi %ne3A_1260, %ne3A_1255 : i1
          %add3A_1262 = arith.addi %rem3A_1253, %select_n3A_1252 : i32
          %select_n3A_1263 = arith.select %and3A_1261, %add3A_1262, %rem3A_1253 : i32
          %dma_start3A_1264 = arith.constant 0 : i32
          %dma_start3A_1265 = arith.constant 0 : i32
          %dma_start3A_1266 = tpu.memref_slice %arg11[%select_n3A_1263, %dma_start3A_1264, %dma_start3A_1265] : memref<2x64x128xf32, #tpu.memory_space<vmem>> -> memref<1x64x128xf32, #tpu.memory_space<vmem>>
          %dma_start3A_1267 = tpu.memref_squeeze %dma_start3A_1266 : memref<1x64x128xf32, #tpu.memory_space<vmem>> -> memref<64x128xf32, #tpu.memory_space<vmem>>
          %dma_start3A_1268 = tpu.memref_slice %arg9[%mul3A_1245] : memref<3648xi32, #tpu.memory_space<vmem>> -> memref<64xi32, #tpu.memory_space<vmem>>
          %dma_start3A_1269 = arith.constant 0 : i32
          %dma_start3A_1270 = arith.constant 0 : i32
          %dma_start3A_1271 = tpu.memref_slice %arg2[%dma_start3A_1269, %dma_start3A_1270] : memref<560000x128xf32, #tpu.memory_space<hbm>> -> memref<560000x128xf32, #tpu.memory_space<hbm>>
          tpu.enqueue_indirect_dma source(%dma_start3A_1271 : memref<560000x128xf32, #tpu.memory_space<hbm>>) target(%dma_start3A_1267 : memref<64x128xf32, #tpu.memory_space<vmem>>) offsets(%dma_start3A_1268 : memref<64xi32, #tpu.memory_space<vmem>>) semaphore(%arg15 : memref<!tpu.dma_semaphore, #tpu.memory_space<semaphore_mem>>)
        } else {
        }
        %jit3A_1191 = arith.constant 2 : i32
        %eq3A_1192 = arith.constant 0 : i32
        %eq3A_1193 = arith.cmpi eq, %jit3A_1191, %eq3A_1192 : i32
        %jit3A_1194 = arith.constant 1 : i32
        %select_n3A_1195 = arith.select %eq3A_1193, %jit3A_1194, %jit3A_1191 : i32
        %rem3A_1196 = arith.remsi %while3A_1180, %select_n3A_1195 : i32
        %ne3A_1197 = arith.constant 0 : i32
        %ne3A_1198 = arith.cmpi ne, %rem3A_1196, %ne3A_1197 : i32
        %lt3A_1199 = arith.constant 0 : i32
        %lt3A_1200 = arith.cmpi slt, %rem3A_1196, %lt3A_1199 : i32
        %lt3A_1201 = arith.constant 0 : i32
        %lt3A_1202 = arith.cmpi slt, %select_n3A_1195, %lt3A_1201 : i32
        %ne3A_1203 = arith.xori %lt3A_1200, %lt3A_1202 : i1
        %and3A_1204 = arith.andi %ne3A_1203, %ne3A_1198 : i1
        %add3A_1205 = arith.addi %rem3A_1196, %select_n3A_1195 : i32
        %select_n3A_1206 = arith.select %and3A_1204, %add3A_1205, %rem3A_1196 : i32
        %dma_wait3A_1207 = arith.constant 0 : i32
        %dma_wait3A_1208 = arith.constant 0 : i32
        %dma_wait3A_1209 = tpu.memref_slice %arg11[%select_n3A_1206, %dma_wait3A_1207, %dma_wait3A_1208] : memref<2x64x128xf32, #tpu.memory_space<vmem>> -> memref<1x64x128xf32, #tpu.memory_space<vmem>>
        %dma_wait3A_1210 = tpu.memref_squeeze %dma_wait3A_1209 : memref<1x64x128xf32, #tpu.memory_space<vmem>> -> memref<64x128xf32, #tpu.memory_space<vmem>>
        %dma_wait3A_1211 = arith.constant 0 : i32
        %dma_wait3A_1212 = tpu.memref_slice %arg9[%dma_wait3A_1211] : memref<3648xi32, #tpu.memory_space<vmem>> -> memref<64xi32, #tpu.memory_space<vmem>>
        %dma_wait3A_1213 = arith.constant 0 : i32
        %dma_wait3A_1214 = arith.constant 0 : i32
        %dma_wait3A_1215 = tpu.memref_slice %arg2[%dma_wait3A_1213, %dma_wait3A_1214] : memref<560000x128xf32, #tpu.memory_space<hbm>> -> memref<560000x128xf32, #tpu.memory_space<hbm>>
        tpu.wait_indirect_dma semaphore(%arg15 : memref<!tpu.dma_semaphore, #tpu.memory_space<semaphore_mem>>) src(%dma_wait3A_1215 : memref<560000x128xf32, #tpu.memory_space<hbm>>) dst(%dma_wait3A_1210 : memref<64x128xf32, #tpu.memory_space<vmem>>)
        %jit3A_1216 = arith.constant 2 : i32
        %eq3A_1217 = arith.constant 0 : i32
        %eq3A_1218 = arith.cmpi eq, %jit3A_1216, %eq3A_1217 : i32
        %jit3A_1219 = arith.constant 1 : i32
        %select_n3A_1220 = arith.select %eq3A_1218, %jit3A_1219, %jit3A_1216 : i32
        %rem3A_1221 = arith.remsi %while3A_1180, %select_n3A_1220 : i32
        %ne3A_1222 = arith.constant 0 : i32
        %ne3A_1223 = arith.cmpi ne, %rem3A_1221, %ne3A_1222 : i32
        %lt3A_1224 = arith.constant 0 : i32
        %lt3A_1225 = arith.cmpi slt, %rem3A_1221, %lt3A_1224 : i32
        %lt3A_1226 = arith.constant 0 : i32
        %lt3A_1227 = arith.cmpi slt, %select_n3A_1220, %lt3A_1226 : i32
        %ne3A_1228 = arith.xori %lt3A_1225, %lt3A_1227 : i1
        %and3A_1229 = arith.andi %ne3A_1228, %ne3A_1223 : i1
        %add3A_1230 = arith.addi %rem3A_1221, %select_n3A_1220 : i32
        %select_n3A_1231 = arith.select %and3A_1229, %add3A_1230, %rem3A_1221 : i32
        %dma_start3A_1232 = arith.constant 0 : i32
        %dma_start3A_1233 = arith.constant 0 : i32
        %dma_start3A_1234 = tpu.memref_slice %arg11[%select_n3A_1231, %dma_start3A_1232, %dma_start3A_1233] : memref<2x64x128xf32, #tpu.memory_space<vmem>> -> memref<1x64x128xf32, #tpu.memory_space<vmem>>
        %dma_start3A_1235 = tpu.memref_squeeze %dma_start3A_1234 : memref<1x64x128xf32, #tpu.memory_space<vmem>> -> memref<64x128xf32, #tpu.memory_space<vmem>>
        %dma_start3A_1236 = arith.constant 0 : i32
        %dma_start3A_1237 = tpu.memref_slice %arg10[%while3A_1180, %dma_start3A_1236] : memref<57x64xi32, #tpu.memory_space<vmem>> -> memref<1x64xi32, #tpu.memory_space<vmem>>
        %dma_start3A_1238 = tpu.memref_squeeze %dma_start3A_1237 : memref<1x64xi32, #tpu.memory_space<vmem>> -> memref<64xi32, #tpu.memory_space<vmem>>
        %dma_start3A_1239 = arith.constant 0 : i32
        %dma_start3A_1240 = arith.constant 0 : i32
        %dma_start3A_1241 = tpu.memref_slice %arg6[%dma_start3A_1239, %dma_start3A_1240] : memref<10128x128xf32, #tpu.memory_space<vmem_shared>> -> memref<10128x128xf32, #tpu.memory_space<vmem_shared>>
        tpu.enqueue_indirect_dma source(%dma_start3A_1235 : memref<64x128xf32, #tpu.memory_space<vmem>>) target(%dma_start3A_1241 : memref<10128x128xf32, #tpu.memory_space<vmem_shared>>) offsets(%dma_start3A_1238 : memref<64xi32, #tpu.memory_space<vmem>>) semaphore(%arg16 : memref<!tpu.dma_semaphore, #tpu.memory_space<semaphore_mem>>) {add = true}
      }
      %dma_wait3A_1168 = arith.constant 0 : i32
      %dma_wait3A_1169 = arith.constant 0 : i32
      %dma_wait3A_1170 = arith.constant 0 : i32
      %dma_wait3A_1171 = arith.constant 0 : i32
      %dma_wait3A_1172 = tpu.memref_slice %arg11[%dma_wait3A_1168, %dma_wait3A_1170, %dma_wait3A_1171] : memref<2x64x128xf32, #tpu.memory_space<vmem>> -> memref<1x64x128xf32, #tpu.memory_space<vmem>>
      %dma_wait3A_1173 = tpu.memref_squeeze %dma_wait3A_1172 : memref<1x64x128xf32, #tpu.memory_space<vmem>> -> memref<64x128xf32, #tpu.memory_space<vmem>>
      %dma_wait3A_1174 = arith.constant 0 : i32
      %dma_wait3A_1175 = tpu.memref_slice %arg10[%dma_wait3A_1169, %dma_wait3A_1174] : memref<57x64xi32, #tpu.memory_space<vmem>> -> memref<1x64xi32, #tpu.memory_space<vmem>>
      %dma_wait3A_1176 = tpu.memref_squeeze %dma_wait3A_1175 : memref<1x64xi32, #tpu.memory_space<vmem>> -> memref<64xi32, #tpu.memory_space<vmem>>
      %dma_wait3A_1177 = arith.constant 0 : i32
      %dma_wait3A_1178 = arith.constant 0 : i32
      %dma_wait3A_1179 = tpu.memref_slice %arg6[%dma_wait3A_1177, %dma_wait3A_1178] : memref<10128x128xf32, #tpu.memory_space<vmem_shared>> -> memref<10128x128xf32, #tpu.memory_space<vmem_shared>>
      tpu.wait_indirect_dma semaphore(%arg16 : memref<!tpu.dma_semaphore, #tpu.memory_space<semaphore_mem>>) src(%dma_wait3A_1173 : memref<64x128xf32, #tpu.memory_space<vmem>>) dst(%dma_wait3A_1179 : memref<10128x128xf32, #tpu.memory_space<vmem_shared>>)
    }
    %scan3A_501 = arith.constant 10 : i32
    %barrier3A_502 = arith.constant 0 : index
    tpu.barrier barrier_id(%barrier3A_502)
    %mul3A_503 = arith.constant 632 : i32
    %mul3A_504 = arith.muli %arg1, %mul3A_503 : i32
    %mul3A_505 = arith.constant 632 : i32
    %mul3A_506 = arith.muli %arg1, %mul3A_505 : i32
    %add3A_507 = arith.addi %mul3A_261, %mul3A_506 : i32
    "tpu.region"() ({
      %run_scoped3A = tpu.sem_alloc : memref<!tpu.dma_semaphore, #tpu.memory_space<semaphore_mem>>
      %dma_start3A_1015 = arith.constant 0 : i32
      %dma_start3A_1016 = tpu.memref_slice %arg5[%add3A_507, %dma_start3A_1015] : memref<80896x128xf32, #tpu.memory_space<hbm>> -> memref<632x128xf32, #tpu.memory_space<hbm>>
      %dma_start3A_1017 = arith.constant 0 : i32
      %dma_start3A_1018 = tpu.memref_slice %arg6[%mul3A_504, %dma_start3A_1017] : memref<10128x128xf32, #tpu.memory_space<vmem_shared>> -> memref<632x128xf32, #tpu.memory_space<vmem_shared>>
      tpu.enqueue_dma source(%dma_start3A_1018 : memref<632x128xf32, #tpu.memory_space<vmem_shared>>) target(%dma_start3A_1016 : memref<632x128xf32, #tpu.memory_space<hbm>>) target_semaphore(%run_scoped3A : memref<!tpu.dma_semaphore, #tpu.memory_space<semaphore_mem>>)
      %dma_wait3A_1019 = arith.constant 0 : i32
      %dma_wait3A_1020 = tpu.memref_slice %arg5[%add3A_507, %dma_wait3A_1019] : memref<80896x128xf32, #tpu.memory_space<hbm>> -> memref<632x128xf32, #tpu.memory_space<hbm>>
      %dma_wait3A_1021 = arith.constant 0 : i32
      %dma_wait3A_1022 = tpu.memref_slice %arg6[%mul3A_504, %dma_wait3A_1021] : memref<10128x128xf32, #tpu.memory_space<vmem_shared>> -> memref<632x128xf32, #tpu.memory_space<vmem_shared>>
      tpu.wait_dma2 semaphore(%run_scoped3A : memref<!tpu.dma_semaphore, #tpu.memory_space<semaphore_mem>>) src(%dma_wait3A_1022 : memref<632x128xf32, #tpu.memory_space<vmem_shared>>) dst(%dma_wait3A_1020 : memref<632x128xf32, #tpu.memory_space<hbm>>)
      tpu.yield
    }) : () -> ()
    %barrier3A_508 = arith.constant 0 : index
    tpu.barrier barrier_id(%barrier3A_508)
    %mul3A_509 = arith.constant 4 : i32
    %mul3A_510 = arith.muli %arg0, %mul3A_509 : i32
    %add3A_511 = arith.constant 2 : i32
    %add3A_512 = arith.addi %mul3A_510, %add3A_511 : i32
    %mul3A_513 = arith.constant 10112 : i32
    %mul3A_514 = arith.muli %add3A_512, %mul3A_513 : i32
    %broadcast_in_dim3A_515 = vector.broadcast %mul3A_514 : i32 to vector<16xi32>
    %add3A_516 = arith.addi %broadcast_in_dim3A_515, %broadcast_in_dim3A_0 : vector<16xi32>
    %mul3A_517 = arith.constant 632 : i32
    %mul3A_518 = arith.muli %arg1, %mul3A_517 : i32
    %add3A_519 = arith.constant 0 : i32
    %add3A_520 = arith.addi %mul3A_518, %add3A_519 : i32
    %dma_start3A_521 = arith.constant 0 : i32
    %dma_start3A_522 = tpu.memref_slice %arg6[%add3A_520, %dma_start3A_521] : memref<10128x128xf32, #tpu.memory_space<vmem_shared>> -> memref<56x128xf32, #tpu.memory_space<vmem_shared>>
    %dma_start3A_523 = arith.constant 0 : i32
    %dma_start3A_524 = tpu.memref_slice %arg6[%add3A_520, %dma_start3A_523] : memref<10128x128xf32, #tpu.memory_space<vmem_shared>> -> memref<56x128xf32, #tpu.memory_space<vmem_shared>>
    tpu.enqueue_dma source(%arg12 : memref<56x128xf32, #tpu.memory_space<vmem>>) target(%dma_start3A_524 : memref<56x128xf32, #tpu.memory_space<vmem_shared>>) target_semaphore(%arg17 : memref<!tpu.dma_semaphore, #tpu.memory_space<semaphore_mem>>)
    %mul3A_525 = arith.constant 632 : i32
    %mul3A_526 = arith.muli %arg1, %mul3A_525 : i32
    %add3A_527 = arith.constant 56 : i32
    %add3A_528 = arith.addi %mul3A_526, %add3A_527 : i32
    %dma_start3A_529 = arith.constant 0 : i32
    %dma_start3A_530 = tpu.memref_slice %arg6[%add3A_528, %dma_start3A_529] : memref<10128x128xf32, #tpu.memory_space<vmem_shared>> -> memref<56x128xf32, #tpu.memory_space<vmem_shared>>
    %dma_start3A_531 = arith.constant 0 : i32
    %dma_start3A_532 = tpu.memref_slice %arg6[%add3A_528, %dma_start3A_531] : memref<10128x128xf32, #tpu.memory_space<vmem_shared>> -> memref<56x128xf32, #tpu.memory_space<vmem_shared>>
    tpu.enqueue_dma source(%arg12 : memref<56x128xf32, #tpu.memory_space<vmem>>) target(%dma_start3A_532 : memref<56x128xf32, #tpu.memory_space<vmem_shared>>) target_semaphore(%arg17 : memref<!tpu.dma_semaphore, #tpu.memory_space<semaphore_mem>>)
    %mul3A_533 = arith.constant 632 : i32
    %mul3A_534 = arith.muli %arg1, %mul3A_533 : i32
    %add3A_535 = arith.constant 112 : i32
    %add3A_536 = arith.addi %mul3A_534, %add3A_535 : i32
    %dma_start3A_537 = arith.constant 0 : i32
    %dma_start3A_538 = tpu.memref_slice %arg6[%add3A_536, %dma_start3A_537] : memref<10128x128xf32, #tpu.memory_space<vmem_shared>> -> memref<56x128xf32, #tpu.memory_space<vmem_shared>>
    %dma_start3A_539 = arith.constant 0 : i32
    %dma_start3A_540 = tpu.memref_slice %arg6[%add3A_536, %dma_start3A_539] : memref<10128x128xf32, #tpu.memory_space<vmem_shared>> -> memref<56x128xf32, #tpu.memory_space<vmem_shared>>
    tpu.enqueue_dma source(%arg12 : memref<56x128xf32, #tpu.memory_space<vmem>>) target(%dma_start3A_540 : memref<56x128xf32, #tpu.memory_space<vmem_shared>>) target_semaphore(%arg17 : memref<!tpu.dma_semaphore, #tpu.memory_space<semaphore_mem>>)
    %mul3A_541 = arith.constant 632 : i32
    %mul3A_542 = arith.muli %arg1, %mul3A_541 : i32
    %add3A_543 = arith.constant 168 : i32
    %add3A_544 = arith.addi %mul3A_542, %add3A_543 : i32
    %dma_start3A_545 = arith.constant 0 : i32
    %dma_start3A_546 = tpu.memref_slice %arg6[%add3A_544, %dma_start3A_545] : memref<10128x128xf32, #tpu.memory_space<vmem_shared>> -> memref<56x128xf32, #tpu.memory_space<vmem_shared>>
    %dma_start3A_547 = arith.constant 0 : i32
    %dma_start3A_548 = tpu.memref_slice %arg6[%add3A_544, %dma_start3A_547] : memref<10128x128xf32, #tpu.memory_space<vmem_shared>> -> memref<56x128xf32, #tpu.memory_space<vmem_shared>>
    tpu.enqueue_dma source(%arg12 : memref<56x128xf32, #tpu.memory_space<vmem>>) target(%dma_start3A_548 : memref<56x128xf32, #tpu.memory_space<vmem_shared>>) target_semaphore(%arg17 : memref<!tpu.dma_semaphore, #tpu.memory_space<semaphore_mem>>)
    %mul3A_549 = arith.constant 632 : i32
    %mul3A_550 = arith.muli %arg1, %mul3A_549 : i32
    %add3A_551 = arith.constant 224 : i32
    %add3A_552 = arith.addi %mul3A_550, %add3A_551 : i32
    %dma_start3A_553 = arith.constant 0 : i32
    %dma_start3A_554 = tpu.memref_slice %arg6[%add3A_552, %dma_start3A_553] : memref<10128x128xf32, #tpu.memory_space<vmem_shared>> -> memref<56x128xf32, #tpu.memory_space<vmem_shared>>
    %dma_start3A_555 = arith.constant 0 : i32
    %dma_start3A_556 = tpu.memref_slice %arg6[%add3A_552, %dma_start3A_555] : memref<10128x128xf32, #tpu.memory_space<vmem_shared>> -> memref<56x128xf32, #tpu.memory_space<vmem_shared>>
    tpu.enqueue_dma source(%arg12 : memref<56x128xf32, #tpu.memory_space<vmem>>) target(%dma_start3A_556 : memref<56x128xf32, #tpu.memory_space<vmem_shared>>) target_semaphore(%arg17 : memref<!tpu.dma_semaphore, #tpu.memory_space<semaphore_mem>>)
    %mul3A_557 = arith.constant 632 : i32
    %mul3A_558 = arith.muli %arg1, %mul3A_557 : i32
    %add3A_559 = arith.constant 280 : i32
    %add3A_560 = arith.addi %mul3A_558, %add3A_559 : i32
    %dma_start3A_561 = arith.constant 0 : i32
    %dma_start3A_562 = tpu.memref_slice %arg6[%add3A_560, %dma_start3A_561] : memref<10128x128xf32, #tpu.memory_space<vmem_shared>> -> memref<56x128xf32, #tpu.memory_space<vmem_shared>>
    %dma_start3A_563 = arith.constant 0 : i32
    %dma_start3A_564 = tpu.memref_slice %arg6[%add3A_560, %dma_start3A_563] : memref<10128x128xf32, #tpu.memory_space<vmem_shared>> -> memref<56x128xf32, #tpu.memory_space<vmem_shared>>
    tpu.enqueue_dma source(%arg12 : memref<56x128xf32, #tpu.memory_space<vmem>>) target(%dma_start3A_564 : memref<56x128xf32, #tpu.memory_space<vmem_shared>>) target_semaphore(%arg17 : memref<!tpu.dma_semaphore, #tpu.memory_space<semaphore_mem>>)
    %mul3A_565 = arith.constant 632 : i32
    %mul3A_566 = arith.muli %arg1, %mul3A_565 : i32
    %add3A_567 = arith.constant 336 : i32
    %add3A_568 = arith.addi %mul3A_566, %add3A_567 : i32
    %dma_start3A_569 = arith.constant 0 : i32
    %dma_start3A_570 = tpu.memref_slice %arg6[%add3A_568, %dma_start3A_569] : memref<10128x128xf32, #tpu.memory_space<vmem_shared>> -> memref<56x128xf32, #tpu.memory_space<vmem_shared>>
    %dma_start3A_571 = arith.constant 0 : i32
    %dma_start3A_572 = tpu.memref_slice %arg6[%add3A_568, %dma_start3A_571] : memref<10128x128xf32, #tpu.memory_space<vmem_shared>> -> memref<56x128xf32, #tpu.memory_space<vmem_shared>>
    tpu.enqueue_dma source(%arg12 : memref<56x128xf32, #tpu.memory_space<vmem>>) target(%dma_start3A_572 : memref<56x128xf32, #tpu.memory_space<vmem_shared>>) target_semaphore(%arg17 : memref<!tpu.dma_semaphore, #tpu.memory_space<semaphore_mem>>)
    %mul3A_573 = arith.constant 632 : i32
    %mul3A_574 = arith.muli %arg1, %mul3A_573 : i32
    %add3A_575 = arith.constant 392 : i32
    %add3A_576 = arith.addi %mul3A_574, %add3A_575 : i32
    %dma_start3A_577 = arith.constant 0 : i32
    %dma_start3A_578 = tpu.memref_slice %arg6[%add3A_576, %dma_start3A_577] : memref<10128x128xf32, #tpu.memory_space<vmem_shared>> -> memref<56x128xf32, #tpu.memory_space<vmem_shared>>
    %dma_start3A_579 = arith.constant 0 : i32
    %dma_start3A_580 = tpu.memref_slice %arg6[%add3A_576, %dma_start3A_579] : memref<10128x128xf32, #tpu.memory_space<vmem_shared>> -> memref<56x128xf32, #tpu.memory_space<vmem_shared>>
    tpu.enqueue_dma source(%arg12 : memref<56x128xf32, #tpu.memory_space<vmem>>) target(%dma_start3A_580 : memref<56x128xf32, #tpu.memory_space<vmem_shared>>) target_semaphore(%arg17 : memref<!tpu.dma_semaphore, #tpu.memory_space<semaphore_mem>>)
    %mul3A_581 = arith.constant 632 : i32
    %mul3A_582 = arith.muli %arg1, %mul3A_581 : i32
    %add3A_583 = arith.constant 448 : i32
    %add3A_584 = arith.addi %mul3A_582, %add3A_583 : i32
    %dma_start3A_585 = arith.constant 0 : i32
    %dma_start3A_586 = tpu.memref_slice %arg6[%add3A_584, %dma_start3A_585] : memref<10128x128xf32, #tpu.memory_space<vmem_shared>> -> memref<56x128xf32, #tpu.memory_space<vmem_shared>>
    %dma_start3A_587 = arith.constant 0 : i32
    %dma_start3A_588 = tpu.memref_slice %arg6[%add3A_584, %dma_start3A_587] : memref<10128x128xf32, #tpu.memory_space<vmem_shared>> -> memref<56x128xf32, #tpu.memory_space<vmem_shared>>
    tpu.enqueue_dma source(%arg12 : memref<56x128xf32, #tpu.memory_space<vmem>>) target(%dma_start3A_588 : memref<56x128xf32, #tpu.memory_space<vmem_shared>>) target_semaphore(%arg17 : memref<!tpu.dma_semaphore, #tpu.memory_space<semaphore_mem>>)
    %mul3A_589 = arith.constant 632 : i32
    %mul3A_590 = arith.muli %arg1, %mul3A_589 : i32
    %add3A_591 = arith.constant 504 : i32
    %add3A_592 = arith.addi %mul3A_590, %add3A_591 : i32
    %dma_start3A_593 = arith.constant 0 : i32
    %dma_start3A_594 = tpu.memref_slice %arg6[%add3A_592, %dma_start3A_593] : memref<10128x128xf32, #tpu.memory_space<vmem_shared>> -> memref<56x128xf32, #tpu.memory_space<vmem_shared>>
    %dma_start3A_595 = arith.constant 0 : i32
    %dma_start3A_596 = tpu.memref_slice %arg6[%add3A_592, %dma_start3A_595] : memref<10128x128xf32, #tpu.memory_space<vmem_shared>> -> memref<56x128xf32, #tpu.memory_space<vmem_shared>>
    tpu.enqueue_dma source(%arg12 : memref<56x128xf32, #tpu.memory_space<vmem>>) target(%dma_start3A_596 : memref<56x128xf32, #tpu.memory_space<vmem_shared>>) target_semaphore(%arg17 : memref<!tpu.dma_semaphore, #tpu.memory_space<semaphore_mem>>)
    %mul3A_597 = arith.constant 632 : i32
    %mul3A_598 = arith.muli %arg1, %mul3A_597 : i32
    %add3A_599 = arith.constant 560 : i32
    %add3A_600 = arith.addi %mul3A_598, %add3A_599 : i32
    %dma_start3A_601 = arith.constant 0 : i32
    %dma_start3A_602 = tpu.memref_slice %arg6[%add3A_600, %dma_start3A_601] : memref<10128x128xf32, #tpu.memory_space<vmem_shared>> -> memref<56x128xf32, #tpu.memory_space<vmem_shared>>
    %dma_start3A_603 = arith.constant 0 : i32
    %dma_start3A_604 = tpu.memref_slice %arg6[%add3A_600, %dma_start3A_603] : memref<10128x128xf32, #tpu.memory_space<vmem_shared>> -> memref<56x128xf32, #tpu.memory_space<vmem_shared>>
    tpu.enqueue_dma source(%arg12 : memref<56x128xf32, #tpu.memory_space<vmem>>) target(%dma_start3A_604 : memref<56x128xf32, #tpu.memory_space<vmem_shared>>) target_semaphore(%arg17 : memref<!tpu.dma_semaphore, #tpu.memory_space<semaphore_mem>>)
    %mul3A_605 = arith.constant 632 : i32
    %mul3A_606 = arith.muli %arg1, %mul3A_605 : i32
    %add3A_607 = arith.constant 616 : i32
    %add3A_608 = arith.addi %mul3A_606, %add3A_607 : i32
    %dma_start3A_609 = arith.constant 0 : i32
    %dma_start3A_610 = arith.constant 0 : i32
    %dma_start3A_611 = tpu.memref_slice %arg12[%dma_start3A_609, %dma_start3A_610] : memref<56x128xf32, #tpu.memory_space<vmem>> -> memref<16x128xf32, #tpu.memory_space<vmem>>
    %dma_start3A_612 = arith.constant 0 : i32
    %dma_start3A_613 = tpu.memref_slice %arg6[%add3A_608, %dma_start3A_612] : memref<10128x128xf32, #tpu.memory_space<vmem_shared>> -> memref<16x128xf32, #tpu.memory_space<vmem_shared>>
    %dma_start3A_614 = arith.constant 0 : i32
    %dma_start3A_615 = tpu.memref_slice %arg6[%add3A_608, %dma_start3A_614] : memref<10128x128xf32, #tpu.memory_space<vmem_shared>> -> memref<16x128xf32, #tpu.memory_space<vmem_shared>>
    %dma_start3A_616 = arith.constant 0 : i32
    %dma_start3A_617 = arith.constant 0 : i32
    %dma_start3A_618 = tpu.memref_slice %arg12[%dma_start3A_616, %dma_start3A_617] : memref<56x128xf32, #tpu.memory_space<vmem>> -> memref<16x128xf32, #tpu.memory_space<vmem>>
    tpu.enqueue_dma source(%dma_start3A_618 : memref<16x128xf32, #tpu.memory_space<vmem>>) target(%dma_start3A_615 : memref<16x128xf32, #tpu.memory_space<vmem_shared>>) target_semaphore(%arg17 : memref<!tpu.dma_semaphore, #tpu.memory_space<semaphore_mem>>)
    %eq3A_619 = arith.constant 0 : i32
    %eq3A_620 = arith.cmpi eq, %arg1, %eq3A_619 : i32
    %convert_element_type3A_621 = arith.extui %eq3A_620 : i1 to i32
    %cond3A_622 = arith.constant 0 : i32
    %cond3A_623 = arith.cmpi ne, %convert_element_type3A_621, %cond3A_622 : i32
    scf.if %cond3A_623 {
      "tpu.region"() ({
        %run_scoped3A = tpu.sem_alloc : memref<!tpu.dma_semaphore, #tpu.memory_space<semaphore_mem>>
        %dma_start3A_1015 = arith.constant 0 : i32
        %dma_start3A_1016 = arith.constant 0 : i32
        %dma_start3A_1017 = tpu.memref_slice %arg12[%dma_start3A_1015, %dma_start3A_1016] : memref<56x128xf32, #tpu.memory_space<vmem>> -> memref<16x128xf32, #tpu.memory_space<vmem>>
        %dma_start3A_1018 = arith.constant 10112 : i32
        %dma_start3A_1019 = arith.constant 0 : i32
        %dma_start3A_1020 = tpu.memref_slice %arg6[%dma_start3A_1018, %dma_start3A_1019] : memref<10128x128xf32, #tpu.memory_space<vmem_shared>> -> memref<16x128xf32, #tpu.memory_space<vmem_shared>>
        %dma_start3A_1021 = arith.constant 10112 : i32
        %dma_start3A_1022 = arith.constant 0 : i32
        %dma_start3A_1023 = tpu.memref_slice %arg6[%dma_start3A_1021, %dma_start3A_1022] : memref<10128x128xf32, #tpu.memory_space<vmem_shared>> -> memref<16x128xf32, #tpu.memory_space<vmem_shared>>
        %dma_start3A_1024 = arith.constant 0 : i32
        %dma_start3A_1025 = arith.constant 0 : i32
        %dma_start3A_1026 = tpu.memref_slice %arg12[%dma_start3A_1024, %dma_start3A_1025] : memref<56x128xf32, #tpu.memory_space<vmem>> -> memref<16x128xf32, #tpu.memory_space<vmem>>
        tpu.enqueue_dma source(%dma_start3A_1026 : memref<16x128xf32, #tpu.memory_space<vmem>>) target(%dma_start3A_1023 : memref<16x128xf32, #tpu.memory_space<vmem_shared>>) target_semaphore(%run_scoped3A : memref<!tpu.dma_semaphore, #tpu.memory_space<semaphore_mem>>)
        %dma_wait3A_1027 = arith.constant 0 : i32
        %dma_wait3A_1028 = arith.constant 0 : i32
        %dma_wait3A_1029 = tpu.memref_slice %arg12[%dma_wait3A_1027, %dma_wait3A_1028] : memref<56x128xf32, #tpu.memory_space<vmem>> -> memref<16x128xf32, #tpu.memory_space<vmem>>
        %dma_wait3A_1030 = arith.constant 10112 : i32
        %dma_wait3A_1031 = arith.constant 0 : i32
        %dma_wait3A_1032 = tpu.memref_slice %arg6[%dma_wait3A_1030, %dma_wait3A_1031] : memref<10128x128xf32, #tpu.memory_space<vmem_shared>> -> memref<16x128xf32, #tpu.memory_space<vmem_shared>>
        %dma_wait3A_1033 = arith.constant 10112 : i32
        %dma_wait3A_1034 = arith.constant 0 : i32
        %dma_wait3A_1035 = tpu.memref_slice %arg6[%dma_wait3A_1033, %dma_wait3A_1034] : memref<10128x128xf32, #tpu.memory_space<vmem_shared>> -> memref<16x128xf32, #tpu.memory_space<vmem_shared>>
        %dma_wait3A_1036 = arith.constant 0 : i32
        %dma_wait3A_1037 = arith.constant 0 : i32
        %dma_wait3A_1038 = tpu.memref_slice %arg12[%dma_wait3A_1036, %dma_wait3A_1037] : memref<56x128xf32, #tpu.memory_space<vmem>> -> memref<16x128xf32, #tpu.memory_space<vmem>>
        tpu.wait_dma2 semaphore(%run_scoped3A : memref<!tpu.dma_semaphore, #tpu.memory_space<semaphore_mem>>) src(%dma_wait3A_1038 : memref<16x128xf32, #tpu.memory_space<vmem>>) dst(%dma_wait3A_1035 : memref<16x128xf32, #tpu.memory_space<vmem_shared>>)
        tpu.yield
      }) : () -> ()
    } else {
    }
    %mul3A_624 = arith.constant 632 : i32
    %mul3A_625 = arith.muli %arg1, %mul3A_624 : i32
    %add3A_626 = arith.constant 0 : i32
    %add3A_627 = arith.addi %mul3A_625, %add3A_626 : i32
    %dma_wait3A_628 = arith.constant 0 : i32
    %dma_wait3A_629 = tpu.memref_slice %arg6[%add3A_627, %dma_wait3A_628] : memref<10128x128xf32, #tpu.memory_space<vmem_shared>> -> memref<56x128xf32, #tpu.memory_space<vmem_shared>>
    %dma_wait3A_630 = arith.constant 0 : i32
    %dma_wait3A_631 = tpu.memref_slice %arg6[%add3A_627, %dma_wait3A_630] : memref<10128x128xf32, #tpu.memory_space<vmem_shared>> -> memref<56x128xf32, #tpu.memory_space<vmem_shared>>
    tpu.wait_dma2 semaphore(%arg17 : memref<!tpu.dma_semaphore, #tpu.memory_space<semaphore_mem>>) src(%arg12 : memref<56x128xf32, #tpu.memory_space<vmem>>) dst(%dma_wait3A_631 : memref<56x128xf32, #tpu.memory_space<vmem_shared>>)
    %mul3A_632 = arith.constant 632 : i32
    %mul3A_633 = arith.muli %arg1, %mul3A_632 : i32
    %add3A_634 = arith.constant 56 : i32
    %add3A_635 = arith.addi %mul3A_633, %add3A_634 : i32
    %dma_wait3A_636 = arith.constant 0 : i32
    %dma_wait3A_637 = tpu.memref_slice %arg6[%add3A_635, %dma_wait3A_636] : memref<10128x128xf32, #tpu.memory_space<vmem_shared>> -> memref<56x128xf32, #tpu.memory_space<vmem_shared>>
    %dma_wait3A_638 = arith.constant 0 : i32
    %dma_wait3A_639 = tpu.memref_slice %arg6[%add3A_635, %dma_wait3A_638] : memref<10128x128xf32, #tpu.memory_space<vmem_shared>> -> memref<56x128xf32, #tpu.memory_space<vmem_shared>>
    tpu.wait_dma2 semaphore(%arg17 : memref<!tpu.dma_semaphore, #tpu.memory_space<semaphore_mem>>) src(%arg12 : memref<56x128xf32, #tpu.memory_space<vmem>>) dst(%dma_wait3A_639 : memref<56x128xf32, #tpu.memory_space<vmem_shared>>)
    %mul3A_640 = arith.constant 632 : i32
    %mul3A_641 = arith.muli %arg1, %mul3A_640 : i32
    %add3A_642 = arith.constant 112 : i32
    %add3A_643 = arith.addi %mul3A_641, %add3A_642 : i32
    %dma_wait3A_644 = arith.constant 0 : i32
    %dma_wait3A_645 = tpu.memref_slice %arg6[%add3A_643, %dma_wait3A_644] : memref<10128x128xf32, #tpu.memory_space<vmem_shared>> -> memref<56x128xf32, #tpu.memory_space<vmem_shared>>
    %dma_wait3A_646 = arith.constant 0 : i32
    %dma_wait3A_647 = tpu.memref_slice %arg6[%add3A_643, %dma_wait3A_646] : memref<10128x128xf32, #tpu.memory_space<vmem_shared>> -> memref<56x128xf32, #tpu.memory_space<vmem_shared>>
    tpu.wait_dma2 semaphore(%arg17 : memref<!tpu.dma_semaphore, #tpu.memory_space<semaphore_mem>>) src(%arg12 : memref<56x128xf32, #tpu.memory_space<vmem>>) dst(%dma_wait3A_647 : memref<56x128xf32, #tpu.memory_space<vmem_shared>>)
    %mul3A_648 = arith.constant 632 : i32
    %mul3A_649 = arith.muli %arg1, %mul3A_648 : i32
    %add3A_650 = arith.constant 168 : i32
    %add3A_651 = arith.addi %mul3A_649, %add3A_650 : i32
    %dma_wait3A_652 = arith.constant 0 : i32
    %dma_wait3A_653 = tpu.memref_slice %arg6[%add3A_651, %dma_wait3A_652] : memref<10128x128xf32, #tpu.memory_space<vmem_shared>> -> memref<56x128xf32, #tpu.memory_space<vmem_shared>>
    %dma_wait3A_654 = arith.constant 0 : i32
    %dma_wait3A_655 = tpu.memref_slice %arg6[%add3A_651, %dma_wait3A_654] : memref<10128x128xf32, #tpu.memory_space<vmem_shared>> -> memref<56x128xf32, #tpu.memory_space<vmem_shared>>
    tpu.wait_dma2 semaphore(%arg17 : memref<!tpu.dma_semaphore, #tpu.memory_space<semaphore_mem>>) src(%arg12 : memref<56x128xf32, #tpu.memory_space<vmem>>) dst(%dma_wait3A_655 : memref<56x128xf32, #tpu.memory_space<vmem_shared>>)
    %mul3A_656 = arith.constant 632 : i32
    %mul3A_657 = arith.muli %arg1, %mul3A_656 : i32
    %add3A_658 = arith.constant 224 : i32
    %add3A_659 = arith.addi %mul3A_657, %add3A_658 : i32
    %dma_wait3A_660 = arith.constant 0 : i32
    %dma_wait3A_661 = tpu.memref_slice %arg6[%add3A_659, %dma_wait3A_660] : memref<10128x128xf32, #tpu.memory_space<vmem_shared>> -> memref<56x128xf32, #tpu.memory_space<vmem_shared>>
    %dma_wait3A_662 = arith.constant 0 : i32
    %dma_wait3A_663 = tpu.memref_slice %arg6[%add3A_659, %dma_wait3A_662] : memref<10128x128xf32, #tpu.memory_space<vmem_shared>> -> memref<56x128xf32, #tpu.memory_space<vmem_shared>>
    tpu.wait_dma2 semaphore(%arg17 : memref<!tpu.dma_semaphore, #tpu.memory_space<semaphore_mem>>) src(%arg12 : memref<56x128xf32, #tpu.memory_space<vmem>>) dst(%dma_wait3A_663 : memref<56x128xf32, #tpu.memory_space<vmem_shared>>)
    %mul3A_664 = arith.constant 632 : i32
    %mul3A_665 = arith.muli %arg1, %mul3A_664 : i32
    %add3A_666 = arith.constant 280 : i32
    %add3A_667 = arith.addi %mul3A_665, %add3A_666 : i32
    %dma_wait3A_668 = arith.constant 0 : i32
    %dma_wait3A_669 = tpu.memref_slice %arg6[%add3A_667, %dma_wait3A_668] : memref<10128x128xf32, #tpu.memory_space<vmem_shared>> -> memref<56x128xf32, #tpu.memory_space<vmem_shared>>
    %dma_wait3A_670 = arith.constant 0 : i32
    %dma_wait3A_671 = tpu.memref_slice %arg6[%add3A_667, %dma_wait3A_670] : memref<10128x128xf32, #tpu.memory_space<vmem_shared>> -> memref<56x128xf32, #tpu.memory_space<vmem_shared>>
    tpu.wait_dma2 semaphore(%arg17 : memref<!tpu.dma_semaphore, #tpu.memory_space<semaphore_mem>>) src(%arg12 : memref<56x128xf32, #tpu.memory_space<vmem>>) dst(%dma_wait3A_671 : memref<56x128xf32, #tpu.memory_space<vmem_shared>>)
    %mul3A_672 = arith.constant 632 : i32
    %mul3A_673 = arith.muli %arg1, %mul3A_672 : i32
    %add3A_674 = arith.constant 336 : i32
    %add3A_675 = arith.addi %mul3A_673, %add3A_674 : i32
    %dma_wait3A_676 = arith.constant 0 : i32
    %dma_wait3A_677 = tpu.memref_slice %arg6[%add3A_675, %dma_wait3A_676] : memref<10128x128xf32, #tpu.memory_space<vmem_shared>> -> memref<56x128xf32, #tpu.memory_space<vmem_shared>>
    %dma_wait3A_678 = arith.constant 0 : i32
    %dma_wait3A_679 = tpu.memref_slice %arg6[%add3A_675, %dma_wait3A_678] : memref<10128x128xf32, #tpu.memory_space<vmem_shared>> -> memref<56x128xf32, #tpu.memory_space<vmem_shared>>
    tpu.wait_dma2 semaphore(%arg17 : memref<!tpu.dma_semaphore, #tpu.memory_space<semaphore_mem>>) src(%arg12 : memref<56x128xf32, #tpu.memory_space<vmem>>) dst(%dma_wait3A_679 : memref<56x128xf32, #tpu.memory_space<vmem_shared>>)
    %mul3A_680 = arith.constant 632 : i32
    %mul3A_681 = arith.muli %arg1, %mul3A_680 : i32
    %add3A_682 = arith.constant 392 : i32
    %add3A_683 = arith.addi %mul3A_681, %add3A_682 : i32
    %dma_wait3A_684 = arith.constant 0 : i32
    %dma_wait3A_685 = tpu.memref_slice %arg6[%add3A_683, %dma_wait3A_684] : memref<10128x128xf32, #tpu.memory_space<vmem_shared>> -> memref<56x128xf32, #tpu.memory_space<vmem_shared>>
    %dma_wait3A_686 = arith.constant 0 : i32
    %dma_wait3A_687 = tpu.memref_slice %arg6[%add3A_683, %dma_wait3A_686] : memref<10128x128xf32, #tpu.memory_space<vmem_shared>> -> memref<56x128xf32, #tpu.memory_space<vmem_shared>>
    tpu.wait_dma2 semaphore(%arg17 : memref<!tpu.dma_semaphore, #tpu.memory_space<semaphore_mem>>) src(%arg12 : memref<56x128xf32, #tpu.memory_space<vmem>>) dst(%dma_wait3A_687 : memref<56x128xf32, #tpu.memory_space<vmem_shared>>)
    %mul3A_688 = arith.constant 632 : i32
    %mul3A_689 = arith.muli %arg1, %mul3A_688 : i32
    %add3A_690 = arith.constant 448 : i32
    %add3A_691 = arith.addi %mul3A_689, %add3A_690 : i32
    %dma_wait3A_692 = arith.constant 0 : i32
    %dma_wait3A_693 = tpu.memref_slice %arg6[%add3A_691, %dma_wait3A_692] : memref<10128x128xf32, #tpu.memory_space<vmem_shared>> -> memref<56x128xf32, #tpu.memory_space<vmem_shared>>
    %dma_wait3A_694 = arith.constant 0 : i32
    %dma_wait3A_695 = tpu.memref_slice %arg6[%add3A_691, %dma_wait3A_694] : memref<10128x128xf32, #tpu.memory_space<vmem_shared>> -> memref<56x128xf32, #tpu.memory_space<vmem_shared>>
    tpu.wait_dma2 semaphore(%arg17 : memref<!tpu.dma_semaphore, #tpu.memory_space<semaphore_mem>>) src(%arg12 : memref<56x128xf32, #tpu.memory_space<vmem>>) dst(%dma_wait3A_695 : memref<56x128xf32, #tpu.memory_space<vmem_shared>>)
    %mul3A_696 = arith.constant 632 : i32
    %mul3A_697 = arith.muli %arg1, %mul3A_696 : i32
    %add3A_698 = arith.constant 504 : i32
    %add3A_699 = arith.addi %mul3A_697, %add3A_698 : i32
    %dma_wait3A_700 = arith.constant 0 : i32
    %dma_wait3A_701 = tpu.memref_slice %arg6[%add3A_699, %dma_wait3A_700] : memref<10128x128xf32, #tpu.memory_space<vmem_shared>> -> memref<56x128xf32, #tpu.memory_space<vmem_shared>>
    %dma_wait3A_702 = arith.constant 0 : i32
    %dma_wait3A_703 = tpu.memref_slice %arg6[%add3A_699, %dma_wait3A_702] : memref<10128x128xf32, #tpu.memory_space<vmem_shared>> -> memref<56x128xf32, #tpu.memory_space<vmem_shared>>
    tpu.wait_dma2 semaphore(%arg17 : memref<!tpu.dma_semaphore, #tpu.memory_space<semaphore_mem>>) src(%arg12 : memref<56x128xf32, #tpu.memory_space<vmem>>) dst(%dma_wait3A_703 : memref<56x128xf32, #tpu.memory_space<vmem_shared>>)
    %mul3A_704 = arith.constant 632 : i32
    %mul3A_705 = arith.muli %arg1, %mul3A_704 : i32
    %add3A_706 = arith.constant 560 : i32
    %add3A_707 = arith.addi %mul3A_705, %add3A_706 : i32
    %dma_wait3A_708 = arith.constant 0 : i32
    %dma_wait3A_709 = tpu.memref_slice %arg6[%add3A_707, %dma_wait3A_708] : memref<10128x128xf32, #tpu.memory_space<vmem_shared>> -> memref<56x128xf32, #tpu.memory_space<vmem_shared>>
    %dma_wait3A_710 = arith.constant 0 : i32
    %dma_wait3A_711 = tpu.memref_slice %arg6[%add3A_707, %dma_wait3A_710] : memref<10128x128xf32, #tpu.memory_space<vmem_shared>> -> memref<56x128xf32, #tpu.memory_space<vmem_shared>>
    tpu.wait_dma2 semaphore(%arg17 : memref<!tpu.dma_semaphore, #tpu.memory_space<semaphore_mem>>) src(%arg12 : memref<56x128xf32, #tpu.memory_space<vmem>>) dst(%dma_wait3A_711 : memref<56x128xf32, #tpu.memory_space<vmem_shared>>)
    %mul3A_712 = arith.constant 632 : i32
    %mul3A_713 = arith.muli %arg1, %mul3A_712 : i32
    %add3A_714 = arith.constant 616 : i32
    %add3A_715 = arith.addi %mul3A_713, %add3A_714 : i32
    %dma_wait3A_716 = arith.constant 0 : i32
    %dma_wait3A_717 = arith.constant 0 : i32
    %dma_wait3A_718 = tpu.memref_slice %arg12[%dma_wait3A_716, %dma_wait3A_717] : memref<56x128xf32, #tpu.memory_space<vmem>> -> memref<16x128xf32, #tpu.memory_space<vmem>>
    %dma_wait3A_719 = arith.constant 0 : i32
    %dma_wait3A_720 = tpu.memref_slice %arg6[%add3A_715, %dma_wait3A_719] : memref<10128x128xf32, #tpu.memory_space<vmem_shared>> -> memref<16x128xf32, #tpu.memory_space<vmem_shared>>
    %dma_wait3A_721 = arith.constant 0 : i32
    %dma_wait3A_722 = tpu.memref_slice %arg6[%add3A_715, %dma_wait3A_721] : memref<10128x128xf32, #tpu.memory_space<vmem_shared>> -> memref<16x128xf32, #tpu.memory_space<vmem_shared>>
    %dma_wait3A_723 = arith.constant 0 : i32
    %dma_wait3A_724 = arith.constant 0 : i32
    %dma_wait3A_725 = tpu.memref_slice %arg12[%dma_wait3A_723, %dma_wait3A_724] : memref<56x128xf32, #tpu.memory_space<vmem>> -> memref<16x128xf32, #tpu.memory_space<vmem>>
    tpu.wait_dma2 semaphore(%arg17 : memref<!tpu.dma_semaphore, #tpu.memory_space<semaphore_mem>>) src(%dma_wait3A_725 : memref<16x128xf32, #tpu.memory_space<vmem>>) dst(%dma_wait3A_722 : memref<16x128xf32, #tpu.memory_space<vmem_shared>>)
    %barrier3A_726 = arith.constant 0 : index
    tpu.barrier barrier_id(%barrier3A_726)
    %mul3A_727 = arith.constant 35840 : i32
    %mul3A_728 = arith.muli %arg1, %mul3A_727 : i32
    %add3A_729 = arith.constant 0 : i32
    %add3A_730 = arith.addi %mul3A_728, %add3A_729 : i32
    %dma_start3A_731 = arith.constant 0 : i32
    %dma_start3A_732 = arith.constant 0 : i32
    %dma_start3A_733 = tpu.memref_slice %arg7[%dma_start3A_731, %dma_start3A_732] : memref<2x3584xi32, #tpu.memory_space<vmem>> -> memref<1x3584xi32, #tpu.memory_space<vmem>>
    %dma_start3A_734 = tpu.memref_squeeze %dma_start3A_733 : memref<1x3584xi32, #tpu.memory_space<vmem>> -> memref<3584xi32, #tpu.memory_space<vmem>>
    %dma_start3A_735 = tpu.memref_slice %arg3[%add3A_730] : memref<573440xi32, #tpu.memory_space<hbm>> -> memref<3584xi32, #tpu.memory_space<hbm>>
    %dma_start3A_736 = arith.constant 0 : i32
    %dma_start3A_737 = tpu.memref_slice %arg7[%dma_start3A_731, %dma_start3A_736] : memref<2x3584xi32, #tpu.memory_space<vmem>> -> memref<1x3584xi32, #tpu.memory_space<vmem>>
    %dma_start3A_738 = tpu.memref_squeeze %dma_start3A_737 : memref<1x3584xi32, #tpu.memory_space<vmem>> -> memref<3584xi32, #tpu.memory_space<vmem>>
    %dma_start3A_739 = tpu.memref_slice %arg3[%add3A_730] : memref<573440xi32, #tpu.memory_space<hbm>> -> memref<3584xi32, #tpu.memory_space<hbm>>
    tpu.enqueue_dma source(%dma_start3A_739 : memref<3584xi32, #tpu.memory_space<hbm>>) target(%dma_start3A_738 : memref<3584xi32, #tpu.memory_space<vmem>>) target_semaphore(%arg14 : memref<!tpu.dma_semaphore, #tpu.memory_space<semaphore_mem>>)
    %dma_start3A_740 = arith.constant 0 : i32
    %dma_start3A_741 = arith.constant 0 : i32
    %dma_start3A_742 = tpu.memref_slice %arg8[%dma_start3A_740, %dma_start3A_741] : memref<2x3584xi32, #tpu.memory_space<vmem>> -> memref<1x3584xi32, #tpu.memory_space<vmem>>
    %dma_start3A_743 = tpu.memref_squeeze %dma_start3A_742 : memref<1x3584xi32, #tpu.memory_space<vmem>> -> memref<3584xi32, #tpu.memory_space<vmem>>
    %dma_start3A_744 = tpu.memref_slice %arg4[%add3A_730] : memref<573440xi32, #tpu.memory_space<hbm>> -> memref<3584xi32, #tpu.memory_space<hbm>>
    %dma_start3A_745 = arith.constant 0 : i32
    %dma_start3A_746 = tpu.memref_slice %arg8[%dma_start3A_740, %dma_start3A_745] : memref<2x3584xi32, #tpu.memory_space<vmem>> -> memref<1x3584xi32, #tpu.memory_space<vmem>>
    %dma_start3A_747 = tpu.memref_squeeze %dma_start3A_746 : memref<1x3584xi32, #tpu.memory_space<vmem>> -> memref<3584xi32, #tpu.memory_space<vmem>>
    %dma_start3A_748 = tpu.memref_slice %arg4[%add3A_730] : memref<573440xi32, #tpu.memory_space<hbm>> -> memref<3584xi32, #tpu.memory_space<hbm>>
    tpu.enqueue_dma source(%dma_start3A_748 : memref<3584xi32, #tpu.memory_space<hbm>>) target(%dma_start3A_747 : memref<3584xi32, #tpu.memory_space<vmem>>) target_semaphore(%arg14 : memref<!tpu.dma_semaphore, #tpu.memory_space<semaphore_mem>>)
    %scan3A_749 = arith.constant 0 : i32
    %scan3A_750 = arith.constant 0 : i32
    %scan3A_751 = arith.constant 10 : i32
    %scan3A_752 = arith.addi %scan3A_750, %scan3A_751 : i32
    %scan3A_753 = arith.constant 1 : i32
    scf.for %scan3A_1015 = %scan3A_750 to %scan3A_752 step %scan3A_753  : i32 {
      %jit3A = arith.constant 2 : i32
      %eq3A_1016 = arith.constant 0 : i32
      %eq3A_1017 = arith.cmpi eq, %jit3A, %eq3A_1016 : i32
      %jit3A_1018 = arith.constant 1 : i32
      %select_n3A = arith.select %eq3A_1017, %jit3A_1018, %jit3A : i32
      %rem3A = arith.remsi %scan3A_1015, %select_n3A : i32
      %ne3A = arith.constant 0 : i32
      %ne3A_1019 = arith.cmpi ne, %rem3A, %ne3A : i32
      %lt3A = arith.constant 0 : i32
      %lt3A_1020 = arith.cmpi slt, %rem3A, %lt3A : i32
      %lt3A_1021 = arith.constant 0 : i32
      %lt3A_1022 = arith.cmpi slt, %select_n3A, %lt3A_1021 : i32
      %ne3A_1023 = arith.xori %lt3A_1020, %lt3A_1022 : i1
      %and3A = arith.andi %ne3A_1023, %ne3A_1019 : i1
      %add3A_1024 = arith.addi %rem3A, %select_n3A : i32
      %select_n3A_1025 = arith.select %and3A, %add3A_1024, %rem3A : i32
      %add3A_1026 = arith.constant 1 : i32
      %add3A_1027 = arith.addi %scan3A_1015, %add3A_1026 : i32
      %lt3A_1028 = arith.constant 10 : i32
      %lt3A_1029 = arith.cmpi slt, %add3A_1027, %lt3A_1028 : i32
      %convert_element_type3A_1030 = arith.extui %lt3A_1029 : i1 to i32
      %cond3A_1031 = arith.constant 0 : i32
      %cond3A_1032 = arith.cmpi ne, %convert_element_type3A_1030, %cond3A_1031 : i32
      scf.if %cond3A_1032 {
        %add3A_1180 = arith.constant 1 : i32
        %add3A_1181 = arith.addi %scan3A_1015, %add3A_1180 : i32
        %sub3A_1182 = arith.constant 1 : i32
        %sub3A_1183 = arith.subi %sub3A_1182, %select_n3A_1025 : i32
        %mul3A_1184 = arith.constant 35840 : i32
        %mul3A_1185 = arith.muli %arg1, %mul3A_1184 : i32
        %mul3A_1186 = arith.constant 3584 : i32
        %mul3A_1187 = arith.muli %add3A_1181, %mul3A_1186 : i32
        %add3A_1188 = arith.addi %mul3A_1185, %mul3A_1187 : i32
        %dma_start3A_1189 = arith.constant 0 : i32
        %dma_start3A_1190 = tpu.memref_slice %arg7[%sub3A_1183, %dma_start3A_1189] : memref<2x3584xi32, #tpu.memory_space<vmem>> -> memref<1x3584xi32, #tpu.memory_space<vmem>>
        %dma_start3A_1191 = tpu.memref_squeeze %dma_start3A_1190 : memref<1x3584xi32, #tpu.memory_space<vmem>> -> memref<3584xi32, #tpu.memory_space<vmem>>
        %dma_start3A_1192 = tpu.memref_slice %arg3[%add3A_1188] : memref<573440xi32, #tpu.memory_space<hbm>> -> memref<3584xi32, #tpu.memory_space<hbm>>
        %dma_start3A_1193 = arith.constant 0 : i32
        %dma_start3A_1194 = tpu.memref_slice %arg7[%sub3A_1183, %dma_start3A_1193] : memref<2x3584xi32, #tpu.memory_space<vmem>> -> memref<1x3584xi32, #tpu.memory_space<vmem>>
        %dma_start3A_1195 = tpu.memref_squeeze %dma_start3A_1194 : memref<1x3584xi32, #tpu.memory_space<vmem>> -> memref<3584xi32, #tpu.memory_space<vmem>>
        %dma_start3A_1196 = tpu.memref_slice %arg3[%add3A_1188] : memref<573440xi32, #tpu.memory_space<hbm>> -> memref<3584xi32, #tpu.memory_space<hbm>>
        tpu.enqueue_dma source(%dma_start3A_1196 : memref<3584xi32, #tpu.memory_space<hbm>>) target(%dma_start3A_1195 : memref<3584xi32, #tpu.memory_space<vmem>>) target_semaphore(%arg14 : memref<!tpu.dma_semaphore, #tpu.memory_space<semaphore_mem>>)
        %dma_start3A_1197 = arith.constant 0 : i32
        %dma_start3A_1198 = tpu.memref_slice %arg8[%sub3A_1183, %dma_start3A_1197] : memref<2x3584xi32, #tpu.memory_space<vmem>> -> memref<1x3584xi32, #tpu.memory_space<vmem>>
        %dma_start3A_1199 = tpu.memref_squeeze %dma_start3A_1198 : memref<1x3584xi32, #tpu.memory_space<vmem>> -> memref<3584xi32, #tpu.memory_space<vmem>>
        %dma_start3A_1200 = tpu.memref_slice %arg4[%add3A_1188] : memref<573440xi32, #tpu.memory_space<hbm>> -> memref<3584xi32, #tpu.memory_space<hbm>>
        %dma_start3A_1201 = arith.constant 0 : i32
        %dma_start3A_1202 = tpu.memref_slice %arg8[%sub3A_1183, %dma_start3A_1201] : memref<2x3584xi32, #tpu.memory_space<vmem>> -> memref<1x3584xi32, #tpu.memory_space<vmem>>
        %dma_start3A_1203 = tpu.memref_squeeze %dma_start3A_1202 : memref<1x3584xi32, #tpu.memory_space<vmem>> -> memref<3584xi32, #tpu.memory_space<vmem>>
        %dma_start3A_1204 = tpu.memref_slice %arg4[%add3A_1188] : memref<573440xi32, #tpu.memory_space<hbm>> -> memref<3584xi32, #tpu.memory_space<hbm>>
        tpu.enqueue_dma source(%dma_start3A_1204 : memref<3584xi32, #tpu.memory_space<hbm>>) target(%dma_start3A_1203 : memref<3584xi32, #tpu.memory_space<vmem>>) target_semaphore(%arg14 : memref<!tpu.dma_semaphore, #tpu.memory_space<semaphore_mem>>)
      } else {
      }
      %dma_wait3A_1033 = arith.constant 0 : i32
      %dma_wait3A_1034 = tpu.memref_slice %arg7[%select_n3A_1025, %dma_wait3A_1033] : memref<2x3584xi32, #tpu.memory_space<vmem>> -> memref<1x3584xi32, #tpu.memory_space<vmem>>
      %dma_wait3A_1035 = tpu.memref_squeeze %dma_wait3A_1034 : memref<1x3584xi32, #tpu.memory_space<vmem>> -> memref<3584xi32, #tpu.memory_space<vmem>>
      %dma_wait3A_1036 = arith.constant 0 : i32
      %dma_wait3A_1037 = tpu.memref_slice %arg3[%dma_wait3A_1036] : memref<573440xi32, #tpu.memory_space<hbm>> -> memref<3584xi32, #tpu.memory_space<hbm>>
      %dma_wait3A_1038 = arith.constant 0 : i32
      %dma_wait3A_1039 = tpu.memref_slice %arg7[%select_n3A_1025, %dma_wait3A_1038] : memref<2x3584xi32, #tpu.memory_space<vmem>> -> memref<1x3584xi32, #tpu.memory_space<vmem>>
      %dma_wait3A_1040 = tpu.memref_squeeze %dma_wait3A_1039 : memref<1x3584xi32, #tpu.memory_space<vmem>> -> memref<3584xi32, #tpu.memory_space<vmem>>
      %dma_wait3A_1041 = arith.constant 0 : i32
      %dma_wait3A_1042 = tpu.memref_slice %arg3[%dma_wait3A_1041] : memref<573440xi32, #tpu.memory_space<hbm>> -> memref<3584xi32, #tpu.memory_space<hbm>>
      tpu.wait_dma2 semaphore(%arg14 : memref<!tpu.dma_semaphore, #tpu.memory_space<semaphore_mem>>) src(%dma_wait3A_1042 : memref<3584xi32, #tpu.memory_space<hbm>>) dst(%dma_wait3A_1040 : memref<3584xi32, #tpu.memory_space<vmem>>)
      %dma_wait3A_1043 = arith.constant 0 : i32
      %dma_wait3A_1044 = tpu.memref_slice %arg8[%select_n3A_1025, %dma_wait3A_1043] : memref<2x3584xi32, #tpu.memory_space<vmem>> -> memref<1x3584xi32, #tpu.memory_space<vmem>>
      %dma_wait3A_1045 = tpu.memref_squeeze %dma_wait3A_1044 : memref<1x3584xi32, #tpu.memory_space<vmem>> -> memref<3584xi32, #tpu.memory_space<vmem>>
      %dma_wait3A_1046 = arith.constant 0 : i32
      %dma_wait3A_1047 = tpu.memref_slice %arg4[%dma_wait3A_1046] : memref<573440xi32, #tpu.memory_space<hbm>> -> memref<3584xi32, #tpu.memory_space<hbm>>
      %dma_wait3A_1048 = arith.constant 0 : i32
      %dma_wait3A_1049 = tpu.memref_slice %arg8[%select_n3A_1025, %dma_wait3A_1048] : memref<2x3584xi32, #tpu.memory_space<vmem>> -> memref<1x3584xi32, #tpu.memory_space<vmem>>
      %dma_wait3A_1050 = tpu.memref_squeeze %dma_wait3A_1049 : memref<1x3584xi32, #tpu.memory_space<vmem>> -> memref<3584xi32, #tpu.memory_space<vmem>>
      %dma_wait3A_1051 = arith.constant 0 : i32
      %dma_wait3A_1052 = tpu.memref_slice %arg4[%dma_wait3A_1051] : memref<573440xi32, #tpu.memory_space<hbm>> -> memref<3584xi32, #tpu.memory_space<hbm>>
      tpu.wait_dma2 semaphore(%arg14 : memref<!tpu.dma_semaphore, #tpu.memory_space<semaphore_mem>>) src(%dma_wait3A_1052 : memref<3584xi32, #tpu.memory_space<hbm>>) dst(%dma_wait3A_1050 : memref<3584xi32, #tpu.memory_space<vmem>>)
      %scan3A_1053 = arith.constant 0 : i32
      %scan3A_1054 = arith.constant 0 : i32
      %scan3A_1055 = arith.constant 14 : i32
      %scan3A_1056 = arith.addi %scan3A_1054, %scan3A_1055 : i32
      %scan3A_1057 = arith.constant 1 : i32
      %scan3A_1058 = scf.for %scan3A_1180 = %scan3A_1054 to %scan3A_1056 step %scan3A_1057 iter_args(%scan3A_1181 = %scan3A_1053) -> (i32)  : i32 {
        %mul3A_1182 = arith.constant 16 : i32
        %mul3A_1183 = arith.muli %scan3A_1180, %mul3A_1182 : i32
        %get3A = arith.index_cast %mul3A_1183 : i32 to index
        %get3A_1184 = tpu.vector_load %arg13[%get3A] {strides = array<i32>} : memref<224xi32, #tpu.memory_space<vmem>>, vector<16xi32>,
        %broadcast_in_dim3A_1185 = arith.constant true
        %broadcast_in_dim3A_1186 = vector.broadcast %broadcast_in_dim3A_1185 : i1 to vector<16xi1>
        %masked_cumsum3A = tpu.scan <sum>, %get3A_1184 masked %broadcast_in_dim3A_1186 : vector<16xi32>, vector<16xi1> -> vector<16xi32>
        %broadcast_in_dim3A_1187 = vector.broadcast %scan3A_1181 : i32 to vector<16xi32>
        %add3A_1188 = arith.addi %broadcast_in_dim3A_1187, %masked_cumsum3A : vector<16xi32>
        %sub3A_1189 = arith.subi %add3A_1188, %get3A_1184 : vector<16xi32>
        %mul3A_1190 = arith.constant 16 : i32
        %mul3A_1191 = arith.muli %scan3A_1180, %mul3A_1190 : i32
        %swap3A = arith.index_cast %mul3A_1191 : i32 to index
        %swap3A_1192 = tpu.vector_load %arg13[%swap3A] {strides = array<i32>} : memref<224xi32, #tpu.memory_space<vmem>>, vector<16xi32>,
        tpu.vector_store %arg13[%swap3A], %sub3A_1189 {strides = array<i32>} : memref<224xi32, #tpu.memory_space<vmem>>, vector<16xi32>,
        %slice3A = vector.extract_strided_slice %masked_cumsum3A {offsets = [15], sizes = [1], strides = [1]} : vector<16xi32> to vector<1xi32>
        %squeeze3A = vector.extract %slice3A[0] : i32 from vector<1xi32>
        %add3A_1193 = arith.addi %scan3A_1181, %squeeze3A : i32
        scf.yield %add3A_1193 : i32
      }
      %scan3A_1059 = arith.constant 14 : i32
      %broadcast_in_dim3A_1060 = vector.broadcast %scan3A_1058 : i32 to vector<16xi32>
      %mul3A_1061 = arith.constant 128 : i32
      %mul3A_1062 = arith.muli %scan3A_1015, %mul3A_1061 : i32
      %broadcast_in_dim3A_1063 = vector.broadcast %mul3A_1062 : i32 to vector<16xi32>
      %add3A_1064 = arith.constant 0 : i32
      %add3A_1065 = vector.broadcast %add3A_1064 : i32 to vector<16xi32>
      %add3A_1066 = arith.addi %iota3A, %add3A_1065 : vector<16xi32>
      %add3A_1067 = arith.addi %broadcast_in_dim3A_1060, %add3A_1066 : vector<16xi32>
      %add3A_1068 = arith.addi %broadcast_in_dim3A_3, %broadcast_in_dim3A_1063 : vector<16xi32>
      %add3A_1069 = arith.constant 0 : i32
      %add3A_1070 = vector.broadcast %add3A_1069 : i32 to vector<16xi32>
      %add3A_1071 = arith.addi %iota3A, %add3A_1070 : vector<16xi32>
      %add3A_1072 = arith.addi %add3A_1068, %add3A_1071 : vector<16xi32>
      tpu.vector_store_idx %arg9[%add3A_1067], %add3A_1072 : memref<3648xi32, #tpu.memory_space<vmem>>[vector<16xi32>], vector<16xi32>,
      %shift_right_logical3A = arith.constant 6 : i32
      %shift_right_logical3A_1073 = vector.broadcast %shift_right_logical3A : i32 to vector<16xi32>
      %shift_right_logical3A_1074 = arith.shrui %add3A_1067, %shift_right_logical3A_1073 : vector<16xi32>
      %and3A_1075 = arith.constant 63 : i32
      %and3A_1076 = vector.broadcast %and3A_1075 : i32 to vector<16xi32>
      %and3A_1077 = arith.andi %add3A_1067, %and3A_1076 : vector<16xi32>
      tpu.vector_store_idx %arg10[%shift_right_logical3A_1074, %and3A_1077], %add3A : memref<57x64xi32, #tpu.memory_space<vmem>>[vector<16xi32>, vector<16xi32>], vector<16xi32>,
      %add3A_1078 = arith.constant 16 : i32
      %add3A_1079 = vector.broadcast %add3A_1078 : i32 to vector<16xi32>
      %add3A_1080 = arith.addi %iota3A, %add3A_1079 : vector<16xi32>
      %add3A_1081 = arith.addi %broadcast_in_dim3A_1060, %add3A_1080 : vector<16xi32>
      %add3A_1082 = arith.addi %broadcast_in_dim3A_3, %broadcast_in_dim3A_1063 : vector<16xi32>
      %add3A_1083 = arith.constant 16 : i32
      %add3A_1084 = vector.broadcast %add3A_1083 : i32 to vector<16xi32>
      %add3A_1085 = arith.addi %iota3A, %add3A_1084 : vector<16xi32>
      %add3A_1086 = arith.addi %add3A_1082, %add3A_1085 : vector<16xi32>
      tpu.vector_store_idx %arg9[%add3A_1081], %add3A_1086 : memref<3648xi32, #tpu.memory_space<vmem>>[vector<16xi32>], vector<16xi32>,
      %shift_right_logical3A_1087 = arith.constant 6 : i32
      %shift_right_logical3A_1088 = vector.broadcast %shift_right_logical3A_1087 : i32 to vector<16xi32>
      %shift_right_logical3A_1089 = arith.shrui %add3A_1081, %shift_right_logical3A_1088 : vector<16xi32>
      %and3A_1090 = arith.constant 63 : i32
      %and3A_1091 = vector.broadcast %and3A_1090 : i32 to vector<16xi32>
      %and3A_1092 = arith.andi %add3A_1081, %and3A_1091 : vector<16xi32>
      tpu.vector_store_idx %arg10[%shift_right_logical3A_1089, %and3A_1092], %add3A : memref<57x64xi32, #tpu.memory_space<vmem>>[vector<16xi32>, vector<16xi32>], vector<16xi32>,
      %add3A_1093 = arith.constant 32 : i32
      %add3A_1094 = vector.broadcast %add3A_1093 : i32 to vector<16xi32>
      %add3A_1095 = arith.addi %iota3A, %add3A_1094 : vector<16xi32>
      %add3A_1096 = arith.addi %broadcast_in_dim3A_1060, %add3A_1095 : vector<16xi32>
      %add3A_1097 = arith.addi %broadcast_in_dim3A_3, %broadcast_in_dim3A_1063 : vector<16xi32>
      %add3A_1098 = arith.constant 32 : i32
      %add3A_1099 = vector.broadcast %add3A_1098 : i32 to vector<16xi32>
      %add3A_1100 = arith.addi %iota3A, %add3A_1099 : vector<16xi32>
      %add3A_1101 = arith.addi %add3A_1097, %add3A_1100 : vector<16xi32>
      tpu.vector_store_idx %arg9[%add3A_1096], %add3A_1101 : memref<3648xi32, #tpu.memory_space<vmem>>[vector<16xi32>], vector<16xi32>,
      %shift_right_logical3A_1102 = arith.constant 6 : i32
      %shift_right_logical3A_1103 = vector.broadcast %shift_right_logical3A_1102 : i32 to vector<16xi32>
      %shift_right_logical3A_1104 = arith.shrui %add3A_1096, %shift_right_logical3A_1103 : vector<16xi32>
      %and3A_1105 = arith.constant 63 : i32
      %and3A_1106 = vector.broadcast %and3A_1105 : i32 to vector<16xi32>
      %and3A_1107 = arith.andi %add3A_1096, %and3A_1106 : vector<16xi32>
      tpu.vector_store_idx %arg10[%shift_right_logical3A_1104, %and3A_1107], %add3A : memref<57x64xi32, #tpu.memory_space<vmem>>[vector<16xi32>, vector<16xi32>], vector<16xi32>,
      %add3A_1108 = arith.constant 48 : i32
      %add3A_1109 = vector.broadcast %add3A_1108 : i32 to vector<16xi32>
      %add3A_1110 = arith.addi %iota3A, %add3A_1109 : vector<16xi32>
      %add3A_1111 = arith.addi %broadcast_in_dim3A_1060, %add3A_1110 : vector<16xi32>
      %add3A_1112 = arith.addi %broadcast_in_dim3A_3, %broadcast_in_dim3A_1063 : vector<16xi32>
      %add3A_1113 = arith.constant 48 : i32
      %add3A_1114 = vector.broadcast %add3A_1113 : i32 to vector<16xi32>
      %add3A_1115 = arith.addi %iota3A, %add3A_1114 : vector<16xi32>
      %add3A_1116 = arith.addi %add3A_1112, %add3A_1115 : vector<16xi32>
      tpu.vector_store_idx %arg9[%add3A_1111], %add3A_1116 : memref<3648xi32, #tpu.memory_space<vmem>>[vector<16xi32>], vector<16xi32>,
      %shift_right_logical3A_1117 = arith.constant 6 : i32
      %shift_right_logical3A_1118 = vector.broadcast %shift_right_logical3A_1117 : i32 to vector<16xi32>
      %shift_right_logical3A_1119 = arith.shrui %add3A_1111, %shift_right_logical3A_1118 : vector<16xi32>
      %and3A_1120 = arith.constant 63 : i32
      %and3A_1121 = vector.broadcast %and3A_1120 : i32 to vector<16xi32>
      %and3A_1122 = arith.andi %add3A_1111, %and3A_1121 : vector<16xi32>
      tpu.vector_store_idx %arg10[%shift_right_logical3A_1119, %and3A_1122], %add3A : memref<57x64xi32, #tpu.memory_space<vmem>>[vector<16xi32>, vector<16xi32>], vector<16xi32>,
      %add3A_1123 = arith.constant 64 : i32
      %add3A_1124 = arith.addi %scan3A_1058, %add3A_1123 : i32
      %sub3A = arith.constant 1 : i32
      %sub3A_1125 = arith.subi %add3A_1124, %sub3A : i32
      %jit3A_1126 = arith.constant 64 : i32
      %div3A = arith.divsi %sub3A_1125, %jit3A_1126 : i32
      %sign3A = arith.constant 0 : i32
      %sign3A_1127 = arith.cmpi sgt, %sub3A_1125, %sign3A : i32
      %sign3A_1128 = arith.extui %sign3A_1127 : i1 to i32
      %sign3A_1129 = arith.constant 0 : i32
      %sign3A_1130 = arith.cmpi slt, %sub3A_1125, %sign3A_1129 : i32
      %sign3A_1131 = arith.extui %sign3A_1130 : i1 to i32
      %sign3A_1132 = arith.subi %sign3A_1128, %sign3A_1131 : i32
      %sign3A_1133 = arith.constant 0 : i32
      %sign3A_1134 = arith.cmpi sgt, %jit3A_1126, %sign3A_1133 : i32
      %sign3A_1135 = arith.extui %sign3A_1134 : i1 to i32
      %sign3A_1136 = arith.constant 0 : i32
      %sign3A_1137 = arith.cmpi slt, %jit3A_1126, %sign3A_1136 : i32
      %sign3A_1138 = arith.extui %sign3A_1137 : i1 to i32
      %sign3A_1139 = arith.subi %sign3A_1135, %sign3A_1138 : i32
      %ne3A_1140 = arith.cmpi ne, %sign3A_1132, %sign3A_1139 : i32
      %rem3A_1141 = arith.remsi %sub3A_1125, %jit3A_1126 : i32
      %ne3A_1142 = arith.constant 0 : i32
      %ne3A_1143 = arith.cmpi ne, %rem3A_1141, %ne3A_1142 : i32
      %and3A_1144 = arith.andi %ne3A_1140, %ne3A_1143 : i1
      %sub3A_1145 = arith.constant 1 : i32
      %sub3A_1146 = arith.subi %div3A, %sub3A_1145 : i32
      %select_n3A_1147 = arith.select %and3A_1144, %sub3A_1146, %div3A : i32
      %max3A = arith.constant 1 : i32
      %max3A_1148 = arith.maxsi %select_n3A_1147, %max3A : i32
      %dma_start3A_1149 = arith.constant 0 : i32
      %dma_start3A_1150 = arith.constant 0 : i32
      %dma_start3A_1151 = arith.constant 0 : i32
      %dma_start3A_1152 = tpu.memref_slice %arg11[%dma_start3A_1149, %dma_start3A_1150, %dma_start3A_1151] : memref<2x64x128xf32, #tpu.memory_space<vmem>> -> memref<1x64x128xf32, #tpu.memory_space<vmem>>
      %dma_start3A_1153 = tpu.memref_squeeze %dma_start3A_1152 : memref<1x64x128xf32, #tpu.memory_space<vmem>> -> memref<64x128xf32, #tpu.memory_space<vmem>>
      %dma_start3A_1154 = arith.constant 0 : i32
      %dma_start3A_1155 = tpu.memref_slice %arg9[%dma_start3A_1154] : memref<3648xi32, #tpu.memory_space<vmem>> -> memref<64xi32, #tpu.memory_space<vmem>>
      %dma_start3A_1156 = arith.constant 0 : i32
      %dma_start3A_1157 = arith.constant 0 : i32
      %dma_start3A_1158 = tpu.memref_slice %arg2[%dma_start3A_1156, %dma_start3A_1157] : memref<560000x128xf32, #tpu.memory_space<hbm>> -> memref<560000x128xf32, #tpu.memory_space<hbm>>
      tpu.enqueue_indirect_dma source(%dma_start3A_1158 : memref<560000x128xf32, #tpu.memory_space<hbm>>) target(%dma_start3A_1153 : memref<64x128xf32, #tpu.memory_space<vmem>>) offsets(%dma_start3A_1155 : memref<64xi32, #tpu.memory_space<vmem>>) semaphore(%arg15 : memref<!tpu.dma_semaphore, #tpu.memory_space<semaphore_mem>>)
      %while3A = arith.constant 0 : i32
      %while3A_1159 = arith.constant 0 : i32
      %while3A_1160 = arith.subi %max3A_1148, %while3A_1159 : i32
      %while3A_1161 = arith.addi %while3A_1159, %while3A_1160 : i32
      %while3A_1162 = arith.constant 1 : i32
      %while3A_1163 = arith.divsi %while3A_1160, %while3A_1162 : i32
      %while3A_1164 = arith.muli %while3A_1163, %while3A_1162 : i32
      %while3A_1165 = arith.addi %while3A_1159, %while3A_1164 : i32
      %while3A_1166 = arith.constant 1 : i32
      scf.for %while3A_1180 = %while3A_1159 to %while3A_1165 step %while3A_1166  : i32 {
        %ge3A = arith.constant 1 : i32
        %ge3A_1181 = arith.cmpi sge, %while3A_1180, %ge3A : i32
        %convert_element_type3A_1182 = arith.extui %ge3A_1181 : i1 to i32
        %cond3A_1183 = arith.constant 0 : i32
        %cond3A_1184 = arith.cmpi ne, %convert_element_type3A_1182, %cond3A_1183 : i32
        scf.if %cond3A_1184 {
          %dma_wait3A_1242 = arith.constant 0 : i32
          %dma_wait3A_1243 = arith.constant 0 : i32
          %dma_wait3A_1244 = arith.constant 0 : i32
          %dma_wait3A_1245 = arith.constant 0 : i32
          %dma_wait3A_1246 = tpu.memref_slice %arg11[%dma_wait3A_1242, %dma_wait3A_1244, %dma_wait3A_1245] : memref<2x64x128xf32, #tpu.memory_space<vmem>> -> memref<1x64x128xf32, #tpu.memory_space<vmem>>
          %dma_wait3A_1247 = tpu.memref_squeeze %dma_wait3A_1246 : memref<1x64x128xf32, #tpu.memory_space<vmem>> -> memref<64x128xf32, #tpu.memory_space<vmem>>
          %dma_wait3A_1248 = arith.constant 0 : i32
          %dma_wait3A_1249 = tpu.memref_slice %arg10[%dma_wait3A_1243, %dma_wait3A_1248] : memref<57x64xi32, #tpu.memory_space<vmem>> -> memref<1x64xi32, #tpu.memory_space<vmem>>
          %dma_wait3A_1250 = tpu.memref_squeeze %dma_wait3A_1249 : memref<1x64xi32, #tpu.memory_space<vmem>> -> memref<64xi32, #tpu.memory_space<vmem>>
          %dma_wait3A_1251 = arith.constant 0 : i32
          %dma_wait3A_1252 = arith.constant 0 : i32
          %dma_wait3A_1253 = tpu.memref_slice %arg6[%dma_wait3A_1251, %dma_wait3A_1252] : memref<10128x128xf32, #tpu.memory_space<vmem_shared>> -> memref<10128x128xf32, #tpu.memory_space<vmem_shared>>
          tpu.wait_indirect_dma semaphore(%arg16 : memref<!tpu.dma_semaphore, #tpu.memory_space<semaphore_mem>>) src(%dma_wait3A_1247 : memref<64x128xf32, #tpu.memory_space<vmem>>) dst(%dma_wait3A_1253 : memref<10128x128xf32, #tpu.memory_space<vmem_shared>>)
        } else {
        }
        %add3A_1185 = arith.constant 1 : i32
        %add3A_1186 = arith.addi %while3A_1180, %add3A_1185 : i32
        %lt3A_1187 = arith.cmpi slt, %add3A_1186, %max3A_1148 : i32
        %convert_element_type3A_1188 = arith.extui %lt3A_1187 : i1 to i32
        %cond3A_1189 = arith.constant 0 : i32
        %cond3A_1190 = arith.cmpi ne, %convert_element_type3A_1188, %cond3A_1189 : i32
        scf.if %cond3A_1190 {
          %add3A_1242 = arith.constant 1 : i32
          %add3A_1243 = arith.addi %while3A_1180, %add3A_1242 : i32
          %mul3A_1244 = arith.constant 64 : i32
          %mul3A_1245 = arith.muli %add3A_1243, %mul3A_1244 : i32
          %add3A_1246 = arith.constant 1 : i32
          %add3A_1247 = arith.addi %while3A_1180, %add3A_1246 : i32
          %jit3A_1248 = arith.constant 2 : i32
          %eq3A_1249 = arith.constant 0 : i32
          %eq3A_1250 = arith.cmpi eq, %jit3A_1248, %eq3A_1249 : i32
          %jit3A_1251 = arith.constant 1 : i32
          %select_n3A_1252 = arith.select %eq3A_1250, %jit3A_1251, %jit3A_1248 : i32
          %rem3A_1253 = arith.remsi %add3A_1247, %select_n3A_1252 : i32
          %ne3A_1254 = arith.constant 0 : i32
          %ne3A_1255 = arith.cmpi ne, %rem3A_1253, %ne3A_1254 : i32
          %lt3A_1256 = arith.constant 0 : i32
          %lt3A_1257 = arith.cmpi slt, %rem3A_1253, %lt3A_1256 : i32
          %lt3A_1258 = arith.constant 0 : i32
          %lt3A_1259 = arith.cmpi slt, %select_n3A_1252, %lt3A_1258 : i32
          %ne3A_1260 = arith.xori %lt3A_1257, %lt3A_1259 : i1
          %and3A_1261 = arith.andi %ne3A_1260, %ne3A_1255 : i1
          %add3A_1262 = arith.addi %rem3A_1253, %select_n3A_1252 : i32
          %select_n3A_1263 = arith.select %and3A_1261, %add3A_1262, %rem3A_1253 : i32
          %dma_start3A_1264 = arith.constant 0 : i32
          %dma_start3A_1265 = arith.constant 0 : i32
          %dma_start3A_1266 = tpu.memref_slice %arg11[%select_n3A_1263, %dma_start3A_1264, %dma_start3A_1265] : memref<2x64x128xf32, #tpu.memory_space<vmem>> -> memref<1x64x128xf32, #tpu.memory_space<vmem>>
          %dma_start3A_1267 = tpu.memref_squeeze %dma_start3A_1266 : memref<1x64x128xf32, #tpu.memory_space<vmem>> -> memref<64x128xf32, #tpu.memory_space<vmem>>
          %dma_start3A_1268 = tpu.memref_slice %arg9[%mul3A_1245] : memref<3648xi32, #tpu.memory_space<vmem>> -> memref<64xi32, #tpu.memory_space<vmem>>
          %dma_start3A_1269 = arith.constant 0 : i32
          %dma_start3A_1270 = arith.constant 0 : i32
          %dma_start3A_1271 = tpu.memref_slice %arg2[%dma_start3A_1269, %dma_start3A_1270] : memref<560000x128xf32, #tpu.memory_space<hbm>> -> memref<560000x128xf32, #tpu.memory_space<hbm>>
          tpu.enqueue_indirect_dma source(%dma_start3A_1271 : memref<560000x128xf32, #tpu.memory_space<hbm>>) target(%dma_start3A_1267 : memref<64x128xf32, #tpu.memory_space<vmem>>) offsets(%dma_start3A_1268 : memref<64xi32, #tpu.memory_space<vmem>>) semaphore(%arg15 : memref<!tpu.dma_semaphore, #tpu.memory_space<semaphore_mem>>)
        } else {
        }
        %jit3A_1191 = arith.constant 2 : i32
        %eq3A_1192 = arith.constant 0 : i32
        %eq3A_1193 = arith.cmpi eq, %jit3A_1191, %eq3A_1192 : i32
        %jit3A_1194 = arith.constant 1 : i32
        %select_n3A_1195 = arith.select %eq3A_1193, %jit3A_1194, %jit3A_1191 : i32
        %rem3A_1196 = arith.remsi %while3A_1180, %select_n3A_1195 : i32
        %ne3A_1197 = arith.constant 0 : i32
        %ne3A_1198 = arith.cmpi ne, %rem3A_1196, %ne3A_1197 : i32
        %lt3A_1199 = arith.constant 0 : i32
        %lt3A_1200 = arith.cmpi slt, %rem3A_1196, %lt3A_1199 : i32
        %lt3A_1201 = arith.constant 0 : i32
        %lt3A_1202 = arith.cmpi slt, %select_n3A_1195, %lt3A_1201 : i32
        %ne3A_1203 = arith.xori %lt3A_1200, %lt3A_1202 : i1
        %and3A_1204 = arith.andi %ne3A_1203, %ne3A_1198 : i1
        %add3A_1205 = arith.addi %rem3A_1196, %select_n3A_1195 : i32
        %select_n3A_1206 = arith.select %and3A_1204, %add3A_1205, %rem3A_1196 : i32
        %dma_wait3A_1207 = arith.constant 0 : i32
        %dma_wait3A_1208 = arith.constant 0 : i32
        %dma_wait3A_1209 = tpu.memref_slice %arg11[%select_n3A_1206, %dma_wait3A_1207, %dma_wait3A_1208] : memref<2x64x128xf32, #tpu.memory_space<vmem>> -> memref<1x64x128xf32, #tpu.memory_space<vmem>>
        %dma_wait3A_1210 = tpu.memref_squeeze %dma_wait3A_1209 : memref<1x64x128xf32, #tpu.memory_space<vmem>> -> memref<64x128xf32, #tpu.memory_space<vmem>>
        %dma_wait3A_1211 = arith.constant 0 : i32
        %dma_wait3A_1212 = tpu.memref_slice %arg9[%dma_wait3A_1211] : memref<3648xi32, #tpu.memory_space<vmem>> -> memref<64xi32, #tpu.memory_space<vmem>>
        %dma_wait3A_1213 = arith.constant 0 : i32
        %dma_wait3A_1214 = arith.constant 0 : i32
        %dma_wait3A_1215 = tpu.memref_slice %arg2[%dma_wait3A_1213, %dma_wait3A_1214] : memref<560000x128xf32, #tpu.memory_space<hbm>> -> memref<560000x128xf32, #tpu.memory_space<hbm>>
        tpu.wait_indirect_dma semaphore(%arg15 : memref<!tpu.dma_semaphore, #tpu.memory_space<semaphore_mem>>) src(%dma_wait3A_1215 : memref<560000x128xf32, #tpu.memory_space<hbm>>) dst(%dma_wait3A_1210 : memref<64x128xf32, #tpu.memory_space<vmem>>)
        %jit3A_1216 = arith.constant 2 : i32
        %eq3A_1217 = arith.constant 0 : i32
        %eq3A_1218 = arith.cmpi eq, %jit3A_1216, %eq3A_1217 : i32
        %jit3A_1219 = arith.constant 1 : i32
        %select_n3A_1220 = arith.select %eq3A_1218, %jit3A_1219, %jit3A_1216 : i32
        %rem3A_1221 = arith.remsi %while3A_1180, %select_n3A_1220 : i32
        %ne3A_1222 = arith.constant 0 : i32
        %ne3A_1223 = arith.cmpi ne, %rem3A_1221, %ne3A_1222 : i32
        %lt3A_1224 = arith.constant 0 : i32
        %lt3A_1225 = arith.cmpi slt, %rem3A_1221, %lt3A_1224 : i32
        %lt3A_1226 = arith.constant 0 : i32
        %lt3A_1227 = arith.cmpi slt, %select_n3A_1220, %lt3A_1226 : i32
        %ne3A_1228 = arith.xori %lt3A_1225, %lt3A_1227 : i1
        %and3A_1229 = arith.andi %ne3A_1228, %ne3A_1223 : i1
        %add3A_1230 = arith.addi %rem3A_1221, %select_n3A_1220 : i32
        %select_n3A_1231 = arith.select %and3A_1229, %add3A_1230, %rem3A_1221 : i32
        %dma_start3A_1232 = arith.constant 0 : i32
        %dma_start3A_1233 = arith.constant 0 : i32
        %dma_start3A_1234 = tpu.memref_slice %arg11[%select_n3A_1231, %dma_start3A_1232, %dma_start3A_1233] : memref<2x64x128xf32, #tpu.memory_space<vmem>> -> memref<1x64x128xf32, #tpu.memory_space<vmem>>
        %dma_start3A_1235 = tpu.memref_squeeze %dma_start3A_1234 : memref<1x64x128xf32, #tpu.memory_space<vmem>> -> memref<64x128xf32, #tpu.memory_space<vmem>>
        %dma_start3A_1236 = arith.constant 0 : i32
        %dma_start3A_1237 = tpu.memref_slice %arg10[%while3A_1180, %dma_start3A_1236] : memref<57x64xi32, #tpu.memory_space<vmem>> -> memref<1x64xi32, #tpu.memory_space<vmem>>
        %dma_start3A_1238 = tpu.memref_squeeze %dma_start3A_1237 : memref<1x64xi32, #tpu.memory_space<vmem>> -> memref<64xi32, #tpu.memory_space<vmem>>
        %dma_start3A_1239 = arith.constant 0 : i32
        %dma_start3A_1240 = arith.constant 0 : i32
        %dma_start3A_1241 = tpu.memref_slice %arg6[%dma_start3A_1239, %dma_start3A_1240] : memref<10128x128xf32, #tpu.memory_space<vmem_shared>> -> memref<10128x128xf32, #tpu.memory_space<vmem_shared>>
        tpu.enqueue_indirect_dma source(%dma_start3A_1235 : memref<64x128xf32, #tpu.memory_space<vmem>>) target(%dma_start3A_1241 : memref<10128x128xf32, #tpu.memory_space<vmem_shared>>) offsets(%dma_start3A_1238 : memref<64xi32, #tpu.memory_space<vmem>>) semaphore(%arg16 : memref<!tpu.dma_semaphore, #tpu.memory_space<semaphore_mem>>) {add = true}
      }
      %while3A_1167 = arith.constant 1 : i32
      scf.for %while3A_1180 = %while3A_1165 to %while3A_1161 step %while3A_1167  : i32 {
        %ge3A = arith.constant 1 : i32
        %ge3A_1181 = arith.cmpi sge, %while3A_1180, %ge3A : i32
        %convert_element_type3A_1182 = arith.extui %ge3A_1181 : i1 to i32
        %cond3A_1183 = arith.constant 0 : i32
        %cond3A_1184 = arith.cmpi ne, %convert_element_type3A_1182, %cond3A_1183 : i32
        scf.if %cond3A_1184 {
          %dma_wait3A_1242 = arith.constant 0 : i32
          %dma_wait3A_1243 = arith.constant 0 : i32
          %dma_wait3A_1244 = arith.constant 0 : i32
          %dma_wait3A_1245 = arith.constant 0 : i32
          %dma_wait3A_1246 = tpu.memref_slice %arg11[%dma_wait3A_1242, %dma_wait3A_1244, %dma_wait3A_1245] : memref<2x64x128xf32, #tpu.memory_space<vmem>> -> memref<1x64x128xf32, #tpu.memory_space<vmem>>
          %dma_wait3A_1247 = tpu.memref_squeeze %dma_wait3A_1246 : memref<1x64x128xf32, #tpu.memory_space<vmem>> -> memref<64x128xf32, #tpu.memory_space<vmem>>
          %dma_wait3A_1248 = arith.constant 0 : i32
          %dma_wait3A_1249 = tpu.memref_slice %arg10[%dma_wait3A_1243, %dma_wait3A_1248] : memref<57x64xi32, #tpu.memory_space<vmem>> -> memref<1x64xi32, #tpu.memory_space<vmem>>
          %dma_wait3A_1250 = tpu.memref_squeeze %dma_wait3A_1249 : memref<1x64xi32, #tpu.memory_space<vmem>> -> memref<64xi32, #tpu.memory_space<vmem>>
          %dma_wait3A_1251 = arith.constant 0 : i32
          %dma_wait3A_1252 = arith.constant 0 : i32
          %dma_wait3A_1253 = tpu.memref_slice %arg6[%dma_wait3A_1251, %dma_wait3A_1252] : memref<10128x128xf32, #tpu.memory_space<vmem_shared>> -> memref<10128x128xf32, #tpu.memory_space<vmem_shared>>
          tpu.wait_indirect_dma semaphore(%arg16 : memref<!tpu.dma_semaphore, #tpu.memory_space<semaphore_mem>>) src(%dma_wait3A_1247 : memref<64x128xf32, #tpu.memory_space<vmem>>) dst(%dma_wait3A_1253 : memref<10128x128xf32, #tpu.memory_space<vmem_shared>>)
        } else {
        }
        %add3A_1185 = arith.constant 1 : i32
        %add3A_1186 = arith.addi %while3A_1180, %add3A_1185 : i32
        %lt3A_1187 = arith.cmpi slt, %add3A_1186, %max3A_1148 : i32
        %convert_element_type3A_1188 = arith.extui %lt3A_1187 : i1 to i32
        %cond3A_1189 = arith.constant 0 : i32
        %cond3A_1190 = arith.cmpi ne, %convert_element_type3A_1188, %cond3A_1189 : i32
        scf.if %cond3A_1190 {
          %add3A_1242 = arith.constant 1 : i32
          %add3A_1243 = arith.addi %while3A_1180, %add3A_1242 : i32
          %mul3A_1244 = arith.constant 64 : i32
          %mul3A_1245 = arith.muli %add3A_1243, %mul3A_1244 : i32
          %add3A_1246 = arith.constant 1 : i32
          %add3A_1247 = arith.addi %while3A_1180, %add3A_1246 : i32
          %jit3A_1248 = arith.constant 2 : i32
          %eq3A_1249 = arith.constant 0 : i32
          %eq3A_1250 = arith.cmpi eq, %jit3A_1248, %eq3A_1249 : i32
          %jit3A_1251 = arith.constant 1 : i32
          %select_n3A_1252 = arith.select %eq3A_1250, %jit3A_1251, %jit3A_1248 : i32
          %rem3A_1253 = arith.remsi %add3A_1247, %select_n3A_1252 : i32
          %ne3A_1254 = arith.constant 0 : i32
          %ne3A_1255 = arith.cmpi ne, %rem3A_1253, %ne3A_1254 : i32
          %lt3A_1256 = arith.constant 0 : i32
          %lt3A_1257 = arith.cmpi slt, %rem3A_1253, %lt3A_1256 : i32
          %lt3A_1258 = arith.constant 0 : i32
          %lt3A_1259 = arith.cmpi slt, %select_n3A_1252, %lt3A_1258 : i32
          %ne3A_1260 = arith.xori %lt3A_1257, %lt3A_1259 : i1
          %and3A_1261 = arith.andi %ne3A_1260, %ne3A_1255 : i1
          %add3A_1262 = arith.addi %rem3A_1253, %select_n3A_1252 : i32
          %select_n3A_1263 = arith.select %and3A_1261, %add3A_1262, %rem3A_1253 : i32
          %dma_start3A_1264 = arith.constant 0 : i32
          %dma_start3A_1265 = arith.constant 0 : i32
          %dma_start3A_1266 = tpu.memref_slice %arg11[%select_n3A_1263, %dma_start3A_1264, %dma_start3A_1265] : memref<2x64x128xf32, #tpu.memory_space<vmem>> -> memref<1x64x128xf32, #tpu.memory_space<vmem>>
          %dma_start3A_1267 = tpu.memref_squeeze %dma_start3A_1266 : memref<1x64x128xf32, #tpu.memory_space<vmem>> -> memref<64x128xf32, #tpu.memory_space<vmem>>
          %dma_start3A_1268 = tpu.memref_slice %arg9[%mul3A_1245] : memref<3648xi32, #tpu.memory_space<vmem>> -> memref<64xi32, #tpu.memory_space<vmem>>
          %dma_start3A_1269 = arith.constant 0 : i32
          %dma_start3A_1270 = arith.constant 0 : i32
          %dma_start3A_1271 = tpu.memref_slice %arg2[%dma_start3A_1269, %dma_start3A_1270] : memref<560000x128xf32, #tpu.memory_space<hbm>> -> memref<560000x128xf32, #tpu.memory_space<hbm>>
          tpu.enqueue_indirect_dma source(%dma_start3A_1271 : memref<560000x128xf32, #tpu.memory_space<hbm>>) target(%dma_start3A_1267 : memref<64x128xf32, #tpu.memory_space<vmem>>) offsets(%dma_start3A_1268 : memref<64xi32, #tpu.memory_space<vmem>>) semaphore(%arg15 : memref<!tpu.dma_semaphore, #tpu.memory_space<semaphore_mem>>)
        } else {
        }
        %jit3A_1191 = arith.constant 2 : i32
        %eq3A_1192 = arith.constant 0 : i32
        %eq3A_1193 = arith.cmpi eq, %jit3A_1191, %eq3A_1192 : i32
        %jit3A_1194 = arith.constant 1 : i32
        %select_n3A_1195 = arith.select %eq3A_1193, %jit3A_1194, %jit3A_1191 : i32
        %rem3A_1196 = arith.remsi %while3A_1180, %select_n3A_1195 : i32
        %ne3A_1197 = arith.constant 0 : i32
        %ne3A_1198 = arith.cmpi ne, %rem3A_1196, %ne3A_1197 : i32
        %lt3A_1199 = arith.constant 0 : i32
        %lt3A_1200 = arith.cmpi slt, %rem3A_1196, %lt3A_1199 : i32
        %lt3A_1201 = arith.constant 0 : i32
        %lt3A_1202 = arith.cmpi slt, %select_n3A_1195, %lt3A_1201 : i32
        %ne3A_1203 = arith.xori %lt3A_1200, %lt3A_1202 : i1
        %and3A_1204 = arith.andi %ne3A_1203, %ne3A_1198 : i1
        %add3A_1205 = arith.addi %rem3A_1196, %select_n3A_1195 : i32
        %select_n3A_1206 = arith.select %and3A_1204, %add3A_1205, %rem3A_1196 : i32
        %dma_wait3A_1207 = arith.constant 0 : i32
        %dma_wait3A_1208 = arith.constant 0 : i32
        %dma_wait3A_1209 = tpu.memref_slice %arg11[%select_n3A_1206, %dma_wait3A_1207, %dma_wait3A_1208] : memref<2x64x128xf32, #tpu.memory_space<vmem>> -> memref<1x64x128xf32, #tpu.memory_space<vmem>>
        %dma_wait3A_1210 = tpu.memref_squeeze %dma_wait3A_1209 : memref<1x64x128xf32, #tpu.memory_space<vmem>> -> memref<64x128xf32, #tpu.memory_space<vmem>>
        %dma_wait3A_1211 = arith.constant 0 : i32
        %dma_wait3A_1212 = tpu.memref_slice %arg9[%dma_wait3A_1211] : memref<3648xi32, #tpu.memory_space<vmem>> -> memref<64xi32, #tpu.memory_space<vmem>>
        %dma_wait3A_1213 = arith.constant 0 : i32
        %dma_wait3A_1214 = arith.constant 0 : i32
        %dma_wait3A_1215 = tpu.memref_slice %arg2[%dma_wait3A_1213, %dma_wait3A_1214] : memref<560000x128xf32, #tpu.memory_space<hbm>> -> memref<560000x128xf32, #tpu.memory_space<hbm>>
        tpu.wait_indirect_dma semaphore(%arg15 : memref<!tpu.dma_semaphore, #tpu.memory_space<semaphore_mem>>) src(%dma_wait3A_1215 : memref<560000x128xf32, #tpu.memory_space<hbm>>) dst(%dma_wait3A_1210 : memref<64x128xf32, #tpu.memory_space<vmem>>)
        %jit3A_1216 = arith.constant 2 : i32
        %eq3A_1217 = arith.constant 0 : i32
        %eq3A_1218 = arith.cmpi eq, %jit3A_1216, %eq3A_1217 : i32
        %jit3A_1219 = arith.constant 1 : i32
        %select_n3A_1220 = arith.select %eq3A_1218, %jit3A_1219, %jit3A_1216 : i32
        %rem3A_1221 = arith.remsi %while3A_1180, %select_n3A_1220 : i32
        %ne3A_1222 = arith.constant 0 : i32
        %ne3A_1223 = arith.cmpi ne, %rem3A_1221, %ne3A_1222 : i32
        %lt3A_1224 = arith.constant 0 : i32
        %lt3A_1225 = arith.cmpi slt, %rem3A_1221, %lt3A_1224 : i32
        %lt3A_1226 = arith.constant 0 : i32
        %lt3A_1227 = arith.cmpi slt, %select_n3A_1220, %lt3A_1226 : i32
        %ne3A_1228 = arith.xori %lt3A_1225, %lt3A_1227 : i1
        %and3A_1229 = arith.andi %ne3A_1228, %ne3A_1223 : i1
        %add3A_1230 = arith.addi %rem3A_1221, %select_n3A_1220 : i32
        %select_n3A_1231 = arith.select %and3A_1229, %add3A_1230, %rem3A_1221 : i32
        %dma_start3A_1232 = arith.constant 0 : i32
        %dma_start3A_1233 = arith.constant 0 : i32
        %dma_start3A_1234 = tpu.memref_slice %arg11[%select_n3A_1231, %dma_start3A_1232, %dma_start3A_1233] : memref<2x64x128xf32, #tpu.memory_space<vmem>> -> memref<1x64x128xf32, #tpu.memory_space<vmem>>
        %dma_start3A_1235 = tpu.memref_squeeze %dma_start3A_1234 : memref<1x64x128xf32, #tpu.memory_space<vmem>> -> memref<64x128xf32, #tpu.memory_space<vmem>>
        %dma_start3A_1236 = arith.constant 0 : i32
        %dma_start3A_1237 = tpu.memref_slice %arg10[%while3A_1180, %dma_start3A_1236] : memref<57x64xi32, #tpu.memory_space<vmem>> -> memref<1x64xi32, #tpu.memory_space<vmem>>
        %dma_start3A_1238 = tpu.memref_squeeze %dma_start3A_1237 : memref<1x64xi32, #tpu.memory_space<vmem>> -> memref<64xi32, #tpu.memory_space<vmem>>
        %dma_start3A_1239 = arith.constant 0 : i32
        %dma_start3A_1240 = arith.constant 0 : i32
        %dma_start3A_1241 = tpu.memref_slice %arg6[%dma_start3A_1239, %dma_start3A_1240] : memref<10128x128xf32, #tpu.memory_space<vmem_shared>> -> memref<10128x128xf32, #tpu.memory_space<vmem_shared>>
        tpu.enqueue_indirect_dma source(%dma_start3A_1235 : memref<64x128xf32, #tpu.memory_space<vmem>>) target(%dma_start3A_1241 : memref<10128x128xf32, #tpu.memory_space<vmem_shared>>) offsets(%dma_start3A_1238 : memref<64xi32, #tpu.memory_space<vmem>>) semaphore(%arg16 : memref<!tpu.dma_semaphore, #tpu.memory_space<semaphore_mem>>) {add = true}
      }
      %dma_wait3A_1168 = arith.constant 0 : i32
      %dma_wait3A_1169 = arith.constant 0 : i32
      %dma_wait3A_1170 = arith.constant 0 : i32
      %dma_wait3A_1171 = arith.constant 0 : i32
      %dma_wait3A_1172 = tpu.memref_slice %arg11[%dma_wait3A_1168, %dma_wait3A_1170, %dma_wait3A_1171] : memref<2x64x128xf32, #tpu.memory_space<vmem>> -> memref<1x64x128xf32, #tpu.memory_space<vmem>>
      %dma_wait3A_1173 = tpu.memref_squeeze %dma_wait3A_1172 : memref<1x64x128xf32, #tpu.memory_space<vmem>> -> memref<64x128xf32, #tpu.memory_space<vmem>>
      %dma_wait3A_1174 = arith.constant 0 : i32
      %dma_wait3A_1175 = tpu.memref_slice %arg10[%dma_wait3A_1169, %dma_wait3A_1174] : memref<57x64xi32, #tpu.memory_space<vmem>> -> memref<1x64xi32, #tpu.memory_space<vmem>>
      %dma_wait3A_1176 = tpu.memref_squeeze %dma_wait3A_1175 : memref<1x64xi32, #tpu.memory_space<vmem>> -> memref<64xi32, #tpu.memory_space<vmem>>
      %dma_wait3A_1177 = arith.constant 0 : i32
      %dma_wait3A_1178 = arith.constant 0 : i32
      %dma_wait3A_1179 = tpu.memref_slice %arg6[%dma_wait3A_1177, %dma_wait3A_1178] : memref<10128x128xf32, #tpu.memory_space<vmem_shared>> -> memref<10128x128xf32, #tpu.memory_space<vmem_shared>>
      tpu.wait_indirect_dma semaphore(%arg16 : memref<!tpu.dma_semaphore, #tpu.memory_space<semaphore_mem>>) src(%dma_wait3A_1173 : memref<64x128xf32, #tpu.memory_space<vmem>>) dst(%dma_wait3A_1179 : memref<10128x128xf32, #tpu.memory_space<vmem_shared>>)
    }
    %scan3A_754 = arith.constant 10 : i32
    %barrier3A_755 = arith.constant 0 : index
    tpu.barrier barrier_id(%barrier3A_755)
    %mul3A_756 = arith.constant 632 : i32
    %mul3A_757 = arith.muli %arg1, %mul3A_756 : i32
    %mul3A_758 = arith.constant 632 : i32
    %mul3A_759 = arith.muli %arg1, %mul3A_758 : i32
    %add3A_760 = arith.addi %mul3A_514, %mul3A_759 : i32
    "tpu.region"() ({
      %run_scoped3A = tpu.sem_alloc : memref<!tpu.dma_semaphore, #tpu.memory_space<semaphore_mem>>
      %dma_start3A_1015 = arith.constant 0 : i32
      %dma_start3A_1016 = tpu.memref_slice %arg5[%add3A_760, %dma_start3A_1015] : memref<80896x128xf32, #tpu.memory_space<hbm>> -> memref<632x128xf32, #tpu.memory_space<hbm>>
      %dma_start3A_1017 = arith.constant 0 : i32
      %dma_start3A_1018 = tpu.memref_slice %arg6[%mul3A_757, %dma_start3A_1017] : memref<10128x128xf32, #tpu.memory_space<vmem_shared>> -> memref<632x128xf32, #tpu.memory_space<vmem_shared>>
      tpu.enqueue_dma source(%dma_start3A_1018 : memref<632x128xf32, #tpu.memory_space<vmem_shared>>) target(%dma_start3A_1016 : memref<632x128xf32, #tpu.memory_space<hbm>>) target_semaphore(%run_scoped3A : memref<!tpu.dma_semaphore, #tpu.memory_space<semaphore_mem>>)
      %dma_wait3A_1019 = arith.constant 0 : i32
      %dma_wait3A_1020 = tpu.memref_slice %arg5[%add3A_760, %dma_wait3A_1019] : memref<80896x128xf32, #tpu.memory_space<hbm>> -> memref<632x128xf32, #tpu.memory_space<hbm>>
      %dma_wait3A_1021 = arith.constant 0 : i32
      %dma_wait3A_1022 = tpu.memref_slice %arg6[%mul3A_757, %dma_wait3A_1021] : memref<10128x128xf32, #tpu.memory_space<vmem_shared>> -> memref<632x128xf32, #tpu.memory_space<vmem_shared>>
      tpu.wait_dma2 semaphore(%run_scoped3A : memref<!tpu.dma_semaphore, #tpu.memory_space<semaphore_mem>>) src(%dma_wait3A_1022 : memref<632x128xf32, #tpu.memory_space<vmem_shared>>) dst(%dma_wait3A_1020 : memref<632x128xf32, #tpu.memory_space<hbm>>)
      tpu.yield
    }) : () -> ()
    %barrier3A_761 = arith.constant 0 : index
    tpu.barrier barrier_id(%barrier3A_761)
    %mul3A_762 = arith.constant 4 : i32
    %mul3A_763 = arith.muli %arg0, %mul3A_762 : i32
    %add3A_764 = arith.constant 3 : i32
    %add3A_765 = arith.addi %mul3A_763, %add3A_764 : i32
    %mul3A_766 = arith.constant 10112 : i32
    %mul3A_767 = arith.muli %add3A_765, %mul3A_766 : i32
    %broadcast_in_dim3A_768 = vector.broadcast %mul3A_767 : i32 to vector<16xi32>
    %add3A_769 = arith.addi %broadcast_in_dim3A_768, %broadcast_in_dim3A_0 : vector<16xi32>
    %mul3A_770 = arith.constant 632 : i32
    %mul3A_771 = arith.muli %arg1, %mul3A_770 : i32
    %add3A_772 = arith.constant 0 : i32
    %add3A_773 = arith.addi %mul3A_771, %add3A_772 : i32
    %dma_start3A_774 = arith.constant 0 : i32
    %dma_start3A_775 = tpu.memref_slice %arg6[%add3A_773, %dma_start3A_774] : memref<10128x128xf32, #tpu.memory_space<vmem_shared>> -> memref<56x128xf32, #tpu.memory_space<vmem_shared>>
    %dma_start3A_776 = arith.constant 0 : i32
    %dma_start3A_777 = tpu.memref_slice %arg6[%add3A_773, %dma_start3A_776] : memref<10128x128xf32, #tpu.memory_space<vmem_shared>> -> memref<56x128xf32, #tpu.memory_space<vmem_shared>>
    tpu.enqueue_dma source(%arg12 : memref<56x128xf32, #tpu.memory_space<vmem>>) target(%dma_start3A_777 : memref<56x128xf32, #tpu.memory_space<vmem_shared>>) target_semaphore(%arg17 : memref<!tpu.dma_semaphore, #tpu.memory_space<semaphore_mem>>)
    %mul3A_778 = arith.constant 632 : i32
    %mul3A_779 = arith.muli %arg1, %mul3A_778 : i32
    %add3A_780 = arith.constant 56 : i32
    %add3A_781 = arith.addi %mul3A_779, %add3A_780 : i32
    %dma_start3A_782 = arith.constant 0 : i32
    %dma_start3A_783 = tpu.memref_slice %arg6[%add3A_781, %dma_start3A_782] : memref<10128x128xf32, #tpu.memory_space<vmem_shared>> -> memref<56x128xf32, #tpu.memory_space<vmem_shared>>
    %dma_start3A_784 = arith.constant 0 : i32
    %dma_start3A_785 = tpu.memref_slice %arg6[%add3A_781, %dma_start3A_784] : memref<10128x128xf32, #tpu.memory_space<vmem_shared>> -> memref<56x128xf32, #tpu.memory_space<vmem_shared>>
    tpu.enqueue_dma source(%arg12 : memref<56x128xf32, #tpu.memory_space<vmem>>) target(%dma_start3A_785 : memref<56x128xf32, #tpu.memory_space<vmem_shared>>) target_semaphore(%arg17 : memref<!tpu.dma_semaphore, #tpu.memory_space<semaphore_mem>>)
    %mul3A_786 = arith.constant 632 : i32
    %mul3A_787 = arith.muli %arg1, %mul3A_786 : i32
    %add3A_788 = arith.constant 112 : i32
    %add3A_789 = arith.addi %mul3A_787, %add3A_788 : i32
    %dma_start3A_790 = arith.constant 0 : i32
    %dma_start3A_791 = tpu.memref_slice %arg6[%add3A_789, %dma_start3A_790] : memref<10128x128xf32, #tpu.memory_space<vmem_shared>> -> memref<56x128xf32, #tpu.memory_space<vmem_shared>>
    %dma_start3A_792 = arith.constant 0 : i32
    %dma_start3A_793 = tpu.memref_slice %arg6[%add3A_789, %dma_start3A_792] : memref<10128x128xf32, #tpu.memory_space<vmem_shared>> -> memref<56x128xf32, #tpu.memory_space<vmem_shared>>
    tpu.enqueue_dma source(%arg12 : memref<56x128xf32, #tpu.memory_space<vmem>>) target(%dma_start3A_793 : memref<56x128xf32, #tpu.memory_space<vmem_shared>>) target_semaphore(%arg17 : memref<!tpu.dma_semaphore, #tpu.memory_space<semaphore_mem>>)
    %mul3A_794 = arith.constant 632 : i32
    %mul3A_795 = arith.muli %arg1, %mul3A_794 : i32
    %add3A_796 = arith.constant 168 : i32
    %add3A_797 = arith.addi %mul3A_795, %add3A_796 : i32
    %dma_start3A_798 = arith.constant 0 : i32
    %dma_start3A_799 = tpu.memref_slice %arg6[%add3A_797, %dma_start3A_798] : memref<10128x128xf32, #tpu.memory_space<vmem_shared>> -> memref<56x128xf32, #tpu.memory_space<vmem_shared>>
    %dma_start3A_800 = arith.constant 0 : i32
    %dma_start3A_801 = tpu.memref_slice %arg6[%add3A_797, %dma_start3A_800] : memref<10128x128xf32, #tpu.memory_space<vmem_shared>> -> memref<56x128xf32, #tpu.memory_space<vmem_shared>>
    tpu.enqueue_dma source(%arg12 : memref<56x128xf32, #tpu.memory_space<vmem>>) target(%dma_start3A_801 : memref<56x128xf32, #tpu.memory_space<vmem_shared>>) target_semaphore(%arg17 : memref<!tpu.dma_semaphore, #tpu.memory_space<semaphore_mem>>)
    %mul3A_802 = arith.constant 632 : i32
    %mul3A_803 = arith.muli %arg1, %mul3A_802 : i32
    %add3A_804 = arith.constant 224 : i32
    %add3A_805 = arith.addi %mul3A_803, %add3A_804 : i32
    %dma_start3A_806 = arith.constant 0 : i32
    %dma_start3A_807 = tpu.memref_slice %arg6[%add3A_805, %dma_start3A_806] : memref<10128x128xf32, #tpu.memory_space<vmem_shared>> -> memref<56x128xf32, #tpu.memory_space<vmem_shared>>
    %dma_start3A_808 = arith.constant 0 : i32
    %dma_start3A_809 = tpu.memref_slice %arg6[%add3A_805, %dma_start3A_808] : memref<10128x128xf32, #tpu.memory_space<vmem_shared>> -> memref<56x128xf32, #tpu.memory_space<vmem_shared>>
    tpu.enqueue_dma source(%arg12 : memref<56x128xf32, #tpu.memory_space<vmem>>) target(%dma_start3A_809 : memref<56x128xf32, #tpu.memory_space<vmem_shared>>) target_semaphore(%arg17 : memref<!tpu.dma_semaphore, #tpu.memory_space<semaphore_mem>>)
    %mul3A_810 = arith.constant 632 : i32
    %mul3A_811 = arith.muli %arg1, %mul3A_810 : i32
    %add3A_812 = arith.constant 280 : i32
    %add3A_813 = arith.addi %mul3A_811, %add3A_812 : i32
    %dma_start3A_814 = arith.constant 0 : i32
    %dma_start3A_815 = tpu.memref_slice %arg6[%add3A_813, %dma_start3A_814] : memref<10128x128xf32, #tpu.memory_space<vmem_shared>> -> memref<56x128xf32, #tpu.memory_space<vmem_shared>>
    %dma_start3A_816 = arith.constant 0 : i32
    %dma_start3A_817 = tpu.memref_slice %arg6[%add3A_813, %dma_start3A_816] : memref<10128x128xf32, #tpu.memory_space<vmem_shared>> -> memref<56x128xf32, #tpu.memory_space<vmem_shared>>
    tpu.enqueue_dma source(%arg12 : memref<56x128xf32, #tpu.memory_space<vmem>>) target(%dma_start3A_817 : memref<56x128xf32, #tpu.memory_space<vmem_shared>>) target_semaphore(%arg17 : memref<!tpu.dma_semaphore, #tpu.memory_space<semaphore_mem>>)
    %mul3A_818 = arith.constant 632 : i32
    %mul3A_819 = arith.muli %arg1, %mul3A_818 : i32
    %add3A_820 = arith.constant 336 : i32
    %add3A_821 = arith.addi %mul3A_819, %add3A_820 : i32
    %dma_start3A_822 = arith.constant 0 : i32
    %dma_start3A_823 = tpu.memref_slice %arg6[%add3A_821, %dma_start3A_822] : memref<10128x128xf32, #tpu.memory_space<vmem_shared>> -> memref<56x128xf32, #tpu.memory_space<vmem_shared>>
    %dma_start3A_824 = arith.constant 0 : i32
    %dma_start3A_825 = tpu.memref_slice %arg6[%add3A_821, %dma_start3A_824] : memref<10128x128xf32, #tpu.memory_space<vmem_shared>> -> memref<56x128xf32, #tpu.memory_space<vmem_shared>>
    tpu.enqueue_dma source(%arg12 : memref<56x128xf32, #tpu.memory_space<vmem>>) target(%dma_start3A_825 : memref<56x128xf32, #tpu.memory_space<vmem_shared>>) target_semaphore(%arg17 : memref<!tpu.dma_semaphore, #tpu.memory_space<semaphore_mem>>)
    %mul3A_826 = arith.constant 632 : i32
    %mul3A_827 = arith.muli %arg1, %mul3A_826 : i32
    %add3A_828 = arith.constant 392 : i32
    %add3A_829 = arith.addi %mul3A_827, %add3A_828 : i32
    %dma_start3A_830 = arith.constant 0 : i32
    %dma_start3A_831 = tpu.memref_slice %arg6[%add3A_829, %dma_start3A_830] : memref<10128x128xf32, #tpu.memory_space<vmem_shared>> -> memref<56x128xf32, #tpu.memory_space<vmem_shared>>
    %dma_start3A_832 = arith.constant 0 : i32
    %dma_start3A_833 = tpu.memref_slice %arg6[%add3A_829, %dma_start3A_832] : memref<10128x128xf32, #tpu.memory_space<vmem_shared>> -> memref<56x128xf32, #tpu.memory_space<vmem_shared>>
    tpu.enqueue_dma source(%arg12 : memref<56x128xf32, #tpu.memory_space<vmem>>) target(%dma_start3A_833 : memref<56x128xf32, #tpu.memory_space<vmem_shared>>) target_semaphore(%arg17 : memref<!tpu.dma_semaphore, #tpu.memory_space<semaphore_mem>>)
    %mul3A_834 = arith.constant 632 : i32
    %mul3A_835 = arith.muli %arg1, %mul3A_834 : i32
    %add3A_836 = arith.constant 448 : i32
    %add3A_837 = arith.addi %mul3A_835, %add3A_836 : i32
    %dma_start3A_838 = arith.constant 0 : i32
    %dma_start3A_839 = tpu.memref_slice %arg6[%add3A_837, %dma_start3A_838] : memref<10128x128xf32, #tpu.memory_space<vmem_shared>> -> memref<56x128xf32, #tpu.memory_space<vmem_shared>>
    %dma_start3A_840 = arith.constant 0 : i32
    %dma_start3A_841 = tpu.memref_slice %arg6[%add3A_837, %dma_start3A_840] : memref<10128x128xf32, #tpu.memory_space<vmem_shared>> -> memref<56x128xf32, #tpu.memory_space<vmem_shared>>
    tpu.enqueue_dma source(%arg12 : memref<56x128xf32, #tpu.memory_space<vmem>>) target(%dma_start3A_841 : memref<56x128xf32, #tpu.memory_space<vmem_shared>>) target_semaphore(%arg17 : memref<!tpu.dma_semaphore, #tpu.memory_space<semaphore_mem>>)
    %mul3A_842 = arith.constant 632 : i32
    %mul3A_843 = arith.muli %arg1, %mul3A_842 : i32
    %add3A_844 = arith.constant 504 : i32
    %add3A_845 = arith.addi %mul3A_843, %add3A_844 : i32
    %dma_start3A_846 = arith.constant 0 : i32
    %dma_start3A_847 = tpu.memref_slice %arg6[%add3A_845, %dma_start3A_846] : memref<10128x128xf32, #tpu.memory_space<vmem_shared>> -> memref<56x128xf32, #tpu.memory_space<vmem_shared>>
    %dma_start3A_848 = arith.constant 0 : i32
    %dma_start3A_849 = tpu.memref_slice %arg6[%add3A_845, %dma_start3A_848] : memref<10128x128xf32, #tpu.memory_space<vmem_shared>> -> memref<56x128xf32, #tpu.memory_space<vmem_shared>>
    tpu.enqueue_dma source(%arg12 : memref<56x128xf32, #tpu.memory_space<vmem>>) target(%dma_start3A_849 : memref<56x128xf32, #tpu.memory_space<vmem_shared>>) target_semaphore(%arg17 : memref<!tpu.dma_semaphore, #tpu.memory_space<semaphore_mem>>)
    %mul3A_850 = arith.constant 632 : i32
    %mul3A_851 = arith.muli %arg1, %mul3A_850 : i32
    %add3A_852 = arith.constant 560 : i32
    %add3A_853 = arith.addi %mul3A_851, %add3A_852 : i32
    %dma_start3A_854 = arith.constant 0 : i32
    %dma_start3A_855 = tpu.memref_slice %arg6[%add3A_853, %dma_start3A_854] : memref<10128x128xf32, #tpu.memory_space<vmem_shared>> -> memref<56x128xf32, #tpu.memory_space<vmem_shared>>
    %dma_start3A_856 = arith.constant 0 : i32
    %dma_start3A_857 = tpu.memref_slice %arg6[%add3A_853, %dma_start3A_856] : memref<10128x128xf32, #tpu.memory_space<vmem_shared>> -> memref<56x128xf32, #tpu.memory_space<vmem_shared>>
    tpu.enqueue_dma source(%arg12 : memref<56x128xf32, #tpu.memory_space<vmem>>) target(%dma_start3A_857 : memref<56x128xf32, #tpu.memory_space<vmem_shared>>) target_semaphore(%arg17 : memref<!tpu.dma_semaphore, #tpu.memory_space<semaphore_mem>>)
    %mul3A_858 = arith.constant 632 : i32
    %mul3A_859 = arith.muli %arg1, %mul3A_858 : i32
    %add3A_860 = arith.constant 616 : i32
    %add3A_861 = arith.addi %mul3A_859, %add3A_860 : i32
    %dma_start3A_862 = arith.constant 0 : i32
    %dma_start3A_863 = arith.constant 0 : i32
    %dma_start3A_864 = tpu.memref_slice %arg12[%dma_start3A_862, %dma_start3A_863] : memref<56x128xf32, #tpu.memory_space<vmem>> -> memref<16x128xf32, #tpu.memory_space<vmem>>
    %dma_start3A_865 = arith.constant 0 : i32
    %dma_start3A_866 = tpu.memref_slice %arg6[%add3A_861, %dma_start3A_865] : memref<10128x128xf32, #tpu.memory_space<vmem_shared>> -> memref<16x128xf32, #tpu.memory_space<vmem_shared>>
    %dma_start3A_867 = arith.constant 0 : i32
    %dma_start3A_868 = tpu.memref_slice %arg6[%add3A_861, %dma_start3A_867] : memref<10128x128xf32, #tpu.memory_space<vmem_shared>> -> memref<16x128xf32, #tpu.memory_space<vmem_shared>>
    %dma_start3A_869 = arith.constant 0 : i32
    %dma_start3A_870 = arith.constant 0 : i32
    %dma_start3A_871 = tpu.memref_slice %arg12[%dma_start3A_869, %dma_start3A_870] : memref<56x128xf32, #tpu.memory_space<vmem>> -> memref<16x128xf32, #tpu.memory_space<vmem>>
    tpu.enqueue_dma source(%dma_start3A_871 : memref<16x128xf32, #tpu.memory_space<vmem>>) target(%dma_start3A_868 : memref<16x128xf32, #tpu.memory_space<vmem_shared>>) target_semaphore(%arg17 : memref<!tpu.dma_semaphore, #tpu.memory_space<semaphore_mem>>)
    %eq3A_872 = arith.constant 0 : i32
    %eq3A_873 = arith.cmpi eq, %arg1, %eq3A_872 : i32
    %convert_element_type3A_874 = arith.extui %eq3A_873 : i1 to i32
    %cond3A_875 = arith.constant 0 : i32
    %cond3A_876 = arith.cmpi ne, %convert_element_type3A_874, %cond3A_875 : i32
    scf.if %cond3A_876 {
      "tpu.region"() ({
        %run_scoped3A = tpu.sem_alloc : memref<!tpu.dma_semaphore, #tpu.memory_space<semaphore_mem>>
        %dma_start3A_1015 = arith.constant 0 : i32
        %dma_start3A_1016 = arith.constant 0 : i32
        %dma_start3A_1017 = tpu.memref_slice %arg12[%dma_start3A_1015, %dma_start3A_1016] : memref<56x128xf32, #tpu.memory_space<vmem>> -> memref<16x128xf32, #tpu.memory_space<vmem>>
        %dma_start3A_1018 = arith.constant 10112 : i32
        %dma_start3A_1019 = arith.constant 0 : i32
        %dma_start3A_1020 = tpu.memref_slice %arg6[%dma_start3A_1018, %dma_start3A_1019] : memref<10128x128xf32, #tpu.memory_space<vmem_shared>> -> memref<16x128xf32, #tpu.memory_space<vmem_shared>>
        %dma_start3A_1021 = arith.constant 10112 : i32
        %dma_start3A_1022 = arith.constant 0 : i32
        %dma_start3A_1023 = tpu.memref_slice %arg6[%dma_start3A_1021, %dma_start3A_1022] : memref<10128x128xf32, #tpu.memory_space<vmem_shared>> -> memref<16x128xf32, #tpu.memory_space<vmem_shared>>
        %dma_start3A_1024 = arith.constant 0 : i32
        %dma_start3A_1025 = arith.constant 0 : i32
        %dma_start3A_1026 = tpu.memref_slice %arg12[%dma_start3A_1024, %dma_start3A_1025] : memref<56x128xf32, #tpu.memory_space<vmem>> -> memref<16x128xf32, #tpu.memory_space<vmem>>
        tpu.enqueue_dma source(%dma_start3A_1026 : memref<16x128xf32, #tpu.memory_space<vmem>>) target(%dma_start3A_1023 : memref<16x128xf32, #tpu.memory_space<vmem_shared>>) target_semaphore(%run_scoped3A : memref<!tpu.dma_semaphore, #tpu.memory_space<semaphore_mem>>)
        %dma_wait3A_1027 = arith.constant 0 : i32
        %dma_wait3A_1028 = arith.constant 0 : i32
        %dma_wait3A_1029 = tpu.memref_slice %arg12[%dma_wait3A_1027, %dma_wait3A_1028] : memref<56x128xf32, #tpu.memory_space<vmem>> -> memref<16x128xf32, #tpu.memory_space<vmem>>
        %dma_wait3A_1030 = arith.constant 10112 : i32
        %dma_wait3A_1031 = arith.constant 0 : i32
        %dma_wait3A_1032 = tpu.memref_slice %arg6[%dma_wait3A_1030, %dma_wait3A_1031] : memref<10128x128xf32, #tpu.memory_space<vmem_shared>> -> memref<16x128xf32, #tpu.memory_space<vmem_shared>>
        %dma_wait3A_1033 = arith.constant 10112 : i32
        %dma_wait3A_1034 = arith.constant 0 : i32
        %dma_wait3A_1035 = tpu.memref_slice %arg6[%dma_wait3A_1033, %dma_wait3A_1034] : memref<10128x128xf32, #tpu.memory_space<vmem_shared>> -> memref<16x128xf32, #tpu.memory_space<vmem_shared>>
        %dma_wait3A_1036 = arith.constant 0 : i32
        %dma_wait3A_1037 = arith.constant 0 : i32
        %dma_wait3A_1038 = tpu.memref_slice %arg12[%dma_wait3A_1036, %dma_wait3A_1037] : memref<56x128xf32, #tpu.memory_space<vmem>> -> memref<16x128xf32, #tpu.memory_space<vmem>>
        tpu.wait_dma2 semaphore(%run_scoped3A : memref<!tpu.dma_semaphore, #tpu.memory_space<semaphore_mem>>) src(%dma_wait3A_1038 : memref<16x128xf32, #tpu.memory_space<vmem>>) dst(%dma_wait3A_1035 : memref<16x128xf32, #tpu.memory_space<vmem_shared>>)
        tpu.yield
      }) : () -> ()
    } else {
    }
    %mul3A_877 = arith.constant 632 : i32
    %mul3A_878 = arith.muli %arg1, %mul3A_877 : i32
    %add3A_879 = arith.constant 0 : i32
    %add3A_880 = arith.addi %mul3A_878, %add3A_879 : i32
    %dma_wait3A_881 = arith.constant 0 : i32
    %dma_wait3A_882 = tpu.memref_slice %arg6[%add3A_880, %dma_wait3A_881] : memref<10128x128xf32, #tpu.memory_space<vmem_shared>> -> memref<56x128xf32, #tpu.memory_space<vmem_shared>>
    %dma_wait3A_883 = arith.constant 0 : i32
    %dma_wait3A_884 = tpu.memref_slice %arg6[%add3A_880, %dma_wait3A_883] : memref<10128x128xf32, #tpu.memory_space<vmem_shared>> -> memref<56x128xf32, #tpu.memory_space<vmem_shared>>
    tpu.wait_dma2 semaphore(%arg17 : memref<!tpu.dma_semaphore, #tpu.memory_space<semaphore_mem>>) src(%arg12 : memref<56x128xf32, #tpu.memory_space<vmem>>) dst(%dma_wait3A_884 : memref<56x128xf32, #tpu.memory_space<vmem_shared>>)
    %mul3A_885 = arith.constant 632 : i32
    %mul3A_886 = arith.muli %arg1, %mul3A_885 : i32
    %add3A_887 = arith.constant 56 : i32
    %add3A_888 = arith.addi %mul3A_886, %add3A_887 : i32
    %dma_wait3A_889 = arith.constant 0 : i32
    %dma_wait3A_890 = tpu.memref_slice %arg6[%add3A_888, %dma_wait3A_889] : memref<10128x128xf32, #tpu.memory_space<vmem_shared>> -> memref<56x128xf32, #tpu.memory_space<vmem_shared>>
    %dma_wait3A_891 = arith.constant 0 : i32
    %dma_wait3A_892 = tpu.memref_slice %arg6[%add3A_888, %dma_wait3A_891] : memref<10128x128xf32, #tpu.memory_space<vmem_shared>> -> memref<56x128xf32, #tpu.memory_space<vmem_shared>>
    tpu.wait_dma2 semaphore(%arg17 : memref<!tpu.dma_semaphore, #tpu.memory_space<semaphore_mem>>) src(%arg12 : memref<56x128xf32, #tpu.memory_space<vmem>>) dst(%dma_wait3A_892 : memref<56x128xf32, #tpu.memory_space<vmem_shared>>)
    %mul3A_893 = arith.constant 632 : i32
    %mul3A_894 = arith.muli %arg1, %mul3A_893 : i32
    %add3A_895 = arith.constant 112 : i32
    %add3A_896 = arith.addi %mul3A_894, %add3A_895 : i32
    %dma_wait3A_897 = arith.constant 0 : i32
    %dma_wait3A_898 = tpu.memref_slice %arg6[%add3A_896, %dma_wait3A_897] : memref<10128x128xf32, #tpu.memory_space<vmem_shared>> -> memref<56x128xf32, #tpu.memory_space<vmem_shared>>
    %dma_wait3A_899 = arith.constant 0 : i32
    %dma_wait3A_900 = tpu.memref_slice %arg6[%add3A_896, %dma_wait3A_899] : memref<10128x128xf32, #tpu.memory_space<vmem_shared>> -> memref<56x128xf32, #tpu.memory_space<vmem_shared>>
    tpu.wait_dma2 semaphore(%arg17 : memref<!tpu.dma_semaphore, #tpu.memory_space<semaphore_mem>>) src(%arg12 : memref<56x128xf32, #tpu.memory_space<vmem>>) dst(%dma_wait3A_900 : memref<56x128xf32, #tpu.memory_space<vmem_shared>>)
    %mul3A_901 = arith.constant 632 : i32
    %mul3A_902 = arith.muli %arg1, %mul3A_901 : i32
    %add3A_903 = arith.constant 168 : i32
    %add3A_904 = arith.addi %mul3A_902, %add3A_903 : i32
    %dma_wait3A_905 = arith.constant 0 : i32
    %dma_wait3A_906 = tpu.memref_slice %arg6[%add3A_904, %dma_wait3A_905] : memref<10128x128xf32, #tpu.memory_space<vmem_shared>> -> memref<56x128xf32, #tpu.memory_space<vmem_shared>>
    %dma_wait3A_907 = arith.constant 0 : i32
    %dma_wait3A_908 = tpu.memref_slice %arg6[%add3A_904, %dma_wait3A_907] : memref<10128x128xf32, #tpu.memory_space<vmem_shared>> -> memref<56x128xf32, #tpu.memory_space<vmem_shared>>
    tpu.wait_dma2 semaphore(%arg17 : memref<!tpu.dma_semaphore, #tpu.memory_space<semaphore_mem>>) src(%arg12 : memref<56x128xf32, #tpu.memory_space<vmem>>) dst(%dma_wait3A_908 : memref<56x128xf32, #tpu.memory_space<vmem_shared>>)
    %mul3A_909 = arith.constant 632 : i32
    %mul3A_910 = arith.muli %arg1, %mul3A_909 : i32
    %add3A_911 = arith.constant 224 : i32
    %add3A_912 = arith.addi %mul3A_910, %add3A_911 : i32
    %dma_wait3A_913 = arith.constant 0 : i32
    %dma_wait3A_914 = tpu.memref_slice %arg6[%add3A_912, %dma_wait3A_913] : memref<10128x128xf32, #tpu.memory_space<vmem_shared>> -> memref<56x128xf32, #tpu.memory_space<vmem_shared>>
    %dma_wait3A_915 = arith.constant 0 : i32
    %dma_wait3A_916 = tpu.memref_slice %arg6[%add3A_912, %dma_wait3A_915] : memref<10128x128xf32, #tpu.memory_space<vmem_shared>> -> memref<56x128xf32, #tpu.memory_space<vmem_shared>>
    tpu.wait_dma2 semaphore(%arg17 : memref<!tpu.dma_semaphore, #tpu.memory_space<semaphore_mem>>) src(%arg12 : memref<56x128xf32, #tpu.memory_space<vmem>>) dst(%dma_wait3A_916 : memref<56x128xf32, #tpu.memory_space<vmem_shared>>)
    %mul3A_917 = arith.constant 632 : i32
    %mul3A_918 = arith.muli %arg1, %mul3A_917 : i32
    %add3A_919 = arith.constant 280 : i32
    %add3A_920 = arith.addi %mul3A_918, %add3A_919 : i32
    %dma_wait3A_921 = arith.constant 0 : i32
    %dma_wait3A_922 = tpu.memref_slice %arg6[%add3A_920, %dma_wait3A_921] : memref<10128x128xf32, #tpu.memory_space<vmem_shared>> -> memref<56x128xf32, #tpu.memory_space<vmem_shared>>
    %dma_wait3A_923 = arith.constant 0 : i32
    %dma_wait3A_924 = tpu.memref_slice %arg6[%add3A_920, %dma_wait3A_923] : memref<10128x128xf32, #tpu.memory_space<vmem_shared>> -> memref<56x128xf32, #tpu.memory_space<vmem_shared>>
    tpu.wait_dma2 semaphore(%arg17 : memref<!tpu.dma_semaphore, #tpu.memory_space<semaphore_mem>>) src(%arg12 : memref<56x128xf32, #tpu.memory_space<vmem>>) dst(%dma_wait3A_924 : memref<56x128xf32, #tpu.memory_space<vmem_shared>>)
    %mul3A_925 = arith.constant 632 : i32
    %mul3A_926 = arith.muli %arg1, %mul3A_925 : i32
    %add3A_927 = arith.constant 336 : i32
    %add3A_928 = arith.addi %mul3A_926, %add3A_927 : i32
    %dma_wait3A_929 = arith.constant 0 : i32
    %dma_wait3A_930 = tpu.memref_slice %arg6[%add3A_928, %dma_wait3A_929] : memref<10128x128xf32, #tpu.memory_space<vmem_shared>> -> memref<56x128xf32, #tpu.memory_space<vmem_shared>>
    %dma_wait3A_931 = arith.constant 0 : i32
    %dma_wait3A_932 = tpu.memref_slice %arg6[%add3A_928, %dma_wait3A_931] : memref<10128x128xf32, #tpu.memory_space<vmem_shared>> -> memref<56x128xf32, #tpu.memory_space<vmem_shared>>
    tpu.wait_dma2 semaphore(%arg17 : memref<!tpu.dma_semaphore, #tpu.memory_space<semaphore_mem>>) src(%arg12 : memref<56x128xf32, #tpu.memory_space<vmem>>) dst(%dma_wait3A_932 : memref<56x128xf32, #tpu.memory_space<vmem_shared>>)
    %mul3A_933 = arith.constant 632 : i32
    %mul3A_934 = arith.muli %arg1, %mul3A_933 : i32
    %add3A_935 = arith.constant 392 : i32
    %add3A_936 = arith.addi %mul3A_934, %add3A_935 : i32
    %dma_wait3A_937 = arith.constant 0 : i32
    %dma_wait3A_938 = tpu.memref_slice %arg6[%add3A_936, %dma_wait3A_937] : memref<10128x128xf32, #tpu.memory_space<vmem_shared>> -> memref<56x128xf32, #tpu.memory_space<vmem_shared>>
    %dma_wait3A_939 = arith.constant 0 : i32
    %dma_wait3A_940 = tpu.memref_slice %arg6[%add3A_936, %dma_wait3A_939] : memref<10128x128xf32, #tpu.memory_space<vmem_shared>> -> memref<56x128xf32, #tpu.memory_space<vmem_shared>>
    tpu.wait_dma2 semaphore(%arg17 : memref<!tpu.dma_semaphore, #tpu.memory_space<semaphore_mem>>) src(%arg12 : memref<56x128xf32, #tpu.memory_space<vmem>>) dst(%dma_wait3A_940 : memref<56x128xf32, #tpu.memory_space<vmem_shared>>)
    %mul3A_941 = arith.constant 632 : i32
    %mul3A_942 = arith.muli %arg1, %mul3A_941 : i32
    %add3A_943 = arith.constant 448 : i32
    %add3A_944 = arith.addi %mul3A_942, %add3A_943 : i32
    %dma_wait3A_945 = arith.constant 0 : i32
    %dma_wait3A_946 = tpu.memref_slice %arg6[%add3A_944, %dma_wait3A_945] : memref<10128x128xf32, #tpu.memory_space<vmem_shared>> -> memref<56x128xf32, #tpu.memory_space<vmem_shared>>
    %dma_wait3A_947 = arith.constant 0 : i32
    %dma_wait3A_948 = tpu.memref_slice %arg6[%add3A_944, %dma_wait3A_947] : memref<10128x128xf32, #tpu.memory_space<vmem_shared>> -> memref<56x128xf32, #tpu.memory_space<vmem_shared>>
    tpu.wait_dma2 semaphore(%arg17 : memref<!tpu.dma_semaphore, #tpu.memory_space<semaphore_mem>>) src(%arg12 : memref<56x128xf32, #tpu.memory_space<vmem>>) dst(%dma_wait3A_948 : memref<56x128xf32, #tpu.memory_space<vmem_shared>>)
    %mul3A_949 = arith.constant 632 : i32
    %mul3A_950 = arith.muli %arg1, %mul3A_949 : i32
    %add3A_951 = arith.constant 504 : i32
    %add3A_952 = arith.addi %mul3A_950, %add3A_951 : i32
    %dma_wait3A_953 = arith.constant 0 : i32
    %dma_wait3A_954 = tpu.memref_slice %arg6[%add3A_952, %dma_wait3A_953] : memref<10128x128xf32, #tpu.memory_space<vmem_shared>> -> memref<56x128xf32, #tpu.memory_space<vmem_shared>>
    %dma_wait3A_955 = arith.constant 0 : i32
    %dma_wait3A_956 = tpu.memref_slice %arg6[%add3A_952, %dma_wait3A_955] : memref<10128x128xf32, #tpu.memory_space<vmem_shared>> -> memref<56x128xf32, #tpu.memory_space<vmem_shared>>
    tpu.wait_dma2 semaphore(%arg17 : memref<!tpu.dma_semaphore, #tpu.memory_space<semaphore_mem>>) src(%arg12 : memref<56x128xf32, #tpu.memory_space<vmem>>) dst(%dma_wait3A_956 : memref<56x128xf32, #tpu.memory_space<vmem_shared>>)
    %mul3A_957 = arith.constant 632 : i32
    %mul3A_958 = arith.muli %arg1, %mul3A_957 : i32
    %add3A_959 = arith.constant 560 : i32
    %add3A_960 = arith.addi %mul3A_958, %add3A_959 : i32
    %dma_wait3A_961 = arith.constant 0 : i32
    %dma_wait3A_962 = tpu.memref_slice %arg6[%add3A_960, %dma_wait3A_961] : memref<10128x128xf32, #tpu.memory_space<vmem_shared>> -> memref<56x128xf32, #tpu.memory_space<vmem_shared>>
    %dma_wait3A_963 = arith.constant 0 : i32
    %dma_wait3A_964 = tpu.memref_slice %arg6[%add3A_960, %dma_wait3A_963] : memref<10128x128xf32, #tpu.memory_space<vmem_shared>> -> memref<56x128xf32, #tpu.memory_space<vmem_shared>>
    tpu.wait_dma2 semaphore(%arg17 : memref<!tpu.dma_semaphore, #tpu.memory_space<semaphore_mem>>) src(%arg12 : memref<56x128xf32, #tpu.memory_space<vmem>>) dst(%dma_wait3A_964 : memref<56x128xf32, #tpu.memory_space<vmem_shared>>)
    %mul3A_965 = arith.constant 632 : i32
    %mul3A_966 = arith.muli %arg1, %mul3A_965 : i32
    %add3A_967 = arith.constant 616 : i32
    %add3A_968 = arith.addi %mul3A_966, %add3A_967 : i32
    %dma_wait3A_969 = arith.constant 0 : i32
    %dma_wait3A_970 = arith.constant 0 : i32
    %dma_wait3A_971 = tpu.memref_slice %arg12[%dma_wait3A_969, %dma_wait3A_970] : memref<56x128xf32, #tpu.memory_space<vmem>> -> memref<16x128xf32, #tpu.memory_space<vmem>>
    %dma_wait3A_972 = arith.constant 0 : i32
    %dma_wait3A_973 = tpu.memref_slice %arg6[%add3A_968, %dma_wait3A_972] : memref<10128x128xf32, #tpu.memory_space<vmem_shared>> -> memref<16x128xf32, #tpu.memory_space<vmem_shared>>
    %dma_wait3A_974 = arith.constant 0 : i32
    %dma_wait3A_975 = tpu.memref_slice %arg6[%add3A_968, %dma_wait3A_974] : memref<10128x128xf32, #tpu.memory_space<vmem_shared>> -> memref<16x128xf32, #tpu.memory_space<vmem_shared>>
    %dma_wait3A_976 = arith.constant 0 : i32
    %dma_wait3A_977 = arith.constant 0 : i32
    %dma_wait3A_978 = tpu.memref_slice %arg12[%dma_wait3A_976, %dma_wait3A_977] : memref<56x128xf32, #tpu.memory_space<vmem>> -> memref<16x128xf32, #tpu.memory_space<vmem>>
    tpu.wait_dma2 semaphore(%arg17 : memref<!tpu.dma_semaphore, #tpu.memory_space<semaphore_mem>>) src(%dma_wait3A_978 : memref<16x128xf32, #tpu.memory_space<vmem>>) dst(%dma_wait3A_975 : memref<16x128xf32, #tpu.memory_space<vmem_shared>>)
    %barrier3A_979 = arith.constant 0 : index
    tpu.barrier barrier_id(%barrier3A_979)
    %mul3A_980 = arith.constant 35840 : i32
    %mul3A_981 = arith.muli %arg1, %mul3A_980 : i32
    %add3A_982 = arith.constant 0 : i32
    %add3A_983 = arith.addi %mul3A_981, %add3A_982 : i32
    %dma_start3A_984 = arith.constant 0 : i32
    %dma_start3A_985 = arith.constant 0 : i32
    %dma_start3A_986 = tpu.memref_slice %arg7[%dma_start3A_984, %dma_start3A_985] : memref<2x3584xi32, #tpu.memory_space<vmem>> -> memref<1x3584xi32, #tpu.memory_space<vmem>>
    %dma_start3A_987 = tpu.memref_squeeze %dma_start3A_986 : memref<1x3584xi32, #tpu.memory_space<vmem>> -> memref<3584xi32, #tpu.memory_space<vmem>>
    %dma_start3A_988 = tpu.memref_slice %arg3[%add3A_983] : memref<573440xi32, #tpu.memory_space<hbm>> -> memref<3584xi32, #tpu.memory_space<hbm>>
    %dma_start3A_989 = arith.constant 0 : i32
    %dma_start3A_990 = tpu.memref_slice %arg7[%dma_start3A_984, %dma_start3A_989] : memref<2x3584xi32, #tpu.memory_space<vmem>> -> memref<1x3584xi32, #tpu.memory_space<vmem>>
    %dma_start3A_991 = tpu.memref_squeeze %dma_start3A_990 : memref<1x3584xi32, #tpu.memory_space<vmem>> -> memref<3584xi32, #tpu.memory_space<vmem>>
    %dma_start3A_992 = tpu.memref_slice %arg3[%add3A_983] : memref<573440xi32, #tpu.memory_space<hbm>> -> memref<3584xi32, #tpu.memory_space<hbm>>
    tpu.enqueue_dma source(%dma_start3A_992 : memref<3584xi32, #tpu.memory_space<hbm>>) target(%dma_start3A_991 : memref<3584xi32, #tpu.memory_space<vmem>>) target_semaphore(%arg14 : memref<!tpu.dma_semaphore, #tpu.memory_space<semaphore_mem>>)
    %dma_start3A_993 = arith.constant 0 : i32
    %dma_start3A_994 = arith.constant 0 : i32
    %dma_start3A_995 = tpu.memref_slice %arg8[%dma_start3A_993, %dma_start3A_994] : memref<2x3584xi32, #tpu.memory_space<vmem>> -> memref<1x3584xi32, #tpu.memory_space<vmem>>
    %dma_start3A_996 = tpu.memref_squeeze %dma_start3A_995 : memref<1x3584xi32, #tpu.memory_space<vmem>> -> memref<3584xi32, #tpu.memory_space<vmem>>
    %dma_start3A_997 = tpu.memref_slice %arg4[%add3A_983] : memref<573440xi32, #tpu.memory_space<hbm>> -> memref<3584xi32, #tpu.memory_space<hbm>>
    %dma_start3A_998 = arith.constant 0 : i32
    %dma_start3A_999 = tpu.memref_slice %arg8[%dma_start3A_993, %dma_start3A_998] : memref<2x3584xi32, #tpu.memory_space<vmem>> -> memref<1x3584xi32, #tpu.memory_space<vmem>>
    %dma_start3A_1000 = tpu.memref_squeeze %dma_start3A_999 : memref<1x3584xi32, #tpu.memory_space<vmem>> -> memref<3584xi32, #tpu.memory_space<vmem>>
    %dma_start3A_1001 = tpu.memref_slice %arg4[%add3A_983] : memref<573440xi32, #tpu.memory_space<hbm>> -> memref<3584xi32, #tpu.memory_space<hbm>>
    tpu.enqueue_dma source(%dma_start3A_1001 : memref<3584xi32, #tpu.memory_space<hbm>>) target(%dma_start3A_1000 : memref<3584xi32, #tpu.memory_space<vmem>>) target_semaphore(%arg14 : memref<!tpu.dma_semaphore, #tpu.memory_space<semaphore_mem>>)
    %scan3A_1002 = arith.constant 0 : i32
    %scan3A_1003 = arith.constant 0 : i32
    %scan3A_1004 = arith.constant 10 : i32
    %scan3A_1005 = arith.addi %scan3A_1003, %scan3A_1004 : i32
    %scan3A_1006 = arith.constant 1 : i32
    scf.for %scan3A_1015 = %scan3A_1003 to %scan3A_1005 step %scan3A_1006  : i32 {
      %jit3A = arith.constant 2 : i32
      %eq3A_1016 = arith.constant 0 : i32
      %eq3A_1017 = arith.cmpi eq, %jit3A, %eq3A_1016 : i32
      %jit3A_1018 = arith.constant 1 : i32
      %select_n3A = arith.select %eq3A_1017, %jit3A_1018, %jit3A : i32
      %rem3A = arith.remsi %scan3A_1015, %select_n3A : i32
      %ne3A = arith.constant 0 : i32
      %ne3A_1019 = arith.cmpi ne, %rem3A, %ne3A : i32
      %lt3A = arith.constant 0 : i32
      %lt3A_1020 = arith.cmpi slt, %rem3A, %lt3A : i32
      %lt3A_1021 = arith.constant 0 : i32
      %lt3A_1022 = arith.cmpi slt, %select_n3A, %lt3A_1021 : i32
      %ne3A_1023 = arith.xori %lt3A_1020, %lt3A_1022 : i1
      %and3A = arith.andi %ne3A_1023, %ne3A_1019 : i1
      %add3A_1024 = arith.addi %rem3A, %select_n3A : i32
      %select_n3A_1025 = arith.select %and3A, %add3A_1024, %rem3A : i32
      %add3A_1026 = arith.constant 1 : i32
      %add3A_1027 = arith.addi %scan3A_1015, %add3A_1026 : i32
      %lt3A_1028 = arith.constant 10 : i32
      %lt3A_1029 = arith.cmpi slt, %add3A_1027, %lt3A_1028 : i32
      %convert_element_type3A_1030 = arith.extui %lt3A_1029 : i1 to i32
      %cond3A_1031 = arith.constant 0 : i32
      %cond3A_1032 = arith.cmpi ne, %convert_element_type3A_1030, %cond3A_1031 : i32
      scf.if %cond3A_1032 {
        %add3A_1180 = arith.constant 1 : i32
        %add3A_1181 = arith.addi %scan3A_1015, %add3A_1180 : i32
        %sub3A_1182 = arith.constant 1 : i32
        %sub3A_1183 = arith.subi %sub3A_1182, %select_n3A_1025 : i32
        %mul3A_1184 = arith.constant 35840 : i32
        %mul3A_1185 = arith.muli %arg1, %mul3A_1184 : i32
        %mul3A_1186 = arith.constant 3584 : i32
        %mul3A_1187 = arith.muli %add3A_1181, %mul3A_1186 : i32
        %add3A_1188 = arith.addi %mul3A_1185, %mul3A_1187 : i32
        %dma_start3A_1189 = arith.constant 0 : i32
        %dma_start3A_1190 = tpu.memref_slice %arg7[%sub3A_1183, %dma_start3A_1189] : memref<2x3584xi32, #tpu.memory_space<vmem>> -> memref<1x3584xi32, #tpu.memory_space<vmem>>
        %dma_start3A_1191 = tpu.memref_squeeze %dma_start3A_1190 : memref<1x3584xi32, #tpu.memory_space<vmem>> -> memref<3584xi32, #tpu.memory_space<vmem>>
        %dma_start3A_1192 = tpu.memref_slice %arg3[%add3A_1188] : memref<573440xi32, #tpu.memory_space<hbm>> -> memref<3584xi32, #tpu.memory_space<hbm>>
        %dma_start3A_1193 = arith.constant 0 : i32
        %dma_start3A_1194 = tpu.memref_slice %arg7[%sub3A_1183, %dma_start3A_1193] : memref<2x3584xi32, #tpu.memory_space<vmem>> -> memref<1x3584xi32, #tpu.memory_space<vmem>>
        %dma_start3A_1195 = tpu.memref_squeeze %dma_start3A_1194 : memref<1x3584xi32, #tpu.memory_space<vmem>> -> memref<3584xi32, #tpu.memory_space<vmem>>
        %dma_start3A_1196 = tpu.memref_slice %arg3[%add3A_1188] : memref<573440xi32, #tpu.memory_space<hbm>> -> memref<3584xi32, #tpu.memory_space<hbm>>
        tpu.enqueue_dma source(%dma_start3A_1196 : memref<3584xi32, #tpu.memory_space<hbm>>) target(%dma_start3A_1195 : memref<3584xi32, #tpu.memory_space<vmem>>) target_semaphore(%arg14 : memref<!tpu.dma_semaphore, #tpu.memory_space<semaphore_mem>>)
        %dma_start3A_1197 = arith.constant 0 : i32
        %dma_start3A_1198 = tpu.memref_slice %arg8[%sub3A_1183, %dma_start3A_1197] : memref<2x3584xi32, #tpu.memory_space<vmem>> -> memref<1x3584xi32, #tpu.memory_space<vmem>>
        %dma_start3A_1199 = tpu.memref_squeeze %dma_start3A_1198 : memref<1x3584xi32, #tpu.memory_space<vmem>> -> memref<3584xi32, #tpu.memory_space<vmem>>
        %dma_start3A_1200 = tpu.memref_slice %arg4[%add3A_1188] : memref<573440xi32, #tpu.memory_space<hbm>> -> memref<3584xi32, #tpu.memory_space<hbm>>
        %dma_start3A_1201 = arith.constant 0 : i32
        %dma_start3A_1202 = tpu.memref_slice %arg8[%sub3A_1183, %dma_start3A_1201] : memref<2x3584xi32, #tpu.memory_space<vmem>> -> memref<1x3584xi32, #tpu.memory_space<vmem>>
        %dma_start3A_1203 = tpu.memref_squeeze %dma_start3A_1202 : memref<1x3584xi32, #tpu.memory_space<vmem>> -> memref<3584xi32, #tpu.memory_space<vmem>>
        %dma_start3A_1204 = tpu.memref_slice %arg4[%add3A_1188] : memref<573440xi32, #tpu.memory_space<hbm>> -> memref<3584xi32, #tpu.memory_space<hbm>>
        tpu.enqueue_dma source(%dma_start3A_1204 : memref<3584xi32, #tpu.memory_space<hbm>>) target(%dma_start3A_1203 : memref<3584xi32, #tpu.memory_space<vmem>>) target_semaphore(%arg14 : memref<!tpu.dma_semaphore, #tpu.memory_space<semaphore_mem>>)
      } else {
      }
      %dma_wait3A_1033 = arith.constant 0 : i32
      %dma_wait3A_1034 = tpu.memref_slice %arg7[%select_n3A_1025, %dma_wait3A_1033] : memref<2x3584xi32, #tpu.memory_space<vmem>> -> memref<1x3584xi32, #tpu.memory_space<vmem>>
      %dma_wait3A_1035 = tpu.memref_squeeze %dma_wait3A_1034 : memref<1x3584xi32, #tpu.memory_space<vmem>> -> memref<3584xi32, #tpu.memory_space<vmem>>
      %dma_wait3A_1036 = arith.constant 0 : i32
      %dma_wait3A_1037 = tpu.memref_slice %arg3[%dma_wait3A_1036] : memref<573440xi32, #tpu.memory_space<hbm>> -> memref<3584xi32, #tpu.memory_space<hbm>>
      %dma_wait3A_1038 = arith.constant 0 : i32
      %dma_wait3A_1039 = tpu.memref_slice %arg7[%select_n3A_1025, %dma_wait3A_1038] : memref<2x3584xi32, #tpu.memory_space<vmem>> -> memref<1x3584xi32, #tpu.memory_space<vmem>>
      %dma_wait3A_1040 = tpu.memref_squeeze %dma_wait3A_1039 : memref<1x3584xi32, #tpu.memory_space<vmem>> -> memref<3584xi32, #tpu.memory_space<vmem>>
      %dma_wait3A_1041 = arith.constant 0 : i32
      %dma_wait3A_1042 = tpu.memref_slice %arg3[%dma_wait3A_1041] : memref<573440xi32, #tpu.memory_space<hbm>> -> memref<3584xi32, #tpu.memory_space<hbm>>
      tpu.wait_dma2 semaphore(%arg14 : memref<!tpu.dma_semaphore, #tpu.memory_space<semaphore_mem>>) src(%dma_wait3A_1042 : memref<3584xi32, #tpu.memory_space<hbm>>) dst(%dma_wait3A_1040 : memref<3584xi32, #tpu.memory_space<vmem>>)
      %dma_wait3A_1043 = arith.constant 0 : i32
      %dma_wait3A_1044 = tpu.memref_slice %arg8[%select_n3A_1025, %dma_wait3A_1043] : memref<2x3584xi32, #tpu.memory_space<vmem>> -> memref<1x3584xi32, #tpu.memory_space<vmem>>
      %dma_wait3A_1045 = tpu.memref_squeeze %dma_wait3A_1044 : memref<1x3584xi32, #tpu.memory_space<vmem>> -> memref<3584xi32, #tpu.memory_space<vmem>>
      %dma_wait3A_1046 = arith.constant 0 : i32
      %dma_wait3A_1047 = tpu.memref_slice %arg4[%dma_wait3A_1046] : memref<573440xi32, #tpu.memory_space<hbm>> -> memref<3584xi32, #tpu.memory_space<hbm>>
      %dma_wait3A_1048 = arith.constant 0 : i32
      %dma_wait3A_1049 = tpu.memref_slice %arg8[%select_n3A_1025, %dma_wait3A_1048] : memref<2x3584xi32, #tpu.memory_space<vmem>> -> memref<1x3584xi32, #tpu.memory_space<vmem>>
      %dma_wait3A_1050 = tpu.memref_squeeze %dma_wait3A_1049 : memref<1x3584xi32, #tpu.memory_space<vmem>> -> memref<3584xi32, #tpu.memory_space<vmem>>
      %dma_wait3A_1051 = arith.constant 0 : i32
      %dma_wait3A_1052 = tpu.memref_slice %arg4[%dma_wait3A_1051] : memref<573440xi32, #tpu.memory_space<hbm>> -> memref<3584xi32, #tpu.memory_space<hbm>>
      tpu.wait_dma2 semaphore(%arg14 : memref<!tpu.dma_semaphore, #tpu.memory_space<semaphore_mem>>) src(%dma_wait3A_1052 : memref<3584xi32, #tpu.memory_space<hbm>>) dst(%dma_wait3A_1050 : memref<3584xi32, #tpu.memory_space<vmem>>)
      %scan3A_1053 = arith.constant 0 : i32
      %scan3A_1054 = arith.constant 0 : i32
      %scan3A_1055 = arith.constant 14 : i32
      %scan3A_1056 = arith.addi %scan3A_1054, %scan3A_1055 : i32
      %scan3A_1057 = arith.constant 1 : i32
      %scan3A_1058 = scf.for %scan3A_1180 = %scan3A_1054 to %scan3A_1056 step %scan3A_1057 iter_args(%scan3A_1181 = %scan3A_1053) -> (i32)  : i32 {
        %mul3A_1182 = arith.constant 16 : i32
        %mul3A_1183 = arith.muli %scan3A_1180, %mul3A_1182 : i32
        %get3A = arith.index_cast %mul3A_1183 : i32 to index
        %get3A_1184 = tpu.vector_load %arg13[%get3A] {strides = array<i32>} : memref<224xi32, #tpu.memory_space<vmem>>, vector<16xi32>,
        %broadcast_in_dim3A_1185 = arith.constant true
        %broadcast_in_dim3A_1186 = vector.broadcast %broadcast_in_dim3A_1185 : i1 to vector<16xi1>
        %masked_cumsum3A = tpu.scan <sum>, %get3A_1184 masked %broadcast_in_dim3A_1186 : vector<16xi32>, vector<16xi1> -> vector<16xi32>
        %broadcast_in_dim3A_1187 = vector.broadcast %scan3A_1181 : i32 to vector<16xi32>
        %add3A_1188 = arith.addi %broadcast_in_dim3A_1187, %masked_cumsum3A : vector<16xi32>
        %sub3A_1189 = arith.subi %add3A_1188, %get3A_1184 : vector<16xi32>
        %mul3A_1190 = arith.constant 16 : i32
        %mul3A_1191 = arith.muli %scan3A_1180, %mul3A_1190 : i32
        %swap3A = arith.index_cast %mul3A_1191 : i32 to index
        %swap3A_1192 = tpu.vector_load %arg13[%swap3A] {strides = array<i32>} : memref<224xi32, #tpu.memory_space<vmem>>, vector<16xi32>,
        tpu.vector_store %arg13[%swap3A], %sub3A_1189 {strides = array<i32>} : memref<224xi32, #tpu.memory_space<vmem>>, vector<16xi32>,
        %slice3A = vector.extract_strided_slice %masked_cumsum3A {offsets = [15], sizes = [1], strides = [1]} : vector<16xi32> to vector<1xi32>
        %squeeze3A = vector.extract %slice3A[0] : i32 from vector<1xi32>
        %add3A_1193 = arith.addi %scan3A_1181, %squeeze3A : i32
        scf.yield %add3A_1193 : i32
      }
      %scan3A_1059 = arith.constant 14 : i32
      %broadcast_in_dim3A_1060 = vector.broadcast %scan3A_1058 : i32 to vector<16xi32>
      %mul3A_1061 = arith.constant 128 : i32
      %mul3A_1062 = arith.muli %scan3A_1015, %mul3A_1061 : i32
      %broadcast_in_dim3A_1063 = vector.broadcast %mul3A_1062 : i32 to vector<16xi32>
      %add3A_1064 = arith.constant 0 : i32
      %add3A_1065 = vector.broadcast %add3A_1064 : i32 to vector<16xi32>
      %add3A_1066 = arith.addi %iota3A, %add3A_1065 : vector<16xi32>
      %add3A_1067 = arith.addi %broadcast_in_dim3A_1060, %add3A_1066 : vector<16xi32>
      %add3A_1068 = arith.addi %broadcast_in_dim3A_3, %broadcast_in_dim3A_1063 : vector<16xi32>
      %add3A_1069 = arith.constant 0 : i32
      %add3A_1070 = vector.broadcast %add3A_1069 : i32 to vector<16xi32>
      %add3A_1071 = arith.addi %iota3A, %add3A_1070 : vector<16xi32>
      %add3A_1072 = arith.addi %add3A_1068, %add3A_1071 : vector<16xi32>
      tpu.vector_store_idx %arg9[%add3A_1067], %add3A_1072 : memref<3648xi32, #tpu.memory_space<vmem>>[vector<16xi32>], vector<16xi32>,
      %shift_right_logical3A = arith.constant 6 : i32
      %shift_right_logical3A_1073 = vector.broadcast %shift_right_logical3A : i32 to vector<16xi32>
      %shift_right_logical3A_1074 = arith.shrui %add3A_1067, %shift_right_logical3A_1073 : vector<16xi32>
      %and3A_1075 = arith.constant 63 : i32
      %and3A_1076 = vector.broadcast %and3A_1075 : i32 to vector<16xi32>
      %and3A_1077 = arith.andi %add3A_1067, %and3A_1076 : vector<16xi32>
      tpu.vector_store_idx %arg10[%shift_right_logical3A_1074, %and3A_1077], %add3A : memref<57x64xi32, #tpu.memory_space<vmem>>[vector<16xi32>, vector<16xi32>], vector<16xi32>,
      %add3A_1078 = arith.constant 16 : i32
      %add3A_1079 = vector.broadcast %add3A_1078 : i32 to vector<16xi32>
      %add3A_1080 = arith.addi %iota3A, %add3A_1079 : vector<16xi32>
      %add3A_1081 = arith.addi %broadcast_in_dim3A_1060, %add3A_1080 : vector<16xi32>
      %add3A_1082 = arith.addi %broadcast_in_dim3A_3, %broadcast_in_dim3A_1063 : vector<16xi32>
      %add3A_1083 = arith.constant 16 : i32
      %add3A_1084 = vector.broadcast %add3A_1083 : i32 to vector<16xi32>
      %add3A_1085 = arith.addi %iota3A, %add3A_1084 : vector<16xi32>
      %add3A_1086 = arith.addi %add3A_1082, %add3A_1085 : vector<16xi32>
      tpu.vector_store_idx %arg9[%add3A_1081], %add3A_1086 : memref<3648xi32, #tpu.memory_space<vmem>>[vector<16xi32>], vector<16xi32>,
      %shift_right_logical3A_1087 = arith.constant 6 : i32
      %shift_right_logical3A_1088 = vector.broadcast %shift_right_logical3A_1087 : i32 to vector<16xi32>
      %shift_right_logical3A_1089 = arith.shrui %add3A_1081, %shift_right_logical3A_1088 : vector<16xi32>
      %and3A_1090 = arith.constant 63 : i32
      %and3A_1091 = vector.broadcast %and3A_1090 : i32 to vector<16xi32>
      %and3A_1092 = arith.andi %add3A_1081, %and3A_1091 : vector<16xi32>
      tpu.vector_store_idx %arg10[%shift_right_logical3A_1089, %and3A_1092], %add3A : memref<57x64xi32, #tpu.memory_space<vmem>>[vector<16xi32>, vector<16xi32>], vector<16xi32>,
      %add3A_1093 = arith.constant 32 : i32
      %add3A_1094 = vector.broadcast %add3A_1093 : i32 to vector<16xi32>
      %add3A_1095 = arith.addi %iota3A, %add3A_1094 : vector<16xi32>
      %add3A_1096 = arith.addi %broadcast_in_dim3A_1060, %add3A_1095 : vector<16xi32>
      %add3A_1097 = arith.addi %broadcast_in_dim3A_3, %broadcast_in_dim3A_1063 : vector<16xi32>
      %add3A_1098 = arith.constant 32 : i32
      %add3A_1099 = vector.broadcast %add3A_1098 : i32 to vector<16xi32>
      %add3A_1100 = arith.addi %iota3A, %add3A_1099 : vector<16xi32>
      %add3A_1101 = arith.addi %add3A_1097, %add3A_1100 : vector<16xi32>
      tpu.vector_store_idx %arg9[%add3A_1096], %add3A_1101 : memref<3648xi32, #tpu.memory_space<vmem>>[vector<16xi32>], vector<16xi32>,
      %shift_right_logical3A_1102 = arith.constant 6 : i32
      %shift_right_logical3A_1103 = vector.broadcast %shift_right_logical3A_1102 : i32 to vector<16xi32>
      %shift_right_logical3A_1104 = arith.shrui %add3A_1096, %shift_right_logical3A_1103 : vector<16xi32>
      %and3A_1105 = arith.constant 63 : i32
      %and3A_1106 = vector.broadcast %and3A_1105 : i32 to vector<16xi32>
      %and3A_1107 = arith.andi %add3A_1096, %and3A_1106 : vector<16xi32>
      tpu.vector_store_idx %arg10[%shift_right_logical3A_1104, %and3A_1107], %add3A : memref<57x64xi32, #tpu.memory_space<vmem>>[vector<16xi32>, vector<16xi32>], vector<16xi32>,
      %add3A_1108 = arith.constant 48 : i32
      %add3A_1109 = vector.broadcast %add3A_1108 : i32 to vector<16xi32>
      %add3A_1110 = arith.addi %iota3A, %add3A_1109 : vector<16xi32>
      %add3A_1111 = arith.addi %broadcast_in_dim3A_1060, %add3A_1110 : vector<16xi32>
      %add3A_1112 = arith.addi %broadcast_in_dim3A_3, %broadcast_in_dim3A_1063 : vector<16xi32>
      %add3A_1113 = arith.constant 48 : i32
      %add3A_1114 = vector.broadcast %add3A_1113 : i32 to vector<16xi32>
      %add3A_1115 = arith.addi %iota3A, %add3A_1114 : vector<16xi32>
      %add3A_1116 = arith.addi %add3A_1112, %add3A_1115 : vector<16xi32>
      tpu.vector_store_idx %arg9[%add3A_1111], %add3A_1116 : memref<3648xi32, #tpu.memory_space<vmem>>[vector<16xi32>], vector<16xi32>,
      %shift_right_logical3A_1117 = arith.constant 6 : i32
      %shift_right_logical3A_1118 = vector.broadcast %shift_right_logical3A_1117 : i32 to vector<16xi32>
      %shift_right_logical3A_1119 = arith.shrui %add3A_1111, %shift_right_logical3A_1118 : vector<16xi32>
      %and3A_1120 = arith.constant 63 : i32
      %and3A_1121 = vector.broadcast %and3A_1120 : i32 to vector<16xi32>
      %and3A_1122 = arith.andi %add3A_1111, %and3A_1121 : vector<16xi32>
      tpu.vector_store_idx %arg10[%shift_right_logical3A_1119, %and3A_1122], %add3A : memref<57x64xi32, #tpu.memory_space<vmem>>[vector<16xi32>, vector<16xi32>], vector<16xi32>,
      %add3A_1123 = arith.constant 64 : i32
      %add3A_1124 = arith.addi %scan3A_1058, %add3A_1123 : i32
      %sub3A = arith.constant 1 : i32
      %sub3A_1125 = arith.subi %add3A_1124, %sub3A : i32
      %jit3A_1126 = arith.constant 64 : i32
      %div3A = arith.divsi %sub3A_1125, %jit3A_1126 : i32
      %sign3A = arith.constant 0 : i32
      %sign3A_1127 = arith.cmpi sgt, %sub3A_1125, %sign3A : i32
      %sign3A_1128 = arith.extui %sign3A_1127 : i1 to i32
      %sign3A_1129 = arith.constant 0 : i32
      %sign3A_1130 = arith.cmpi slt, %sub3A_1125, %sign3A_1129 : i32
      %sign3A_1131 = arith.extui %sign3A_1130 : i1 to i32
      %sign3A_1132 = arith.subi %sign3A_1128, %sign3A_1131 : i32
      %sign3A_1133 = arith.constant 0 : i32
      %sign3A_1134 = arith.cmpi sgt, %jit3A_1126, %sign3A_1133 : i32
      %sign3A_1135 = arith.extui %sign3A_1134 : i1 to i32
      %sign3A_1136 = arith.constant 0 : i32
      %sign3A_1137 = arith.cmpi slt, %jit3A_1126, %sign3A_1136 : i32
      %sign3A_1138 = arith.extui %sign3A_1137 : i1 to i32
      %sign3A_1139 = arith.subi %sign3A_1135, %sign3A_1138 : i32
      %ne3A_1140 = arith.cmpi ne, %sign3A_1132, %sign3A_1139 : i32
      %rem3A_1141 = arith.remsi %sub3A_1125, %jit3A_1126 : i32
      %ne3A_1142 = arith.constant 0 : i32
      %ne3A_1143 = arith.cmpi ne, %rem3A_1141, %ne3A_1142 : i32
      %and3A_1144 = arith.andi %ne3A_1140, %ne3A_1143 : i1
      %sub3A_1145 = arith.constant 1 : i32
      %sub3A_1146 = arith.subi %div3A, %sub3A_1145 : i32
      %select_n3A_1147 = arith.select %and3A_1144, %sub3A_1146, %div3A : i32
      %max3A = arith.constant 1 : i32
      %max3A_1148 = arith.maxsi %select_n3A_1147, %max3A : i32
      %dma_start3A_1149 = arith.constant 0 : i32
      %dma_start3A_1150 = arith.constant 0 : i32
      %dma_start3A_1151 = arith.constant 0 : i32
      %dma_start3A_1152 = tpu.memref_slice %arg11[%dma_start3A_1149, %dma_start3A_1150, %dma_start3A_1151] : memref<2x64x128xf32, #tpu.memory_space<vmem>> -> memref<1x64x128xf32, #tpu.memory_space<vmem>>
      %dma_start3A_1153 = tpu.memref_squeeze %dma_start3A_1152 : memref<1x64x128xf32, #tpu.memory_space<vmem>> -> memref<64x128xf32, #tpu.memory_space<vmem>>
      %dma_start3A_1154 = arith.constant 0 : i32
      %dma_start3A_1155 = tpu.memref_slice %arg9[%dma_start3A_1154] : memref<3648xi32, #tpu.memory_space<vmem>> -> memref<64xi32, #tpu.memory_space<vmem>>
      %dma_start3A_1156 = arith.constant 0 : i32
      %dma_start3A_1157 = arith.constant 0 : i32
      %dma_start3A_1158 = tpu.memref_slice %arg2[%dma_start3A_1156, %dma_start3A_1157] : memref<560000x128xf32, #tpu.memory_space<hbm>> -> memref<560000x128xf32, #tpu.memory_space<hbm>>
      tpu.enqueue_indirect_dma source(%dma_start3A_1158 : memref<560000x128xf32, #tpu.memory_space<hbm>>) target(%dma_start3A_1153 : memref<64x128xf32, #tpu.memory_space<vmem>>) offsets(%dma_start3A_1155 : memref<64xi32, #tpu.memory_space<vmem>>) semaphore(%arg15 : memref<!tpu.dma_semaphore, #tpu.memory_space<semaphore_mem>>)
      %while3A = arith.constant 0 : i32
      %while3A_1159 = arith.constant 0 : i32
      %while3A_1160 = arith.subi %max3A_1148, %while3A_1159 : i32
      %while3A_1161 = arith.addi %while3A_1159, %while3A_1160 : i32
      %while3A_1162 = arith.constant 1 : i32
      %while3A_1163 = arith.divsi %while3A_1160, %while3A_1162 : i32
      %while3A_1164 = arith.muli %while3A_1163, %while3A_1162 : i32
      %while3A_1165 = arith.addi %while3A_1159, %while3A_1164 : i32
      %while3A_1166 = arith.constant 1 : i32
      scf.for %while3A_1180 = %while3A_1159 to %while3A_1165 step %while3A_1166  : i32 {
        %ge3A = arith.constant 1 : i32
        %ge3A_1181 = arith.cmpi sge, %while3A_1180, %ge3A : i32
        %convert_element_type3A_1182 = arith.extui %ge3A_1181 : i1 to i32
        %cond3A_1183 = arith.constant 0 : i32
        %cond3A_1184 = arith.cmpi ne, %convert_element_type3A_1182, %cond3A_1183 : i32
        scf.if %cond3A_1184 {
          %dma_wait3A_1242 = arith.constant 0 : i32
          %dma_wait3A_1243 = arith.constant 0 : i32
          %dma_wait3A_1244 = arith.constant 0 : i32
          %dma_wait3A_1245 = arith.constant 0 : i32
          %dma_wait3A_1246 = tpu.memref_slice %arg11[%dma_wait3A_1242, %dma_wait3A_1244, %dma_wait3A_1245] : memref<2x64x128xf32, #tpu.memory_space<vmem>> -> memref<1x64x128xf32, #tpu.memory_space<vmem>>
          %dma_wait3A_1247 = tpu.memref_squeeze %dma_wait3A_1246 : memref<1x64x128xf32, #tpu.memory_space<vmem>> -> memref<64x128xf32, #tpu.memory_space<vmem>>
          %dma_wait3A_1248 = arith.constant 0 : i32
          %dma_wait3A_1249 = tpu.memref_slice %arg10[%dma_wait3A_1243, %dma_wait3A_1248] : memref<57x64xi32, #tpu.memory_space<vmem>> -> memref<1x64xi32, #tpu.memory_space<vmem>>
          %dma_wait3A_1250 = tpu.memref_squeeze %dma_wait3A_1249 : memref<1x64xi32, #tpu.memory_space<vmem>> -> memref<64xi32, #tpu.memory_space<vmem>>
          %dma_wait3A_1251 = arith.constant 0 : i32
          %dma_wait3A_1252 = arith.constant 0 : i32
          %dma_wait3A_1253 = tpu.memref_slice %arg6[%dma_wait3A_1251, %dma_wait3A_1252] : memref<10128x128xf32, #tpu.memory_space<vmem_shared>> -> memref<10128x128xf32, #tpu.memory_space<vmem_shared>>
          tpu.wait_indirect_dma semaphore(%arg16 : memref<!tpu.dma_semaphore, #tpu.memory_space<semaphore_mem>>) src(%dma_wait3A_1247 : memref<64x128xf32, #tpu.memory_space<vmem>>) dst(%dma_wait3A_1253 : memref<10128x128xf32, #tpu.memory_space<vmem_shared>>)
        } else {
        }
        %add3A_1185 = arith.constant 1 : i32
        %add3A_1186 = arith.addi %while3A_1180, %add3A_1185 : i32
        %lt3A_1187 = arith.cmpi slt, %add3A_1186, %max3A_1148 : i32
        %convert_element_type3A_1188 = arith.extui %lt3A_1187 : i1 to i32
        %cond3A_1189 = arith.constant 0 : i32
        %cond3A_1190 = arith.cmpi ne, %convert_element_type3A_1188, %cond3A_1189 : i32
        scf.if %cond3A_1190 {
          %add3A_1242 = arith.constant 1 : i32
          %add3A_1243 = arith.addi %while3A_1180, %add3A_1242 : i32
          %mul3A_1244 = arith.constant 64 : i32
          %mul3A_1245 = arith.muli %add3A_1243, %mul3A_1244 : i32
          %add3A_1246 = arith.constant 1 : i32
          %add3A_1247 = arith.addi %while3A_1180, %add3A_1246 : i32
          %jit3A_1248 = arith.constant 2 : i32
          %eq3A_1249 = arith.constant 0 : i32
          %eq3A_1250 = arith.cmpi eq, %jit3A_1248, %eq3A_1249 : i32
          %jit3A_1251 = arith.constant 1 : i32
          %select_n3A_1252 = arith.select %eq3A_1250, %jit3A_1251, %jit3A_1248 : i32
          %rem3A_1253 = arith.remsi %add3A_1247, %select_n3A_1252 : i32
          %ne3A_1254 = arith.constant 0 : i32
          %ne3A_1255 = arith.cmpi ne, %rem3A_1253, %ne3A_1254 : i32
          %lt3A_1256 = arith.constant 0 : i32
          %lt3A_1257 = arith.cmpi slt, %rem3A_1253, %lt3A_1256 : i32
          %lt3A_1258 = arith.constant 0 : i32
          %lt3A_1259 = arith.cmpi slt, %select_n3A_1252, %lt3A_1258 : i32
          %ne3A_1260 = arith.xori %lt3A_1257, %lt3A_1259 : i1
          %and3A_1261 = arith.andi %ne3A_1260, %ne3A_1255 : i1
          %add3A_1262 = arith.addi %rem3A_1253, %select_n3A_1252 : i32
          %select_n3A_1263 = arith.select %and3A_1261, %add3A_1262, %rem3A_1253 : i32
          %dma_start3A_1264 = arith.constant 0 : i32
          %dma_start3A_1265 = arith.constant 0 : i32
          %dma_start3A_1266 = tpu.memref_slice %arg11[%select_n3A_1263, %dma_start3A_1264, %dma_start3A_1265] : memref<2x64x128xf32, #tpu.memory_space<vmem>> -> memref<1x64x128xf32, #tpu.memory_space<vmem>>
          %dma_start3A_1267 = tpu.memref_squeeze %dma_start3A_1266 : memref<1x64x128xf32, #tpu.memory_space<vmem>> -> memref<64x128xf32, #tpu.memory_space<vmem>>
          %dma_start3A_1268 = tpu.memref_slice %arg9[%mul3A_1245] : memref<3648xi32, #tpu.memory_space<vmem>> -> memref<64xi32, #tpu.memory_space<vmem>>
          %dma_start3A_1269 = arith.constant 0 : i32
          %dma_start3A_1270 = arith.constant 0 : i32
          %dma_start3A_1271 = tpu.memref_slice %arg2[%dma_start3A_1269, %dma_start3A_1270] : memref<560000x128xf32, #tpu.memory_space<hbm>> -> memref<560000x128xf32, #tpu.memory_space<hbm>>
          tpu.enqueue_indirect_dma source(%dma_start3A_1271 : memref<560000x128xf32, #tpu.memory_space<hbm>>) target(%dma_start3A_1267 : memref<64x128xf32, #tpu.memory_space<vmem>>) offsets(%dma_start3A_1268 : memref<64xi32, #tpu.memory_space<vmem>>) semaphore(%arg15 : memref<!tpu.dma_semaphore, #tpu.memory_space<semaphore_mem>>)
        } else {
        }
        %jit3A_1191 = arith.constant 2 : i32
        %eq3A_1192 = arith.constant 0 : i32
        %eq3A_1193 = arith.cmpi eq, %jit3A_1191, %eq3A_1192 : i32
        %jit3A_1194 = arith.constant 1 : i32
        %select_n3A_1195 = arith.select %eq3A_1193, %jit3A_1194, %jit3A_1191 : i32
        %rem3A_1196 = arith.remsi %while3A_1180, %select_n3A_1195 : i32
        %ne3A_1197 = arith.constant 0 : i32
        %ne3A_1198 = arith.cmpi ne, %rem3A_1196, %ne3A_1197 : i32
        %lt3A_1199 = arith.constant 0 : i32
        %lt3A_1200 = arith.cmpi slt, %rem3A_1196, %lt3A_1199 : i32
        %lt3A_1201 = arith.constant 0 : i32
        %lt3A_1202 = arith.cmpi slt, %select_n3A_1195, %lt3A_1201 : i32
        %ne3A_1203 = arith.xori %lt3A_1200, %lt3A_1202 : i1
        %and3A_1204 = arith.andi %ne3A_1203, %ne3A_1198 : i1
        %add3A_1205 = arith.addi %rem3A_1196, %select_n3A_1195 : i32
        %select_n3A_1206 = arith.select %and3A_1204, %add3A_1205, %rem3A_1196 : i32
        %dma_wait3A_1207 = arith.constant 0 : i32
        %dma_wait3A_1208 = arith.constant 0 : i32
        %dma_wait3A_1209 = tpu.memref_slice %arg11[%select_n3A_1206, %dma_wait3A_1207, %dma_wait3A_1208] : memref<2x64x128xf32, #tpu.memory_space<vmem>> -> memref<1x64x128xf32, #tpu.memory_space<vmem>>
        %dma_wait3A_1210 = tpu.memref_squeeze %dma_wait3A_1209 : memref<1x64x128xf32, #tpu.memory_space<vmem>> -> memref<64x128xf32, #tpu.memory_space<vmem>>
        %dma_wait3A_1211 = arith.constant 0 : i32
        %dma_wait3A_1212 = tpu.memref_slice %arg9[%dma_wait3A_1211] : memref<3648xi32, #tpu.memory_space<vmem>> -> memref<64xi32, #tpu.memory_space<vmem>>
        %dma_wait3A_1213 = arith.constant 0 : i32
        %dma_wait3A_1214 = arith.constant 0 : i32
        %dma_wait3A_1215 = tpu.memref_slice %arg2[%dma_wait3A_1213, %dma_wait3A_1214] : memref<560000x128xf32, #tpu.memory_space<hbm>> -> memref<560000x128xf32, #tpu.memory_space<hbm>>
        tpu.wait_indirect_dma semaphore(%arg15 : memref<!tpu.dma_semaphore, #tpu.memory_space<semaphore_mem>>) src(%dma_wait3A_1215 : memref<560000x128xf32, #tpu.memory_space<hbm>>) dst(%dma_wait3A_1210 : memref<64x128xf32, #tpu.memory_space<vmem>>)
        %jit3A_1216 = arith.constant 2 : i32
        %eq3A_1217 = arith.constant 0 : i32
        %eq3A_1218 = arith.cmpi eq, %jit3A_1216, %eq3A_1217 : i32
        %jit3A_1219 = arith.constant 1 : i32
        %select_n3A_1220 = arith.select %eq3A_1218, %jit3A_1219, %jit3A_1216 : i32
        %rem3A_1221 = arith.remsi %while3A_1180, %select_n3A_1220 : i32
        %ne3A_1222 = arith.constant 0 : i32
        %ne3A_1223 = arith.cmpi ne, %rem3A_1221, %ne3A_1222 : i32
        %lt3A_1224 = arith.constant 0 : i32
        %lt3A_1225 = arith.cmpi slt, %rem3A_1221, %lt3A_1224 : i32
        %lt3A_1226 = arith.constant 0 : i32
        %lt3A_1227 = arith.cmpi slt, %select_n3A_1220, %lt3A_1226 : i32
        %ne3A_1228 = arith.xori %lt3A_1225, %lt3A_1227 : i1
        %and3A_1229 = arith.andi %ne3A_1228, %ne3A_1223 : i1
        %add3A_1230 = arith.addi %rem3A_1221, %select_n3A_1220 : i32
        %select_n3A_1231 = arith.select %and3A_1229, %add3A_1230, %rem3A_1221 : i32
        %dma_start3A_1232 = arith.constant 0 : i32
        %dma_start3A_1233 = arith.constant 0 : i32
        %dma_start3A_1234 = tpu.memref_slice %arg11[%select_n3A_1231, %dma_start3A_1232, %dma_start3A_1233] : memref<2x64x128xf32, #tpu.memory_space<vmem>> -> memref<1x64x128xf32, #tpu.memory_space<vmem>>
        %dma_start3A_1235 = tpu.memref_squeeze %dma_start3A_1234 : memref<1x64x128xf32, #tpu.memory_space<vmem>> -> memref<64x128xf32, #tpu.memory_space<vmem>>
        %dma_start3A_1236 = arith.constant 0 : i32
        %dma_start3A_1237 = tpu.memref_slice %arg10[%while3A_1180, %dma_start3A_1236] : memref<57x64xi32, #tpu.memory_space<vmem>> -> memref<1x64xi32, #tpu.memory_space<vmem>>
        %dma_start3A_1238 = tpu.memref_squeeze %dma_start3A_1237 : memref<1x64xi32, #tpu.memory_space<vmem>> -> memref<64xi32, #tpu.memory_space<vmem>>
        %dma_start3A_1239 = arith.constant 0 : i32
        %dma_start3A_1240 = arith.constant 0 : i32
        %dma_start3A_1241 = tpu.memref_slice %arg6[%dma_start3A_1239, %dma_start3A_1240] : memref<10128x128xf32, #tpu.memory_space<vmem_shared>> -> memref<10128x128xf32, #tpu.memory_space<vmem_shared>>
        tpu.enqueue_indirect_dma source(%dma_start3A_1235 : memref<64x128xf32, #tpu.memory_space<vmem>>) target(%dma_start3A_1241 : memref<10128x128xf32, #tpu.memory_space<vmem_shared>>) offsets(%dma_start3A_1238 : memref<64xi32, #tpu.memory_space<vmem>>) semaphore(%arg16 : memref<!tpu.dma_semaphore, #tpu.memory_space<semaphore_mem>>) {add = true}
      }
      %while3A_1167 = arith.constant 1 : i32
      scf.for %while3A_1180 = %while3A_1165 to %while3A_1161 step %while3A_1167  : i32 {
        %ge3A = arith.constant 1 : i32
        %ge3A_1181 = arith.cmpi sge, %while3A_1180, %ge3A : i32
        %convert_element_type3A_1182 = arith.extui %ge3A_1181 : i1 to i32
        %cond3A_1183 = arith.constant 0 : i32
        %cond3A_1184 = arith.cmpi ne, %convert_element_type3A_1182, %cond3A_1183 : i32
        scf.if %cond3A_1184 {
          %dma_wait3A_1242 = arith.constant 0 : i32
          %dma_wait3A_1243 = arith.constant 0 : i32
          %dma_wait3A_1244 = arith.constant 0 : i32
          %dma_wait3A_1245 = arith.constant 0 : i32
          %dma_wait3A_1246 = tpu.memref_slice %arg11[%dma_wait3A_1242, %dma_wait3A_1244, %dma_wait3A_1245] : memref<2x64x128xf32, #tpu.memory_space<vmem>> -> memref<1x64x128xf32, #tpu.memory_space<vmem>>
          %dma_wait3A_1247 = tpu.memref_squeeze %dma_wait3A_1246 : memref<1x64x128xf32, #tpu.memory_space<vmem>> -> memref<64x128xf32, #tpu.memory_space<vmem>>
          %dma_wait3A_1248 = arith.constant 0 : i32
          %dma_wait3A_1249 = tpu.memref_slice %arg10[%dma_wait3A_1243, %dma_wait3A_1248] : memref<57x64xi32, #tpu.memory_space<vmem>> -> memref<1x64xi32, #tpu.memory_space<vmem>>
          %dma_wait3A_1250 = tpu.memref_squeeze %dma_wait3A_1249 : memref<1x64xi32, #tpu.memory_space<vmem>> -> memref<64xi32, #tpu.memory_space<vmem>>
          %dma_wait3A_1251 = arith.constant 0 : i32
          %dma_wait3A_1252 = arith.constant 0 : i32
          %dma_wait3A_1253 = tpu.memref_slice %arg6[%dma_wait3A_1251, %dma_wait3A_1252] : memref<10128x128xf32, #tpu.memory_space<vmem_shared>> -> memref<10128x128xf32, #tpu.memory_space<vmem_shared>>
          tpu.wait_indirect_dma semaphore(%arg16 : memref<!tpu.dma_semaphore, #tpu.memory_space<semaphore_mem>>) src(%dma_wait3A_1247 : memref<64x128xf32, #tpu.memory_space<vmem>>) dst(%dma_wait3A_1253 : memref<10128x128xf32, #tpu.memory_space<vmem_shared>>)
        } else {
        }
        %add3A_1185 = arith.constant 1 : i32
        %add3A_1186 = arith.addi %while3A_1180, %add3A_1185 : i32
        %lt3A_1187 = arith.cmpi slt, %add3A_1186, %max3A_1148 : i32
        %convert_element_type3A_1188 = arith.extui %lt3A_1187 : i1 to i32
        %cond3A_1189 = arith.constant 0 : i32
        %cond3A_1190 = arith.cmpi ne, %convert_element_type3A_1188, %cond3A_1189 : i32
        scf.if %cond3A_1190 {
          %add3A_1242 = arith.constant 1 : i32
          %add3A_1243 = arith.addi %while3A_1180, %add3A_1242 : i32
          %mul3A_1244 = arith.constant 64 : i32
          %mul3A_1245 = arith.muli %add3A_1243, %mul3A_1244 : i32
          %add3A_1246 = arith.constant 1 : i32
          %add3A_1247 = arith.addi %while3A_1180, %add3A_1246 : i32
          %jit3A_1248 = arith.constant 2 : i32
          %eq3A_1249 = arith.constant 0 : i32
          %eq3A_1250 = arith.cmpi eq, %jit3A_1248, %eq3A_1249 : i32
          %jit3A_1251 = arith.constant 1 : i32
          %select_n3A_1252 = arith.select %eq3A_1250, %jit3A_1251, %jit3A_1248 : i32
          %rem3A_1253 = arith.remsi %add3A_1247, %select_n3A_1252 : i32
          %ne3A_1254 = arith.constant 0 : i32
          %ne3A_1255 = arith.cmpi ne, %rem3A_1253, %ne3A_1254 : i32
          %lt3A_1256 = arith.constant 0 : i32
          %lt3A_1257 = arith.cmpi slt, %rem3A_1253, %lt3A_1256 : i32
          %lt3A_1258 = arith.constant 0 : i32
          %lt3A_1259 = arith.cmpi slt, %select_n3A_1252, %lt3A_1258 : i32
          %ne3A_1260 = arith.xori %lt3A_1257, %lt3A_1259 : i1
          %and3A_1261 = arith.andi %ne3A_1260, %ne3A_1255 : i1
          %add3A_1262 = arith.addi %rem3A_1253, %select_n3A_1252 : i32
          %select_n3A_1263 = arith.select %and3A_1261, %add3A_1262, %rem3A_1253 : i32
          %dma_start3A_1264 = arith.constant 0 : i32
          %dma_start3A_1265 = arith.constant 0 : i32
          %dma_start3A_1266 = tpu.memref_slice %arg11[%select_n3A_1263, %dma_start3A_1264, %dma_start3A_1265] : memref<2x64x128xf32, #tpu.memory_space<vmem>> -> memref<1x64x128xf32, #tpu.memory_space<vmem>>
          %dma_start3A_1267 = tpu.memref_squeeze %dma_start3A_1266 : memref<1x64x128xf32, #tpu.memory_space<vmem>> -> memref<64x128xf32, #tpu.memory_space<vmem>>
          %dma_start3A_1268 = tpu.memref_slice %arg9[%mul3A_1245] : memref<3648xi32, #tpu.memory_space<vmem>> -> memref<64xi32, #tpu.memory_space<vmem>>
          %dma_start3A_1269 = arith.constant 0 : i32
          %dma_start3A_1270 = arith.constant 0 : i32
          %dma_start3A_1271 = tpu.memref_slice %arg2[%dma_start3A_1269, %dma_start3A_1270] : memref<560000x128xf32, #tpu.memory_space<hbm>> -> memref<560000x128xf32, #tpu.memory_space<hbm>>
          tpu.enqueue_indirect_dma source(%dma_start3A_1271 : memref<560000x128xf32, #tpu.memory_space<hbm>>) target(%dma_start3A_1267 : memref<64x128xf32, #tpu.memory_space<vmem>>) offsets(%dma_start3A_1268 : memref<64xi32, #tpu.memory_space<vmem>>) semaphore(%arg15 : memref<!tpu.dma_semaphore, #tpu.memory_space<semaphore_mem>>)
        } else {
        }
        %jit3A_1191 = arith.constant 2 : i32
        %eq3A_1192 = arith.constant 0 : i32
        %eq3A_1193 = arith.cmpi eq, %jit3A_1191, %eq3A_1192 : i32
        %jit3A_1194 = arith.constant 1 : i32
        %select_n3A_1195 = arith.select %eq3A_1193, %jit3A_1194, %jit3A_1191 : i32
        %rem3A_1196 = arith.remsi %while3A_1180, %select_n3A_1195 : i32
        %ne3A_1197 = arith.constant 0 : i32
        %ne3A_1198 = arith.cmpi ne, %rem3A_1196, %ne3A_1197 : i32
        %lt3A_1199 = arith.constant 0 : i32
        %lt3A_1200 = arith.cmpi slt, %rem3A_1196, %lt3A_1199 : i32
        %lt3A_1201 = arith.constant 0 : i32
        %lt3A_1202 = arith.cmpi slt, %select_n3A_1195, %lt3A_1201 : i32
        %ne3A_1203 = arith.xori %lt3A_1200, %lt3A_1202 : i1
        %and3A_1204 = arith.andi %ne3A_1203, %ne3A_1198 : i1
        %add3A_1205 = arith.addi %rem3A_1196, %select_n3A_1195 : i32
        %select_n3A_1206 = arith.select %and3A_1204, %add3A_1205, %rem3A_1196 : i32
        %dma_wait3A_1207 = arith.constant 0 : i32
        %dma_wait3A_1208 = arith.constant 0 : i32
        %dma_wait3A_1209 = tpu.memref_slice %arg11[%select_n3A_1206, %dma_wait3A_1207, %dma_wait3A_1208] : memref<2x64x128xf32, #tpu.memory_space<vmem>> -> memref<1x64x128xf32, #tpu.memory_space<vmem>>
        %dma_wait3A_1210 = tpu.memref_squeeze %dma_wait3A_1209 : memref<1x64x128xf32, #tpu.memory_space<vmem>> -> memref<64x128xf32, #tpu.memory_space<vmem>>
        %dma_wait3A_1211 = arith.constant 0 : i32
        %dma_wait3A_1212 = tpu.memref_slice %arg9[%dma_wait3A_1211] : memref<3648xi32, #tpu.memory_space<vmem>> -> memref<64xi32, #tpu.memory_space<vmem>>
        %dma_wait3A_1213 = arith.constant 0 : i32
        %dma_wait3A_1214 = arith.constant 0 : i32
        %dma_wait3A_1215 = tpu.memref_slice %arg2[%dma_wait3A_1213, %dma_wait3A_1214] : memref<560000x128xf32, #tpu.memory_space<hbm>> -> memref<560000x128xf32, #tpu.memory_space<hbm>>
        tpu.wait_indirect_dma semaphore(%arg15 : memref<!tpu.dma_semaphore, #tpu.memory_space<semaphore_mem>>) src(%dma_wait3A_1215 : memref<560000x128xf32, #tpu.memory_space<hbm>>) dst(%dma_wait3A_1210 : memref<64x128xf32, #tpu.memory_space<vmem>>)
        %jit3A_1216 = arith.constant 2 : i32
        %eq3A_1217 = arith.constant 0 : i32
        %eq3A_1218 = arith.cmpi eq, %jit3A_1216, %eq3A_1217 : i32
        %jit3A_1219 = arith.constant 1 : i32
        %select_n3A_1220 = arith.select %eq3A_1218, %jit3A_1219, %jit3A_1216 : i32
        %rem3A_1221 = arith.remsi %while3A_1180, %select_n3A_1220 : i32
        %ne3A_1222 = arith.constant 0 : i32
        %ne3A_1223 = arith.cmpi ne, %rem3A_1221, %ne3A_1222 : i32
        %lt3A_1224 = arith.constant 0 : i32
        %lt3A_1225 = arith.cmpi slt, %rem3A_1221, %lt3A_1224 : i32
        %lt3A_1226 = arith.constant 0 : i32
        %lt3A_1227 = arith.cmpi slt, %select_n3A_1220, %lt3A_1226 : i32
        %ne3A_1228 = arith.xori %lt3A_1225, %lt3A_1227 : i1
        %and3A_1229 = arith.andi %ne3A_1228, %ne3A_1223 : i1
        %add3A_1230 = arith.addi %rem3A_1221, %select_n3A_1220 : i32
        %select_n3A_1231 = arith.select %and3A_1229, %add3A_1230, %rem3A_1221 : i32
        %dma_start3A_1232 = arith.constant 0 : i32
        %dma_start3A_1233 = arith.constant 0 : i32
        %dma_start3A_1234 = tpu.memref_slice %arg11[%select_n3A_1231, %dma_start3A_1232, %dma_start3A_1233] : memref<2x64x128xf32, #tpu.memory_space<vmem>> -> memref<1x64x128xf32, #tpu.memory_space<vmem>>
        %dma_start3A_1235 = tpu.memref_squeeze %dma_start3A_1234 : memref<1x64x128xf32, #tpu.memory_space<vmem>> -> memref<64x128xf32, #tpu.memory_space<vmem>>
        %dma_start3A_1236 = arith.constant 0 : i32
        %dma_start3A_1237 = tpu.memref_slice %arg10[%while3A_1180, %dma_start3A_1236] : memref<57x64xi32, #tpu.memory_space<vmem>> -> memref<1x64xi32, #tpu.memory_space<vmem>>
        %dma_start3A_1238 = tpu.memref_squeeze %dma_start3A_1237 : memref<1x64xi32, #tpu.memory_space<vmem>> -> memref<64xi32, #tpu.memory_space<vmem>>
        %dma_start3A_1239 = arith.constant 0 : i32
        %dma_start3A_1240 = arith.constant 0 : i32
        %dma_start3A_1241 = tpu.memref_slice %arg6[%dma_start3A_1239, %dma_start3A_1240] : memref<10128x128xf32, #tpu.memory_space<vmem_shared>> -> memref<10128x128xf32, #tpu.memory_space<vmem_shared>>
        tpu.enqueue_indirect_dma source(%dma_start3A_1235 : memref<64x128xf32, #tpu.memory_space<vmem>>) target(%dma_start3A_1241 : memref<10128x128xf32, #tpu.memory_space<vmem_shared>>) offsets(%dma_start3A_1238 : memref<64xi32, #tpu.memory_space<vmem>>) semaphore(%arg16 : memref<!tpu.dma_semaphore, #tpu.memory_space<semaphore_mem>>) {add = true}
      }
      %dma_wait3A_1168 = arith.constant 0 : i32
      %dma_wait3A_1169 = arith.constant 0 : i32
      %dma_wait3A_1170 = arith.constant 0 : i32
      %dma_wait3A_1171 = arith.constant 0 : i32
      %dma_wait3A_1172 = tpu.memref_slice %arg11[%dma_wait3A_1168, %dma_wait3A_1170, %dma_wait3A_1171] : memref<2x64x128xf32, #tpu.memory_space<vmem>> -> memref<1x64x128xf32, #tpu.memory_space<vmem>>
      %dma_wait3A_1173 = tpu.memref_squeeze %dma_wait3A_1172 : memref<1x64x128xf32, #tpu.memory_space<vmem>> -> memref<64x128xf32, #tpu.memory_space<vmem>>
      %dma_wait3A_1174 = arith.constant 0 : i32
      %dma_wait3A_1175 = tpu.memref_slice %arg10[%dma_wait3A_1169, %dma_wait3A_1174] : memref<57x64xi32, #tpu.memory_space<vmem>> -> memref<1x64xi32, #tpu.memory_space<vmem>>
      %dma_wait3A_1176 = tpu.memref_squeeze %dma_wait3A_1175 : memref<1x64xi32, #tpu.memory_space<vmem>> -> memref<64xi32, #tpu.memory_space<vmem>>
      %dma_wait3A_1177 = arith.constant 0 : i32
      %dma_wait3A_1178 = arith.constant 0 : i32
      %dma_wait3A_1179 = tpu.memref_slice %arg6[%dma_wait3A_1177, %dma_wait3A_1178] : memref<10128x128xf32, #tpu.memory_space<vmem_shared>> -> memref<10128x128xf32, #tpu.memory_space<vmem_shared>>
      tpu.wait_indirect_dma semaphore(%arg16 : memref<!tpu.dma_semaphore, #tpu.memory_space<semaphore_mem>>) src(%dma_wait3A_1173 : memref<64x128xf32, #tpu.memory_space<vmem>>) dst(%dma_wait3A_1179 : memref<10128x128xf32, #tpu.memory_space<vmem_shared>>)
    }
    %scan3A_1007 = arith.constant 10 : i32
    %barrier3A_1008 = arith.constant 0 : index
    tpu.barrier barrier_id(%barrier3A_1008)
    %mul3A_1009 = arith.constant 632 : i32
    %mul3A_1010 = arith.muli %arg1, %mul3A_1009 : i32
    %mul3A_1011 = arith.constant 632 : i32
    %mul3A_1012 = arith.muli %arg1, %mul3A_1011 : i32
    %add3A_1013 = arith.addi %mul3A_767, %mul3A_1012 : i32
    "tpu.region"() ({
      %run_scoped3A = tpu.sem_alloc : memref<!tpu.dma_semaphore, #tpu.memory_space<semaphore_mem>>
      %dma_start3A_1015 = arith.constant 0 : i32
      %dma_start3A_1016 = tpu.memref_slice %arg5[%add3A_1013, %dma_start3A_1015] : memref<80896x128xf32, #tpu.memory_space<hbm>> -> memref<632x128xf32, #tpu.memory_space<hbm>>
      %dma_start3A_1017 = arith.constant 0 : i32
      %dma_start3A_1018 = tpu.memref_slice %arg6[%mul3A_1010, %dma_start3A_1017] : memref<10128x128xf32, #tpu.memory_space<vmem_shared>> -> memref<632x128xf32, #tpu.memory_space<vmem_shared>>
      tpu.enqueue_dma source(%dma_start3A_1018 : memref<632x128xf32, #tpu.memory_space<vmem_shared>>) target(%dma_start3A_1016 : memref<632x128xf32, #tpu.memory_space<hbm>>) target_semaphore(%run_scoped3A : memref<!tpu.dma_semaphore, #tpu.memory_space<semaphore_mem>>)
      %dma_wait3A_1019 = arith.constant 0 : i32
      %dma_wait3A_1020 = tpu.memref_slice %arg5[%add3A_1013, %dma_wait3A_1019] : memref<80896x128xf32, #tpu.memory_space<hbm>> -> memref<632x128xf32, #tpu.memory_space<hbm>>
      %dma_wait3A_1021 = arith.constant 0 : i32
      %dma_wait3A_1022 = tpu.memref_slice %arg6[%mul3A_1010, %dma_wait3A_1021] : memref<10128x128xf32, #tpu.memory_space<vmem_shared>> -> memref<632x128xf32, #tpu.memory_space<vmem_shared>>
      tpu.wait_dma2 semaphore(%run_scoped3A : memref<!tpu.dma_semaphore, #tpu.memory_space<semaphore_mem>>) src(%dma_wait3A_1022 : memref<632x128xf32, #tpu.memory_space<vmem_shared>>) dst(%dma_wait3A_1020 : memref<632x128xf32, #tpu.memory_space<hbm>>)
      tpu.yield
    }) : () -> ()
    %barrier3A_1014 = arith.constant 0 : index
    tpu.barrier barrier_id(%barrier3A_1014)
    return
  }
}

module attributes {stable_mosaic.version = 14 : i64} {
  func.func @_a2_body(%arg0: i32, %arg1: memref<2000x128xf32, #tpu.memory_space<vmem>>, %arg2: memref<128x896xf32, #tpu.memory_space<vmem>>, %arg3: memref<2000x896xf32, #tpu.memory_space<vmem>>) attributes {dimension_semantics = [#tpu.dimension_semantics<arbitrary>], iteration_bounds = array<i64: 40>, scalar_prefetch = 0 : i64, scratch_operands = 0 : i64, tpu.core_type = #tpu.core_type<tc>, window_params = [{transform_indices = @transform_0, window_bounds = array<i64: 2000, 128>}, {pipeline_mode = #tpu.pipeline_mode<synchronous>, transform_indices = @transform_1, window_bounds = array<i64: 128, 896>}, {transform_indices = @transform_2, window_bounds = array<i64: 2000, 896>}]} {
    %get3A = arith.constant 0 : index
    %get3A_0 = arith.constant 0 : index
    %get3A_1 = vector.load %arg1[%get3A, %get3A_0] : memref<2000x128xf32, #tpu.memory_space<vmem>>, vector<2000x128xf32>
    %get3A_2 = arith.constant 0 : index
    %get3A_3 = arith.constant 0 : index
    %get3A_4 = vector.load %arg2[%get3A_2, %get3A_3] : memref<128x896xf32, #tpu.memory_space<vmem>>, vector<128x896xf32>
    %dot_general3A = arith.constant dense<0.000000e+00> : vector<2000x896xf32>
    %dot_general3A_5 = tpu.matmul %get3A_1, %get3A_4, %dot_general3A {dimension_numbers = #tpu.dot_dimension_numbers<[1], [0], [0], [1], [0, 0, 1, 1], [], []>, transpose_lhs_hint = false} : vector<2000x128xf32>, vector<128x896xf32>, vector<2000x896xf32> -> vector<2000x896xf32>
    %swap3A = arith.constant 0 : index
    %swap3A_6 = arith.constant 0 : index
    %swap3A_7 = vector.load %arg3[%swap3A, %swap3A_6] : memref<2000x896xf32, #tpu.memory_space<vmem>>, vector<2000x896xf32>
    tpu.vector_store %arg3[%swap3A, %swap3A_6], %dot_general3A_5 {strides = array<i32>} : memref<2000x896xf32, #tpu.memory_space<vmem>>, vector<2000x896xf32>,
    return
  }
  func.func @transform_0(%arg0: i32) -> (i32, i32) {
    %c0_i32 = arith.constant 0 : i32
    %c0_i32_0 = arith.constant 0 : i32
    return %arg0, %c0_i32 : i32, i32
  }
  func.func @transform_1(%arg0: i32) -> (i32, i32) {
    %c0_i32 = arith.constant 0 : i32
    %c0_i32_0 = arith.constant 0 : i32
    %c0_i32_1 = arith.constant 0 : i32
    return %c0_i32, %c0_i32_0 : i32, i32
  }
  func.func @transform_2(%arg0: i32) -> (i32, i32) {
    %c0_i32 = arith.constant 0 : i32
    %c0_i32_0 = arith.constant 0 : i32
    return %arg0, %c0_i32 : i32, i32
  }
}

module attributes {stable_mosaic.version = 14 : i64} {
  func.func @_a1_body(%arg0: i32, %arg1: memref<1000x256xf32, #tpu.memory_space<vmem>>, %arg2: memref<256x1024xf32, #tpu.memory_space<vmem>>, %arg3: memref<1024xf32, #tpu.memory_space<vmem>>, %arg4: memref<1024xf32, #tpu.memory_space<vmem>>, %arg5: memref<1024xf32, #tpu.memory_space<vmem>>, %arg6: memref<1024x256xf32, #tpu.memory_space<vmem>>, %arg7: memref<256x32xf32, #tpu.memory_space<vmem>>, %arg8: memref<32xf32, #tpu.memory_space<vmem>>, %arg9: memref<32xf32, #tpu.memory_space<vmem>>, %arg10: memref<32xf32, #tpu.memory_space<vmem>>, %arg11: memref<32x8xf32, #tpu.memory_space<vmem>>, %arg12: memref<32x4xf32, #tpu.memory_space<vmem>>, %arg13: memref<4xf32, #tpu.memory_space<vmem>>, %arg14: memref<1000x1024xf32, #tpu.memory_space<vmem>>, %arg15: memref<1000x4xf32, #tpu.memory_space<vmem>>) attributes {dimension_semantics = [#tpu.dimension_semantics<arbitrary>], iteration_bounds = array<i64: 10>, scalar_prefetch = 0 : i64, scratch_operands = 0 : i64, tpu.core_type = #tpu.core_type<tc>, window_params = [{transform_indices = @transform_0, window_bounds = array<i64: 1000, 256>}, {pipeline_mode = #tpu.pipeline_mode<synchronous>, transform_indices = @transform_1, window_bounds = array<i64: 256, 1024>}, {pipeline_mode = #tpu.pipeline_mode<synchronous>, transform_indices = @transform_2, window_bounds = array<i64: 1024>}, {pipeline_mode = #tpu.pipeline_mode<synchronous>, transform_indices = @transform_3, window_bounds = array<i64: 1024>}, {pipeline_mode = #tpu.pipeline_mode<synchronous>, transform_indices = @transform_4, window_bounds = array<i64: 1024>}, {pipeline_mode = #tpu.pipeline_mode<synchronous>, transform_indices = @transform_5, window_bounds = array<i64: 1024, 256>}, {pipeline_mode = #tpu.pipeline_mode<synchronous>, transform_indices = @transform_6, window_bounds = array<i64: 256, 32>}, {pipeline_mode = #tpu.pipeline_mode<synchronous>, transform_indices = @transform_7, window_bounds = array<i64: 32>}, {pipeline_mode = #tpu.pipeline_mode<synchronous>, transform_indices = @transform_8, window_bounds = array<i64: 32>}, {pipeline_mode = #tpu.pipeline_mode<synchronous>, transform_indices = @transform_9, window_bounds = array<i64: 32>}, {pipeline_mode = #tpu.pipeline_mode<synchronous>, transform_indices = @transform_10, window_bounds = array<i64: 32, 8>}, {pipeline_mode = #tpu.pipeline_mode<synchronous>, transform_indices = @transform_11, window_bounds = array<i64: 32, 4>}, {pipeline_mode = #tpu.pipeline_mode<synchronous>, transform_indices = @transform_12, window_bounds = array<i64: 4>}, {transform_indices = @transform_13, window_bounds = array<i64: 1000, 1024>}, {transform_indices = @transform_14, window_bounds = array<i64: 1000, 4>}]} {
    %get3A = arith.constant 0 : index
    %get3A_0 = arith.constant 0 : index
    %get3A_1 = vector.load %arg1[%get3A, %get3A_0] : memref<1000x256xf32, #tpu.memory_space<vmem>>, vector<1000x256xf32>
    %get3A_2 = arith.constant 0 : index
    %get3A_3 = arith.constant 0 : index
    %get3A_4 = vector.load %arg2[%get3A_2, %get3A_3] : memref<256x1024xf32, #tpu.memory_space<vmem>>, vector<256x1024xf32>
    %dot_general3A = arith.constant dense<0.000000e+00> : vector<1000x1024xf32>
    %dot_general3A_5 = tpu.matmul %get3A_1, %get3A_4, %dot_general3A {dimension_numbers = #tpu.dot_dimension_numbers<[1], [0], [0], [1], [0, 0, 1, 1], [], []>, transpose_lhs_hint = false} : vector<1000x256xf32>, vector<256x1024xf32>, vector<1000x1024xf32> -> vector<1000x1024xf32>
    %get3A_6 = arith.constant 0 : index
    %get3A_7 = vector.load %arg3[%get3A_6] : memref<1024xf32, #tpu.memory_space<vmem>>, vector<1024xf32>
    %broadcast_in_dim3A = vector.shape_cast %get3A_7 : vector<1024xf32> to vector<1x1024xf32>
    %add3A = vector.broadcast %broadcast_in_dim3A : vector<1x1024xf32> to vector<1000x1024xf32>
    %add3A_8 = arith.addf %dot_general3A_5, %add3A : vector<1000x1024xf32>
    %get3A_9 = arith.constant 0 : index
    %get3A_10 = vector.load %arg4[%get3A_9] : memref<1024xf32, #tpu.memory_space<vmem>>, vector<1024xf32>
    %get3A_11 = arith.constant 0 : index
    %get3A_12 = vector.load %arg5[%get3A_11] : memref<1024xf32, #tpu.memory_space<vmem>>, vector<1024xf32>
    %get3A_13 = arith.constant 0 : index
    %get3A_14 = arith.constant 0 : index
    %get3A_15 = vector.load %arg6[%get3A_13, %get3A_14] : memref<1024x256xf32, #tpu.memory_space<vmem>>, vector<1024x256xf32>
    %dot_general3A_16 = arith.constant dense<0.000000e+00> : vector<1000x256xf32>
    %dot_general3A_17 = tpu.matmul %add3A_8, %get3A_15, %dot_general3A_16 {dimension_numbers = #tpu.dot_dimension_numbers<[1], [0], [0], [1], [0, 0, 1, 1], [], []>, transpose_lhs_hint = false} : vector<1000x1024xf32>, vector<1024x256xf32>, vector<1000x256xf32> -> vector<1000x256xf32>
    %mul3A = arith.mulf %add3A_8, %add3A_8 : vector<1000x1024xf32>
    %dot_general3A_18 = arith.constant dense<0.000000e+00> : vector<1000x256xf32>
    %dot_general3A_19 = tpu.matmul %mul3A, %get3A_15, %dot_general3A_18 {dimension_numbers = #tpu.dot_dimension_numbers<[1], [0], [0], [1], [0, 0, 1, 1], [], []>, transpose_lhs_hint = false} : vector<1000x1024xf32>, vector<1024x256xf32>, vector<1000x256xf32> -> vector<1000x256xf32>
    %mul3A_20 = arith.constant 2.500000e-01 : f32
    %mul3A_21 = vector.broadcast %mul3A_20 : f32 to vector<1000x256xf32>
    %mul3A_22 = arith.mulf %dot_general3A_17, %mul3A_21 : vector<1000x256xf32>
    %mul3A_23 = arith.constant 2.500000e-01 : f32
    %mul3A_24 = vector.broadcast %mul3A_23 : f32 to vector<1000x256xf32>
    %mul3A_25 = arith.mulf %dot_general3A_19, %mul3A_24 : vector<1000x256xf32>
    %mul3A_26 = arith.mulf %mul3A_22, %mul3A_22 : vector<1000x256xf32>
    %sub3A = arith.subf %mul3A_25, %mul3A_26 : vector<1000x256xf32>
    %dot_general3A_27 = arith.constant dense<0.000000e+00> : vector<1000x1024xf32>
    %dot_general3A_28 = tpu.matmul %mul3A_22, %get3A_15, %dot_general3A_27 {dimension_numbers = #tpu.dot_dimension_numbers<[1], [1], [0], [0], [0, 0, 1, 0], [], []>, transpose_lhs_hint = false} : vector<1000x256xf32>, vector<1024x256xf32>, vector<1000x1024xf32> -> vector<1000x1024xf32>
    %dot_general3A_29 = arith.constant dense<0.000000e+00> : vector<1000x1024xf32>
    %dot_general3A_30 = tpu.matmul %sub3A, %get3A_15, %dot_general3A_29 {dimension_numbers = #tpu.dot_dimension_numbers<[1], [1], [0], [0], [0, 0, 1, 0], [], []>, transpose_lhs_hint = false} : vector<1000x256xf32>, vector<1024x256xf32>, vector<1000x1024xf32> -> vector<1000x1024xf32>
    %sub3A_31 = arith.subf %add3A_8, %dot_general3A_28 : vector<1000x1024xf32>
    %add3A_32 = arith.constant 9.99999974E-6 : f32
    %add3A_33 = vector.broadcast %add3A_32 : f32 to vector<1000x1024xf32>
    %add3A_34 = arith.addf %dot_general3A_30, %add3A_33 : vector<1000x1024xf32>
    %rsqrt3A = math.rsqrt %add3A_34 : vector<1000x1024xf32>
    %mul3A_35 = arith.mulf %sub3A_31, %rsqrt3A : vector<1000x1024xf32>
    %broadcast_in_dim3A_36 = vector.shape_cast %get3A_10 : vector<1024xf32> to vector<1x1024xf32>
    %mul3A_37 = vector.broadcast %broadcast_in_dim3A_36 : vector<1x1024xf32> to vector<1000x1024xf32>
    %mul3A_38 = arith.mulf %mul3A_35, %mul3A_37 : vector<1000x1024xf32>
    %broadcast_in_dim3A_39 = vector.shape_cast %get3A_12 : vector<1024xf32> to vector<1x1024xf32>
    %add3A_40 = vector.broadcast %broadcast_in_dim3A_39 : vector<1x1024xf32> to vector<1000x1024xf32>
    %add3A_41 = arith.addf %mul3A_38, %add3A_40 : vector<1000x1024xf32>
    %integer_pow3A = arith.mulf %add3A_41, %add3A_41 : vector<1000x1024xf32>
    %integer_pow3A_42 = arith.mulf %add3A_41, %integer_pow3A : vector<1000x1024xf32>
    %mul3A_43 = arith.constant 4.471500e-02 : f32
    %mul3A_44 = vector.broadcast %mul3A_43 : f32 to vector<1000x1024xf32>
    %mul3A_45 = arith.mulf %mul3A_44, %integer_pow3A_42 : vector<1000x1024xf32>
    %add3A_46 = arith.addf %add3A_41, %mul3A_45 : vector<1000x1024xf32>
    %mul3A_47 = arith.constant 0.797884583 : f32
    %mul3A_48 = vector.broadcast %mul3A_47 : f32 to vector<1000x1024xf32>
    %mul3A_49 = arith.mulf %mul3A_48, %add3A_46 : vector<1000x1024xf32>
    %tanh3A = math.tanh %mul3A_49 : vector<1000x1024xf32>
    %add3A_50 = arith.constant 1.000000e+00 : f32
    %add3A_51 = vector.broadcast %add3A_50 : f32 to vector<1000x1024xf32>
    %add3A_52 = arith.addf %add3A_51, %tanh3A : vector<1000x1024xf32>
    %mul3A_53 = arith.constant 5.000000e-01 : f32
    %mul3A_54 = vector.broadcast %mul3A_53 : f32 to vector<1000x1024xf32>
    %mul3A_55 = arith.mulf %mul3A_54, %add3A_52 : vector<1000x1024xf32>
    %mul3A_56 = arith.mulf %add3A_41, %mul3A_55 : vector<1000x1024xf32>
    %swap3A = arith.constant 0 : index
    %swap3A_57 = arith.constant 0 : index
    %swap3A_58 = vector.load %arg14[%swap3A, %swap3A_57] : memref<1000x1024xf32, #tpu.memory_space<vmem>>, vector<1000x1024xf32>
    tpu.vector_store %arg14[%swap3A, %swap3A_57], %mul3A_56 {strides = array<i32>} : memref<1000x1024xf32, #tpu.memory_space<vmem>>, vector<1000x1024xf32>,
    %get3A_59 = arith.constant 0 : index
    %get3A_60 = arith.constant 0 : index
    %get3A_61 = vector.load %arg7[%get3A_59, %get3A_60] : memref<256x32xf32, #tpu.memory_space<vmem>>, vector<256x32xf32>
    %dot_general3A_62 = arith.constant dense<0.000000e+00> : vector<1000x32xf32>
    %dot_general3A_63 = tpu.matmul %get3A_1, %get3A_61, %dot_general3A_62 {dimension_numbers = #tpu.dot_dimension_numbers<[1], [0], [0], [1], [0, 0, 1, 1], [], []>, transpose_lhs_hint = false} : vector<1000x256xf32>, vector<256x32xf32>, vector<1000x32xf32> -> vector<1000x32xf32>
    %get3A_64 = arith.constant 0 : index
    %get3A_65 = vector.load %arg8[%get3A_64] : memref<32xf32, #tpu.memory_space<vmem>>, vector<32xf32>
    %broadcast_in_dim3A_66 = vector.shape_cast %get3A_65 : vector<32xf32> to vector<1x32xf32>
    %add3A_67 = vector.broadcast %broadcast_in_dim3A_66 : vector<1x32xf32> to vector<1000x32xf32>
    %add3A_68 = arith.addf %dot_general3A_63, %add3A_67 : vector<1000x32xf32>
    %get3A_69 = arith.constant 0 : index
    %get3A_70 = vector.load %arg9[%get3A_69] : memref<32xf32, #tpu.memory_space<vmem>>, vector<32xf32>
    %get3A_71 = arith.constant 0 : index
    %get3A_72 = vector.load %arg10[%get3A_71] : memref<32xf32, #tpu.memory_space<vmem>>, vector<32xf32>
    %get3A_73 = arith.constant 0 : index
    %get3A_74 = arith.constant 0 : index
    %get3A_75 = vector.load %arg11[%get3A_73, %get3A_74] : memref<32x8xf32, #tpu.memory_space<vmem>>, vector<32x8xf32>
    %dot_general3A_76 = arith.constant dense<0.000000e+00> : vector<1000x8xf32>
    %dot_general3A_77 = tpu.matmul %add3A_68, %get3A_75, %dot_general3A_76 {dimension_numbers = #tpu.dot_dimension_numbers<[1], [0], [0], [1], [0, 0, 1, 1], [], []>, transpose_lhs_hint = false} : vector<1000x32xf32>, vector<32x8xf32>, vector<1000x8xf32> -> vector<1000x8xf32>
    %mul3A_78 = arith.mulf %add3A_68, %add3A_68 : vector<1000x32xf32>
    %dot_general3A_79 = arith.constant dense<0.000000e+00> : vector<1000x8xf32>
    %dot_general3A_80 = tpu.matmul %mul3A_78, %get3A_75, %dot_general3A_79 {dimension_numbers = #tpu.dot_dimension_numbers<[1], [0], [0], [1], [0, 0, 1, 1], [], []>, transpose_lhs_hint = false} : vector<1000x32xf32>, vector<32x8xf32>, vector<1000x8xf32> -> vector<1000x8xf32>
    %mul3A_81 = arith.constant 2.500000e-01 : f32
    %mul3A_82 = vector.broadcast %mul3A_81 : f32 to vector<1000x8xf32>
    %mul3A_83 = arith.mulf %dot_general3A_77, %mul3A_82 : vector<1000x8xf32>
    %mul3A_84 = arith.constant 2.500000e-01 : f32
    %mul3A_85 = vector.broadcast %mul3A_84 : f32 to vector<1000x8xf32>
    %mul3A_86 = arith.mulf %dot_general3A_80, %mul3A_85 : vector<1000x8xf32>
    %mul3A_87 = arith.mulf %mul3A_83, %mul3A_83 : vector<1000x8xf32>
    %sub3A_88 = arith.subf %mul3A_86, %mul3A_87 : vector<1000x8xf32>
    %dot_general3A_89 = arith.constant dense<0.000000e+00> : vector<1000x32xf32>
    %dot_general3A_90 = tpu.matmul %mul3A_83, %get3A_75, %dot_general3A_89 {dimension_numbers = #tpu.dot_dimension_numbers<[1], [1], [0], [0], [0, 0, 1, 0], [], []>, transpose_lhs_hint = false} : vector<1000x8xf32>, vector<32x8xf32>, vector<1000x32xf32> -> vector<1000x32xf32>
    %dot_general3A_91 = arith.constant dense<0.000000e+00> : vector<1000x32xf32>
    %dot_general3A_92 = tpu.matmul %sub3A_88, %get3A_75, %dot_general3A_91 {dimension_numbers = #tpu.dot_dimension_numbers<[1], [1], [0], [0], [0, 0, 1, 0], [], []>, transpose_lhs_hint = false} : vector<1000x8xf32>, vector<32x8xf32>, vector<1000x32xf32> -> vector<1000x32xf32>
    %sub3A_93 = arith.subf %add3A_68, %dot_general3A_90 : vector<1000x32xf32>
    %add3A_94 = arith.constant 9.99999974E-6 : f32
    %add3A_95 = vector.broadcast %add3A_94 : f32 to vector<1000x32xf32>
    %add3A_96 = arith.addf %dot_general3A_92, %add3A_95 : vector<1000x32xf32>
    %rsqrt3A_97 = math.rsqrt %add3A_96 : vector<1000x32xf32>
    %mul3A_98 = arith.mulf %sub3A_93, %rsqrt3A_97 : vector<1000x32xf32>
    %broadcast_in_dim3A_99 = vector.shape_cast %get3A_70 : vector<32xf32> to vector<1x32xf32>
    %mul3A_100 = vector.broadcast %broadcast_in_dim3A_99 : vector<1x32xf32> to vector<1000x32xf32>
    %mul3A_101 = arith.mulf %mul3A_98, %mul3A_100 : vector<1000x32xf32>
    %broadcast_in_dim3A_102 = vector.shape_cast %get3A_72 : vector<32xf32> to vector<1x32xf32>
    %add3A_103 = vector.broadcast %broadcast_in_dim3A_102 : vector<1x32xf32> to vector<1000x32xf32>
    %add3A_104 = arith.addf %mul3A_101, %add3A_103 : vector<1000x32xf32>
    %integer_pow3A_105 = arith.mulf %add3A_104, %add3A_104 : vector<1000x32xf32>
    %integer_pow3A_106 = arith.mulf %add3A_104, %integer_pow3A_105 : vector<1000x32xf32>
    %mul3A_107 = arith.constant 4.471500e-02 : f32
    %mul3A_108 = vector.broadcast %mul3A_107 : f32 to vector<1000x32xf32>
    %mul3A_109 = arith.mulf %mul3A_108, %integer_pow3A_106 : vector<1000x32xf32>
    %add3A_110 = arith.addf %add3A_104, %mul3A_109 : vector<1000x32xf32>
    %mul3A_111 = arith.constant 0.797884583 : f32
    %mul3A_112 = vector.broadcast %mul3A_111 : f32 to vector<1000x32xf32>
    %mul3A_113 = arith.mulf %mul3A_112, %add3A_110 : vector<1000x32xf32>
    %tanh3A_114 = math.tanh %mul3A_113 : vector<1000x32xf32>
    %add3A_115 = arith.constant 1.000000e+00 : f32
    %add3A_116 = vector.broadcast %add3A_115 : f32 to vector<1000x32xf32>
    %add3A_117 = arith.addf %add3A_116, %tanh3A_114 : vector<1000x32xf32>
    %mul3A_118 = arith.constant 5.000000e-01 : f32
    %mul3A_119 = vector.broadcast %mul3A_118 : f32 to vector<1000x32xf32>
    %mul3A_120 = arith.mulf %mul3A_119, %add3A_117 : vector<1000x32xf32>
    %mul3A_121 = arith.mulf %add3A_104, %mul3A_120 : vector<1000x32xf32>
    %get3A_122 = arith.constant 0 : index
    %get3A_123 = arith.constant 0 : index
    %get3A_124 = vector.load %arg12[%get3A_122, %get3A_123] : memref<32x4xf32, #tpu.memory_space<vmem>>, vector<32x4xf32>
    %dot_general3A_125 = arith.constant dense<0.000000e+00> : vector<1000x4xf32>
    %dot_general3A_126 = tpu.matmul %mul3A_121, %get3A_124, %dot_general3A_125 {dimension_numbers = #tpu.dot_dimension_numbers<[1], [0], [0], [1], [0, 0, 1, 1], [], []>, transpose_lhs_hint = false} : vector<1000x32xf32>, vector<32x4xf32>, vector<1000x4xf32> -> vector<1000x4xf32>
    %get3A_127 = arith.constant 0 : index
    %get3A_128 = vector.load %arg13[%get3A_127] : memref<4xf32, #tpu.memory_space<vmem>>, vector<4xf32>
    %broadcast_in_dim3A_129 = vector.shape_cast %get3A_128 : vector<4xf32> to vector<1x4xf32>
    %add3A_130 = vector.broadcast %broadcast_in_dim3A_129 : vector<1x4xf32> to vector<1000x4xf32>
    %add3A_131 = arith.addf %dot_general3A_126, %add3A_130 : vector<1000x4xf32>
    %swap3A_132 = arith.constant 0 : index
    %swap3A_133 = arith.constant 0 : index
    %swap3A_134 = vector.load %arg15[%swap3A_132, %swap3A_133] : memref<1000x4xf32, #tpu.memory_space<vmem>>, vector<1000x4xf32>
    tpu.vector_store %arg15[%swap3A_132, %swap3A_133], %add3A_131 {strides = array<i32>} : memref<1000x4xf32, #tpu.memory_space<vmem>>, vector<1000x4xf32>,
    return
  }
  func.func @transform_0(%arg0: i32) -> (i32, i32) {
    %c0_i32 = arith.constant 0 : i32
    %c0_i32_0 = arith.constant 0 : i32
    return %arg0, %c0_i32 : i32, i32
  }
  func.func @transform_1(%arg0: i32) -> (i32, i32) {
    %c0_i32 = arith.constant 0 : i32
    %c0_i32_0 = arith.constant 0 : i32
    %c0_i32_1 = arith.constant 0 : i32
    return %c0_i32, %c0_i32_0 : i32, i32
  }
  func.func @transform_2(%arg0: i32) -> i32 {
    %c0_i32 = arith.constant 0 : i32
    %c0_i32_0 = arith.constant 0 : i32
    return %c0_i32 : i32
  }
  func.func @transform_3(%arg0: i32) -> i32 {
    %c0_i32 = arith.constant 0 : i32
    %c0_i32_0 = arith.constant 0 : i32
    return %c0_i32 : i32
  }
  func.func @transform_4(%arg0: i32) -> i32 {
    %c0_i32 = arith.constant 0 : i32
    %c0_i32_0 = arith.constant 0 : i32
    return %c0_i32 : i32
  }
  func.func @transform_5(%arg0: i32) -> (i32, i32) {
    %c0_i32 = arith.constant 0 : i32
    %c0_i32_0 = arith.constant 0 : i32
    %c0_i32_1 = arith.constant 0 : i32
    return %c0_i32, %c0_i32_0 : i32, i32
  }
  func.func @transform_6(%arg0: i32) -> (i32, i32) {
    %c0_i32 = arith.constant 0 : i32
    %c0_i32_0 = arith.constant 0 : i32
    %c0_i32_1 = arith.constant 0 : i32
    return %c0_i32, %c0_i32_0 : i32, i32
  }
  func.func @transform_7(%arg0: i32) -> i32 {
    %c0_i32 = arith.constant 0 : i32
    %c0_i32_0 = arith.constant 0 : i32
    return %c0_i32 : i32
  }
  func.func @transform_8(%arg0: i32) -> i32 {
    %c0_i32 = arith.constant 0 : i32
    %c0_i32_0 = arith.constant 0 : i32
    return %c0_i32 : i32
  }
  func.func @transform_9(%arg0: i32) -> i32 {
    %c0_i32 = arith.constant 0 : i32
    %c0_i32_0 = arith.constant 0 : i32
    return %c0_i32 : i32
  }
  func.func @transform_10(%arg0: i32) -> (i32, i32) {
    %c0_i32 = arith.constant 0 : i32
    %c0_i32_0 = arith.constant 0 : i32
    %c0_i32_1 = arith.constant 0 : i32
    return %c0_i32, %c0_i32_0 : i32, i32
  }
  func.func @transform_11(%arg0: i32) -> (i32, i32) {
    %c0_i32 = arith.constant 0 : i32
    %c0_i32_0 = arith.constant 0 : i32
    %c0_i32_1 = arith.constant 0 : i32
    return %c0_i32, %c0_i32_0 : i32, i32
  }
  func.func @transform_12(%arg0: i32) -> i32 {
    %c0_i32 = arith.constant 0 : i32
    %c0_i32_0 = arith.constant 0 : i32
    return %c0_i32 : i32
  }
  func.func @transform_13(%arg0: i32) -> (i32, i32) {
    %c0_i32 = arith.constant 0 : i32
    %c0_i32_0 = arith.constant 0 : i32
    return %arg0, %c0_i32 : i32, i32
  }
  func.func @transform_14(%arg0: i32) -> (i32, i32) {
    %c0_i32 = arith.constant 0 : i32
    %c0_i32_0 = arith.constant 0 : i32
    return %arg0, %c0_i32 : i32, i32
  }
}

module attributes {stable_mosaic.version = 14 : i64} {
  func.func @_idx_body(%arg0: i32, %arg1: memref<448x128xi32, #tpu.memory_space<vmem>>, %arg2: memref<448x128xi32, #tpu.memory_space<vmem>>, %arg3: memref<448x128xi32, #tpu.memory_space<vmem>>) attributes {dimension_semantics = [#tpu.dimension_semantics<arbitrary>], iteration_bounds = array<i64: 10>, scalar_prefetch = 0 : i64, scratch_operands = 0 : i64, tpu.core_type = #tpu.core_type<tc>, window_params = [{transform_indices = @transform_0, window_bounds = array<i64: 448, 128>}, {transform_indices = @transform_1, window_bounds = array<i64: 448, 128>}, {transform_indices = @transform_2, window_bounds = array<i64: 448, 128>}]} {
    %get3A = arith.constant 0 : index
    %get3A_0 = arith.constant 0 : index
    %get3A_1 = vector.load %arg1[%get3A, %get3A_0] : memref<448x128xi32, #tpu.memory_space<vmem>>, vector<448x128xi32>
    %mul3A = arith.constant 7 : i32
    %mul3A_2 = vector.broadcast %mul3A : i32 to vector<448x128xi32>
    %mul3A_3 = arith.muli %get3A_1, %mul3A_2 : vector<448x128xi32>
    %get3A_4 = arith.constant 0 : index
    %get3A_5 = arith.constant 0 : index
    %get3A_6 = vector.load %arg2[%get3A_4, %get3A_5] : memref<448x128xi32, #tpu.memory_space<vmem>>, vector<448x128xi32>
    %add3A = arith.addi %mul3A_3, %get3A_6 : vector<448x128xi32>
    %swap3A = arith.constant 0 : index
    %swap3A_7 = arith.constant 0 : index
    %swap3A_8 = vector.load %arg3[%swap3A, %swap3A_7] : memref<448x128xi32, #tpu.memory_space<vmem>>, vector<448x128xi32>
    tpu.vector_store %arg3[%swap3A, %swap3A_7], %add3A {strides = array<i32>} : memref<448x128xi32, #tpu.memory_space<vmem>>, vector<448x128xi32>,
    return
  }
  func.func @transform_0(%arg0: i32) -> (i32, i32) {
    %c0_i32 = arith.constant 0 : i32
    %c0_i32_0 = arith.constant 0 : i32
    return %arg0, %c0_i32 : i32, i32
  }
  func.func @transform_1(%arg0: i32) -> (i32, i32) {
    %c0_i32 = arith.constant 0 : i32
    %c0_i32_0 = arith.constant 0 : i32
    return %arg0, %c0_i32 : i32, i32
  }
  func.func @transform_2(%arg0: i32) -> (i32, i32) {
    %c0_i32 = arith.constant 0 : i32
    %c0_i32_0 = arith.constant 0 : i32
    return %arg0, %c0_i32 : i32, i32
  }
}

module attributes {stable_mosaic.version = 14 : i64} {
  func.func @_b_body(%arg0: i32, %arg1: memref<2000x128xf32, #tpu.memory_space<vmem>>, %arg2: memref<128xf32, #tpu.memory_space<vmem>>, %arg3: memref<128xf32, #tpu.memory_space<vmem>>, %arg4: memref<128xf32, #tpu.memory_space<vmem>>, %arg5: memref<128x32xf32, #tpu.memory_space<vmem>>, %arg6: memref<128x32xf32, #tpu.memory_space<vmem>>, %arg7: memref<32xf32, #tpu.memory_space<vmem>>, %arg8: memref<32xf32, #tpu.memory_space<vmem>>, %arg9: memref<32xf32, #tpu.memory_space<vmem>>, %arg10: memref<32x8xf32, #tpu.memory_space<vmem>>, %arg11: memref<32x4xf32, #tpu.memory_space<vmem>>, %arg12: memref<4xf32, #tpu.memory_space<vmem>>, %arg13: memref<2000x4xf32, #tpu.memory_space<vmem>>) attributes {dimension_semantics = [#tpu.dimension_semantics<arbitrary>], iteration_bounds = array<i64: 40>, scalar_prefetch = 0 : i64, scratch_operands = 0 : i64, tpu.core_type = #tpu.core_type<tc>, window_params = [{transform_indices = @transform_0, window_bounds = array<i64: 2000, 128>}, {pipeline_mode = #tpu.pipeline_mode<synchronous>, transform_indices = @transform_1, window_bounds = array<i64: 128>}, {pipeline_mode = #tpu.pipeline_mode<synchronous>, transform_indices = @transform_2, window_bounds = array<i64: 128>}, {pipeline_mode = #tpu.pipeline_mode<synchronous>, transform_indices = @transform_3, window_bounds = array<i64: 128>}, {pipeline_mode = #tpu.pipeline_mode<synchronous>, transform_indices = @transform_4, window_bounds = array<i64: 128, 32>}, {pipeline_mode = #tpu.pipeline_mode<synchronous>, transform_indices = @transform_5, window_bounds = array<i64: 128, 32>}, {pipeline_mode = #tpu.pipeline_mode<synchronous>, transform_indices = @transform_6, window_bounds = array<i64: 32>}, {pipeline_mode = #tpu.pipeline_mode<synchronous>, transform_indices = @transform_7, window_bounds = array<i64: 32>}, {pipeline_mode = #tpu.pipeline_mode<synchronous>, transform_indices = @transform_8, window_bounds = array<i64: 32>}, {pipeline_mode = #tpu.pipeline_mode<synchronous>, transform_indices = @transform_9, window_bounds = array<i64: 32, 8>}, {pipeline_mode = #tpu.pipeline_mode<synchronous>, transform_indices = @transform_10, window_bounds = array<i64: 32, 4>}, {pipeline_mode = #tpu.pipeline_mode<synchronous>, transform_indices = @transform_11, window_bounds = array<i64: 4>}, {transform_indices = @transform_12, window_bounds = array<i64: 2000, 4>}]} {
    %get3A = arith.constant 0 : index
    %get3A_0 = arith.constant 0 : index
    %get3A_1 = vector.load %arg1[%get3A, %get3A_0] : memref<2000x128xf32, #tpu.memory_space<vmem>>, vector<2000x128xf32>
    %get3A_2 = arith.constant 0 : index
    %get3A_3 = vector.load %arg2[%get3A_2] : memref<128xf32, #tpu.memory_space<vmem>>, vector<128xf32>
    %broadcast_in_dim3A = vector.shape_cast %get3A_3 : vector<128xf32> to vector<1x128xf32>
    %add3A = vector.broadcast %broadcast_in_dim3A : vector<1x128xf32> to vector<2000x128xf32>
    %add3A_4 = arith.addf %get3A_1, %add3A : vector<2000x128xf32>
    %get3A_5 = arith.constant 0 : index
    %get3A_6 = vector.load %arg3[%get3A_5] : memref<128xf32, #tpu.memory_space<vmem>>, vector<128xf32>
    %get3A_7 = arith.constant 0 : index
    %get3A_8 = vector.load %arg4[%get3A_7] : memref<128xf32, #tpu.memory_space<vmem>>, vector<128xf32>
    %get3A_9 = arith.constant 0 : index
    %get3A_10 = arith.constant 0 : index
    %get3A_11 = vector.load %arg5[%get3A_9, %get3A_10] : memref<128x32xf32, #tpu.memory_space<vmem>>, vector<128x32xf32>
    %dot_general3A = arith.constant dense<0.000000e+00> : vector<2000x32xf32>
    %dot_general3A_12 = tpu.matmul %add3A_4, %get3A_11, %dot_general3A {dimension_numbers = #tpu.dot_dimension_numbers<[1], [0], [0], [1], [0, 0, 1, 1], [], []>, transpose_lhs_hint = false} : vector<2000x128xf32>, vector<128x32xf32>, vector<2000x32xf32> -> vector<2000x32xf32>
    %mul3A = arith.mulf %add3A_4, %add3A_4 : vector<2000x128xf32>
    %dot_general3A_13 = arith.constant dense<0.000000e+00> : vector<2000x32xf32>
    %dot_general3A_14 = tpu.matmul %mul3A, %get3A_11, %dot_general3A_13 {dimension_numbers = #tpu.dot_dimension_numbers<[1], [0], [0], [1], [0, 0, 1, 1], [], []>, transpose_lhs_hint = false} : vector<2000x128xf32>, vector<128x32xf32>, vector<2000x32xf32> -> vector<2000x32xf32>
    %mul3A_15 = arith.constant 2.500000e-01 : f32
    %mul3A_16 = vector.broadcast %mul3A_15 : f32 to vector<2000x32xf32>
    %mul3A_17 = arith.mulf %dot_general3A_12, %mul3A_16 : vector<2000x32xf32>
    %mul3A_18 = arith.constant 2.500000e-01 : f32
    %mul3A_19 = vector.broadcast %mul3A_18 : f32 to vector<2000x32xf32>
    %mul3A_20 = arith.mulf %dot_general3A_14, %mul3A_19 : vector<2000x32xf32>
    %mul3A_21 = arith.mulf %mul3A_17, %mul3A_17 : vector<2000x32xf32>
    %sub3A = arith.subf %mul3A_20, %mul3A_21 : vector<2000x32xf32>
    %dot_general3A_22 = arith.constant dense<0.000000e+00> : vector<2000x128xf32>
    %dot_general3A_23 = tpu.matmul %mul3A_17, %get3A_11, %dot_general3A_22 {dimension_numbers = #tpu.dot_dimension_numbers<[1], [1], [0], [0], [0, 0, 1, 0], [], []>, transpose_lhs_hint = false} : vector<2000x32xf32>, vector<128x32xf32>, vector<2000x128xf32> -> vector<2000x128xf32>
    %dot_general3A_24 = arith.constant dense<0.000000e+00> : vector<2000x128xf32>
    %dot_general3A_25 = tpu.matmul %sub3A, %get3A_11, %dot_general3A_24 {dimension_numbers = #tpu.dot_dimension_numbers<[1], [1], [0], [0], [0, 0, 1, 0], [], []>, transpose_lhs_hint = false} : vector<2000x32xf32>, vector<128x32xf32>, vector<2000x128xf32> -> vector<2000x128xf32>
    %sub3A_26 = arith.subf %add3A_4, %dot_general3A_23 : vector<2000x128xf32>
    %add3A_27 = arith.constant 9.99999974E-6 : f32
    %add3A_28 = vector.broadcast %add3A_27 : f32 to vector<2000x128xf32>
    %add3A_29 = arith.addf %dot_general3A_25, %add3A_28 : vector<2000x128xf32>
    %rsqrt3A = math.rsqrt %add3A_29 : vector<2000x128xf32>
    %mul3A_30 = arith.mulf %sub3A_26, %rsqrt3A : vector<2000x128xf32>
    %broadcast_in_dim3A_31 = vector.shape_cast %get3A_6 : vector<128xf32> to vector<1x128xf32>
    %mul3A_32 = vector.broadcast %broadcast_in_dim3A_31 : vector<1x128xf32> to vector<2000x128xf32>
    %mul3A_33 = arith.mulf %mul3A_30, %mul3A_32 : vector<2000x128xf32>
    %broadcast_in_dim3A_34 = vector.shape_cast %get3A_8 : vector<128xf32> to vector<1x128xf32>
    %add3A_35 = vector.broadcast %broadcast_in_dim3A_34 : vector<1x128xf32> to vector<2000x128xf32>
    %add3A_36 = arith.addf %mul3A_33, %add3A_35 : vector<2000x128xf32>
    %integer_pow3A = arith.mulf %add3A_36, %add3A_36 : vector<2000x128xf32>
    %integer_pow3A_37 = arith.mulf %add3A_36, %integer_pow3A : vector<2000x128xf32>
    %mul3A_38 = arith.constant 4.471500e-02 : f32
    %mul3A_39 = vector.broadcast %mul3A_38 : f32 to vector<2000x128xf32>
    %mul3A_40 = arith.mulf %mul3A_39, %integer_pow3A_37 : vector<2000x128xf32>
    %add3A_41 = arith.addf %add3A_36, %mul3A_40 : vector<2000x128xf32>
    %mul3A_42 = arith.constant 0.797884583 : f32
    %mul3A_43 = vector.broadcast %mul3A_42 : f32 to vector<2000x128xf32>
    %mul3A_44 = arith.mulf %mul3A_43, %add3A_41 : vector<2000x128xf32>
    %tanh3A = math.tanh %mul3A_44 : vector<2000x128xf32>
    %add3A_45 = arith.constant 1.000000e+00 : f32
    %add3A_46 = vector.broadcast %add3A_45 : f32 to vector<2000x128xf32>
    %add3A_47 = arith.addf %add3A_46, %tanh3A : vector<2000x128xf32>
    %mul3A_48 = arith.constant 5.000000e-01 : f32
    %mul3A_49 = vector.broadcast %mul3A_48 : f32 to vector<2000x128xf32>
    %mul3A_50 = arith.mulf %mul3A_49, %add3A_47 : vector<2000x128xf32>
    %mul3A_51 = arith.mulf %add3A_36, %mul3A_50 : vector<2000x128xf32>
    %get3A_52 = arith.constant 0 : index
    %get3A_53 = arith.constant 0 : index
    %get3A_54 = vector.load %arg6[%get3A_52, %get3A_53] : memref<128x32xf32, #tpu.memory_space<vmem>>, vector<128x32xf32>
    %dot_general3A_55 = arith.constant dense<0.000000e+00> : vector<2000x32xf32>
    %dot_general3A_56 = tpu.matmul %mul3A_51, %get3A_54, %dot_general3A_55 {dimension_numbers = #tpu.dot_dimension_numbers<[1], [0], [0], [1], [0, 0, 1, 1], [], []>, transpose_lhs_hint = false} : vector<2000x128xf32>, vector<128x32xf32>, vector<2000x32xf32> -> vector<2000x32xf32>
    %get3A_57 = arith.constant 0 : index
    %get3A_58 = vector.load %arg7[%get3A_57] : memref<32xf32, #tpu.memory_space<vmem>>, vector<32xf32>
    %broadcast_in_dim3A_59 = vector.shape_cast %get3A_58 : vector<32xf32> to vector<1x32xf32>
    %add3A_60 = vector.broadcast %broadcast_in_dim3A_59 : vector<1x32xf32> to vector<2000x32xf32>
    %add3A_61 = arith.addf %dot_general3A_56, %add3A_60 : vector<2000x32xf32>
    %get3A_62 = arith.constant 0 : index
    %get3A_63 = vector.load %arg8[%get3A_62] : memref<32xf32, #tpu.memory_space<vmem>>, vector<32xf32>
    %get3A_64 = arith.constant 0 : index
    %get3A_65 = vector.load %arg9[%get3A_64] : memref<32xf32, #tpu.memory_space<vmem>>, vector<32xf32>
    %get3A_66 = arith.constant 0 : index
    %get3A_67 = arith.constant 0 : index
    %get3A_68 = vector.load %arg10[%get3A_66, %get3A_67] : memref<32x8xf32, #tpu.memory_space<vmem>>, vector<32x8xf32>
    %dot_general3A_69 = arith.constant dense<0.000000e+00> : vector<2000x8xf32>
    %dot_general3A_70 = tpu.matmul %add3A_61, %get3A_68, %dot_general3A_69 {dimension_numbers = #tpu.dot_dimension_numbers<[1], [0], [0], [1], [0, 0, 1, 1], [], []>, transpose_lhs_hint = false} : vector<2000x32xf32>, vector<32x8xf32>, vector<2000x8xf32> -> vector<2000x8xf32>
    %mul3A_71 = arith.mulf %add3A_61, %add3A_61 : vector<2000x32xf32>
    %dot_general3A_72 = arith.constant dense<0.000000e+00> : vector<2000x8xf32>
    %dot_general3A_73 = tpu.matmul %mul3A_71, %get3A_68, %dot_general3A_72 {dimension_numbers = #tpu.dot_dimension_numbers<[1], [0], [0], [1], [0, 0, 1, 1], [], []>, transpose_lhs_hint = false} : vector<2000x32xf32>, vector<32x8xf32>, vector<2000x8xf32> -> vector<2000x8xf32>
    %mul3A_74 = arith.constant 2.500000e-01 : f32
    %mul3A_75 = vector.broadcast %mul3A_74 : f32 to vector<2000x8xf32>
    %mul3A_76 = arith.mulf %dot_general3A_70, %mul3A_75 : vector<2000x8xf32>
    %mul3A_77 = arith.constant 2.500000e-01 : f32
    %mul3A_78 = vector.broadcast %mul3A_77 : f32 to vector<2000x8xf32>
    %mul3A_79 = arith.mulf %dot_general3A_73, %mul3A_78 : vector<2000x8xf32>
    %mul3A_80 = arith.mulf %mul3A_76, %mul3A_76 : vector<2000x8xf32>
    %sub3A_81 = arith.subf %mul3A_79, %mul3A_80 : vector<2000x8xf32>
    %dot_general3A_82 = arith.constant dense<0.000000e+00> : vector<2000x32xf32>
    %dot_general3A_83 = tpu.matmul %mul3A_76, %get3A_68, %dot_general3A_82 {dimension_numbers = #tpu.dot_dimension_numbers<[1], [1], [0], [0], [0, 0, 1, 0], [], []>, transpose_lhs_hint = false} : vector<2000x8xf32>, vector<32x8xf32>, vector<2000x32xf32> -> vector<2000x32xf32>
    %dot_general3A_84 = arith.constant dense<0.000000e+00> : vector<2000x32xf32>
    %dot_general3A_85 = tpu.matmul %sub3A_81, %get3A_68, %dot_general3A_84 {dimension_numbers = #tpu.dot_dimension_numbers<[1], [1], [0], [0], [0, 0, 1, 0], [], []>, transpose_lhs_hint = false} : vector<2000x8xf32>, vector<32x8xf32>, vector<2000x32xf32> -> vector<2000x32xf32>
    %sub3A_86 = arith.subf %add3A_61, %dot_general3A_83 : vector<2000x32xf32>
    %add3A_87 = arith.constant 9.99999974E-6 : f32
    %add3A_88 = vector.broadcast %add3A_87 : f32 to vector<2000x32xf32>
    %add3A_89 = arith.addf %dot_general3A_85, %add3A_88 : vector<2000x32xf32>
    %rsqrt3A_90 = math.rsqrt %add3A_89 : vector<2000x32xf32>
    %mul3A_91 = arith.mulf %sub3A_86, %rsqrt3A_90 : vector<2000x32xf32>
    %broadcast_in_dim3A_92 = vector.shape_cast %get3A_63 : vector<32xf32> to vector<1x32xf32>
    %mul3A_93 = vector.broadcast %broadcast_in_dim3A_92 : vector<1x32xf32> to vector<2000x32xf32>
    %mul3A_94 = arith.mulf %mul3A_91, %mul3A_93 : vector<2000x32xf32>
    %broadcast_in_dim3A_95 = vector.shape_cast %get3A_65 : vector<32xf32> to vector<1x32xf32>
    %add3A_96 = vector.broadcast %broadcast_in_dim3A_95 : vector<1x32xf32> to vector<2000x32xf32>
    %add3A_97 = arith.addf %mul3A_94, %add3A_96 : vector<2000x32xf32>
    %integer_pow3A_98 = arith.mulf %add3A_97, %add3A_97 : vector<2000x32xf32>
    %integer_pow3A_99 = arith.mulf %add3A_97, %integer_pow3A_98 : vector<2000x32xf32>
    %mul3A_100 = arith.constant 4.471500e-02 : f32
    %mul3A_101 = vector.broadcast %mul3A_100 : f32 to vector<2000x32xf32>
    %mul3A_102 = arith.mulf %mul3A_101, %integer_pow3A_99 : vector<2000x32xf32>
    %add3A_103 = arith.addf %add3A_97, %mul3A_102 : vector<2000x32xf32>
    %mul3A_104 = arith.constant 0.797884583 : f32
    %mul3A_105 = vector.broadcast %mul3A_104 : f32 to vector<2000x32xf32>
    %mul3A_106 = arith.mulf %mul3A_105, %add3A_103 : vector<2000x32xf32>
    %tanh3A_107 = math.tanh %mul3A_106 : vector<2000x32xf32>
    %add3A_108 = arith.constant 1.000000e+00 : f32
    %add3A_109 = vector.broadcast %add3A_108 : f32 to vector<2000x32xf32>
    %add3A_110 = arith.addf %add3A_109, %tanh3A_107 : vector<2000x32xf32>
    %mul3A_111 = arith.constant 5.000000e-01 : f32
    %mul3A_112 = vector.broadcast %mul3A_111 : f32 to vector<2000x32xf32>
    %mul3A_113 = arith.mulf %mul3A_112, %add3A_110 : vector<2000x32xf32>
    %mul3A_114 = arith.mulf %add3A_97, %mul3A_113 : vector<2000x32xf32>
    %get3A_115 = arith.constant 0 : index
    %get3A_116 = arith.constant 0 : index
    %get3A_117 = vector.load %arg11[%get3A_115, %get3A_116] : memref<32x4xf32, #tpu.memory_space<vmem>>, vector<32x4xf32>
    %dot_general3A_118 = arith.constant dense<0.000000e+00> : vector<2000x4xf32>
    %dot_general3A_119 = tpu.matmul %mul3A_114, %get3A_117, %dot_general3A_118 {dimension_numbers = #tpu.dot_dimension_numbers<[1], [0], [0], [1], [0, 0, 1, 1], [], []>, transpose_lhs_hint = false} : vector<2000x32xf32>, vector<32x4xf32>, vector<2000x4xf32> -> vector<2000x4xf32>
    %get3A_120 = arith.constant 0 : index
    %get3A_121 = vector.load %arg12[%get3A_120] : memref<4xf32, #tpu.memory_space<vmem>>, vector<4xf32>
    %broadcast_in_dim3A_122 = vector.shape_cast %get3A_121 : vector<4xf32> to vector<1x4xf32>
    %add3A_123 = vector.broadcast %broadcast_in_dim3A_122 : vector<1x4xf32> to vector<2000x4xf32>
    %add3A_124 = arith.addf %dot_general3A_119, %add3A_123 : vector<2000x4xf32>
    %swap3A = arith.constant 0 : index
    %swap3A_125 = arith.constant 0 : index
    %swap3A_126 = vector.load %arg13[%swap3A, %swap3A_125] : memref<2000x4xf32, #tpu.memory_space<vmem>>, vector<2000x4xf32>
    tpu.vector_store %arg13[%swap3A, %swap3A_125], %add3A_124 {strides = array<i32>} : memref<2000x4xf32, #tpu.memory_space<vmem>>, vector<2000x4xf32>,
    return
  }
  func.func @transform_0(%arg0: i32) -> (i32, i32) {
    %c0_i32 = arith.constant 0 : i32
    %c0_i32_0 = arith.constant 0 : i32
    return %arg0, %c0_i32 : i32, i32
  }
  func.func @transform_1(%arg0: i32) -> i32 {
    %c0_i32 = arith.constant 0 : i32
    %c0_i32_0 = arith.constant 0 : i32
    return %c0_i32 : i32
  }
  func.func @transform_2(%arg0: i32) -> i32 {
    %c0_i32 = arith.constant 0 : i32
    %c0_i32_0 = arith.constant 0 : i32
    return %c0_i32 : i32
  }
  func.func @transform_3(%arg0: i32) -> i32 {
    %c0_i32 = arith.constant 0 : i32
    %c0_i32_0 = arith.constant 0 : i32
    return %c0_i32 : i32
  }
  func.func @transform_4(%arg0: i32) -> (i32, i32) {
    %c0_i32 = arith.constant 0 : i32
    %c0_i32_0 = arith.constant 0 : i32
    %c0_i32_1 = arith.constant 0 : i32
    return %c0_i32, %c0_i32_0 : i32, i32
  }
  func.func @transform_5(%arg0: i32) -> (i32, i32) {
    %c0_i32 = arith.constant 0 : i32
    %c0_i32_0 = arith.constant 0 : i32
    %c0_i32_1 = arith.constant 0 : i32
    return %c0_i32, %c0_i32_0 : i32, i32
  }
  func.func @transform_6(%arg0: i32) -> i32 {
    %c0_i32 = arith.constant 0 : i32
    %c0_i32_0 = arith.constant 0 : i32
    return %c0_i32 : i32
  }
  func.func @transform_7(%arg0: i32) -> i32 {
    %c0_i32 = arith.constant 0 : i32
    %c0_i32_0 = arith.constant 0 : i32
    return %c0_i32 : i32
  }
  func.func @transform_8(%arg0: i32) -> i32 {
    %c0_i32 = arith.constant 0 : i32
    %c0_i32_0 = arith.constant 0 : i32
    return %c0_i32 : i32
  }
  func.func @transform_9(%arg0: i32) -> (i32, i32) {
    %c0_i32 = arith.constant 0 : i32
    %c0_i32_0 = arith.constant 0 : i32
    %c0_i32_1 = arith.constant 0 : i32
    return %c0_i32, %c0_i32_0 : i32, i32
  }
  func.func @transform_10(%arg0: i32) -> (i32, i32) {
    %c0_i32 = arith.constant 0 : i32
    %c0_i32_0 = arith.constant 0 : i32
    %c0_i32_1 = arith.constant 0 : i32
    return %c0_i32, %c0_i32_0 : i32, i32
  }
  func.func @transform_11(%arg0: i32) -> i32 {
    %c0_i32 = arith.constant 0 : i32
    %c0_i32_0 = arith.constant 0 : i32
    return %c0_i32 : i32
  }
  func.func @transform_12(%arg0: i32) -> (i32, i32) {
    %c0_i32 = arith.constant 0 : i32
    %c0_i32_0 = arith.constant 0 : i32
    return %arg0, %c0_i32 : i32, i32
  }
}

</mosaic_0001>

<sc_bundles>
// kernel: kernel.7.cloned.1.call-start
scs
__scs_entry_jumppad:
0x0: {  	(pc) =	sbr.rel $0x88, $3  }
0x1: {  	(tag) =	ssettag $0x0;
	lr =	simm.s32 $0x1  }
0x2: {  	[smem:$0x3F8A] =	sst lr;
	_ =	strace $0xD0000000  }
0x3: {  	_ = 	snop  }
0x4: {  	_ = 	snop  }
0x5: {  	_ = 	snop  }
0x6: {  	_ = 	snop  }
0x7: {  	_ = 	snop  }
__scs_overlays_trampoline_lowered:
0x8: {  	[smem:$0x3F99] =	sst s0  }
0x9: {  	[smem:$0x3F9A] =	sst s1  }
0xa: {  	[smem:$0x3F9B] =	sst s2  }
0xb: {  	[smem:$0x3F9C] =	sst s3  }
0xc: {  	[smem:$0x3F9D] =	sst s4  }
0xd: {  	[smem:$0x3F9E] =	sst s5  }
0xe: {  	[smem:$0x3F9F] =	sst s6  }
0xf: {  	[smem:$0x3FA0] =	sst s7  }
0x10: {  	[smem:$0x3FA1] =	sst s8  }
0x11: {  	[smem:$0x3FA2] =	sst s9;
	s0 =	simm.s32 @!p0 $0x0  }
0x12: {  	s1 =	sld [smem:$0x3F88];
	s0 =	simm.s32 @p0 $0x1  }
0x13: {  	[smem:$0x3FA3] =	sst s0;
	s0 =	simm.s32 @!p1 $0x0  }
0x14: {  	s2 =	sld [smem:$0x3F87];
	s0 =	simm.s32 @p1 $0x1  }
0x15: {  	[smem:$0x3FA4] =	sst s0;
	s0 =	simm.s32 @!p2 $0x0  }
0x16: {  	s3 =	sld [smem:$0x3FDB];
	s0 =	simm.s32 @p2 $0x1  }
0x17: {  	s4 =	simm.s32 $0x1BF5;
	[smem:$0x3FA6] =	sst s0  }
0x18: {  	s0 =	sld [smem:$0x3F89];
	_ =	swait.ge [sflag:s4], $0x0  }
0x19: {  	s7 =	sld [smem:$0x3F8A]  }
0x1a: {  	s8 =	sadd.s32 $0xFFFFE003, lr  }
0x1b: {  	s9 =	sadd.s32 $0xFFFFFEF7, lr;
	s5 =	simm.s32 $0xFFFFFFFF;
	p2 =	slt.u32 s8, $0xFFFFF086  }
0x1c: {  	p1 =	slt.u32 s9, $0xF7A;
	s5 =	simm.s32 @!p2 $0x0  }
0x1d: {  	s5 =	simm.s32 @p1 $0x1;
	p0 =	seq.s32 s7, s2  }
0x1e: {  	s7 =	smul.u32 @!p0 $0xF7A, s2;
	p2 =	seq.s32 @!p0 s5, $0x0  }
0x1f: {  	s9 =	smul.u32 $0xF7A, s1;
	s8 =	simm.s32 @!p0 $0x1BF5;
	p2 =	por !p2, p0  }
0x20: {  	[sflag:s8] =	ssyncset.s32 @!p0 $0xFFFFF086;
	s6 =	sadd.s32 @!p0 s3, s7;
	s7 =	simm.s32 @!p0 $0x108  }
0x21: {  	s3 =	sadd.s32 s3, s9;
	s6 =	sadd.s32 @!p0 $0x88, s6;
	s7 =	simm.s32 @p2 $0x1082  }
0x22: {  	[simem:s7], [sflag:s8] =	dma.local @!p0 [hbm:s6], $0xF7A  }
0x23: {  	s9 =	sor.u32 $0xD0000000, s2;
	s6 =	simm.s32 $0x108;
	_ =	swait.ge @!p0 [sflag:s8], $0x0  }
0x24: {  	s3 =	sadd.s32 $0x88, s3;
	s6 =	simm.s32 @!p1 $0x1082;
	[sflag:s4] =	ssyncset.s32 $0xFFFFF086  }
0x25: {  	[simem:s6], [sflag:s4] =	dma.local [hbm:s3], $0xF7A  }
0x26: {  	[smem:$0x3F8A] =	sst s1;
	(tag) =	ssettag s2;
	_ =	strace s9  }
0x27: {  	s1 =	sld [smem:$0x3F9A]  }
0x28: {  	s2 =	sld [smem:$0x3F9B]  }
0x29: {  	s4 =	sld [smem:$0x3F9D]  }
0x2a: {  	p0 =	seq.s32 s5, $0x0;
	s5 =	sld [smem:$0x3F9E]  }
0x2b: {  	s6 =	sld [smem:$0x3F9F]  }
0x2c: {  	s7 =	sld [smem:$0x3FA0]  }
0x2d: {  	s3 =	simm.s32 $0x108;
	s8 =	sld [smem:$0x3FA1]  }
0x2e: {  	s3 =	simm.s32 @!p0 $0x1082;
	s9 =	sld [smem:$0x3FA2]  }
0x2f: {  	lr =	sadd.s32 s0, s3;
	s0 =	sld [smem:$0x3F99]  }
0x30: {  	s3 =	sld [smem:$0x3F9C]  }
0x31: {  	[smem:$0x3FA5] =	sst s10  }
0x32: {  	s10 =	sld [smem:$0x3FA3];
	_ =	sdelay $0x3  }
0x33: {  	p0 =	seq.s32 s10, $0x1;
	s10 =	sld [smem:$0x3FA5];
	_ =	sdelay $0x3  }
0x34: {  	[smem:$0x3FA5] =	sst s10  }
0x35: {  	s10 =	sld [smem:$0x3FA4];
	_ =	sdelay $0x3  }
0x36: {  	p1 =	seq.s32 s10, $0x1;
	s10 =	sld [smem:$0x3FA5];
	_ =	sdelay $0x3  }
0x37: {  	[smem:$0x3FA5] =	sst s10  }
0x38: {  	s10 =	sld [smem:$0x3FA6]  }
0x39: {  	_ = 	snop;
	(pc) =	sbr.ind lr, $3  }
0x3a: {  	_ = 	snop  }
0x3b: {  	_ = 	snop  }
0x3c: {  	p2 =	seq.s32 s10, $0x1;
	s10 =	sld [smem:$0x3FA5]  }
0x3d: {  	_ =	shalt  }
0x3e: {  	_ =	shalt  }
0x3f: {  	_ =	shalt  }
0x40: {  	_ =	shalt  }
0x41: {  	_ =	shalt  }
0x42: {  	_ =	shalt  }
0x43: {  	_ =	shalt  }
0x44: {  	_ =	shalt  }
0x45: {  	_ =	shalt  }
0x46: {  	_ =	shalt  }
0x47: {  	_ =	shalt  }
0x48: {  	_ =	shalt  }
0x49: {  	_ =	shalt  }
0x4a: {  	_ =	shalt  }
0x4b: {  	_ =	shalt  }
0x4c: {  	_ =	shalt  }
0x4d: {  	_ =	shalt  }
0x4e: {  	_ =	shalt  }
0x4f: {  	_ =	shalt  }
0x50: {  	_ =	shalt  }
0x51: {  	_ =	shalt  }
0x52: {  	_ =	shalt  }
0x53: {  	_ =	shalt  }
0x54: {  	_ =	shalt  }
0x55: {  	_ =	shalt  }
0x56: {  	_ =	shalt  }
0x57: {  	_ =	shalt  }
0x58: {  	_ =	shalt  }
0x59: {  	_ =	shalt  }
0x5a: {  	_ =	shalt  }
0x5b: {  	_ =	shalt  }
0x5c: {  	_ =	shalt  }
0x5d: {  	_ =	shalt  }
0x5e: {  	_ =	shalt  }
0x5f: {  	_ =	shalt  }
0x60: {  	_ =	shalt  }
0x61: {  	_ =	shalt  }
0x62: {  	_ =	shalt  }
0x63: {  	_ =	shalt  }
0x64: {  	_ =	shalt  }
0x65: {  	_ =	shalt  }
0x66: {  	_ =	shalt  }
0x67: {  	_ =	shalt  }
0x68: {  	_ =	shalt  }
0x69: {  	_ =	shalt  }
0x6a: {  	_ =	shalt  }
0x6b: {  	_ =	shalt  }
0x6c: {  	_ =	shalt  }
0x6d: {  	_ =	shalt  }
0x6e: {  	_ =	shalt  }
0x6f: {  	_ =	shalt  }
0x70: {  	_ =	shalt  }
0x71: {  	_ =	shalt  }
0x72: {  	_ =	shalt  }
0x73: {  	_ =	shalt  }
0x74: {  	_ =	shalt  }
0x75: {  	_ =	shalt  }
0x76: {  	_ =	shalt  }
0x77: {  	_ =	shalt  }
0x78: {  	_ =	shalt  }
0x79: {  	_ =	shalt  }
0x7a: {  	_ =	shalt  }
0x7b: {  	_ =	shalt  }
0x7c: {  	_ =	shalt  }
0x7d: {  	_ =	shalt  }
0x7e: {  	_ =	shalt  }
0x7f: {  	_ =	shalt  }
0x80: {  	_ =	shalt  }
0x81: {  	_ =	shalt  }
0x82: {  	_ =	shalt  }
0x83: {  	_ =	shalt  }
0x84: {  	_ =	shalt  }
0x85: {  	_ =	shalt  }
0x86: {  	_ =	shalt  }
0x87: {  	_ =	shalt  }
.Lfunc_end0:
.L_simem_size_0:
called_computation_lowered:
.L_overlay_start_0:
0x88: {  	s2 =	sld [smem:$0x3FD9]  }
0x89: {  	s3 =	sld [smem:$0x3FFE];
	_ =	sdelay $0x1  }
0x8a: {  	s1 =	srdreg.scid  }
0x8b: {  	s0 =	sand.u32 $0x1, s1  }
0x8c: {  	s16 =	sshll.u32 s0, $0xA;
	s2 =	sadd.s32 s3, s2  }
0x8d: {  	s2 =	sadd.s32 s2, s16  }
0x8e: {  	[smem:$0x3FB1] =	sst s2  }
0x8f: {  	_ = 	snop  }
0x90: {  	(tm) =	ssettm $0x1  }
0x91: {  	s17 =	sld [smem:$0x3FFB];
	_ =	sdelay $0x3  }
0x92: {  	_ =	strace s17  }
0x93: {  	s2 =	sld [smem:$0x3FFC];
	_ =	sdelay $0x3  }
0x94: {  	_ =	strace s2  }
0x95: {  	s2 =	sld [smem:$0x3FFD];
	_ =	sdelay $0x3  }
0x96: {  	_ =	strace s2  }
0x97: {  	_ =	strace $0x8FFFFFFF  }
0x98: {  	s18 =	sld [smem:$0x3FDB];
	_ =	sdelay $0x1  }
0x99: {  	s19 =	simm.s32 $_scs_section_size  }
0x9a: {  	s4 =	simm.s32 $_size__tile_overlayer_lowered;
	s5 =	simm.s32 $_tile_overlayer_lowered  }
0x9b: {  	s22 =	simm.s32 $0x1BFF;
	s21 =	sshll.u32 s5, $0x1;
	s2 =	sadd.s32 s19, s18  }
0x9c: {  	s6 =	simm.s32 $0x0;
	s20 =	sshll.u32 s4, $0x1;
	s4 =	sadd.s32 s21, s2  }
0x9d: {  	[timem:s6], [sflag:s22] =	dma.local [hbm:s4], s20  }
0x9e: {  	_ =	swait.ge [sflag:s22], s20  }
0x9f: {  	s3 =	ssub.s32 $0x0, s20;
	[sflag:s22] =	ssyncset.done $0x0  }
0xa0: {  	[sflag:s22] =	ssyncadd.s32 s3;
	_ =	sdelay $0x1  }
0xa1: {  	s23 =	simm.s32 $0x1B8B  }
0xa2: {  	_ =	swait.ge [sflag:s23], $0x1  }
0xa3: {  	[sflag:s23] =	ssyncset.done $0x0  }
0xa4: {  	s25 =	simm.s32 $0x1B8E;
	s24 =	sld [smem:$0x3FFE];
	[sflag:s23] =	ssyncadd.s32 $0xFFFFFFFF  }
0xa5: {  	s26 =	simm.s32 $execute0_lowered;
	[smem:$0x3FD2] =	sst s25  }
0xa6: {  	s4 =	sshll.u32 s26, $0x1;
	_ =	strace $0x80000046;
	[dreg:$0x1] =	wrdreg $0xFFFFFFFF  }
0xa7: {  	s28 =	simm.s32 $_size_execute0_lowered;
	s2 =	sadd.s32 s2, s4;
	[dreg:$0x0] =	wrdreg $0x0  }
0xa8: {  	s4 =	sshll.u32 s28, $0x1;
	[dreg:$0x2] =	wrdreg s2  }
0xa9: {  	[dreg:$0x3] =	wrdreg s4  }
0xaa: {  	[dreg:$0x4] =	wrdreg $0xC0  }
0xab: {  	_ =	task [dreg:s6], $0x5FFFF  }
0xac: {  	[dreg:$0x1] =	wrdreg $0xFFFFFFFF  }
0xad: {  	[dreg:$0x0] =	wrdreg $0x60  }
0xae: {  	[dreg:$0x2] =	wrdreg s24  }
0xaf: {  	[dreg:$0x3] =	wrdreg $0x0  }
0xb0: {  	[dreg:$0x4] =	wrdreg $0x9  }
0xb1: {  	_ =	task.clear_ibuf [dreg:s6], $0x5FFFF;
	_ =	strace $0x90000046  }
0xb2: {  	s29 =	simm.s32 $0x9;
	_ =	strace $0x80000048  }
0xb3: {  	_ =	swait.ge [sflag:s29], $0x1  }
0xb4: {  	[sflag:s29] =	ssyncadd.s32 $0xFFFFFFFF  }
0xb5: {  	_ =	strace $0x90000048  }
0xb6: {  	_ =	sfence  }
0xb7: {  	s30 =	sld [smem:$0x0];
	_ =	sdelay $0x2  }
0xb8: {  	s31 =	sshll.u32 s1, $0xD;
	s1 =	sshrl.u32 s1, $0x2  }
0xb9: {  	s3 =	sand.u32 $0x4000, s31;
	s1 =	sadd.s32 s1, s30  }
0xba: {  	s0 =	sor.u32 s3, s0;
	s1 =	sshll.u32 s1, $0x11  }
0xbb: {  	s0 =	sor.u32 s1, s0  }
0xbc: {  	s0 =	sadd.s32 $0x8F2B, s0  }
0xbd: {  	[sflag:s0] =	ssyncadd.remote.s32 $0x1  }
0xbe: {  	_ =	sfence.sel $0xFFFF  }
0xbf: {  	[dreg:$0x0] =	wrdreg $0xFFFFFFFF;
	(pc) =	sbr.abs _section_cstart, $3  }
0xc0: {  	[dreg:$0x1] =	wrdreg $0xFFFFFFFF  }
0xc1: {  	_ =	task.clear_ibuf [dreg:s6], $0x2FFFF;
	_ =	strace $0x9FFFFFFF  }
0xc2: {  	(tm) =	ssettm $0x7FFFFFFF  }
0xc3: {  	_ =	shalt  }
tec
execute0_lowered:
.L_overlay_start_1:
0x0: {  	(tag) =	ssettag $0x1  }
0x1: {  	s0 =	rddreg [dreg:$0x0]  }
0x2: {  	s1 =	rddreg [dreg:$0x1]  }
0x3: {  	s2 =	srdreg.scid;
	s9 =	stileid.u32;
	s30 =	simm.s32 $0x1E300  }
0x4: {  	s31 =	simm.s32 $0x4;
	s3 =	sand.u32 $0x1, s2;
	s7 =	smul.u32 $0x278, s9  }
0x5: {  	s2 =	simm.s32 $0x0;
	s4 =	sadd.s32 $0xB4A000, s0;
	s8 =	smul.u32 $0x4F000, s9  }
0x6: {  	s5 =	sadd.s32 $0x26600, s0;
	s11 =	smul.u32 $0x8C00, s9;
	p0 =	sne.s32 s9, $0x0  }
0x7: {  	s29 =	sadd.s32 $0x13C000, s1;
	[smem:$0x7FF] =	sst s2;
	s8 =	sshrl.u32 s8, $0x2  }
0x8: {  	_ =	strace $0x80000047;
	[dreg:$0x14] =	wrdreg s29;
	s10 =	sadd.s32 s8, s1  }
0x9: {  	s6 =	smul.u32 $0x9E00, s3;
	s8 =	sadd.s32 $0x1C00, s10;
	[dreg:$0x3] =	wrdreg s10  }
0xa: {  	s3 =	ssub.s32 $0x2, s3;
	s14 =	sadd.s32 $0x3800, s10;
	[dreg:$0x4] =	wrdreg s8  }
0xb: {  	s13 =	sshrl.u32 s3, $0x1;
	s15 =	sadd.s32 $0x5400, s10;
	[dreg:$0x5] =	wrdreg s14  }
0xc: {  	s20 =	sshrl.u32 s11, $0x3;
	s16 =	sadd.s32 $0x7000, s10;
	[dreg:$0x6] =	wrdreg s15  }
0xd: {  	s7 =	sadd.s32 s7, s6;
	s17 =	sadd.s32 $0x8C00, s10;
	[dreg:$0x7] =	wrdreg s16  }
0xe: {  	s6 =	sadd.s32 $0x4200, s0;
	s18 =	sadd.s32 $0xA800, s10;
	[dreg:$0x8] =	wrdreg s17  }
0xf: {  	s3 =	ssub.s32 s3, s13;
	s19 =	sadd.s32 $0xC400, s10;
	[dreg:$0x9] =	wrdreg s18  }
0x10: {  	s7 =	sshll.u32 s7, $0x4;
	s12 =	sadd.s32 $0xE000, s10;
	[dreg:$0xa] =	wrdreg s19  }
0x11: {  	s21 =	sadd.s32 $0xFC00, s10;
	s25 =	smax.u32 s3, $0x1;
	[dreg:$0xb] =	wrdreg s12  }
0x12: {  	s26 =	sadd.s32 $0x11800, s10;
	s28 =	sadd.s32 $0x13400, s10;
	[dreg:$0xc] =	wrdreg s21  }
0x13: {  	s3 =	simm.s32 $0x17480;
	s10 =	simm.s32 $0x0;
	[dreg:$0x11] =	wrdreg s25  }
0x14: {  	s0 =	sadd.s32 s7, s0;
	s7 =	sshll.u32 s9, $0xB;
	[dreg:$0x12] =	wrdreg s26  }
0x15: {  	s19 =	sadd.s32 s5, s20;
	[dreg:$0x13] =	wrdreg s28;
	s22 =	sadd.s32 $0x186000, s0  }
.Ltmp0:
0x16: {  	s23 =	sadd.s32 $0x1AD800, s0;
	[dreg:$0xd] =	wrdreg s22;
	(pc) =	sbr.rel .LBB2_1-.Ltmp0, $4  }
0x17: {  	s20 =	sadd.s32 s6, s20;
	s24 =	sadd.s32 $0x1D5000, s0;
	[dreg:$0xe] =	wrdreg s23  }
0x18: {  	v2 =	vlaneseq.u32;
	v0 =	vmov s9;
	s21 =	simm.s32 $0x18300;
	s0 =	sadd.s32 $0x1FC800, s0;
	[dreg:$0xf] =	wrdreg s24  }
0x19: {  	v1 =	vimm.f32 $0.0e+00;
	v3 =	vor.u32 $0x10, v2;
	v0 =	vor.u32 $0x2780, v0;
	s25 =	simm.s32 $0x3;
	[dreg:$0x10] =	wrdreg s0;
	s0 =	simm.s32 $0x1  }
0x1a: {  	v4 =	vor.u32 $0x20, v2;
	v5 =	vor.u32 $0x30, v2;
	v0 =	vbroadcast v0, $0x0;
	s22 =	simm.s32 $0x40;
	s23 =	simm.s32 $0x1A300;
	s24 =	simm.s32 $0x2  }
.LBB2_88:
0x1b: {  	[bflag:$0x0] =	sbarrier.arrive $0xFFFF  }
0x1c: {  	s28 =	simm.s32 $0x5;
	s8 =	rddreg [dreg:$0x10]  }
0x1d: {  	[hbm:s8], [sflag:s12] =	dma.local [spmem:s13], $0x2780  }
0x1e: {  	_ =	swait.ge [sflag:s28], $0x2780  }
0x1f: {  	s10 =	sadd.s32 $0x1, s10;
	s29 =	rddreg [dreg:$0x11]  }
0x20: {  	p1 =	sne.s32 s10, s29  }
.Ltmp1:
0x21: {  	_ = 	snop;
	(pc) =	sbr.rel @!p1 .LBB2_89-.Ltmp1, $3  }
0x22: {  	[sflag:s28] =	ssyncset.done $0x0  }
0x23: {  	[sflag:s28] =	ssyncadd.s32 $0xFFFFD880  }
0x24: {  	[bflag:$0x0] =	sbarrier.arrive $0xFFFF;
	_ =	sdelay $0x1  }
.LBB2_1:
0x25: {  	s8 =	simm.s32 $0x0;
	s12 =	simm.s32 $0x200  }
.LBB2_2:
0x26: {  	p1 =	sne.s32 s12, $0x6E00;
	[tilespmem:s8+$0x1E370] =	vst v1  }
0x27: {  	[tilespmem:s8+$0x1E300] =	vst v1  }
0x28: {  	[tilespmem:s8+$0x1E310] =	vst v1  }
.Ltmp2:
0x29: {  	[tilespmem:s8+$0x1E320] =	vst v1;
	(pc) =	sbr.rel @p1 .LBB2_2-.Ltmp2, $4  }
0x2a: {  	[tilespmem:s8+$0x1E330] =	vst v1  }
0x2b: {  	[tilespmem:s8+$0x1E340] =	vst v1  }
0x2c: {  	[tilespmem:s8+$0x1E350] =	vst v1  }
0x2d: {  	[tilespmem:s8+$0x1E360] =	vst v1;
	s8 =	sshra.s32 s12, $0x2;
	s12 =	sadd.s32 $0x200, s12  }
0x2e: {  	[tilespmem:s8+$0x1E370] =	vst v1  }
0x2f: {  	[tilespmem:s8+$0x1E300] =	vst v1  }
0x30: {  	[tilespmem:s8+$0x1E310] =	vst v1  }
0x31: {  	[tilespmem:s8+$0x1E320] =	vst v1  }
0x32: {  	[tilespmem:s8+$0x1E330] =	vst v1  }
0x33: {  	[tilespmem:s8+$0x1E340] =	vst v1  }
0x34: {  	[tilespmem:s8+$0x1E350] =	vst v1  }
0x35: {  	[tilespmem:s8+$0x1E360] =	vst v1;
	s29 =	rddreg [dreg:$0x3]  }
0x36: {  	[spmem:s29] =	stream.linear.scatter [tilespmem:s30], [sflag:$0x4], $0x1C00, $0x38;
	v63 =	vld [tilespmem:$0x0]  }
0x37: {  	s9 =	rddreg [dreg:$0x4]  }
0x38: {  	[spmem:s9] =	stream.linear.scatter [tilespmem:s30], [sflag:$0x4], $0x1C00, $0x38;
	v63 =	vld [tilespmem:$0x0]  }
0x39: {  	s12 =	rddreg [dreg:$0x5]  }
0x3a: {  	[spmem:s12] =	stream.linear.scatter [tilespmem:s30], [sflag:$0x4], $0x1C00, $0x38;
	v63 =	vld [tilespmem:$0x0]  }
0x3b: {  	s13 =	rddreg [dreg:$0x6]  }
0x3c: {  	[spmem:s13] =	stream.linear.scatter [tilespmem:s30], [sflag:$0x4], $0x1C00, $0x38;
	v63 =	vld [tilespmem:$0x0]  }
0x3d: {  	s14 =	rddreg [dreg:$0x7]  }
0x3e: {  	[spmem:s14] =	stream.linear.scatter [tilespmem:s30], [sflag:$0x4], $0x1C00, $0x38;
	v63 =	vld [tilespmem:$0x0]  }
0x3f: {  	s15 =	rddreg [dreg:$0x8]  }
0x40: {  	[spmem:s15] =	stream.linear.scatter [tilespmem:s30], [sflag:$0x4], $0x1C00, $0x38;
	v63 =	vld [tilespmem:$0x0]  }
0x41: {  	s16 =	rddreg [dreg:$0x9]  }
0x42: {  	[spmem:s16] =	stream.linear.scatter [tilespmem:s30], [sflag:$0x4], $0x1C00, $0x38;
	v63 =	vld [tilespmem:$0x0]  }
0x43: {  	s17 =	rddreg [dreg:$0xa]  }
0x44: {  	[spmem:s17] =	stream.linear.scatter [tilespmem:s30], [sflag:$0x4], $0x1C00, $0x38;
	v63 =	vld [tilespmem:$0x0]  }
0x45: {  	s18 =	rddreg [dreg:$0xb]  }
0x46: {  	[spmem:s18] =	stream.linear.scatter [tilespmem:s30], [sflag:$0x4], $0x1C00, $0x38;
	v63 =	vld [tilespmem:$0x0]  }
0x47: {  	s26 =	rddreg [dreg:$0xc]  }
0x48: {  	[spmem:s26] =	stream.linear.scatter [tilespmem:s30], [sflag:$0x4], $0x1C00, $0x38;
	v63 =	vld [tilespmem:$0x0]  }
0x49: {  	s28 =	rddreg [dreg:$0x12]  }
0x4a: {  	[spmem:s28] =	stream.linear.scatter [tilespmem:s30], [sflag:$0x4], $0x1C00, $0x38;
	v63 =	vld [tilespmem:$0x0]  }
0x4b: {  	s29 =	rddreg [dreg:$0x13]  }
0x4c: {  	[spmem:s29] =	stream.linear.scatter [tilespmem:s30], [sflag:$0x4], $0x800, $0x38;
	v63 =	vld [tilespmem:$0x0]  }
0x4d: {  	s8 =	simm.s32 @!p0 $0x1E300;
	s9 =	rddreg [dreg:$0x14]  }
0x4e: {  	[spmem:s9] =	stream.linear.scatter @!p0 [tilespmem:s8], [sflag:$0x5], $0x800, $0x38;
	v63 =	vld [tilespmem:$0x0]  }
0x4f: {  	s8 =	simm.s32 @!p0 $0x5  }
0x50: {  	_ =	swait.ge @!p0 [sflag:s8], $0x800  }
0x51: {  	[sflag:s8] =	ssyncset.done @!p0 $0x0  }
0x52: {  	[sflag:s8] =	ssyncadd.s32 @!p0 $0xFFFFF800  }
0x53: {  	_ =	swait.ge [sflag:s31], $0x1C00  }
0x54: {  	[sflag:s31] =	ssyncset.done $0x0  }
0x55: {  	[sflag:s31] =	ssyncadd.s32 $0xFFFFE400  }
0x56: {  	_ =	swait.ge [sflag:s31], $0x1C00  }
0x57: {  	[sflag:s31] =	ssyncset.done $0x0  }
0x58: {  	[sflag:s31] =	ssyncadd.s32 $0xFFFFE400  }
0x59: {  	_ =	swait.ge [sflag:s31], $0x1C00  }
0x5a: {  	[sflag:s31] =	ssyncset.done $0x0  }
0x5b: {  	[sflag:s31] =	ssyncadd.s32 $0xFFFFE400  }
0x5c: {  	_ =	swait.ge [sflag:s31], $0x1C00  }
0x5d: {  	[sflag:s31] =	ssyncset.done $0x0  }
0x5e: {  	[sflag:s31] =	ssyncadd.s32 $0xFFFFE400  }
0x5f: {  	_ =	swait.ge [sflag:s31], $0x1C00  }
0x60: {  	[sflag:s31] =	ssyncset.done $0x0  }
0x61: {  	[sflag:s31] =	ssyncadd.s32 $0xFFFFE400  }
0x62: {  	_ =	swait.ge [sflag:s31], $0x1C00  }
0x63: {  	[sflag:s31] =	ssyncset.done $0x0  }
0x64: {  	[sflag:s31] =	ssyncadd.s32 $0xFFFFE400  }
0x65: {  	_ =	swait.ge [sflag:s31], $0x1C00  }
0x66: {  	[sflag:s31] =	ssyncset.done $0x0  }
0x67: {  	[sflag:s31] =	ssyncadd.s32 $0xFFFFE400  }
0x68: {  	_ =	swait.ge [sflag:s31], $0x1C00  }
0x69: {  	[sflag:s31] =	ssyncset.done $0x0  }
0x6a: {  	[sflag:s31] =	ssyncadd.s32 $0xFFFFE400  }
0x6b: {  	_ =	swait.ge [sflag:s31], $0x1C00  }
0x6c: {  	[sflag:s31] =	ssyncset.done $0x0  }
0x6d: {  	[sflag:s31] =	ssyncadd.s32 $0xFFFFE400  }
0x6e: {  	_ =	swait.ge [sflag:s31], $0x1C00  }
0x6f: {  	[sflag:s31] =	ssyncset.done $0x0  }
0x70: {  	[sflag:s31] =	ssyncadd.s32 $0xFFFFE400  }
0x71: {  	_ =	swait.ge [sflag:s31], $0x1C00  }
0x72: {  	[sflag:s31] =	ssyncset.done $0x0  }
0x73: {  	[sflag:s31] =	ssyncadd.s32 $0xFFFFE400  }
0x74: {  	_ =	swait.ge [sflag:s31], $0x800  }
0x75: {  	[sflag:s31] =	ssyncset.done $0x0  }
0x76: {  	s12 =	simm.s32 $0x13D80;
	s13 =	sadd.s32 $0x0, s19;
	[sflag:s31] =	ssyncadd.s32 $0xFFFFF800  }
0x77: {  	s9 =	simm.s32 $0x10;
	s8 =	simm.s32 $0x13C80;
	[bflag:$0x0] =	sbarrier.arrive $0xFFFF  }
.LBB2_4:
0x78: {  	[tilespmem:s8], [sflag:$0x1] =	stream.linear.gather [hbm4b:s13+s2], $0x80, $0x38;
	v63 =	vld [tilespmem:$0x0]  }
0x79: {  	s13 =	smov.u32 s9;
	s8 =	smov.u32 s12;
	p1 =	sne.s32 s9, $0x1B0  }
.Ltmp3:
0x7a: {  	s9 =	sadd.s32 $0x10, s9;
	(pc) =	sbr.rel @p1 .LBB2_4-.Ltmp3, $2  }
0x7b: {  	_ =	sdelay $0x2  }
0x7c: {  	s12 =	sadd.s32 $0x100, s12;
	s13 =	sadd.s32 s13, s19  }
0x7d: {  	[tilespmem:s8], [sflag:$0x1] =	stream.linear.gather [hbm4b:s13+s2], $0x80, $0x38;
	v63 =	vld [tilespmem:$0x0]  }
0x7e: {  	s13 =	simm.s32 $0x0;
	s8 =	simm.s32 $0x15880  }
0x7f: {  	s9 =	simm.s32 $0x10;
	s14 =	sadd.s32 $0x0, s20;
	s12 =	simm.s32 $0x15980  }
.LBB2_6:
0x80: {  	[tilespmem:s8], [sflag:$0x1] =	stream.linear.gather [hbm4b:s14+s13], $0x80, $0x38;
	v63 =	vld [tilespmem:$0x0]  }
0x81: {  	s14 =	smov.u32 s9;
	s8 =	smov.u32 s12;
	p1 =	sne.s32 s9, $0x1B0  }
.Ltmp4:
0x82: {  	s9 =	sadd.s32 $0x10, s9;
	(pc) =	sbr.rel @p1 .LBB2_6-.Ltmp4, $2  }
0x83: {  	_ =	sdelay $0x2  }
0x84: {  	s12 =	sadd.s32 $0x100, s12;
	s14 =	sadd.s32 s14, s20  }
.Ltmp5:
0x85: {  	(pc) =	sbr.rel .LBB2_8-.Ltmp5, $2  }
0x86: {  	_ =	sdelay $0x2  }
0x87: {  	[tilespmem:s8], [sflag:$0x1] =	stream.linear.gather [hbm4b:s14+s13], $0x80, $0x38;
	v63 =	vld [tilespmem:$0x0]  }
.LBB2_18:
0x88: {  	_ = 	snop  }
.LBB2_23:
0x89: {  	[spmem:s1] =	stream.indirect.scatter.add.f32 @p1 [tilespmem:s8], [sflag:$0x3], $0x80, s9, s22, $0xb8;
	v63 =	vld [tilespmem:$0x0]  }
0x8a: {  	p1 =	sle.s32 s13, s18  }
0x8b: {  	_ =	swait.ge [sflag:s25], $0x2000;
	s8 =	sxor.u32 @!p1 $0xFFFFFFFF, s14  }
0x8c: {  	[sflag:s25] =	ssyncset.done $0x0;
	s8 =	sand.u32 @!p1 $0x2000, s8  }
0x8d: {  	s9 =	simm.s32 @!p1 $0x40;
	[sflag:s25] =	ssyncadd.s32 $0xFFFFE000;
	s8 =	sadd.s32 @!p1 $0x1A300, s8  }
0x8e: {  	[tilespmem:s8], [sflag:$0x2] =	stream.indirect.gather @!p1 [hbm4b:s4+s9], $0x80, s15, s9, $0xb8;
	v63 =	vld [tilespmem:$0x0]  }
0x8f: {  	_ =	swait.ge [sflag:s24], $0x2000  }
0x90: {  	s29 =	sand.u32 $0x2000, s14;
	[sflag:s24] =	ssyncset.done $0x0  }
0x91: {  	s8 =	sadd.s32 $0x1A300, s29;
	[sflag:s24] =	ssyncadd.s32 $0xFFFFE000  }
0x92: {  	[spmem:s1] =	stream.indirect.scatter.add.f32 [tilespmem:s8], [sflag:$0x3], $0x80, s16, s22, $0xb8;
	v63 =	vld [tilespmem:$0x0]  }
.LBB2_24:
0x93: {  	p1 =	sne.s32 s12, $0xA  }
.Ltmp6:
0x94: {  	_ = 	snop;
	(pc) =	sbr.rel @!p1 .LBB2_25-.Ltmp6, $4  }
0x95: {  	_ = 	snop  }
0x96: {  	_ =	swait.ge [sflag:s25], $0x2000  }
0x97: {  	[sflag:s25] =	ssyncset.done $0x0  }
0x98: {  	s13 =	smov.u32 s12;
	[sflag:s25] =	ssyncadd.s32 $0xFFFFE000  }
.LBB2_8:
0x99: {  	p1 =	seq.s32 s13, $0x9  }
.Ltmp7:
0x9a: {  	_ = 	snop;
	(pc) =	sbr.rel @p1 .LBB2_14-.Ltmp7, $2  }
0x9b: {  	_ =	sdelay $0x2  }
0x9c: {  	s12 =	sadd.s32 $0x1, s13  }
0x9d: {  	s8 =	smul.u32 $0xE00, s12  }
0x9e: {  	s9 =	sxor.u32 $0xFFFFFFFF, s13  }
0x9f: {  	s9 =	sshll.u32 s9, $0x7;
	s14 =	sadd.s32 s11, s8  }
0xa0: {  	s8 =	sand.u32 $0x80, s9;
	s14 =	sshrl.u32 s14, $0x3  }
0xa1: {  	s15 =	sadd.s32 $0x13C80, s8;
	s16 =	sadd.s32 s5, s14  }
0xa2: {  	s9 =	simm.s32 $0x10;
	s17 =	sadd.s32 $0x100, s15;
	s18 =	sadd.s32 $0x0, s16  }
.LBB2_10:
0xa3: {  	[tilespmem:s15], [sflag:$0x1] =	stream.linear.gather [hbm4b:s18+s2], $0x80, $0x38;
	v63 =	vld [tilespmem:$0x0]  }
0xa4: {  	s18 =	smov.u32 s9;
	s15 =	smov.u32 s17;
	p1 =	sne.s32 s9, $0x1B0  }
.Ltmp8:
0xa5: {  	s9 =	sadd.s32 $0x10, s9;
	(pc) =	sbr.rel @p1 .LBB2_10-.Ltmp8, $2  }
0xa6: {  	_ =	sdelay $0x2  }
0xa7: {  	s17 =	sadd.s32 $0x100, s17;
	s18 =	sadd.s32 s18, s16  }
0xa8: {  	[tilespmem:s15], [sflag:$0x1] =	stream.linear.gather [hbm4b:s18+s2], $0x80, $0x38;
	v63 =	vld [tilespmem:$0x0]  }
0xa9: {  	s8 =	sadd.s32 $0x15880, s8;
	s14 =	sadd.s32 s6, s14  }
0xaa: {  	s9 =	simm.s32 $0x10;
	s16 =	sadd.s32 $0x0, s14;
	s15 =	sadd.s32 $0x100, s8  }
.LBB2_12:
0xab: {  	[tilespmem:s8], [sflag:$0x1] =	stream.linear.gather [hbm4b:s16+s2], $0x80, $0x38;
	v63 =	vld [tilespmem:$0x0]  }
0xac: {  	s16 =	smov.u32 s9;
	s8 =	smov.u32 s15;
	p1 =	sne.s32 s9, $0x1B0  }
.Ltmp9:
0xad: {  	s9 =	sadd.s32 $0x10, s9;
	(pc) =	sbr.rel @p1 .LBB2_12-.Ltmp9, $2  }
0xae: {  	_ =	sdelay $0x2  }
0xaf: {  	s15 =	sadd.s32 $0x100, s15;
	s16 =	sadd.s32 s16, s14  }
0xb0: {  	[tilespmem:s8], [sflag:$0x1] =	stream.linear.gather [hbm4b:s16+s2], $0x80, $0x38;
	v63 =	vld [tilespmem:$0x0]  }
.LBB2_14:
0xb1: {  	_ =	swait.ge [sflag:s0], $0xE00  }
0xb2: {  	[sflag:s0] =	ssyncset.done $0x0  }
0xb3: {  	[sflag:s0] =	ssyncadd.s32 $0xFFFFF200  }
0xb4: {  	_ =	swait.ge [sflag:s0], $0xE00  }
0xb5: {  	[sflag:s0] =	ssyncset.done $0x0  }
0xb6: {  	s9 =	simm.s32 $0x0;
	[sflag:s0] =	ssyncadd.s32 $0xFFFFF200  }
0xb7: {  	v6 =	vld [tilespmem:s9+$0x1FF00];
	_ =	sdelay $0x4  }
0xb8: {  	(xrf0) =	vadd.scan.msk.s32 $0xffff, v6;
	_ =	sdelay $0x5  }
0xb9: {  	v7, _, _ =	vpop (xrf0)  }
0xba: {  	s15 =	simm.s32 $0x0;
	(v2sf) =	vpush v7, $0xF  }
0xbb: {  	v6 =	vsub.s32 s15, v6  }
0xbc: {  	v6 =	vadd.s32 v7, v6  }
0xbd: {  	s14 =	simm.s32 $0x10;
	s8 =	simm.s32 $0x80;
	[tilespmem:s9+$0x1FF00] =	vst v6  }
.LBB2_15:
0xbe: {  	p1 =	sne.s32 s8, $0x340;
	v6 =	vld [tilespmem:s14+$0x1FF00];
	_ =	sdelay $0x4  }
0xbf: {  	(xrf0) =	vadd.scan.msk.s32 $0xffff, v6;
	_ =	sdelay $0x5  }
.Ltmp10:
0xc0: {  	v7, _, _ =	vpop (xrf0);
	s9 =	spop (v2sf);
	(pc) =	sbr.rel @p1 .LBB2_15-.Ltmp10, $4  }
0xc1: {  	(v2sf) =	vpush v7, $0xF;
	s15 =	sadd.s32 s15, s9  }
0xc2: {  	v6 =	vsub.s32 s15, v6  }
0xc3: {  	v6 =	vadd.s32 v7, v6  }
0xc4: {  	[tilespmem:s14+$0x1FF00] =	vst v6;
	s14 =	sshra.s32 s8, $0x2;
	s8 =	sadd.s32 $0x40, s8  }
0xc5: {  	v6 =	vld [tilespmem:s14+$0x1FF00];
	_ =	sdelay $0x4  }
0xc6: {  	(xrf0) =	vadd.scan.msk.s32 $0xffff, v6;
	_ =	sdelay $0x5  }
0xc7: {  	v7, _, _ =	vpop (xrf0)  }
0xc8: {  	(v2sf) =	vpush v7, $0xF;
	_ =	sdelay $0xd  }
0xc9: {  	s8 =	spop (v2sf)  }
0xca: {  	s8 =	sadd.s32 s15, s8;
	s9 =	spop (v2sf)  }
0xcb: {  	s9 =	sadd.s32 s8, s9  }
0xcc: {  	v8 =	vadd.s32 s9, v2  }
0xcd: {  	v6 =	vsub.s32 s8, v6;
	v9 =	vshll.u32 v8, $0x1  }
0xce: {  	v11 =	vadd.s32 s9, v3;
	v10 =	vand.u32 $0x3F, v8;
	v9 =	vand.u32 $0xFFFFFF80, v9  }
0xcf: {  	s17 =	sshll.u32 s13, $0x7;
	v6 =	vadd.s32 v7, v6;
	v57 =	vshll.u32 v11, $0x1;
	v7 =	vor.u32 v10, v9  }
0xd0: {  	s8 =	sadd.s32 s7, s17;
	v12 =	vadd.s32 s9, v4;
	v58 =	vand.u32 $0x3F, v11;
	v9 =	vand.u32 $0xFFFFFF80, v57  }
0xd1: {  	v13 =	vor.u32 s8, v2;
	v59 =	vshll.u32 v12, $0x1;
	v9 =	vor.u32 v58, v9  }
0xd2: {  	[tilespmem:s14+$0x1FF00] =	vst v6;
	v14 =	vadd.s32 s9, v5;
	v6 =	vand.u32 $0x3F, v12;
	v10 =	vand.u32 $0xFFFFFF80, v59  }
0xd3: {  	s9 =	sadd.s32 $0x3F, s9;
	v60 =	vshll.u32 v14, $0x1;
	v6 =	vor.u32 v6, v10;
	[tilespmem:v8+s3+$0x0] =	vst.idx.msk $0xffff, v13  }
0xd4: {  	v61 =	vand.u32 $0x3F, v14;
	s18 =	sand.u32 $0x3F, s9;
	v8 =	vand.u32 $0xFFFFFF80, v60;
	[tilespmem:v7+s21+$0x0] =	vst.idx.msk $0xffff, v0;
	v7 =	vor.u32 s8, v3  }
0xd5: {  	s26 =	sshra.s32 s9, $0x1F;
	p1 =	slt.s32 s9, $0x1;
	p2 =	sne.s32 s18, $0x0;
	[tilespmem:v11+s3+$0x0] =	vst.idx.msk $0xffff, v7;
	v7 =	vor.u32 v61, v8  }
0xd6: {  	v62 =	vor.u32 s8, v4;
	s28 =	sshrl.u32 s26, $0x1A;
	p1 =	por !p1, !p2;
	[tilespmem:v9+s21+$0x0] =	vst.idx.msk $0xffff, v0  }
0xd7: {  	s29 =	sadd.s32 s28, s9;
	s9 =	simm.s32 $0x1;
	p1 =	por !p1, !p1;
	[tilespmem:v12+s3+$0x0] =	vst.idx.msk $0xffff, v62  }
0xd8: {  	s9 =	simm.s32 @!p1 $0x0;
	[tilespmem:v6+s21+$0x0] =	vst.idx.msk $0xffff, v0;
	v6 =	vor.u32 s8, v5;
	s8 =	sshra.s32 s29, $0x6  }
0xd9: {  	[tilespmem:v14+s3+$0x0] =	vst.idx.msk $0xffff, v6;
	s13 =	ssub.s32 s8, s9  }
0xda: {  	[tilespmem:v7+s21+$0x0] =	vst.idx.msk $0xffff, v0;
	p2 =	slt.s32 s13, $0x2  }
0xdb: {  	[tilespmem:s23], [sflag:$0x2] =	stream.indirect.gather [hbm4b:s4+s22], $0x80, s3, s22, $0xb8;
	v63 =	vld [tilespmem:$0x0]  }
0xdc: {  	s9 =	simm.s32 @!p2 $0x40;
	s14 =	simm.s32 @!p2 $0x174C0;
	s15 =	simm.s32 @!p2 $0x1C300  }
0xdd: {  	[tilespmem:s15], [sflag:$0x2] =	stream.indirect.gather @!p2 [hbm4b:s4+s9], $0x80, s14, s9, $0xb8;
	v63 =	vld [tilespmem:$0x0]  }
.Ltmp11:
0xde: {  	_ = 	snop;
	(pc) =	sbr.rel @p2 .LBB2_24-.Ltmp11, $4  }
0xdf: {  	_ =	swait.ge [sflag:s24], $0x2000  }
0xe0: {  	[sflag:s24] =	ssyncset.done $0x0  }
0xe1: {  	[sflag:s24] =	ssyncadd.s32 $0xFFFFE000  }
0xe2: {  	[spmem:s1] =	stream.indirect.scatter.add.f32 [tilespmem:s23], [sflag:$0x3], $0x80, s21, s22, $0xb8;
	v63 =	vld [tilespmem:$0x0]  }
0xe3: {  	s9 =	simm.s32 $0xFFFFFFFF  }
0xe4: {  	s9 =	simm.s32 @!p1 $0x0  }
0xe5: {  	s8 =	sadd.s32 s9, s8  }
0xe6: {  	s17 =	sadd.s32 $0xFFFFFFFF, s8  }
0xe7: {  	p2 =	sne.s32 s17, $0x1  }
.Ltmp12:
0xe8: {  	_ = 	snop;
	(pc) =	sbr.rel @!p2 .LBB2_18-.Ltmp12, $3  }
0xe9: {  	_ =	sdelay $0x1  }
0xea: {  	s16 =	simm.s32 $0x18380;
	s14 =	simm.s32 $0x2000  }
0xeb: {  	s15 =	simm.s32 $0x17500;
	s18 =	simm.s32 $0x2;
	p1 =	por $0x0, $0x0  }
0xec: {  	p1 =	sle.s32 s13, $0x2;
	_ =	swait.ge [sflag:s25], $0x2000;
	s18 =	simm.s32 $0x3  }
0xed: {  	s26 =	simm.s32 $0x2;
	p2 =	sne.s32 s17, $0x2;
	s8 =	sxor.u32 @!p1 $0xFFFFFFFF, s14  }
0xee: {  	[sflag:s25] =	ssyncset.done $0x0;
	s9 =	simm.s32 @!p1 $0x40;
	s8 =	sand.u32 @!p1 $0x2000, s8  }
.Ltmp13:
0xef: {  	[sflag:s25] =	ssyncadd.s32 $0xFFFFE000;
	s8 =	sadd.s32 @!p1 $0x1A300, s8;
	(pc) =	sbr.rel @!p2 .LBB2_20-.Ltmp13, $4  }
0xf0: {  	[tilespmem:s8], [sflag:$0x2] =	stream.indirect.gather @!p1 [hbm4b:s4+s9], $0x80, s15, s9, $0xb8;
	v63 =	vld [tilespmem:$0x0]  }
0xf1: {  	s29 =	sand.u32 $0x2000, s14;
	s28 =	simm.s32 $0x18400;
	_ =	swait.ge [sflag:s24], $0x2000  }
0xf2: {  	s14 =	simm.s32 $0x4000;
	s15 =	simm.s32 $0x17540;
	[sflag:s24] =	ssyncset.done $0x0  }
0xf3: {  	s8 =	sadd.s32 $0x1A300, s29;
	p1 =	por $0x1, $0x1;
	[sflag:s24] =	ssyncadd.s32 $0xFFFFE000  }
.LBB2_21:
0xf4: {  	[spmem:s1] =	stream.indirect.scatter.add.f32 [tilespmem:s8], [sflag:$0x3], $0x80, s16, s22, $0xb8;
	v63 =	vld [tilespmem:$0x0]  }
0xf5: {  	p3 =	sle.s32 s13, s18;
	s18 =	sadd.s32 $0x2, s26;
	s26 =	sadd.s32 $0x1, s26  }
0xf6: {  	p2 =	sne.s32 s17, s26;
	s8 =	sxor.u32 @!p3 $0xFFFFFFFF, s14;
	_ =	swait.ge [sflag:s25], $0x2000  }
0xf7: {  	s9 =	simm.s32 @!p3 $0x40;
	s8 =	sand.u32 @!p3 $0x2000, s8;
	[sflag:s25] =	ssyncset.done $0x0  }
.Ltmp14:
0xf8: {  	s8 =	sadd.s32 @!p3 $0x1A300, s8;
	[sflag:s25] =	ssyncadd.s32 $0xFFFFE000;
	(pc) =	sbr.rel @p2 .LBB2_21-.Ltmp14, $4  }
0xf9: {  	[tilespmem:s8], [sflag:$0x2] =	stream.indirect.gather @!p3 [hbm4b:s4+s9], $0x80, s15, s9, $0xb8;
	v63 =	vld [tilespmem:$0x0]  }
0xfa: {  	s16 =	smov.u32 s28;
	s15 =	sadd.s32 $0x40, s15;
	_ =	swait.ge [sflag:s24], $0x2000  }
0xfb: {  	s8 =	sand.u32 $0x2000, s14;
	s14 =	sadd.s32 $0x2000, s14;
	[sflag:s24] =	ssyncset.done $0x0  }
0xfc: {  	s28 =	sadd.s32 $0x80, s28;
	s8 =	sadd.s32 $0x1A300, s8;
	[sflag:s24] =	ssyncadd.s32 $0xFFFFE000  }
.Ltmp15:
0xfd: {  	(pc) =	sbr.rel .LBB2_23-.Ltmp15, $2  }
0xfe: {  	_ =	sdelay $0x2  }
0xff: {  	s9 =	smov.u32 s16;
	s16 =	smov.u32 s28  }
.LBB2_20:
.Ltmp16:
0x100: {  	(pc) =	sbr.rel .LBB2_23-.Ltmp16, $2  }
0x101: {  	_ =	sdelay $0x2  }
0x102: {  	s9 =	simm.s32 $0x18380;
	s16 =	simm.s32 $0x18400  }
.LBB2_25:
0x103: {  	s8 =	stileid.u32;
	[bflag:$0x0] =	sbarrier.arrive $0xFFFF  }
0x104: {  	s26 =	simm.s32 $0x5;
	s8 =	sshll.u32 s8, $0x6;
	s18 =	rddreg [dreg:$0x3]  }
0x105: {  	s9 =	rddreg [dreg:$0xd];
	s12 =	sor.u32 $0x1C05, s8;
	s13 =	sshrl.u32 s18, $0x3  }
0x106: {  	[hbm:s9], [sflag:s12] =	dma.local [spmem:s13], $0x2780  }
0x107: {  	_ =	swait.ge [sflag:s26], $0x2780  }
0x108: {  	[sflag:s26] =	ssyncset.done $0x0  }
0x109: {  	[sflag:s26] =	ssyncadd.s32 $0xFFFFD880  }
0x10a: {  	[bflag:$0x0] =	sbarrier.arrive $0xFFFF  }
0x10b: {  	[spmem:s18] =	stream.linear.scatter [tilespmem:s30], [sflag:$0x4], $0x1C00, $0x38;
	v63 =	vld [tilespmem:$0x0]  }
0x10c: {  	s28 =	rddreg [dreg:$0x4]  }
0x10d: {  	[spmem:s28] =	stream.linear.scatter [tilespmem:s30], [sflag:$0x4], $0x1C00, $0x38;
	v63 =	vld [tilespmem:$0x0]  }
0x10e: {  	s29 =	rddreg [dreg:$0x5]  }
0x10f: {  	[spmem:s29] =	stream.linear.scatter [tilespmem:s30], [sflag:$0x4], $0x1C00, $0x38;
	v63 =	vld [tilespmem:$0x0]  }
0x110: {  	s9 =	rddreg [dreg:$0x6]  }
0x111: {  	[spmem:s9] =	stream.linear.scatter [tilespmem:s30], [sflag:$0x4], $0x1C00, $0x38;
	v63 =	vld [tilespmem:$0x0]  }
0x112: {  	s14 =	rddreg [dreg:$0x7]  }
0x113: {  	[spmem:s14] =	stream.linear.scatter [tilespmem:s30], [sflag:$0x4], $0x1C00, $0x38;
	v63 =	vld [tilespmem:$0x0]  }
0x114: {  	s15 =	rddreg [dreg:$0x8]  }
0x115: {  	[spmem:s15] =	stream.linear.scatter [tilespmem:s30], [sflag:$0x4], $0x1C00, $0x38;
	v63 =	vld [tilespmem:$0x0]  }
0x116: {  	s16 =	rddreg [dreg:$0x9]  }
0x117: {  	[spmem:s16] =	stream.linear.scatter [tilespmem:s30], [sflag:$0x4], $0x1C00, $0x38;
	v63 =	vld [tilespmem:$0x0]  }
0x118: {  	s17 =	rddreg [dreg:$0xa]  }
0x119: {  	[spmem:s17] =	stream.linear.scatter [tilespmem:s30], [sflag:$0x4], $0x1C00, $0x38;
	v63 =	vld [tilespmem:$0x0]  }
0x11a: {  	s18 =	rddreg [dreg:$0xb]  }
0x11b: {  	[spmem:s18] =	stream.linear.scatter [tilespmem:s30], [sflag:$0x4], $0x1C00, $0x38;
	v63 =	vld [tilespmem:$0x0]  }
0x11c: {  	s26 =	rddreg [dreg:$0xc]  }
0x11d: {  	[spmem:s26] =	stream.linear.scatter [tilespmem:s30], [sflag:$0x4], $0x1C00, $0x38;
	v63 =	vld [tilespmem:$0x0]  }
0x11e: {  	s28 =	rddreg [dreg:$0x12]  }
0x11f: {  	[spmem:s28] =	stream.linear.scatter [tilespmem:s30], [sflag:$0x4], $0x1C00, $0x38;
	v63 =	vld [tilespmem:$0x0]  }
0x120: {  	s29 =	rddreg [dreg:$0x13]  }
0x121: {  	[spmem:s29] =	stream.linear.scatter [tilespmem:s30], [sflag:$0x4], $0x800, $0x38;
	v63 =	vld [tilespmem:$0x0]  }
0x122: {  	s8 =	simm.s32 @!p0 $0x1E300;
	s9 =	rddreg [dreg:$0x14]  }
0x123: {  	[spmem:s9] =	stream.linear.scatter @!p0 [tilespmem:s8], [sflag:$0x5], $0x800, $0x38;
	v63 =	vld [tilespmem:$0x0]  }
0x124: {  	s8 =	simm.s32 @!p0 $0x5  }
0x125: {  	_ =	swait.ge @!p0 [sflag:s8], $0x800  }
0x126: {  	[sflag:s8] =	ssyncset.done @!p0 $0x0  }
0x127: {  	[sflag:s8] =	ssyncadd.s32 @!p0 $0xFFFFF800  }
0x128: {  	_ =	swait.ge [sflag:s31], $0x1C00  }
0x129: {  	[sflag:s31] =	ssyncset.done $0x0  }
0x12a: {  	[sflag:s31] =	ssyncadd.s32 $0xFFFFE400  }
0x12b: {  	_ =	swait.ge [sflag:s31], $0x1C00  }
0x12c: {  	[sflag:s31] =	ssyncset.done $0x0  }
0x12d: {  	[sflag:s31] =	ssyncadd.s32 $0xFFFFE400  }
0x12e: {  	_ =	swait.ge [sflag:s31], $0x1C00  }
0x12f: {  	[sflag:s31] =	ssyncset.done $0x0  }
0x130: {  	[sflag:s31] =	ssyncadd.s32 $0xFFFFE400  }
0x131: {  	_ =	swait.ge [sflag:s31], $0x1C00  }
0x132: {  	[sflag:s31] =	ssyncset.done $0x0  }
0x133: {  	[sflag:s31] =	ssyncadd.s32 $0xFFFFE400  }
0x134: {  	_ =	swait.ge [sflag:s31], $0x1C00  }
0x135: {  	[sflag:s31] =	ssyncset.done $0x0  }
0x136: {  	[sflag:s31] =	ssyncadd.s32 $0xFFFFE400  }
0x137: {  	_ =	swait.ge [sflag:s31], $0x1C00  }
0x138: {  	[sflag:s31] =	ssyncset.done $0x0  }
0x139: {  	[sflag:s31] =	ssyncadd.s32 $0xFFFFE400  }
0x13a: {  	_ =	swait.ge [sflag:s31], $0x1C00  }
0x13b: {  	[sflag:s31] =	ssyncset.done $0x0  }
0x13c: {  	[sflag:s31] =	ssyncadd.s32 $0xFFFFE400  }
0x13d: {  	_ =	swait.ge [sflag:s31], $0x1C00  }
0x13e: {  	[sflag:s31] =	ssyncset.done $0x0  }
0x13f: {  	[sflag:s31] =	ssyncadd.s32 $0xFFFFE400  }
0x140: {  	_ =	swait.ge [sflag:s31], $0x1C00  }
0x141: {  	[sflag:s31] =	ssyncset.done $0x0  }
0x142: {  	[sflag:s31] =	ssyncadd.s32 $0xFFFFE400  }
0x143: {  	_ =	swait.ge [sflag:s31], $0x1C00  }
0x144: {  	[sflag:s31] =	ssyncset.done $0x0  }
0x145: {  	[sflag:s31] =	ssyncadd.s32 $0xFFFFE400  }
0x146: {  	_ =	swait.ge [sflag:s31], $0x1C00  }
0x147: {  	[sflag:s31] =	ssyncset.done $0x0  }
0x148: {  	[sflag:s31] =	ssyncadd.s32 $0xFFFFE400  }
0x149: {  	_ =	swait.ge [sflag:s31], $0x800  }
0x14a: {  	[sflag:s31] =	ssyncset.done $0x0  }
0x14b: {  	s14 =	simm.s32 $0x0;
	[sflag:s31] =	ssyncadd.s32 $0xFFFFF800  }
0x14c: {  	s9 =	simm.s32 $0x13C80;
	s8 =	simm.s32 $0x0;
	[bflag:$0x0] =	sbarrier.arrive $0xFFFF  }
.LBB2_26:
0x14d: {  	p1 =	sne.s32 s14, $0x1B0  }
.Ltmp17:
0x14e: {  	_ = 	snop;
	(pc) =	sbr.rel @p1 .LBB2_26-.Ltmp17, $4  }
0x14f: {  	_ = 	snop  }
0x150: {  	s15 =	sadd.s32 s14, s19  }
0x151: {  	[tilespmem:s9], [sflag:$0x1] =	stream.linear.gather [hbm4b:s15+s8], $0x80, $0x38;
	v63 =	vld [tilespmem:$0x0]  }
0x152: {  	s14 =	sadd.s32 $0x10, s14;
	s9 =	sadd.s32 $0x100, s9  }
0x153: {  	s8 =	simm.s32 $0x15880;
	s9 =	sadd.s32 $0x0, s20;
	s14 =	simm.s32 $0x0  }
0x154: {  	[tilespmem:s8], [sflag:$0x1] =	stream.linear.gather [hbm4b:s9+s14], $0x80, $0x38;
	v63 =	vld [tilespmem:$0x0]  }
0x155: {  	s9 =	simm.s32 $0x10  }
.LBB2_28:
0x156: {  	p1 =	sne.s32 s9, $0x1B0  }
.Ltmp18:
0x157: {  	_ = 	snop;
	(pc) =	sbr.rel @p1 .LBB2_28-.Ltmp18, $4  }
0x158: {  	_ = 	snop  }
0x159: {  	s15 =	sadd.s32 s9, s20;
	s8 =	sadd.s32 $0x100, s8  }
0x15a: {  	s9 =	sadd.s32 $0x10, s9  }
0x15b: {  	[tilespmem:s8], [sflag:$0x1] =	stream.linear.gather [hbm4b:s15+s14], $0x80, $0x38;
	v63 =	vld [tilespmem:$0x0]  }
.Ltmp19:
0x15c: {  	_ = 	snop;
	(pc) =	sbr.rel .LBB2_29-.Ltmp19, $1  }
0x15d: {  	_ =	sdelay $0x3  }
.LBB2_39:
0x15e: {  	_ = 	snop  }
.LBB2_44:
0x15f: {  	[spmem:s1] =	stream.indirect.scatter.add.f32 @p1 [tilespmem:s9], [sflag:$0x3], $0x80, s26, s22, $0xb8;
	v63 =	vld [tilespmem:$0x0]  }
0x160: {  	p1 =	sle.s32 s14, s28  }
0x161: {  	_ =	swait.ge [sflag:s25], $0x2000;
	s9 =	sxor.u32 @!p1 $0xFFFFFFFF, s16  }
0x162: {  	[sflag:s25] =	ssyncset.done $0x0;
	s9 =	sand.u32 @!p1 $0x2000, s9  }
0x163: {  	s14 =	simm.s32 @!p1 $0x40;
	[sflag:s25] =	ssyncadd.s32 $0xFFFFE000;
	s9 =	sadd.s32 @!p1 $0x1A300, s9  }
0x164: {  	[tilespmem:s9], [sflag:$0x2] =	stream.indirect.gather @!p1 [hbm4b:s4+s14], $0x80, s17, s14, $0xb8;
	v63 =	vld [tilespmem:$0x0]  }
0x165: {  	_ =	swait.ge [sflag:s24], $0x2000  }
0x166: {  	s29 =	sand.u32 $0x2000, s16;
	[sflag:s24] =	ssyncset.done $0x0  }
0x167: {  	s9 =	sadd.s32 $0x1A300, s29;
	[sflag:s24] =	ssyncadd.s32 $0xFFFFE000  }
0x168: {  	[spmem:s1] =	stream.indirect.scatter.add.f32 [tilespmem:s9], [sflag:$0x3], $0x80, s8, s22, $0xb8;
	v63 =	vld [tilespmem:$0x0]  }
.LBB2_45:
0x169: {  	p1 =	sne.s32 s15, $0xA  }
.Ltmp20:
0x16a: {  	_ = 	snop;
	(pc) =	sbr.rel @!p1 .LBB2_46-.Ltmp20, $4  }
0x16b: {  	_ = 	snop  }
0x16c: {  	_ =	swait.ge [sflag:s25], $0x2000  }
0x16d: {  	[sflag:s25] =	ssyncset.done $0x0  }
0x16e: {  	s14 =	smov.u32 s15;
	[sflag:s25] =	ssyncadd.s32 $0xFFFFE000  }
.LBB2_29:
0x16f: {  	p1 =	seq.s32 s14, $0x9  }
.Ltmp21:
0x170: {  	_ = 	snop;
	(pc) =	sbr.rel @p1 .LBB2_35-.Ltmp21, $2  }
0x171: {  	_ =	sdelay $0x2  }
0x172: {  	s15 =	sadd.s32 $0x1, s14  }
0x173: {  	s8 =	smul.u32 $0xE00, s15  }
0x174: {  	s9 =	sxor.u32 $0xFFFFFFFF, s14  }
0x175: {  	s9 =	sshll.u32 s9, $0x7;
	s16 =	sadd.s32 s11, s8  }
0x176: {  	s8 =	sand.u32 $0x80, s9;
	s16 =	sshrl.u32 s16, $0x3  }
0x177: {  	s17 =	sadd.s32 $0x13C80, s8;
	s18 =	sadd.s32 s5, s16  }
0x178: {  	s9 =	simm.s32 $0x10;
	s26 =	sadd.s32 $0x100, s17;
	s28 =	sadd.s32 $0x0, s18  }
.LBB2_31:
0x179: {  	[tilespmem:s17], [sflag:$0x1] =	stream.linear.gather [hbm4b:s28+s2], $0x80, $0x38;
	v63 =	vld [tilespmem:$0x0]  }
0x17a: {  	s28 =	smov.u32 s9;
	s17 =	smov.u32 s26;
	p1 =	sne.s32 s9, $0x1B0  }
.Ltmp22:
0x17b: {  	s9 =	sadd.s32 $0x10, s9;
	(pc) =	sbr.rel @p1 .LBB2_31-.Ltmp22, $2  }
0x17c: {  	_ =	sdelay $0x2  }
0x17d: {  	s26 =	sadd.s32 $0x100, s26;
	s28 =	sadd.s32 s28, s18  }
0x17e: {  	[tilespmem:s17], [sflag:$0x1] =	stream.linear.gather [hbm4b:s28+s2], $0x80, $0x38;
	v63 =	vld [tilespmem:$0x0]  }
0x17f: {  	s8 =	sadd.s32 $0x15880, s8;
	s16 =	sadd.s32 s6, s16  }
0x180: {  	s9 =	simm.s32 $0x10;
	s18 =	sadd.s32 $0x0, s16;
	s17 =	sadd.s32 $0x100, s8  }
.LBB2_33:
0x181: {  	[tilespmem:s8], [sflag:$0x1] =	stream.linear.gather [hbm4b:s18+s2], $0x80, $0x38;
	v63 =	vld [tilespmem:$0x0]  }
0x182: {  	s18 =	smov.u32 s9;
	s8 =	smov.u32 s17;
	p1 =	sne.s32 s9, $0x1B0  }
.Ltmp23:
0x183: {  	s9 =	sadd.s32 $0x10, s9;
	(pc) =	sbr.rel @p1 .LBB2_33-.Ltmp23, $2  }
0x184: {  	_ =	sdelay $0x2  }
0x185: {  	s17 =	sadd.s32 $0x100, s17;
	s18 =	sadd.s32 s18, s16  }
0x186: {  	[tilespmem:s8], [sflag:$0x1] =	stream.linear.gather [hbm4b:s18+s2], $0x80, $0x38;
	v63 =	vld [tilespmem:$0x0]  }
.LBB2_35:
0x187: {  	_ =	swait.ge [sflag:s0], $0xE00  }
0x188: {  	[sflag:s0] =	ssyncset.done $0x0  }
0x189: {  	[sflag:s0] =	ssyncadd.s32 $0xFFFFF200  }
0x18a: {  	_ =	swait.ge [sflag:s0], $0xE00  }
0x18b: {  	[sflag:s0] =	ssyncset.done $0x0  }
0x18c: {  	s9 =	simm.s32 $0x0;
	[sflag:s0] =	ssyncadd.s32 $0xFFFFF200  }
0x18d: {  	v6 =	vld [tilespmem:s9+$0x1FF00];
	_ =	sdelay $0x4  }
0x18e: {  	(xrf0) =	vadd.scan.msk.s32 $0xffff, v6;
	_ =	sdelay $0x5  }
0x18f: {  	v7, _, _ =	vpop (xrf0)  }
0x190: {  	s17 =	simm.s32 $0x0;
	(v2sf) =	vpush v7, $0xF  }
0x191: {  	v6 =	vsub.s32 s17, v6  }
0x192: {  	v6 =	vadd.s32 v7, v6  }
0x193: {  	s16 =	simm.s32 $0x10;
	s8 =	simm.s32 $0x80;
	[tilespmem:s9+$0x1FF00] =	vst v6  }
.LBB2_36:
0x194: {  	p1 =	sne.s32 s8, $0x340;
	v6 =	vld [tilespmem:s16+$0x1FF00];
	_ =	sdelay $0x4  }
0x195: {  	(xrf0) =	vadd.scan.msk.s32 $0xffff, v6;
	_ =	sdelay $0x5  }
.Ltmp24:
0x196: {  	v7, _, _ =	vpop (xrf0);
	s9 =	spop (v2sf);
	(pc) =	sbr.rel @p1 .LBB2_36-.Ltmp24, $4  }
0x197: {  	(v2sf) =	vpush v7, $0xF;
	s17 =	sadd.s32 s17, s9  }
0x198: {  	v6 =	vsub.s32 s17, v6  }
0x199: {  	v6 =	vadd.s32 v7, v6  }
0x19a: {  	[tilespmem:s16+$0x1FF00] =	vst v6;
	s16 =	sshra.s32 s8, $0x2;
	s8 =	sadd.s32 $0x40, s8  }
0x19b: {  	v6 =	vld [tilespmem:s16+$0x1FF00];
	_ =	sdelay $0x4  }
0x19c: {  	(xrf0) =	vadd.scan.msk.s32 $0xffff, v6;
	_ =	sdelay $0x5  }
0x19d: {  	v7, _, _ =	vpop (xrf0)  }
0x19e: {  	(v2sf) =	vpush v7, $0xF;
	_ =	sdelay $0xd  }
0x19f: {  	s8 =	spop (v2sf)  }
0x1a0: {  	s8 =	sadd.s32 s17, s8;
	s9 =	spop (v2sf)  }
0x1a1: {  	s9 =	sadd.s32 s8, s9  }
0x1a2: {  	v8 =	vadd.s32 s9, v2  }
0x1a3: {  	v6 =	vsub.s32 s8, v6;
	v9 =	vshll.u32 v8, $0x1  }
0x1a4: {  	v11 =	vadd.s32 s9, v3;
	v10 =	vand.u32 $0x3F, v8;
	v9 =	vand.u32 $0xFFFFFF80, v9  }
0x1a5: {  	s17 =	sshll.u32 s14, $0x7;
	v6 =	vadd.s32 v7, v6;
	v57 =	vshll.u32 v11, $0x1;
	v7 =	vor.u32 v10, v9  }
0x1a6: {  	s8 =	sadd.s32 s7, s17;
	v12 =	vadd.s32 s9, v4;
	v58 =	vand.u32 $0x3F, v11;
	v9 =	vand.u32 $0xFFFFFF80, v57  }
0x1a7: {  	v13 =	vor.u32 s8, v2;
	v59 =	vshll.u32 v12, $0x1;
	v9 =	vor.u32 v58, v9  }
0x1a8: {  	[tilespmem:s16+$0x1FF00] =	vst v6;
	v14 =	vadd.s32 s9, v5;
	v6 =	vand.u32 $0x3F, v12;
	v10 =	vand.u32 $0xFFFFFF80, v59  }
0x1a9: {  	s9 =	sadd.s32 $0x3F, s9;
	v60 =	vshll.u32 v14, $0x1;
	v6 =	vor.u32 v6, v10;
	[tilespmem:v8+s3+$0x0] =	vst.idx.msk $0xffff, v13  }
0x1aa: {  	v61 =	vand.u32 $0x3F, v14;
	s18 =	sand.u32 $0x3F, s9;
	v8 =	vand.u32 $0xFFFFFF80, v60;
	[tilespmem:v7+s21+$0x0] =	vst.idx.msk $0xffff, v0;
	v7 =	vor.u32 s8, v3  }
0x1ab: {  	s26 =	sshra.s32 s9, $0x1F;
	p1 =	slt.s32 s9, $0x1;
	p2 =	sne.s32 s18, $0x0;
	[tilespmem:v11+s3+$0x0] =	vst.idx.msk $0xffff, v7;
	v7 =	vor.u32 v61, v8  }
0x1ac: {  	v62 =	vor.u32 s8, v4;
	s28 =	sshrl.u32 s26, $0x1A;
	p1 =	por !p1, !p2;
	[tilespmem:v9+s21+$0x0] =	vst.idx.msk $0xffff, v0  }
0x1ad: {  	s29 =	sadd.s32 s28, s9;
	s9 =	simm.s32 $0x1;
	p1 =	por !p1, !p1;
	[tilespmem:v12+s3+$0x0] =	vst.idx.msk $0xffff, v62  }
0x1ae: {  	s9 =	simm.s32 @!p1 $0x0;
	[tilespmem:v6+s21+$0x0] =	vst.idx.msk $0xffff, v0;
	v6 =	vor.u32 s8, v5;
	s8 =	sshra.s32 s29, $0x6  }
0x1af: {  	[tilespmem:v14+s3+$0x0] =	vst.idx.msk $0xffff, v6;
	s14 =	ssub.s32 s8, s9  }
0x1b0: {  	[tilespmem:v7+s21+$0x0] =	vst.idx.msk $0xffff, v0;
	p2 =	slt.s32 s14, $0x2  }
0x1b1: {  	[tilespmem:s23], [sflag:$0x2] =	stream.indirect.gather [hbm4b:s4+s22], $0x80, s3, s22, $0xb8;
	v63 =	vld [tilespmem:$0x0]  }
0x1b2: {  	s9 =	simm.s32 @!p2 $0x40;
	s16 =	simm.s32 @!p2 $0x174C0;
	s17 =	simm.s32 @!p2 $0x1C300  }
0x1b3: {  	[tilespmem:s17], [sflag:$0x2] =	stream.indirect.gather @!p2 [hbm4b:s4+s9], $0x80, s16, s9, $0xb8;
	v63 =	vld [tilespmem:$0x0]  }
.Ltmp25:
0x1b4: {  	_ = 	snop;
	(pc) =	sbr.rel @p2 .LBB2_45-.Ltmp25, $4  }
0x1b5: {  	_ =	swait.ge [sflag:s24], $0x2000  }
0x1b6: {  	[sflag:s24] =	ssyncset.done $0x0  }
0x1b7: {  	[sflag:s24] =	ssyncadd.s32 $0xFFFFE000  }
0x1b8: {  	[spmem:s1] =	stream.indirect.scatter.add.f32 [tilespmem:s23], [sflag:$0x3], $0x80, s21, s22, $0xb8;
	v63 =	vld [tilespmem:$0x0]  }
0x1b9: {  	s9 =	simm.s32 $0xFFFFFFFF  }
0x1ba: {  	s9 =	simm.s32 @!p1 $0x0  }
0x1bb: {  	s8 =	sadd.s32 s9, s8  }
0x1bc: {  	s26 =	sadd.s32 $0xFFFFFFFF, s8  }
0x1bd: {  	p2 =	sne.s32 s26, $0x1  }
.Ltmp26:
0x1be: {  	_ = 	snop;
	(pc) =	sbr.rel @!p2 .LBB2_39-.Ltmp26, $3  }
0x1bf: {  	_ =	sdelay $0x1  }
0x1c0: {  	s16 =	simm.s32 $0x2000;
	s17 =	simm.s32 $0x17500  }
0x1c1: {  	s28 =	simm.s32 $0x2;
	p1 =	por $0x0, $0x0;
	s8 =	simm.s32 $0x18380  }
0x1c2: {  	p1 =	sle.s32 s14, $0x2;
	_ =	swait.ge [sflag:s25], $0x2000;
	s28 =	simm.s32 $0x3  }
0x1c3: {  	s29 =	simm.s32 $0x2;
	p2 =	sne.s32 s26, $0x2;
	s9 =	sxor.u32 @!p1 $0xFFFFFFFF, s16  }
0x1c4: {  	[sflag:s25] =	ssyncset.done $0x0;
	s18 =	simm.s32 @!p1 $0x40;
	s9 =	sand.u32 @!p1 $0x2000, s9  }
.Ltmp27:
0x1c5: {  	[sflag:s25] =	ssyncadd.s32 $0xFFFFE000;
	s9 =	sadd.s32 @!p1 $0x1A300, s9;
	(pc) =	sbr.rel @!p2 .LBB2_41-.Ltmp27, $4  }
0x1c6: {  	[tilespmem:s9], [sflag:$0x2] =	stream.indirect.gather @!p1 [hbm4b:s4+s18], $0x80, s17, s18, $0xb8;
	v63 =	vld [tilespmem:$0x0]  }
0x1c7: {  	s18 =	sand.u32 $0x2000, s16;
	s17 =	simm.s32 $0x17540;
	_ =	swait.ge [sflag:s24], $0x2000  }
0x1c8: {  	s16 =	simm.s32 $0x4000;
	p1 =	por $0x1, $0x1;
	[sflag:s24] =	ssyncset.done $0x0  }
0x1c9: {  	s9 =	sadd.s32 $0x1A300, s18;
	s18 =	simm.s32 $0x18400;
	[sflag:s24] =	ssyncadd.s32 $0xFFFFE000  }
.LBB2_42:
0x1ca: {  	[spmem:s1] =	stream.indirect.scatter.add.f32 [tilespmem:s9], [sflag:$0x3], $0x80, s8, s22, $0xb8;
	v63 =	vld [tilespmem:$0x0]  }
0x1cb: {  	p3 =	sle.s32 s14, s28;
	s28 =	sadd.s32 $0x2, s29;
	s29 =	sadd.s32 $0x1, s29  }
0x1cc: {  	p2 =	sne.s32 s26, s29;
	s8 =	sxor.u32 @!p3 $0xFFFFFFFF, s16;
	_ =	swait.ge [sflag:s25], $0x2000  }
0x1cd: {  	s9 =	simm.s32 @!p3 $0x40;
	s8 =	sand.u32 @!p3 $0x2000, s8;
	[sflag:s25] =	ssyncset.done $0x0  }
.Ltmp28:
0x1ce: {  	s8 =	sadd.s32 @!p3 $0x1A300, s8;
	[sflag:s25] =	ssyncadd.s32 $0xFFFFE000;
	(pc) =	sbr.rel @p2 .LBB2_42-.Ltmp28, $4  }
0x1cf: {  	[tilespmem:s8], [sflag:$0x2] =	stream.indirect.gather @!p3 [hbm4b:s4+s9], $0x80, s17, s9, $0xb8;
	v63 =	vld [tilespmem:$0x0]  }
0x1d0: {  	s17 =	sadd.s32 $0x40, s17;
	s8 =	smov.u32 s18;
	_ =	swait.ge [sflag:s24], $0x2000  }
0x1d1: {  	s9 =	sand.u32 $0x2000, s16;
	s16 =	sadd.s32 $0x2000, s16;
	[sflag:s24] =	ssyncset.done $0x0  }
0x1d2: {  	s18 =	sadd.s32 $0x80, s18;
	s9 =	sadd.s32 $0x1A300, s9;
	[sflag:s24] =	ssyncadd.s32 $0xFFFFE000  }
.Ltmp29:
0x1d3: {  	(pc) =	sbr.rel .LBB2_44-.Ltmp29, $2  }
0x1d4: {  	_ =	sdelay $0x2  }
0x1d5: {  	s26 =	smov.u32 s8;
	s8 =	smov.u32 s18  }
.LBB2_41:
.Ltmp30:
0x1d6: {  	(pc) =	sbr.rel .LBB2_44-.Ltmp30, $2  }
0x1d7: {  	_ =	sdelay $0x2  }
0x1d8: {  	s26 =	simm.s32 $0x18380;
	s8 =	simm.s32 $0x18400  }
.LBB2_46:
0x1d9: {  	[bflag:$0x0] =	sbarrier.arrive $0xFFFF  }
0x1da: {  	s18 =	simm.s32 $0x5;
	s8 =	rddreg [dreg:$0xe]  }
0x1db: {  	[hbm:s8], [sflag:s12] =	dma.local [spmem:s13], $0x2780  }
0x1dc: {  	_ =	swait.ge [sflag:s18], $0x2780  }
0x1dd: {  	[sflag:s18] =	ssyncset.done $0x0  }
0x1de: {  	[sflag:s18] =	ssyncadd.s32 $0xFFFFD880  }
0x1df: {  	[bflag:$0x0] =	sbarrier.arrive $0xFFFF  }
0x1e0: {  	s26 =	rddreg [dreg:$0x3]  }
0x1e1: {  	[spmem:s26] =	stream.linear.scatter [tilespmem:s30], [sflag:$0x4], $0x1C00, $0x38;
	v63 =	vld [tilespmem:$0x0]  }
0x1e2: {  	s28 =	rddreg [dreg:$0x4]  }
0x1e3: {  	[spmem:s28] =	stream.linear.scatter [tilespmem:s30], [sflag:$0x4], $0x1C00, $0x38;
	v63 =	vld [tilespmem:$0x0]  }
0x1e4: {  	s29 =	rddreg [dreg:$0x5]  }
0x1e5: {  	[spmem:s29] =	stream.linear.scatter [tilespmem:s30], [sflag:$0x4], $0x1C00, $0x38;
	v63 =	vld [tilespmem:$0x0]  }
0x1e6: {  	s9 =	rddreg [dreg:$0x6]  }
0x1e7: {  	[spmem:s9] =	stream.linear.scatter [tilespmem:s30], [sflag:$0x4], $0x1C00, $0x38;
	v63 =	vld [tilespmem:$0x0]  }
0x1e8: {  	s14 =	rddreg [dreg:$0x7]  }
0x1e9: {  	[spmem:s14] =	stream.linear.scatter [tilespmem:s30], [sflag:$0x4], $0x1C00, $0x38;
	v63 =	vld [tilespmem:$0x0]  }
0x1ea: {  	s15 =	rddreg [dreg:$0x8]  }
0x1eb: {  	[spmem:s15] =	stream.linear.scatter [tilespmem:s30], [sflag:$0x4], $0x1C00, $0x38;
	v63 =	vld [tilespmem:$0x0]  }
0x1ec: {  	s16 =	rddreg [dreg:$0x9]  }
0x1ed: {  	[spmem:s16] =	stream.linear.scatter [tilespmem:s30], [sflag:$0x4], $0x1C00, $0x38;
	v63 =	vld [tilespmem:$0x0]  }
0x1ee: {  	s17 =	rddreg [dreg:$0xa]  }
0x1ef: {  	[spmem:s17] =	stream.linear.scatter [tilespmem:s30], [sflag:$0x4], $0x1C00, $0x38;
	v63 =	vld [tilespmem:$0x0]  }
0x1f0: {  	s18 =	rddreg [dreg:$0xb]  }
0x1f1: {  	[spmem:s18] =	stream.linear.scatter [tilespmem:s30], [sflag:$0x4], $0x1C00, $0x38;
	v63 =	vld [tilespmem:$0x0]  }
0x1f2: {  	s26 =	rddreg [dreg:$0xc]  }
0x1f3: {  	[spmem:s26] =	stream.linear.scatter [tilespmem:s30], [sflag:$0x4], $0x1C00, $0x38;
	v63 =	vld [tilespmem:$0x0]  }
0x1f4: {  	s28 =	rddreg [dreg:$0x12]  }
0x1f5: {  	[spmem:s28] =	stream.linear.scatter [tilespmem:s30], [sflag:$0x4], $0x1C00, $0x38;
	v63 =	vld [tilespmem:$0x0]  }
0x1f6: {  	s29 =	rddreg [dreg:$0x13]  }
0x1f7: {  	[spmem:s29] =	stream.linear.scatter [tilespmem:s30], [sflag:$0x4], $0x800, $0x38;
	v63 =	vld [tilespmem:$0x0]  }
0x1f8: {  	s8 =	simm.s32 @!p0 $0x1E300;
	s9 =	rddreg [dreg:$0x14]  }
0x1f9: {  	[spmem:s9] =	stream.linear.scatter @!p0 [tilespmem:s8], [sflag:$0x5], $0x800, $0x38;
	v63 =	vld [tilespmem:$0x0]  }
0x1fa: {  	s8 =	simm.s32 @!p0 $0x5  }
0x1fb: {  	_ =	swait.ge @!p0 [sflag:s8], $0x800  }
0x1fc: {  	[sflag:s8] =	ssyncset.done @!p0 $0x0  }
0x1fd: {  	[sflag:s8] =	ssyncadd.s32 @!p0 $0xFFFFF800  }
0x1fe: {  	_ =	swait.ge [sflag:s31], $0x1C00  }
0x1ff: {  	[sflag:s31] =	ssyncset.done $0x0  }
0x200: {  	[sflag:s31] =	ssyncadd.s32 $0xFFFFE400  }
0x201: {  	_ =	swait.ge [sflag:s31], $0x1C00  }
0x202: {  	[sflag:s31] =	ssyncset.done $0x0  }
0x203: {  	[sflag:s31] =	ssyncadd.s32 $0xFFFFE400  }
0x204: {  	_ =	swait.ge [sflag:s31], $0x1C00  }
0x205: {  	[sflag:s31] =	ssyncset.done $0x0  }
0x206: {  	[sflag:s31] =	ssyncadd.s32 $0xFFFFE400  }
0x207: {  	_ =	swait.ge [sflag:s31], $0x1C00  }
0x208: {  	[sflag:s31] =	ssyncset.done $0x0  }
0x209: {  	[sflag:s31] =	ssyncadd.s32 $0xFFFFE400  }
0x20a: {  	_ =	swait.ge [sflag:s31], $0x1C00  }
0x20b: {  	[sflag:s31] =	ssyncset.done $0x0  }
0x20c: {  	[sflag:s31] =	ssyncadd.s32 $0xFFFFE400  }
0x20d: {  	_ =	swait.ge [sflag:s31], $0x1C00  }
0x20e: {  	[sflag:s31] =	ssyncset.done $0x0  }
0x20f: {  	[sflag:s31] =	ssyncadd.s32 $0xFFFFE400  }
0x210: {  	_ =	swait.ge [sflag:s31], $0x1C00  }
0x211: {  	[sflag:s31] =	ssyncset.done $0x0  }
0x212: {  	[sflag:s31] =	ssyncadd.s32 $0xFFFFE400  }
0x213: {  	_ =	swait.ge [sflag:s31], $0x1C00  }
0x214: {  	[sflag:s31] =	ssyncset.done $0x0  }
0x215: {  	[sflag:s31] =	ssyncadd.s32 $0xFFFFE400  }
0x216: {  	_ =	swait.ge [sflag:s31], $0x1C00  }
0x217: {  	[sflag:s31] =	ssyncset.done $0x0  }
0x218: {  	[sflag:s31] =	ssyncadd.s32 $0xFFFFE400  }
0x219: {  	_ =	swait.ge [sflag:s31], $0x1C00  }
0x21a: {  	[sflag:s31] =	ssyncset.done $0x0  }
0x21b: {  	[sflag:s31] =	ssyncadd.s32 $0xFFFFE400  }
0x21c: {  	_ =	swait.ge [sflag:s31], $0x1C00  }
0x21d: {  	[sflag:s31] =	ssyncset.done $0x0  }
0x21e: {  	[sflag:s31] =	ssyncadd.s32 $0xFFFFE400  }
0x21f: {  	_ =	swait.ge [sflag:s31], $0x800  }
0x220: {  	[sflag:s31] =	ssyncset.done $0x0  }
0x221: {  	s14 =	simm.s32 $0x0;
	[sflag:s31] =	ssyncadd.s32 $0xFFFFF800  }
0x222: {  	s9 =	simm.s32 $0x13C80;
	s8 =	simm.s32 $0x0;
	[bflag:$0x0] =	sbarrier.arrive $0xFFFF  }
.LBB2_47:
0x223: {  	p1 =	sne.s32 s14, $0x1B0  }
.Ltmp31:
0x224: {  	_ = 	snop;
	(pc) =	sbr.rel @p1 .LBB2_47-.Ltmp31, $4  }
0x225: {  	_ = 	snop  }
0x226: {  	s15 =	sadd.s32 s14, s19  }
0x227: {  	[tilespmem:s9], [sflag:$0x1] =	stream.linear.gather [hbm4b:s15+s8], $0x80, $0x38;
	v63 =	vld [tilespmem:$0x0]  }
0x228: {  	s14 =	sadd.s32 $0x10, s14;
	s9 =	sadd.s32 $0x100, s9  }
0x229: {  	s8 =	simm.s32 $0x15880;
	s9 =	sadd.s32 $0x0, s20;
	s15 =	simm.s32 $0x0  }
0x22a: {  	[tilespmem:s8], [sflag:$0x1] =	stream.linear.gather [hbm4b:s9+s15], $0x80, $0x38;
	v63 =	vld [tilespmem:$0x0]  }
0x22b: {  	s9 =	simm.s32 $0x10  }
.LBB2_49:
0x22c: {  	p1 =	sne.s32 s9, $0x1B0  }
.Ltmp32:
0x22d: {  	_ = 	snop;
	(pc) =	sbr.rel @p1 .LBB2_49-.Ltmp32, $4  }
0x22e: {  	_ = 	snop  }
0x22f: {  	s14 =	sadd.s32 s9, s20;
	s8 =	sadd.s32 $0x100, s8  }
0x230: {  	s9 =	sadd.s32 $0x10, s9  }
0x231: {  	[tilespmem:s8], [sflag:$0x1] =	stream.linear.gather [hbm4b:s14+s15], $0x80, $0x38;
	v63 =	vld [tilespmem:$0x0]  }
.Ltmp33:
0x232: {  	_ = 	snop;
	(pc) =	sbr.rel .LBB2_50-.Ltmp33, $1  }
0x233: {  	_ =	sdelay $0x3  }
.LBB2_60:
0x234: {  	_ = 	snop  }
.LBB2_65:
0x235: {  	[spmem:s1] =	stream.indirect.scatter.add.f32 @p1 [tilespmem:s9], [sflag:$0x3], $0x80, s26, s22, $0xb8;
	v63 =	vld [tilespmem:$0x0]  }
0x236: {  	p1 =	sle.s32 s15, s28  }
0x237: {  	_ =	swait.ge [sflag:s25], $0x2000;
	s8 =	sxor.u32 @!p1 $0xFFFFFFFF, s16  }
0x238: {  	[sflag:s25] =	ssyncset.done $0x0;
	s8 =	sand.u32 @!p1 $0x2000, s8  }
0x239: {  	s9 =	simm.s32 @!p1 $0x40;
	[sflag:s25] =	ssyncadd.s32 $0xFFFFE000;
	s8 =	sadd.s32 @!p1 $0x1A300, s8  }
0x23a: {  	[tilespmem:s8], [sflag:$0x2] =	stream.indirect.gather @!p1 [hbm4b:s4+s9], $0x80, s17, s9, $0xb8;
	v63 =	vld [tilespmem:$0x0]  }
0x23b: {  	_ =	swait.ge [sflag:s24], $0x2000  }
0x23c: {  	s29 =	sand.u32 $0x2000, s16;
	[sflag:s24] =	ssyncset.done $0x0  }
0x23d: {  	s8 =	sadd.s32 $0x1A300, s29;
	[sflag:s24] =	ssyncadd.s32 $0xFFFFE000  }
0x23e: {  	[spmem:s1] =	stream.indirect.scatter.add.f32 [tilespmem:s8], [sflag:$0x3], $0x80, s18, s22, $0xb8;
	v63 =	vld [tilespmem:$0x0]  }
.LBB2_66:
0x23f: {  	p1 =	sne.s32 s14, $0xA  }
.Ltmp34:
0x240: {  	_ = 	snop;
	(pc) =	sbr.rel @!p1 .LBB2_67-.Ltmp34, $4  }
0x241: {  	_ = 	snop  }
0x242: {  	_ =	swait.ge [sflag:s25], $0x2000  }
0x243: {  	[sflag:s25] =	ssyncset.done $0x0  }
0x244: {  	s15 =	smov.u32 s14;
	[sflag:s25] =	ssyncadd.s32 $0xFFFFE000  }
.LBB2_50:
0x245: {  	p1 =	seq.s32 s15, $0x9  }
.Ltmp35:
0x246: {  	_ = 	snop;
	(pc) =	sbr.rel @p1 .LBB2_56-.Ltmp35, $2  }
0x247: {  	_ =	sdelay $0x2  }
0x248: {  	s14 =	sadd.s32 $0x1, s15  }
0x249: {  	s8 =	smul.u32 $0xE00, s14  }
0x24a: {  	s9 =	sxor.u32 $0xFFFFFFFF, s15  }
0x24b: {  	s9 =	sshll.u32 s9, $0x7;
	s16 =	sadd.s32 s11, s8  }
0x24c: {  	s8 =	sand.u32 $0x80, s9;
	s16 =	sshrl.u32 s16, $0x3  }
0x24d: {  	s17 =	sadd.s32 $0x13C80, s8;
	s18 =	sadd.s32 s5, s16  }
0x24e: {  	s9 =	simm.s32 $0x10;
	s26 =	sadd.s32 $0x100, s17;
	s28 =	sadd.s32 $0x0, s18  }
.LBB2_52:
0x24f: {  	[tilespmem:s17], [sflag:$0x1] =	stream.linear.gather [hbm4b:s28+s2], $0x80, $0x38;
	v63 =	vld [tilespmem:$0x0]  }
0x250: {  	s28 =	smov.u32 s9;
	s17 =	smov.u32 s26;
	p1 =	sne.s32 s9, $0x1B0  }
.Ltmp36:
0x251: {  	s9 =	sadd.s32 $0x10, s9;
	(pc) =	sbr.rel @p1 .LBB2_52-.Ltmp36, $2  }
0x252: {  	_ =	sdelay $0x2  }
0x253: {  	s26 =	sadd.s32 $0x100, s26;
	s28 =	sadd.s32 s28, s18  }
0x254: {  	[tilespmem:s17], [sflag:$0x1] =	stream.linear.gather [hbm4b:s28+s2], $0x80, $0x38;
	v63 =	vld [tilespmem:$0x0]  }
0x255: {  	s8 =	sadd.s32 $0x15880, s8;
	s16 =	sadd.s32 s6, s16  }
0x256: {  	s9 =	simm.s32 $0x10;
	s18 =	sadd.s32 $0x0, s16;
	s17 =	sadd.s32 $0x100, s8  }
.LBB2_54:
0x257: {  	[tilespmem:s8], [sflag:$0x1] =	stream.linear.gather [hbm4b:s18+s2], $0x80, $0x38;
	v63 =	vld [tilespmem:$0x0]  }
0x258: {  	s18 =	smov.u32 s9;
	s8 =	smov.u32 s17;
	p1 =	sne.s32 s9, $0x1B0  }
.Ltmp37:
0x259: {  	s9 =	sadd.s32 $0x10, s9;
	(pc) =	sbr.rel @p1 .LBB2_54-.Ltmp37, $2  }
0x25a: {  	_ =	sdelay $0x2  }
0x25b: {  	s17 =	sadd.s32 $0x100, s17;
	s18 =	sadd.s32 s18, s16  }
0x25c: {  	[tilespmem:s8], [sflag:$0x1] =	stream.linear.gather [hbm4b:s18+s2], $0x80, $0x38;
	v63 =	vld [tilespmem:$0x0]  }
.LBB2_56:
0x25d: {  	_ =	swait.ge [sflag:s0], $0xE00  }
0x25e: {  	[sflag:s0] =	ssyncset.done $0x0  }
0x25f: {  	[sflag:s0] =	ssyncadd.s32 $0xFFFFF200  }
0x260: {  	_ =	swait.ge [sflag:s0], $0xE00  }
0x261: {  	[sflag:s0] =	ssyncset.done $0x0  }
0x262: {  	s9 =	simm.s32 $0x0;
	[sflag:s0] =	ssyncadd.s32 $0xFFFFF200  }
0x263: {  	v6 =	vld [tilespmem:s9+$0x1FF00];
	_ =	sdelay $0x4  }
0x264: {  	(xrf0) =	vadd.scan.msk.s32 $0xffff, v6;
	_ =	sdelay $0x5  }
0x265: {  	v7, _, _ =	vpop (xrf0)  }
0x266: {  	s17 =	simm.s32 $0x0;
	(v2sf) =	vpush v7, $0xF  }
0x267: {  	v6 =	vsub.s32 s17, v6  }
0x268: {  	v6 =	vadd.s32 v7, v6  }
0x269: {  	s16 =	simm.s32 $0x10;
	s8 =	simm.s32 $0x80;
	[tilespmem:s9+$0x1FF00] =	vst v6  }
.LBB2_57:
0x26a: {  	p1 =	sne.s32 s8, $0x340;
	v6 =	vld [tilespmem:s16+$0x1FF00];
	_ =	sdelay $0x4  }
0x26b: {  	(xrf0) =	vadd.scan.msk.s32 $0xffff, v6;
	_ =	sdelay $0x5  }
.Ltmp38:
0x26c: {  	v7, _, _ =	vpop (xrf0);
	s9 =	spop (v2sf);
	(pc) =	sbr.rel @p1 .LBB2_57-.Ltmp38, $4  }
0x26d: {  	(v2sf) =	vpush v7, $0xF;
	s17 =	sadd.s32 s17, s9  }
0x26e: {  	v6 =	vsub.s32 s17, v6  }
0x26f: {  	v6 =	vadd.s32 v7, v6  }
0x270: {  	[tilespmem:s16+$0x1FF00] =	vst v6;
	s16 =	sshra.s32 s8, $0x2;
	s8 =	sadd.s32 $0x40, s8  }
0x271: {  	v6 =	vld [tilespmem:s16+$0x1FF00];
	_ =	sdelay $0x4  }
0x272: {  	(xrf0) =	vadd.scan.msk.s32 $0xffff, v6;
	_ =	sdelay $0x5  }
0x273: {  	v7, _, _ =	vpop (xrf0)  }
0x274: {  	(v2sf) =	vpush v7, $0xF;
	_ =	sdelay $0xd  }
0x275: {  	s8 =	spop (v2sf)  }
0x276: {  	s8 =	sadd.s32 s17, s8;
	s9 =	spop (v2sf)  }
0x277: {  	s9 =	sadd.s32 s8, s9  }
0x278: {  	v8 =	vadd.s32 s9, v2  }
0x279: {  	v6 =	vsub.s32 s8, v6;
	v9 =	vshll.u32 v8, $0x1  }
0x27a: {  	v11 =	vadd.s32 s9, v3;
	v10 =	vand.u32 $0x3F, v8;
	v9 =	vand.u32 $0xFFFFFF80, v9  }
0x27b: {  	s17 =	sshll.u32 s15, $0x7;
	v6 =	vadd.s32 v7, v6;
	v57 =	vshll.u32 v11, $0x1;
	v7 =	vor.u32 v10, v9  }
0x27c: {  	s8 =	sadd.s32 s7, s17;
	v12 =	vadd.s32 s9, v4;
	v58 =	vand.u32 $0x3F, v11;
	v9 =	vand.u32 $0xFFFFFF80, v57  }
0x27d: {  	v13 =	vor.u32 s8, v2;
	v59 =	vshll.u32 v12, $0x1;
	v9 =	vor.u32 v58, v9  }
0x27e: {  	[tilespmem:s16+$0x1FF00] =	vst v6;
	v14 =	vadd.s32 s9, v5;
	v6 =	vand.u32 $0x3F, v12;
	v10 =	vand.u32 $0xFFFFFF80, v59  }
0x27f: {  	s9 =	sadd.s32 $0x3F, s9;
	v60 =	vshll.u32 v14, $0x1;
	v6 =	vor.u32 v6, v10;
	[tilespmem:v8+s3+$0x0] =	vst.idx.msk $0xffff, v13  }
0x280: {  	v61 =	vand.u32 $0x3F, v14;
	s18 =	sand.u32 $0x3F, s9;
	v8 =	vand.u32 $0xFFFFFF80, v60;
	[tilespmem:v7+s21+$0x0] =	vst.idx.msk $0xffff, v0;
	v7 =	vor.u32 s8, v3  }
0x281: {  	s26 =	sshra.s32 s9, $0x1F;
	p1 =	slt.s32 s9, $0x1;
	p2 =	sne.s32 s18, $0x0;
	[tilespmem:v11+s3+$0x0] =	vst.idx.msk $0xffff, v7;
	v7 =	vor.u32 v61, v8  }
0x282: {  	v62 =	vor.u32 s8, v4;
	s28 =	sshrl.u32 s26, $0x1A;
	p1 =	por !p1, !p2;
	[tilespmem:v9+s21+$0x0] =	vst.idx.msk $0xffff, v0  }
0x283: {  	s29 =	sadd.s32 s28, s9;
	s9 =	simm.s32 $0x1;
	p1 =	por !p1, !p1;
	[tilespmem:v12+s3+$0x0] =	vst.idx.msk $0xffff, v62  }
0x284: {  	s9 =	simm.s32 @!p1 $0x0;
	[tilespmem:v6+s21+$0x0] =	vst.idx.msk $0xffff, v0;
	v6 =	vor.u32 s8, v5;
	s8 =	sshra.s32 s29, $0x6  }
0x285: {  	[tilespmem:v14+s3+$0x0] =	vst.idx.msk $0xffff, v6;
	s15 =	ssub.s32 s8, s9  }
0x286: {  	[tilespmem:v7+s21+$0x0] =	vst.idx.msk $0xffff, v0;
	p2 =	slt.s32 s15, $0x2  }
0x287: {  	[tilespmem:s23], [sflag:$0x2] =	stream.indirect.gather [hbm4b:s4+s22], $0x80, s3, s22, $0xb8;
	v63 =	vld [tilespmem:$0x0]  }
0x288: {  	s9 =	simm.s32 @!p2 $0x40;
	s16 =	simm.s32 @!p2 $0x174C0;
	s17 =	simm.s32 @!p2 $0x1C300  }
0x289: {  	[tilespmem:s17], [sflag:$0x2] =	stream.indirect.gather @!p2 [hbm4b:s4+s9], $0x80, s16, s9, $0xb8;
	v63 =	vld [tilespmem:$0x0]  }
.Ltmp39:
0x28a: {  	_ = 	snop;
	(pc) =	sbr.rel @p2 .LBB2_66-.Ltmp39, $4  }
0x28b: {  	_ =	swait.ge [sflag:s24], $0x2000  }
0x28c: {  	[sflag:s24] =	ssyncset.done $0x0  }
0x28d: {  	[sflag:s24] =	ssyncadd.s32 $0xFFFFE000  }
0x28e: {  	[spmem:s1] =	stream.indirect.scatter.add.f32 [tilespmem:s23], [sflag:$0x3], $0x80, s21, s22, $0xb8;
	v63 =	vld [tilespmem:$0x0]  }
0x28f: {  	s9 =	simm.s32 $0xFFFFFFFF  }
0x290: {  	s9 =	simm.s32 @!p1 $0x0  }
0x291: {  	s8 =	sadd.s32 s9, s8  }
0x292: {  	s26 =	sadd.s32 $0xFFFFFFFF, s8  }
0x293: {  	p2 =	sne.s32 s26, $0x1  }
.Ltmp40:
0x294: {  	_ = 	snop;
	(pc) =	sbr.rel @!p2 .LBB2_60-.Ltmp40, $3  }
0x295: {  	_ =	sdelay $0x1  }
0x296: {  	s18 =	simm.s32 $0x18380;
	s16 =	simm.s32 $0x2000  }
0x297: {  	s17 =	simm.s32 $0x17500;
	s28 =	simm.s32 $0x2;
	p1 =	por $0x0, $0x0  }
0x298: {  	p1 =	sle.s32 s15, $0x2;
	_ =	swait.ge [sflag:s25], $0x2000;
	s28 =	simm.s32 $0x3  }
0x299: {  	s29 =	simm.s32 $0x2;
	p2 =	sne.s32 s26, $0x2;
	s8 =	sxor.u32 @!p1 $0xFFFFFFFF, s16  }
0x29a: {  	[sflag:s25] =	ssyncset.done $0x0;
	s9 =	simm.s32 @!p1 $0x40;
	s8 =	sand.u32 @!p1 $0x2000, s8  }
.Ltmp41:
0x29b: {  	[sflag:s25] =	ssyncadd.s32 $0xFFFFE000;
	s8 =	sadd.s32 @!p1 $0x1A300, s8;
	(pc) =	sbr.rel @!p2 .LBB2_62-.Ltmp41, $4  }
0x29c: {  	[tilespmem:s8], [sflag:$0x2] =	stream.indirect.gather @!p1 [hbm4b:s4+s9], $0x80, s17, s9, $0xb8;
	v63 =	vld [tilespmem:$0x0]  }
0x29d: {  	s9 =	sand.u32 $0x2000, s16;
	s17 =	simm.s32 $0x17540;
	_ =	swait.ge [sflag:s24], $0x2000  }
0x29e: {  	s16 =	simm.s32 $0x4000;
	s8 =	simm.s32 $0x18400;
	[sflag:s24] =	ssyncset.done $0x0  }
0x29f: {  	p1 =	por $0x1, $0x1;
	s9 =	sadd.s32 $0x1A300, s9;
	[sflag:s24] =	ssyncadd.s32 $0xFFFFE000  }
.LBB2_63:
0x2a0: {  	[spmem:s1] =	stream.indirect.scatter.add.f32 [tilespmem:s9], [sflag:$0x3], $0x80, s18, s22, $0xb8;
	v63 =	vld [tilespmem:$0x0]  }
0x2a1: {  	p3 =	sle.s32 s15, s28;
	s28 =	sadd.s32 $0x2, s29;
	s29 =	sadd.s32 $0x1, s29  }
0x2a2: {  	p2 =	sne.s32 s26, s29;
	s9 =	sxor.u32 @!p3 $0xFFFFFFFF, s16;
	_ =	swait.ge [sflag:s25], $0x2000  }
0x2a3: {  	s18 =	simm.s32 @!p3 $0x40;
	s9 =	sand.u32 @!p3 $0x2000, s9;
	[sflag:s25] =	ssyncset.done $0x0  }
.Ltmp42:
0x2a4: {  	s9 =	sadd.s32 @!p3 $0x1A300, s9;
	[sflag:s25] =	ssyncadd.s32 $0xFFFFE000;
	(pc) =	sbr.rel @p2 .LBB2_63-.Ltmp42, $4  }
0x2a5: {  	[tilespmem:s9], [sflag:$0x2] =	stream.indirect.gather @!p3 [hbm4b:s4+s18], $0x80, s17, s18, $0xb8;
	v63 =	vld [tilespmem:$0x0]  }
0x2a6: {  	s17 =	sadd.s32 $0x40, s17;
	s18 =	smov.u32 s8;
	_ =	swait.ge [sflag:s24], $0x2000  }
0x2a7: {  	s9 =	sand.u32 $0x2000, s16;
	s16 =	sadd.s32 $0x2000, s16;
	[sflag:s24] =	ssyncset.done $0x0  }
0x2a8: {  	s8 =	sadd.s32 $0x80, s8;
	s9 =	sadd.s32 $0x1A300, s9;
	[sflag:s24] =	ssyncadd.s32 $0xFFFFE000  }
.Ltmp43:
0x2a9: {  	(pc) =	sbr.rel .LBB2_65-.Ltmp43, $2  }
0x2aa: {  	_ =	sdelay $0x2  }
0x2ab: {  	s26 =	smov.u32 s18;
	s18 =	smov.u32 s8  }
.LBB2_62:
.Ltmp44:
0x2ac: {  	(pc) =	sbr.rel .LBB2_65-.Ltmp44, $2  }
0x2ad: {  	_ =	sdelay $0x2  }
0x2ae: {  	s26 =	simm.s32 $0x18380;
	s18 =	simm.s32 $0x18400  }
.LBB2_67:
0x2af: {  	[bflag:$0x0] =	sbarrier.arrive $0xFFFF  }
0x2b0: {  	s18 =	simm.s32 $0x5;
	s8 =	rddreg [dreg:$0xf]  }
0x2b1: {  	[hbm:s8], [sflag:s12] =	dma.local [spmem:s13], $0x2780  }
0x2b2: {  	_ =	swait.ge [sflag:s18], $0x2780  }
0x2b3: {  	[sflag:s18] =	ssyncset.done $0x0  }
0x2b4: {  	[sflag:s18] =	ssyncadd.s32 $0xFFFFD880  }
0x2b5: {  	[bflag:$0x0] =	sbarrier.arrive $0xFFFF  }
0x2b6: {  	s26 =	rddreg [dreg:$0x3]  }
0x2b7: {  	[spmem:s26] =	stream.linear.scatter [tilespmem:s30], [sflag:$0x4], $0x1C00, $0x38;
	v63 =	vld [tilespmem:$0x0]  }
0x2b8: {  	s28 =	rddreg [dreg:$0x4]  }
0x2b9: {  	[spmem:s28] =	stream.linear.scatter [tilespmem:s30], [sflag:$0x4], $0x1C00, $0x38;
	v63 =	vld [tilespmem:$0x0]  }
0x2ba: {  	s29 =	rddreg [dreg:$0x5]  }
0x2bb: {  	[spmem:s29] =	stream.linear.scatter [tilespmem:s30], [sflag:$0x4], $0x1C00, $0x38;
	v63 =	vld [tilespmem:$0x0]  }
0x2bc: {  	s9 =	rddreg [dreg:$0x6]  }
0x2bd: {  	[spmem:s9] =	stream.linear.scatter [tilespmem:s30], [sflag:$0x4], $0x1C00, $0x38;
	v63 =	vld [tilespmem:$0x0]  }
0x2be: {  	s14 =	rddreg [dreg:$0x7]  }
0x2bf: {  	[spmem:s14] =	stream.linear.scatter [tilespmem:s30], [sflag:$0x4], $0x1C00, $0x38;
	v63 =	vld [tilespmem:$0x0]  }
0x2c0: {  	s15 =	rddreg [dreg:$0x8]  }
0x2c1: {  	[spmem:s15] =	stream.linear.scatter [tilespmem:s30], [sflag:$0x4], $0x1C00, $0x38;
	v63 =	vld [tilespmem:$0x0]  }
0x2c2: {  	s16 =	rddreg [dreg:$0x9]  }
0x2c3: {  	[spmem:s16] =	stream.linear.scatter [tilespmem:s30], [sflag:$0x4], $0x1C00, $0x38;
	v63 =	vld [tilespmem:$0x0]  }
0x2c4: {  	s17 =	rddreg [dreg:$0xa]  }
0x2c5: {  	[spmem:s17] =	stream.linear.scatter [tilespmem:s30], [sflag:$0x4], $0x1C00, $0x38;
	v63 =	vld [tilespmem:$0x0]  }
0x2c6: {  	s18 =	rddreg [dreg:$0xb]  }
0x2c7: {  	[spmem:s18] =	stream.linear.scatter [tilespmem:s30], [sflag:$0x4], $0x1C00, $0x38;
	v63 =	vld [tilespmem:$0x0]  }
0x2c8: {  	s26 =	rddreg [dreg:$0xc]  }
0x2c9: {  	[spmem:s26] =	stream.linear.scatter [tilespmem:s30], [sflag:$0x4], $0x1C00, $0x38;
	v63 =	vld [tilespmem:$0x0]  }
0x2ca: {  	s28 =	rddreg [dreg:$0x12]  }
0x2cb: {  	[spmem:s28] =	stream.linear.scatter [tilespmem:s30], [sflag:$0x4], $0x1C00, $0x38;
	v63 =	vld [tilespmem:$0x0]  }
0x2cc: {  	s29 =	rddreg [dreg:$0x13]  }
0x2cd: {  	[spmem:s29] =	stream.linear.scatter [tilespmem:s30], [sflag:$0x4], $0x800, $0x38;
	v63 =	vld [tilespmem:$0x0]  }
0x2ce: {  	s8 =	simm.s32 @!p0 $0x1E300;
	s9 =	rddreg [dreg:$0x14]  }
0x2cf: {  	[spmem:s9] =	stream.linear.scatter @!p0 [tilespmem:s8], [sflag:$0x5], $0x800, $0x38;
	v63 =	vld [tilespmem:$0x0]  }
0x2d0: {  	s8 =	simm.s32 @!p0 $0x5  }
0x2d1: {  	_ =	swait.ge @!p0 [sflag:s8], $0x800  }
0x2d2: {  	[sflag:s8] =	ssyncset.done @!p0 $0x0  }
0x2d3: {  	[sflag:s8] =	ssyncadd.s32 @!p0 $0xFFFFF800  }
0x2d4: {  	_ =	swait.ge [sflag:s31], $0x1C00  }
0x2d5: {  	[sflag:s31] =	ssyncset.done $0x0  }
0x2d6: {  	[sflag:s31] =	ssyncadd.s32 $0xFFFFE400  }
0x2d7: {  	_ =	swait.ge [sflag:s31], $0x1C00  }
0x2d8: {  	[sflag:s31] =	ssyncset.done $0x0  }
0x2d9: {  	[sflag:s31] =	ssyncadd.s32 $0xFFFFE400  }
0x2da: {  	_ =	swait.ge [sflag:s31], $0x1C00  }
0x2db: {  	[sflag:s31] =	ssyncset.done $0x0  }
0x2dc: {  	[sflag:s31] =	ssyncadd.s32 $0xFFFFE400  }
0x2dd: {  	_ =	swait.ge [sflag:s31], $0x1C00  }
0x2de: {  	[sflag:s31] =	ssyncset.done $0x0  }
0x2df: {  	[sflag:s31] =	ssyncadd.s32 $0xFFFFE400  }
0x2e0: {  	_ =	swait.ge [sflag:s31], $0x1C00  }
0x2e1: {  	[sflag:s31] =	ssyncset.done $0x0  }
0x2e2: {  	[sflag:s31] =	ssyncadd.s32 $0xFFFFE400  }
0x2e3: {  	_ =	swait.ge [sflag:s31], $0x1C00  }
0x2e4: {  	[sflag:s31] =	ssyncset.done $0x0  }
0x2e5: {  	[sflag:s31] =	ssyncadd.s32 $0xFFFFE400  }
0x2e6: {  	_ =	swait.ge [sflag:s31], $0x1C00  }
0x2e7: {  	[sflag:s31] =	ssyncset.done $0x0  }
0x2e8: {  	[sflag:s31] =	ssyncadd.s32 $0xFFFFE400  }
0x2e9: {  	_ =	swait.ge [sflag:s31], $0x1C00  }
0x2ea: {  	[sflag:s31] =	ssyncset.done $0x0  }
0x2eb: {  	[sflag:s31] =	ssyncadd.s32 $0xFFFFE400  }
0x2ec: {  	_ =	swait.ge [sflag:s31], $0x1C00  }
0x2ed: {  	[sflag:s31] =	ssyncset.done $0x0  }
0x2ee: {  	[sflag:s31] =	ssyncadd.s32 $0xFFFFE400  }
0x2ef: {  	_ =	swait.ge [sflag:s31], $0x1C00  }
0x2f0: {  	[sflag:s31] =	ssyncset.done $0x0  }
0x2f1: {  	[sflag:s31] =	ssyncadd.s32 $0xFFFFE400  }
0x2f2: {  	_ =	swait.ge [sflag:s31], $0x1C00  }
0x2f3: {  	[sflag:s31] =	ssyncset.done $0x0  }
0x2f4: {  	[sflag:s31] =	ssyncadd.s32 $0xFFFFE400  }
0x2f5: {  	_ =	swait.ge [sflag:s31], $0x800  }
0x2f6: {  	[sflag:s31] =	ssyncset.done $0x0  }
0x2f7: {  	s14 =	simm.s32 $0x0;
	[sflag:s31] =	ssyncadd.s32 $0xFFFFF800  }
0x2f8: {  	s9 =	simm.s32 $0x13C80;
	s8 =	simm.s32 $0x0;
	[bflag:$0x0] =	sbarrier.arrive $0xFFFF  }
.LBB2_68:
0x2f9: {  	p1 =	sne.s32 s14, $0x1B0  }
.Ltmp45:
0x2fa: {  	_ = 	snop;
	(pc) =	sbr.rel @p1 .LBB2_68-.Ltmp45, $4  }
0x2fb: {  	_ = 	snop  }
0x2fc: {  	s15 =	sadd.s32 s14, s19  }
0x2fd: {  	[tilespmem:s9], [sflag:$0x1] =	stream.linear.gather [hbm4b:s15+s8], $0x80, $0x38;
	v63 =	vld [tilespmem:$0x0]  }
0x2fe: {  	s14 =	sadd.s32 $0x10, s14;
	s9 =	sadd.s32 $0x100, s9  }
0x2ff: {  	s8 =	simm.s32 $0x15880;
	s9 =	sadd.s32 $0x0, s20;
	s15 =	simm.s32 $0x0  }
0x300: {  	[tilespmem:s8], [sflag:$0x1] =	stream.linear.gather [hbm4b:s9+s15], $0x80, $0x38;
	v63 =	vld [tilespmem:$0x0]  }
0x301: {  	s9 =	simm.s32 $0x10  }
.LBB2_70:
0x302: {  	p1 =	sne.s32 s9, $0x1B0  }
.Ltmp46:
0x303: {  	_ = 	snop;
	(pc) =	sbr.rel @p1 .LBB2_70-.Ltmp46, $4  }
0x304: {  	_ = 	snop  }
0x305: {  	s14 =	sadd.s32 s9, s20;
	s8 =	sadd.s32 $0x100, s8  }
0x306: {  	s9 =	sadd.s32 $0x10, s9  }
0x307: {  	[tilespmem:s8], [sflag:$0x1] =	stream.linear.gather [hbm4b:s14+s15], $0x80, $0x38;
	v63 =	vld [tilespmem:$0x0]  }
.Ltmp47:
0x308: {  	_ = 	snop;
	(pc) =	sbr.rel .LBB2_71-.Ltmp47, $1  }
0x309: {  	_ =	sdelay $0x3  }
.LBB2_81:
0x30a: {  	_ = 	snop  }
.LBB2_86:
0x30b: {  	[spmem:s1] =	stream.indirect.scatter.add.f32 @p1 [tilespmem:s9], [sflag:$0x3], $0x80, s26, s22, $0xb8;
	v63 =	vld [tilespmem:$0x0]  }
0x30c: {  	p1 =	sle.s32 s15, s28  }
0x30d: {  	_ =	swait.ge [sflag:s25], $0x2000;
	s8 =	sxor.u32 @!p1 $0xFFFFFFFF, s16  }
0x30e: {  	[sflag:s25] =	ssyncset.done $0x0;
	s8 =	sand.u32 @!p1 $0x2000, s8  }
0x30f: {  	s9 =	simm.s32 @!p1 $0x40;
	[sflag:s25] =	ssyncadd.s32 $0xFFFFE000;
	s8 =	sadd.s32 @!p1 $0x1A300, s8  }
0x310: {  	[tilespmem:s8], [sflag:$0x2] =	stream.indirect.gather @!p1 [hbm4b:s4+s9], $0x80, s17, s9, $0xb8;
	v63 =	vld [tilespmem:$0x0]  }
0x311: {  	_ =	swait.ge [sflag:s24], $0x2000  }
0x312: {  	s29 =	sand.u32 $0x2000, s16;
	[sflag:s24] =	ssyncset.done $0x0  }
0x313: {  	s8 =	sadd.s32 $0x1A300, s29;
	[sflag:s24] =	ssyncadd.s32 $0xFFFFE000  }
0x314: {  	[spmem:s1] =	stream.indirect.scatter.add.f32 [tilespmem:s8], [sflag:$0x3], $0x80, s18, s22, $0xb8;
	v63 =	vld [tilespmem:$0x0]  }
.LBB2_87:
0x315: {  	p1 =	sne.s32 s14, $0xA  }
.Ltmp48:
0x316: {  	_ = 	snop;
	(pc) =	sbr.rel @!p1 .LBB2_88-.Ltmp48, $4  }
0x317: {  	_ = 	snop  }
0x318: {  	_ =	swait.ge [sflag:s25], $0x2000  }
0x319: {  	[sflag:s25] =	ssyncset.done $0x0  }
0x31a: {  	s15 =	smov.u32 s14;
	[sflag:s25] =	ssyncadd.s32 $0xFFFFE000  }
.LBB2_71:
0x31b: {  	p1 =	seq.s32 s15, $0x9  }
.Ltmp49:
0x31c: {  	_ = 	snop;
	(pc) =	sbr.rel @p1 .LBB2_77-.Ltmp49, $2  }
0x31d: {  	_ =	sdelay $0x2  }
0x31e: {  	s14 =	sadd.s32 $0x1, s15  }
0x31f: {  	s8 =	smul.u32 $0xE00, s14  }
0x320: {  	s9 =	sxor.u32 $0xFFFFFFFF, s15  }
0x321: {  	s9 =	sshll.u32 s9, $0x7;
	s16 =	sadd.s32 s11, s8  }
0x322: {  	s8 =	sand.u32 $0x80, s9;
	s16 =	sshrl.u32 s16, $0x3  }
0x323: {  	s17 =	sadd.s32 $0x13C80, s8;
	s18 =	sadd.s32 s5, s16  }
0x324: {  	s9 =	simm.s32 $0x10;
	s26 =	sadd.s32 $0x100, s17;
	s28 =	sadd.s32 $0x0, s18  }
.LBB2_73:
0x325: {  	[tilespmem:s17], [sflag:$0x1] =	stream.linear.gather [hbm4b:s28+s2], $0x80, $0x38;
	v63 =	vld [tilespmem:$0x0]  }
0x326: {  	s28 =	smov.u32 s9;
	s17 =	smov.u32 s26;
	p1 =	sne.s32 s9, $0x1B0  }
.Ltmp50:
0x327: {  	s9 =	sadd.s32 $0x10, s9;
	(pc) =	sbr.rel @p1 .LBB2_73-.Ltmp50, $2  }
0x328: {  	_ =	sdelay $0x2  }
0x329: {  	s26 =	sadd.s32 $0x100, s26;
	s28 =	sadd.s32 s28, s18  }
0x32a: {  	[tilespmem:s17], [sflag:$0x1] =	stream.linear.gather [hbm4b:s28+s2], $0x80, $0x38;
	v63 =	vld [tilespmem:$0x0]  }
0x32b: {  	s8 =	sadd.s32 $0x15880, s8;
	s16 =	sadd.s32 s6, s16  }
0x32c: {  	s9 =	simm.s32 $0x10;
	s18 =	sadd.s32 $0x0, s16;
	s17 =	sadd.s32 $0x100, s8  }
.LBB2_75:
0x32d: {  	[tilespmem:s8], [sflag:$0x1] =	stream.linear.gather [hbm4b:s18+s2], $0x80, $0x38;
	v63 =	vld [tilespmem:$0x0]  }
0x32e: {  	s18 =	smov.u32 s9;
	s8 =	smov.u32 s17;
	p1 =	sne.s32 s9, $0x1B0  }
.Ltmp51:
0x32f: {  	s9 =	sadd.s32 $0x10, s9;
	(pc) =	sbr.rel @p1 .LBB2_75-.Ltmp51, $2  }
0x330: {  	_ =	sdelay $0x2  }
0x331: {  	s17 =	sadd.s32 $0x100, s17;
	s18 =	sadd.s32 s18, s16  }
0x332: {  	[tilespmem:s8], [sflag:$0x1] =	stream.linear.gather [hbm4b:s18+s2], $0x80, $0x38;
	v63 =	vld [tilespmem:$0x0]  }
.LBB2_77:
0x333: {  	_ =	swait.ge [sflag:s0], $0xE00  }
0x334: {  	[sflag:s0] =	ssyncset.done $0x0  }
0x335: {  	[sflag:s0] =	ssyncadd.s32 $0xFFFFF200  }
0x336: {  	_ =	swait.ge [sflag:s0], $0xE00  }
0x337: {  	[sflag:s0] =	ssyncset.done $0x0  }
0x338: {  	s9 =	simm.s32 $0x0;
	[sflag:s0] =	ssyncadd.s32 $0xFFFFF200  }
0x339: {  	v6 =	vld [tilespmem:s9+$0x1FF00];
	_ =	sdelay $0x4  }
0x33a: {  	(xrf0) =	vadd.scan.msk.s32 $0xffff, v6;
	_ =	sdelay $0x5  }
0x33b: {  	v7, _, _ =	vpop (xrf0)  }
0x33c: {  	s17 =	simm.s32 $0x0;
	(v2sf) =	vpush v7, $0xF  }
0x33d: {  	v6 =	vsub.s32 s17, v6  }
0x33e: {  	v6 =	vadd.s32 v7, v6  }
0x33f: {  	s16 =	simm.s32 $0x10;
	s8 =	simm.s32 $0x80;
	[tilespmem:s9+$0x1FF00] =	vst v6  }
.LBB2_78:
0x340: {  	p1 =	sne.s32 s8, $0x340;
	v6 =	vld [tilespmem:s16+$0x1FF00];
	_ =	sdelay $0x4  }
0x341: {  	(xrf0) =	vadd.scan.msk.s32 $0xffff, v6;
	_ =	sdelay $0x5  }
.Ltmp52:
0x342: {  	v7, _, _ =	vpop (xrf0);
	s9 =	spop (v2sf);
	(pc) =	sbr.rel @p1 .LBB2_78-.Ltmp52, $4  }
0x343: {  	(v2sf) =	vpush v7, $0xF;
	s17 =	sadd.s32 s17, s9  }
0x344: {  	v6 =	vsub.s32 s17, v6  }
0x345: {  	v6 =	vadd.s32 v7, v6  }
0x346: {  	[tilespmem:s16+$0x1FF00] =	vst v6;
	s16 =	sshra.s32 s8, $0x2;
	s8 =	sadd.s32 $0x40, s8  }
0x347: {  	v6 =	vld [tilespmem:s16+$0x1FF00];
	_ =	sdelay $0x4  }
0x348: {  	(xrf0) =	vadd.scan.msk.s32 $0xffff, v6;
	_ =	sdelay $0x5  }
0x349: {  	v7, _, _ =	vpop (xrf0)  }
0x34a: {  	(v2sf) =	vpush v7, $0xF;
	_ =	sdelay $0xd  }
0x34b: {  	s8 =	spop (v2sf)  }
0x34c: {  	s8 =	sadd.s32 s17, s8;
	s9 =	spop (v2sf)  }
0x34d: {  	s9 =	sadd.s32 s8, s9  }
0x34e: {  	v8 =	vadd.s32 s9, v2  }
0x34f: {  	v6 =	vsub.s32 s8, v6;
	v9 =	vshll.u32 v8, $0x1  }
0x350: {  	v11 =	vadd.s32 s9, v3;
	v10 =	vand.u32 $0x3F, v8;
	v9 =	vand.u32 $0xFFFFFF80, v9  }
0x351: {  	s17 =	sshll.u32 s15, $0x7;
	v6 =	vadd.s32 v7, v6;
	v57 =	vshll.u32 v11, $0x1;
	v7 =	vor.u32 v10, v9  }
0x352: {  	s8 =	sadd.s32 s7, s17;
	v12 =	vadd.s32 s9, v4;
	v58 =	vand.u32 $0x3F, v11;
	v9 =	vand.u32 $0xFFFFFF80, v57  }
0x353: {  	v13 =	vor.u32 s8, v2;
	v59 =	vshll.u32 v12, $0x1;
	v9 =	vor.u32 v58, v9  }
0x354: {  	[tilespmem:s16+$0x1FF00] =	vst v6;
	v14 =	vadd.s32 s9, v5;
	v6 =	vand.u32 $0x3F, v12;
	v10 =	vand.u32 $0xFFFFFF80, v59  }
0x355: {  	s9 =	sadd.s32 $0x3F, s9;
	v60 =	vshll.u32 v14, $0x1;
	v6 =	vor.u32 v6, v10;
	[tilespmem:v8+s3+$0x0] =	vst.idx.msk $0xffff, v13  }
0x356: {  	v61 =	vand.u32 $0x3F, v14;
	s18 =	sand.u32 $0x3F, s9;
	v8 =	vand.u32 $0xFFFFFF80, v60;
	[tilespmem:v7+s21+$0x0] =	vst.idx.msk $0xffff, v0;
	v7 =	vor.u32 s8, v3  }
0x357: {  	s26 =	sshra.s32 s9, $0x1F;
	p1 =	slt.s32 s9, $0x1;
	p2 =	sne.s32 s18, $0x0;
	[tilespmem:v11+s3+$0x0] =	vst.idx.msk $0xffff, v7;
	v7 =	vor.u32 v61, v8  }
0x358: {  	v62 =	vor.u32 s8, v4;
	s28 =	sshrl.u32 s26, $0x1A;
	p1 =	por !p1, !p2;
	[tilespmem:v9+s21+$0x0] =	vst.idx.msk $0xffff, v0  }
0x359: {  	s29 =	sadd.s32 s28, s9;
	s9 =	simm.s32 $0x1;
	p1 =	por !p1, !p1;
	[tilespmem:v12+s3+$0x0] =	vst.idx.msk $0xffff, v62  }
0x35a: {  	s9 =	simm.s32 @!p1 $0x0;
	[tilespmem:v6+s21+$0x0] =	vst.idx.msk $0xffff, v0;
	v6 =	vor.u32 s8, v5;
	s8 =	sshra.s32 s29, $0x6  }
0x35b: {  	[tilespmem:v14+s3+$0x0] =	vst.idx.msk $0xffff, v6;
	s15 =	ssub.s32 s8, s9  }
0x35c: {  	[tilespmem:v7+s21+$0x0] =	vst.idx.msk $0xffff, v0;
	p2 =	slt.s32 s15, $0x2  }
0x35d: {  	[tilespmem:s23], [sflag:$0x2] =	stream.indirect.gather [hbm4b:s4+s22], $0x80, s3, s22, $0xb8;
	v63 =	vld [tilespmem:$0x0]  }
0x35e: {  	s9 =	simm.s32 @!p2 $0x40;
	s16 =	simm.s32 @!p2 $0x174C0;
	s17 =	simm.s32 @!p2 $0x1C300  }
0x35f: {  	[tilespmem:s17], [sflag:$0x2] =	stream.indirect.gather @!p2 [hbm4b:s4+s9], $0x80, s16, s9, $0xb8;
	v63 =	vld [tilespmem:$0x0]  }
.Ltmp53:
0x360: {  	_ = 	snop;
	(pc) =	sbr.rel @p2 .LBB2_87-.Ltmp53, $4  }
0x361: {  	_ =	swait.ge [sflag:s24], $0x2000  }
0x362: {  	[sflag:s24] =	ssyncset.done $0x0  }
0x363: {  	[sflag:s24] =	ssyncadd.s32 $0xFFFFE000  }
0x364: {  	[spmem:s1] =	stream.indirect.scatter.add.f32 [tilespmem:s23], [sflag:$0x3], $0x80, s21, s22, $0xb8;
	v63 =	vld [tilespmem:$0x0]  }
0x365: {  	s9 =	simm.s32 $0xFFFFFFFF  }
0x366: {  	s9 =	simm.s32 @!p1 $0x0  }
0x367: {  	s8 =	sadd.s32 s9, s8  }
0x368: {  	s26 =	sadd.s32 $0xFFFFFFFF, s8  }
0x369: {  	p2 =	sne.s32 s26, $0x1  }
.Ltmp54:
0x36a: {  	_ = 	snop;
	(pc) =	sbr.rel @!p2 .LBB2_81-.Ltmp54, $3  }
0x36b: {  	_ =	sdelay $0x1  }
0x36c: {  	s18 =	simm.s32 $0x18380;
	s16 =	simm.s32 $0x2000  }
0x36d: {  	s17 =	simm.s32 $0x17500;
	s28 =	simm.s32 $0x2;
	p1 =	por $0x0, $0x0  }
0x36e: {  	p1 =	sle.s32 s15, $0x2;
	_ =	swait.ge [sflag:s25], $0x2000;
	s28 =	simm.s32 $0x3  }
0x36f: {  	s29 =	simm.s32 $0x2;
	p2 =	sne.s32 s26, $0x2;
	s8 =	sxor.u32 @!p1 $0xFFFFFFFF, s16  }
0x370: {  	[sflag:s25] =	ssyncset.done $0x0;
	s9 =	simm.s32 @!p1 $0x40;
	s8 =	sand.u32 @!p1 $0x2000, s8  }
.Ltmp55:
0x371: {  	[sflag:s25] =	ssyncadd.s32 $0xFFFFE000;
	s8 =	sadd.s32 @!p1 $0x1A300, s8;
	(pc) =	sbr.rel @!p2 .LBB2_83-.Ltmp55, $4  }
0x372: {  	[tilespmem:s8], [sflag:$0x2] =	stream.indirect.gather @!p1 [hbm4b:s4+s9], $0x80, s17, s9, $0xb8;
	v63 =	vld [tilespmem:$0x0]  }
0x373: {  	s9 =	sand.u32 $0x2000, s16;
	s17 =	simm.s32 $0x17540;
	_ =	swait.ge [sflag:s24], $0x2000  }
0x374: {  	s16 =	simm.s32 $0x4000;
	s8 =	simm.s32 $0x18400;
	[sflag:s24] =	ssyncset.done $0x0  }
0x375: {  	p1 =	por $0x1, $0x1;
	s9 =	sadd.s32 $0x1A300, s9;
	[sflag:s24] =	ssyncadd.s32 $0xFFFFE000  }
.LBB2_84:
0x376: {  	[spmem:s1] =	stream.indirect.scatter.add.f32 [tilespmem:s9], [sflag:$0x3], $0x80, s18, s22, $0xb8;
	v63 =	vld [tilespmem:$0x0]  }
0x377: {  	p3 =	sle.s32 s15, s28;
	s28 =	sadd.s32 $0x2, s29;
	s29 =	sadd.s32 $0x1, s29  }
0x378: {  	p2 =	sne.s32 s26, s29;
	s9 =	sxor.u32 @!p3 $0xFFFFFFFF, s16;
	_ =	swait.ge [sflag:s25], $0x2000  }
0x379: {  	s18 =	simm.s32 @!p3 $0x40;
	s9 =	sand.u32 @!p3 $0x2000, s9;
	[sflag:s25] =	ssyncset.done $0x0  }
.Ltmp56:
0x37a: {  	s9 =	sadd.s32 @!p3 $0x1A300, s9;
	[sflag:s25] =	ssyncadd.s32 $0xFFFFE000;
	(pc) =	sbr.rel @p2 .LBB2_84-.Ltmp56, $4  }
0x37b: {  	[tilespmem:s9], [sflag:$0x2] =	stream.indirect.gather @!p3 [hbm4b:s4+s18], $0x80, s17, s18, $0xb8;
	v63 =	vld [tilespmem:$0x0]  }
0x37c: {  	s17 =	sadd.s32 $0x40, s17;
	s18 =	smov.u32 s8;
	_ =	swait.ge [sflag:s24], $0x2000  }
0x37d: {  	s9 =	sand.u32 $0x2000, s16;
	s16 =	sadd.s32 $0x2000, s16;
	[sflag:s24] =	ssyncset.done $0x0  }
0x37e: {  	s8 =	sadd.s32 $0x80, s8;
	s9 =	sadd.s32 $0x1A300, s9;
	[sflag:s24] =	ssyncadd.s32 $0xFFFFE000  }
.Ltmp57:
0x37f: {  	(pc) =	sbr.rel .LBB2_86-.Ltmp57, $2  }
0x380: {  	_ =	sdelay $0x2  }
0x381: {  	s26 =	smov.u32 s18;
	s18 =	smov.u32 s8  }
.LBB2_83:
.Ltmp58:
0x382: {  	(pc) =	sbr.rel .LBB2_86-.Ltmp58, $2  }
0x383: {  	_ =	sdelay $0x2  }
0x384: {  	s26 =	simm.s32 $0x18380;
	s18 =	simm.s32 $0x18400  }
.LBB2_89:
0x385: {  	_ =	sfence.sel $0x180000  }
0x386: {  	[bflag:$0x0] =	sbarrier.arrive $0xFFFF  }
0x387: {  	_ =	strace $0x90000047  }
0x388: {  	[bflag:$0x2] =	sbarrier.arrive $0xFFFF  }
0x389: {  	s0 =	rddreg [dreg:$0x2]  }
0x38a: {  	s0 =	sadd.s32 @!p0 $0x100000, s0  }
0x38b: {  	[sflag:s0] =	ssyncadd.tile.s32 @!p0 $0x1;
	_ =	shalt  }
.Lfunc_end2:
_tile_overlayer_lowered:
.L_overlay_start_2:
0x38c: {  	(tag) =	ssettag $0x2  }
0x38d: {  	s0 =	rddreg [dreg:$0x0];
	s2 =	stileid.u32  }
0x38e: {  	s1 =	rddreg [dreg:$0x1];
	p0 =	sne.s32 s2, $0x0  }
0x38f: {  	s3 =	rddreg [dreg:$0x2];
	[bflag:$0x3] =	sbarrier.arrive $0xFFFF;
	s2 =	simm.s32 @!p0 $0x1C05  }
0x390: {  	[timem:s3], [sflag:s2] =	dma.local @!p0 [hbm:s0], s1  }
0x391: {  	s0 =	simm.s32 @!p0 $0x5  }
0x392: {  	_ =	swait.ge @!p0 [sflag:s0], s1  }
0x393: {  	s1 =	ssub.s32 @!p0 $0x0, s1;
	[sflag:s0] =	ssyncset.done @!p0 $0x0  }
0x394: {  	[sflag:s0] =	ssyncadd.s32 @!p0 s1  }
0x395: {  	[bflag:$0x3] =	sbarrier.arrive $0xFFFF  }
0x396: {  	_ =	shalt  }

</sc_bundles>
